<compile_context>
chip_gen: v7x
topology: tpu7x:2x2x1
jax: 0.10.2.dev20260603
libtpu: 0.0.44.dev20260713+nightly
codegen_flags: <defaults>
</compile_context>

<pallas_src>
import functools

import jax
import jax.numpy as jnp
import numpy as np
from jax import lax
from jax.experimental import pallas as pl
from jax.experimental.pallas import tpu as pltpu
from jax.experimental.pallas import tpu_sc as plsc

N_NODES = 10000
N_EDGES = 160000
IN_C = 128
EDGE_C = 16
OUT_C = 128
HID = 16
EPS = 1e-5

NC = 2
NS = 16
NW = NC * NS
ROWS_PER_OP = 128
OPS_PER_W = 40
E_PAD = NW * OPS_PER_W * ROWS_PER_OP
W_EDGES = OPS_PER_W * ROWS_PER_OP
N_ACC = N_NODES + NS
ROWS_PER_TILE = N_ACC // NS
W_REPACK = N_EDGES // NW

_f32 = jnp.float32



def _mlp4_ln_body(x_ref, w0, b0, w1, b1, w2, b2, w3, b3, g, b, o_ref):
    h = jnp.dot(x_ref[...], w0[...], preferred_element_type=_f32) + b0[...]
    h = jnp.maximum(h, 0.0)
    h = jnp.dot(h, w1[...], preferred_element_type=_f32) + b1[...]
    h = jnp.maximum(h, 0.0)
    h = jnp.dot(h, w2[...], preferred_element_type=_f32) + b2[...]
    h = jnp.maximum(h, 0.0)
    h = jnp.dot(h, w3[...], preferred_element_type=_f32) + b3[...]
    mu = jnp.mean(h)
    std = jnp.sqrt(jnp.mean((h - mu) ** 2))
    o_ref[...] = (h - mu) / (std + EPS) * g[...] + b[...]


def _mlp4_body(x_ref, w0, b0, w1, b1, w2, b2, w3, b3, o_ref):
    h = jnp.dot(x_ref[...], w0[...], preferred_element_type=_f32) + b0[...]
    h = jnp.maximum(h, 0.0)
    h = jnp.dot(h, w1[...], preferred_element_type=_f32) + b1[...]
    h = jnp.maximum(h, 0.0)
    h = jnp.dot(h, w2[...], preferred_element_type=_f32) + b2[...]
    h = jnp.maximum(h, 0.0)
    o_ref[...] = jnp.dot(h, w3[...], preferred_element_type=_f32) + b3[...]


def _edge_body(ea_ref, xj_ref, w1s, b1, w2, b2, w3, b3, g, b, ss, rr, o_ref):
    acc = jnp.zeros(o_ref.shape, _f32)
    for j in range(8):
        h = jnp.dot(ea_ref[...], w1s[j], preferred_element_type=_f32) + b1[...]
        h = jnp.maximum(h, 0.0)
        h = jnp.dot(h, w2[...], preferred_element_type=_f32) + b2[...]
        h = jnp.maximum(h, 0.0)
        w = jnp.dot(h, w3[...], preferred_element_type=_f32) + b3[...]
        mu = jnp.mean(w, axis=1, keepdims=True)
        var = jnp.mean((w - mu) ** 2, axis=1, keepdims=True)
        w = (w - mu) * lax.rsqrt(var + EPS) * g[...] + b[...]
        x2 = jnp.dot(xj_ref[...], ss[j], preferred_element_type=_f32)
        acc = acc + jnp.dot(x2 * w, rr[j], preferred_element_type=_f32)
    o_ref[...] = acc


def _update_body(ps_ref, pc_ref, x_ref, root, bias, g, b, o_ref):
    s = ps_ref[:N_NODES, :] + ps_ref[N_ACC:N_ACC + N_NODES, :]
    c = pc_ref[:N_NODES, :] + pc_ref[N_ACC:N_ACC + N_NODES, :]
    mean = s / jnp.maximum(c, 1.0)
    x = x_ref[...]
    pre = mean + jnp.dot(x, root[...], preferred_element_type=_f32) + bias[...]
    h = jnp.maximum(pre, 0.0)
    mu = jnp.mean(h)
    std = jnp.sqrt(jnp.mean((h - mu) ** 2))
    o_ref[...] = x + (h - mu) / (std + EPS) * g[...] + b[...]


def _full2d(a):
    return pl.BlockSpec(a.shape, lambda *_: (0, 0))


def _tc_mlp4_ln(x, ws, g, b):
    args = []
    for (W, bb) in ws:
        args += [W, bb.reshape(1, -1)]
    args += [g.reshape(1, -1), b.reshape(1, -1)]
    return pl.pallas_call(
        _mlp4_ln_body,
        out_shape=jax.ShapeDtypeStruct((x.shape[0], ws[-1][0].shape[1]), _f32),
    )(x, *args)


def _tc_mlp4(x, ws):
    args = []
    for (W, bb) in ws:
        args += [W, bb.reshape(1, -1)]
    return pl.pallas_call(
        _mlp4_body,
        out_shape=jax.ShapeDtypeStruct((x.shape[0], ws[-1][0].shape[1]), _f32),
    )(x, *args)


def _full3d(a):
    return pl.BlockSpec(a.shape, lambda *_: (0, 0, 0))


def _tc_edge(ea_p, xj_p, lyr, block=2000):
    (W1, b1), (W2, b2), (W3, b3) = lyr['edge_nn']
    g, b = lyr['edge_ln']
    w1s = jnp.einsum('jri,ic->jrc', _P, W1)
    args = [w1s, b1.reshape(1, -1), W2, b2.reshape(1, -1),
            W3, b3.reshape(1, -1), g.reshape(1, -1), b.reshape(1, -1),
            _SS, _RR]
    grid = (N_EDGES // 8 // block,)
    in_specs = [pl.BlockSpec((block, 128), lambda i: (i, 0)),
                pl.BlockSpec((block, 128), lambda i: (i, 0))]
    in_specs += [_full3d(a) if a.ndim == 3 else _full2d(a) for a in args]
    return pl.pallas_call(
        _edge_body,
        grid=grid,
        in_specs=in_specs,
        out_specs=pl.BlockSpec((block, 128), lambda i: (i, 0)),
        out_shape=jax.ShapeDtypeStruct((E_PAD // 8, 128), _f32),
    )(ea_p, xj_p, *args)


def _tc_update(psum, pcnt, x, lyr):
    root = lyr['root']
    bias = lyr['bias'].reshape(1, -1)
    g, b = lyr['conv_norm']
    return pl.pallas_call(
        _update_body,
        in_specs=[_full2d(psum), _full2d(pcnt),
                  _full2d(x), _full2d(root),
                  pl.BlockSpec((1, HID), lambda *_: (0, 0)),
                  pl.BlockSpec((1, HID), lambda *_: (0, 0)),
                  pl.BlockSpec((1, HID), lambda *_: (0, 0))],
        out_shape=jax.ShapeDtypeStruct((N_NODES, HID), _f32),
    )(psum, pcnt, x, root, bias, g.reshape(1, -1), b.reshape(1, -1))



@functools.cache
def _mesh():
    return plsc.VectorSubcoreMesh(core_axis_name="c", subcore_axis_name="s")


@functools.cache
def _build_sc_gather():
    return pl.kernel(
        _sc_gather_body,
        out_type=jax.ShapeDtypeStruct((E_PAD, HID), _f32),
        mesh=_mesh(),
        scratch_types=[pltpu.VMEM((W_EDGES,), jnp.int32),
                       pltpu.VMEM((W_EDGES, HID), _f32),
                       pltpu.SemaphoreType.DMA],
        compiler_params=pltpu.CompilerParams(use_tc_tiling_on_sc=False),
    )


def _sc_gather(table, src_pad):
    return _build_sc_gather()(table, src_pad)


_WAVE = 8


def _sc_gather_body(table_hbm, src_hbm, out_hbm, idx_v, rows_v, sem):
    cid = lax.axis_index("c")
    sid = lax.axis_index("s")
    wid = sid * NC + cid
    base = wid * W_EDGES
    pltpu.sync_copy(src_hbm.at[pl.ds(base, W_EDGES)], idx_v)

    def wave(wv, carry):
        for i in range(_WAVE):
            off = (wv * _WAVE + i) * ROWS_PER_OP
            pltpu.async_copy(table_hbm.at[idx_v.at[pl.ds(off, ROWS_PER_OP)]],
                             rows_v.at[pl.ds(off, ROWS_PER_OP)], sem)
        for i in range(_WAVE):
            off = (wv * _WAVE + i) * ROWS_PER_OP
            pltpu.make_async_copy(
                table_hbm.at[idx_v.at[pl.ds(off, ROWS_PER_OP)]],
                rows_v.at[pl.ds(off, ROWS_PER_OP)], sem).wait()
        return carry

    lax.fori_loop(0, OPS_PER_W // _WAVE, wave, 0)
    pltpu.sync_copy(rows_v, out_hbm.at[pl.ds(base, W_EDGES)])


@functools.cache
def _build_sc_scatter():
    return pl.kernel(
        _sc_scatter_body,
        out_type=jax.ShapeDtypeStruct((NC * N_ACC, HID), _f32),
        mesh=_mesh(),
        scratch_types=[pltpu.VMEM((OPS_PER_W, ROWS_PER_OP), jnp.int32),
                       pltpu.VMEM((W_EDGES, HID), _f32),
                       pltpu.VMEM_SHARED((N_ACC, HID), _f32)],
        compiler_params=pltpu.CompilerParams(use_tc_tiling_on_sc=False),
    )


def _sc_scatter(msg, dst2, zeros):
    return _build_sc_scatter()(msg, dst2, zeros)


def _sc_scatter_body(msg_hbm, dst2_hbm, zeros_hbm,
                     sum_hbm, idx_v, rows_v, acc_s):
    cid = lax.axis_index("c")
    sid = lax.axis_index("s")
    wid = sid * NC + cid

    zbase = sid * ROWS_PER_TILE
    pltpu.sync_copy(zeros_hbm.at[pl.ds(zbase, ROWS_PER_TILE)],
                    acc_s.at[pl.ds(zbase, ROWS_PER_TILE)])
    pltpu.sync_copy(dst2_hbm.at[pl.ds(wid * OPS_PER_W, OPS_PER_W)], idx_v)
    pltpu.sync_copy(msg_hbm.at[pl.ds(wid * W_EDGES, W_EDGES)], rows_v)
    plsc.subcore_barrier()

    def body(k, carry):
        pltpu.sync_copy(rows_v.at[pl.ds(k * ROWS_PER_OP, ROWS_PER_OP)],
                        acc_s.at[idx_v.at[k]], add=True)
        return carry

    lax.fori_loop(0, OPS_PER_W, body, 0)
    plsc.subcore_barrier()

    obase = cid * N_ACC + sid * ROWS_PER_TILE
    pltpu.sync_copy(acc_s.at[pl.ds(zbase, ROWS_PER_TILE)],
                    sum_hbm.at[pl.ds(obase, ROWS_PER_TILE)])


_RCHUNK = 1000


@functools.cache
def _build_sc_counts():
    return pl.kernel(
        _sc_counts_body,
        out_type=jax.ShapeDtypeStruct((NC * N_ACC, HID), _f32),
        mesh=_mesh(),
        scratch_types=[pltpu.VMEM((OPS_PER_W, ROWS_PER_OP), jnp.int32),
                       pltpu.VMEM((ROWS_PER_OP, HID), _f32),
                       pltpu.VMEM_SHARED((N_ACC, HID), _f32)],
        compiler_params=pltpu.CompilerParams(use_tc_tiling_on_sc=False),
    )


def _sc_counts(dst2, zeros, ones):
    return _build_sc_counts()(dst2, zeros, ones)


def _sc_counts_body(dst2_hbm, zeros_hbm, ones_hbm,
                    cnt_hbm, idx_v, ones_v, acc_c):
    cid = lax.axis_index("c")
    sid = lax.axis_index("s")
    wid = sid * NC + cid

    zbase = sid * ROWS_PER_TILE
    pltpu.sync_copy(zeros_hbm.at[pl.ds(zbase, ROWS_PER_TILE)],
                    acc_c.at[pl.ds(zbase, ROWS_PER_TILE)])
    pltpu.sync_copy(ones_hbm, ones_v)
    pltpu.sync_copy(dst2_hbm.at[pl.ds(wid * OPS_PER_W, OPS_PER_W)], idx_v)
    plsc.subcore_barrier()

    def body(k, carry):
        pltpu.sync_copy(ones_v, acc_c.at[idx_v.at[k]], add=True)
        return carry

    lax.fori_loop(0, OPS_PER_W, body, 0)
    plsc.subcore_barrier()

    obase = cid * N_ACC + sid * ROWS_PER_TILE
    pltpu.sync_copy(acc_c.at[pl.ds(zbase, ROWS_PER_TILE)],
                    cnt_hbm.at[pl.ds(obase, ROWS_PER_TILE)])



_S = np.kron(np.eye(HID, dtype=np.float32), np.ones((1, HID), np.float32))
_R = np.kron(np.ones((HID, 1), np.float32), np.eye(HID, dtype=np.float32))
_P = np.zeros((8, 128, HID), np.float32)
_SS = np.zeros((8, 128, 256), np.float32)
_RR = np.zeros((8, 256, 128), np.float32)
for _j in range(8):
    for _i in range(HID):
        _P[_j, 16 * _j + _i, _i] = 1.0
    _SS[_j, 16 * _j:16 * _j + 16, :] = _S
    _RR[_j, :, 16 * _j:16 * _j + 16] = _R


def kernel(x, edge_index, edge_attr, params):
    src = edge_index[0].astype(jnp.int32)
    dst = edge_index[1].astype(jnp.int32)
    pad = E_PAD - N_EDGES
    src_pad = jnp.concatenate([src, jnp.zeros((pad,), jnp.int32)])
    dst2 = jnp.concatenate([dst, jnp.full((pad,), N_NODES, jnp.int32)])
    dst2 = dst2.reshape(E_PAD // ROWS_PER_OP, ROWS_PER_OP)
    zeros = jnp.zeros((N_ACC, HID), _f32)
    ones = jnp.ones((ROWS_PER_OP, HID), _f32)

    pcnt = _sc_counts(dst2, zeros, ones)
    ea_p = edge_attr.reshape(N_EDGES // 8, 128)
    h = _tc_mlp4_ln(x, params['encoder'], *params['enc_norm'])

    for lyr in params['layers']:
        xj = _sc_gather(h, src_pad)
        msg_p = _tc_edge(ea_p, xj.reshape(E_PAD // 8, 128), lyr)
        psum = _sc_scatter(msg_p.reshape(E_PAD, HID), dst2, zeros)
        h = _tc_update(psum, pcnt, h, lyr)

    return _tc_mlp4(h, params['decoder'])

# --- scband reference (transcript-rebuilt; emitter-appended) ---
"""Pipeline reference for scband-nngraph-net-65343632441457 (READ-ONLY COPY).

The authoritative reference and input builder live on the scoring server;
editing this copy changes nothing except your own understanding.
"""

import jax, jax.numpy as jnp
import numpy as np

N_NODES = 10000
N_EDGES = 160000
IN_C = 128
EDGE_C = 16
OUT_C = 128
HID = 16
N_LAYERS = 2
EPS = 1e-5


def _linear(key, n_in, n_out):
    k1, k2 = jax.random.split(key)
    bound = 1.0 / np.sqrt(n_in)
    W = jax.random.uniform(k1, (n_in, n_out), minval=-bound, maxval=bound, dtype=jnp.float32)
    b = jax.random.uniform(k2, (n_out,), minval=-bound, maxval=bound, dtype=jnp.float32)
    return (W, b)


def _make_params(key):
    ki = iter(jax.random.split(key, 32))
    params = {}
    dims = [IN_C, HID, HID, HID, HID]
    params['encoder'] = [_linear(next(ki), dims[i], dims[i + 1]) for i in range(4)]
    params['enc_norm'] = (jnp.ones((HID,), jnp.float32), jnp.zeros((HID,), jnp.float32))
    layers = []
    for _ in range(N_LAYERS):
        edims = [EDGE_C, 128, 128, HID * HID]
        lyr = {
            'edge_nn': [_linear(next(ki), edims[i], edims[i + 1]) for i in range(3)],
            'edge_ln': (jnp.ones((HID * HID,), jnp.float32), jnp.zeros((HID * HID,), jnp.float32)),
            'root': _linear(next(ki), HID, HID)[0],
            'bias': jnp.zeros((HID,), jnp.float32),
            'conv_norm': (jnp.ones((HID,), jnp.float32), jnp.zeros((HID,), jnp.float32)),
        }
        layers.append(lyr)
    params['layers'] = layers
    ddims = [HID, HID, HID, HID, OUT_C]
    params['decoder'] = [_linear(next(ki), ddims[i], ddims[i + 1]) for i in range(4)]
    return params


def _mlp(x, layers):
    # MLP: Linear -> ReLU between all but after the final Linear
    n = len(layers)
    for i, (W, b) in enumerate(layers):
        x = x @ W + b
        if i < n - 1:
            x = jax.nn.relu(x)
    return x


def _torch_ln(x, gamma, beta):
    # torch.nn.LayerNorm over last dim, elementwise affine
    mu = jnp.mean(x, axis=-1, keepdims=True)
    var = jnp.mean((x - mu) ** 2, axis=-1, keepdims=True)
    return (x - mu) / jnp.sqrt(var + EPS) * gamma + beta


def _pyg_graph_ln(x, gamma, beta):
    # torch_geometric.nn.LayerNorm, mode='graph', batch=None:
    # normalize over ALL nodes and channels of the (single) graph
    mu = jnp.mean(x)
    std = jnp.sqrt(jnp.mean((x - mu) ** 2))
    out = (x - mu) / (std + EPS)
    return out * gamma + beta


def _nnconv(x, edge_index, edge_attr, lyr):
    # PyG NNConv(in=HID, out=HID, nn=MLP+LayerNorm, aggr='mean')
    src = edge_index[0]
    dst = edge_index[1]
    w = _mlp(edge_attr, lyr['edge_nn'])
    w = _torch_ln(w, lyr['edge_ln'][0], lyr['edge_ln'][1])
    w = w.reshape(-1, HID, HID)  # [E, in, out]
    xj = jnp.take(x, src, axis=0)  # gather source node features
    msg = jnp.einsum('ei,eio->eo', xj, w)
    summed = jax.ops.segment_sum(msg, dst, num_segments=N_NODES)
    cnt = jax.ops.segment_sum(jnp.ones((msg.shape[0],), jnp.float32), dst, num_segments=N_NODES)
    mean = summed / jnp.maximum(cnt, 1.0)[:, None]
    return mean + x @ lyr['root'] + lyr['bias']


def _forward(x, edge_index, edge_attr, params):
    x = _mlp(x, params['encoder'])
    x = _pyg_graph_ln(x, params['enc_norm'][0], params['enc_norm'][1])
    for lyr in params['layers']:
        x0 = x
        h = _nnconv(x, edge_index, edge_attr, lyr)
        h = jax.nn.relu(h)
        h = _pyg_graph_ln(h, lyr['conv_norm'][0], lyr['conv_norm'][1])
        x = x0 + h
    return _mlp(x, params['decoder'])


def setup_inputs(seed: int = 0):
    key = jax.random.key(seed)
    k1, k2, k3, k4 = jax.random.split(key, 4)
    x = jax.random.normal(k1, (N_NODES, IN_C), dtype=jnp.float32)
    edge_index = jax.random.randint(k2, (2, N_EDGES), 0, N_NODES, dtype=jnp.int32)
    edge_attr = jax.random.normal(k3, (N_EDGES, EDGE_C), dtype=jnp.float32)
    params = _make_params(k4)
    return {'x': x, 'edge_index': edge_index, 'edge_attr': edge_attr, 'params': params}


def reference(x, edge_index, edge_attr, params):
    return _forward(x, edge_index, edge_attr, params)

if __name__ == "__main__":
    import jax
    _d = setup_inputs()
    print(jax.jit(kernel)(*tuple(_d.values())))

</pallas_src>

<mosaic_0001>
#map = affine_map<(d0, d1) -> (0, 0)>
#map1 = affine_map<(d0, d1) -> (0)>
module attributes {stable_mosaic.version = 14 : i64} {
  func.func @_sc_gather_body(%arg0: i32, %arg1: i32, %arg2: memref<10000x16xf32, #tpu.memory_space<hbm>>, %arg3: memref<163840xi32, #tpu.memory_space<hbm>>, %arg4: memref<163840x16xf32, #tpu.memory_space<hbm>>, %arg5: memref<5120xi32, #tpu.memory_space<vmem>>, %arg6: memref<5120x16xf32, #tpu.memory_space<vmem>>, %arg7: memref<!tpu.dma_semaphore, #tpu.memory_space<semaphore_mem>>) attributes {dimension_semantics = [#tpu.dimension_semantics<core_parallel>, #tpu.dimension_semantics<subcore_parallel>], iteration_bounds = array<i64: 2, 16>, scalar_prefetch = 0 : i64, scratch_operands = 3 : i64, tpu.core_type = #tpu.core_type<sc_vector_subcore>, window_params = [{transform_indices = #map}, {transform_indices = #map1}, {transform_indices = #map}]} {
    %mul3A = arith.constant 2 : i32
    %mul3A_0 = arith.muli %arg1, %mul3A : i32
    %add3A = arith.addi %mul3A_0, %arg0 : i32
    %mul3A_1 = arith.constant 5120 : i32
    %mul3A_2 = arith.muli %add3A, %mul3A_1 : i32
    "tpu.region"() ({
      %run_scoped3A = tpu.sem_alloc : memref<!tpu.dma_semaphore, #tpu.memory_space<semaphore_mem>>
      %dma_start3A = tpu.memref_slice %arg3[%mul3A_2] : memref<163840xi32, #tpu.memory_space<hbm>> -> memref<5120xi32, #tpu.memory_space<hbm>>
      %dma_start3A_8 = tpu.memref_slice %arg3[%mul3A_2] : memref<163840xi32, #tpu.memory_space<hbm>> -> memref<5120xi32, #tpu.memory_space<hbm>>
      tpu.enqueue_dma source(%dma_start3A_8 : memref<5120xi32, #tpu.memory_space<hbm>>) target(%arg5 : memref<5120xi32, #tpu.memory_space<vmem>>) target_semaphore(%run_scoped3A : memref<!tpu.dma_semaphore, #tpu.memory_space<semaphore_mem>>)
      %dma_wait3A = tpu.memref_slice %arg3[%mul3A_2] : memref<163840xi32, #tpu.memory_space<hbm>> -> memref<5120xi32, #tpu.memory_space<hbm>>
      %dma_wait3A_9 = tpu.memref_slice %arg3[%mul3A_2] : memref<163840xi32, #tpu.memory_space<hbm>> -> memref<5120xi32, #tpu.memory_space<hbm>>
      tpu.wait_dma2 semaphore(%run_scoped3A : memref<!tpu.dma_semaphore, #tpu.memory_space<semaphore_mem>>) src(%dma_wait3A_9 : memref<5120xi32, #tpu.memory_space<hbm>>) dst(%arg5 : memref<5120xi32, #tpu.memory_space<vmem>>)
      tpu.yield
    }) : () -> ()
    %scan3A = arith.constant 0 : i32
    %scan3A_3 = arith.constant 0 : i32
    %scan3A_4 = arith.constant 5 : i32
    %scan3A_5 = arith.addi %scan3A_3, %scan3A_4 : i32
    %scan3A_6 = arith.constant 1 : i32
    scf.for %scan3A_8 = %scan3A_3 to %scan3A_5 step %scan3A_6  : i32 {
      %mul3A_9 = arith.constant 8 : i32
      %mul3A_10 = arith.muli %scan3A_8, %mul3A_9 : i32
      %add3A_11 = arith.constant 0 : i32
      %add3A_12 = arith.addi %mul3A_10, %add3A_11 : i32
      %mul3A_13 = arith.constant 128 : i32
      %mul3A_14 = arith.muli %add3A_12, %mul3A_13 : i32
      %dma_start3A = arith.constant 0 : i32
      %dma_start3A_15 = tpu.memref_slice %arg6[%mul3A_14, %dma_start3A] : memref<5120x16xf32, #tpu.memory_space<vmem>> -> memref<128x16xf32, #tpu.memory_space<vmem>>
      %dma_start3A_16 = tpu.memref_slice %arg5[%mul3A_14] : memref<5120xi32, #tpu.memory_space<vmem>> -> memref<128xi32, #tpu.memory_space<vmem>>
      %dma_start3A_17 = arith.constant 0 : i32
      %dma_start3A_18 = arith.constant 0 : i32
      %dma_start3A_19 = tpu.memref_slice %arg2[%dma_start3A_17, %dma_start3A_18] : memref<10000x16xf32, #tpu.memory_space<hbm>> -> memref<10000x16xf32, #tpu.memory_space<hbm>>
      tpu.enqueue_indirect_dma source(%dma_start3A_19 : memref<10000x16xf32, #tpu.memory_space<hbm>>) target(%dma_start3A_15 : memref<128x16xf32, #tpu.memory_space<vmem>>) offsets(%dma_start3A_16 : memref<128xi32, #tpu.memory_space<vmem>>) semaphore(%arg7 : memref<!tpu.dma_semaphore, #tpu.memory_space<semaphore_mem>>)
      %mul3A_20 = arith.constant 8 : i32
      %mul3A_21 = arith.muli %scan3A_8, %mul3A_20 : i32
      %add3A_22 = arith.constant 1 : i32
      %add3A_23 = arith.addi %mul3A_21, %add3A_22 : i32
      %mul3A_24 = arith.constant 128 : i32
      %mul3A_25 = arith.muli %add3A_23, %mul3A_24 : i32
      %dma_start3A_26 = arith.constant 0 : i32
      %dma_start3A_27 = tpu.memref_slice %arg6[%mul3A_25, %dma_start3A_26] : memref<5120x16xf32, #tpu.memory_space<vmem>> -> memref<128x16xf32, #tpu.memory_space<vmem>>
      %dma_start3A_28 = tpu.memref_slice %arg5[%mul3A_25] : memref<5120xi32, #tpu.memory_space<vmem>> -> memref<128xi32, #tpu.memory_space<vmem>>
      %dma_start3A_29 = arith.constant 0 : i32
      %dma_start3A_30 = arith.constant 0 : i32
      %dma_start3A_31 = tpu.memref_slice %arg2[%dma_start3A_29, %dma_start3A_30] : memref<10000x16xf32, #tpu.memory_space<hbm>> -> memref<10000x16xf32, #tpu.memory_space<hbm>>
      tpu.enqueue_indirect_dma source(%dma_start3A_31 : memref<10000x16xf32, #tpu.memory_space<hbm>>) target(%dma_start3A_27 : memref<128x16xf32, #tpu.memory_space<vmem>>) offsets(%dma_start3A_28 : memref<128xi32, #tpu.memory_space<vmem>>) semaphore(%arg7 : memref<!tpu.dma_semaphore, #tpu.memory_space<semaphore_mem>>)
      %mul3A_32 = arith.constant 8 : i32
      %mul3A_33 = arith.muli %scan3A_8, %mul3A_32 : i32
      %add3A_34 = arith.constant 2 : i32
      %add3A_35 = arith.addi %mul3A_33, %add3A_34 : i32
      %mul3A_36 = arith.constant 128 : i32
      %mul3A_37 = arith.muli %add3A_35, %mul3A_36 : i32
      %dma_start3A_38 = arith.constant 0 : i32
      %dma_start3A_39 = tpu.memref_slice %arg6[%mul3A_37, %dma_start3A_38] : memref<5120x16xf32, #tpu.memory_space<vmem>> -> memref<128x16xf32, #tpu.memory_space<vmem>>
      %dma_start3A_40 = tpu.memref_slice %arg5[%mul3A_37] : memref<5120xi32, #tpu.memory_space<vmem>> -> memref<128xi32, #tpu.memory_space<vmem>>
      %dma_start3A_41 = arith.constant 0 : i32
      %dma_start3A_42 = arith.constant 0 : i32
      %dma_start3A_43 = tpu.memref_slice %arg2[%dma_start3A_41, %dma_start3A_42] : memref<10000x16xf32, #tpu.memory_space<hbm>> -> memref<10000x16xf32, #tpu.memory_space<hbm>>
      tpu.enqueue_indirect_dma source(%dma_start3A_43 : memref<10000x16xf32, #tpu.memory_space<hbm>>) target(%dma_start3A_39 : memref<128x16xf32, #tpu.memory_space<vmem>>) offsets(%dma_start3A_40 : memref<128xi32, #tpu.memory_space<vmem>>) semaphore(%arg7 : memref<!tpu.dma_semaphore, #tpu.memory_space<semaphore_mem>>)
      %mul3A_44 = arith.constant 8 : i32
      %mul3A_45 = arith.muli %scan3A_8, %mul3A_44 : i32
      %add3A_46 = arith.constant 3 : i32
      %add3A_47 = arith.addi %mul3A_45, %add3A_46 : i32
      %mul3A_48 = arith.constant 128 : i32
      %mul3A_49 = arith.muli %add3A_47, %mul3A_48 : i32
      %dma_start3A_50 = arith.constant 0 : i32
      %dma_start3A_51 = tpu.memref_slice %arg6[%mul3A_49, %dma_start3A_50] : memref<5120x16xf32, #tpu.memory_space<vmem>> -> memref<128x16xf32, #tpu.memory_space<vmem>>
      %dma_start3A_52 = tpu.memref_slice %arg5[%mul3A_49] : memref<5120xi32, #tpu.memory_space<vmem>> -> memref<128xi32, #tpu.memory_space<vmem>>
      %dma_start3A_53 = arith.constant 0 : i32
      %dma_start3A_54 = arith.constant 0 : i32
      %dma_start3A_55 = tpu.memref_slice %arg2[%dma_start3A_53, %dma_start3A_54] : memref<10000x16xf32, #tpu.memory_space<hbm>> -> memref<10000x16xf32, #tpu.memory_space<hbm>>
      tpu.enqueue_indirect_dma source(%dma_start3A_55 : memref<10000x16xf32, #tpu.memory_space<hbm>>) target(%dma_start3A_51 : memref<128x16xf32, #tpu.memory_space<vmem>>) offsets(%dma_start3A_52 : memref<128xi32, #tpu.memory_space<vmem>>) semaphore(%arg7 : memref<!tpu.dma_semaphore, #tpu.memory_space<semaphore_mem>>)
      %mul3A_56 = arith.constant 8 : i32
      %mul3A_57 = arith.muli %scan3A_8, %mul3A_56 : i32
      %add3A_58 = arith.constant 4 : i32
      %add3A_59 = arith.addi %mul3A_57, %add3A_58 : i32
      %mul3A_60 = arith.constant 128 : i32
      %mul3A_61 = arith.muli %add3A_59, %mul3A_60 : i32
      %dma_start3A_62 = arith.constant 0 : i32
      %dma_start3A_63 = tpu.memref_slice %arg6[%mul3A_61, %dma_start3A_62] : memref<5120x16xf32, #tpu.memory_space<vmem>> -> memref<128x16xf32, #tpu.memory_space<vmem>>
      %dma_start3A_64 = tpu.memref_slice %arg5[%mul3A_61] : memref<5120xi32, #tpu.memory_space<vmem>> -> memref<128xi32, #tpu.memory_space<vmem>>
      %dma_start3A_65 = arith.constant 0 : i32
      %dma_start3A_66 = arith.constant 0 : i32
      %dma_start3A_67 = tpu.memref_slice %arg2[%dma_start3A_65, %dma_start3A_66] : memref<10000x16xf32, #tpu.memory_space<hbm>> -> memref<10000x16xf32, #tpu.memory_space<hbm>>
      tpu.enqueue_indirect_dma source(%dma_start3A_67 : memref<10000x16xf32, #tpu.memory_space<hbm>>) target(%dma_start3A_63 : memref<128x16xf32, #tpu.memory_space<vmem>>) offsets(%dma_start3A_64 : memref<128xi32, #tpu.memory_space<vmem>>) semaphore(%arg7 : memref<!tpu.dma_semaphore, #tpu.memory_space<semaphore_mem>>)
      %mul3A_68 = arith.constant 8 : i32
      %mul3A_69 = arith.muli %scan3A_8, %mul3A_68 : i32
      %add3A_70 = arith.constant 5 : i32
      %add3A_71 = arith.addi %mul3A_69, %add3A_70 : i32
      %mul3A_72 = arith.constant 128 : i32
      %mul3A_73 = arith.muli %add3A_71, %mul3A_72 : i32
      %dma_start3A_74 = arith.constant 0 : i32
      %dma_start3A_75 = tpu.memref_slice %arg6[%mul3A_73, %dma_start3A_74] : memref<5120x16xf32, #tpu.memory_space<vmem>> -> memref<128x16xf32, #tpu.memory_space<vmem>>
      %dma_start3A_76 = tpu.memref_slice %arg5[%mul3A_73] : memref<5120xi32, #tpu.memory_space<vmem>> -> memref<128xi32, #tpu.memory_space<vmem>>
      %dma_start3A_77 = arith.constant 0 : i32
      %dma_start3A_78 = arith.constant 0 : i32
      %dma_start3A_79 = tpu.memref_slice %arg2[%dma_start3A_77, %dma_start3A_78] : memref<10000x16xf32, #tpu.memory_space<hbm>> -> memref<10000x16xf32, #tpu.memory_space<hbm>>
      tpu.enqueue_indirect_dma source(%dma_start3A_79 : memref<10000x16xf32, #tpu.memory_space<hbm>>) target(%dma_start3A_75 : memref<128x16xf32, #tpu.memory_space<vmem>>) offsets(%dma_start3A_76 : memref<128xi32, #tpu.memory_space<vmem>>) semaphore(%arg7 : memref<!tpu.dma_semaphore, #tpu.memory_space<semaphore_mem>>)
      %mul3A_80 = arith.constant 8 : i32
      %mul3A_81 = arith.muli %scan3A_8, %mul3A_80 : i32
      %add3A_82 = arith.constant 6 : i32
      %add3A_83 = arith.addi %mul3A_81, %add3A_82 : i32
      %mul3A_84 = arith.constant 128 : i32
      %mul3A_85 = arith.muli %add3A_83, %mul3A_84 : i32
      %dma_start3A_86 = arith.constant 0 : i32
      %dma_start3A_87 = tpu.memref_slice %arg6[%mul3A_85, %dma_start3A_86] : memref<5120x16xf32, #tpu.memory_space<vmem>> -> memref<128x16xf32, #tpu.memory_space<vmem>>
      %dma_start3A_88 = tpu.memref_slice %arg5[%mul3A_85] : memref<5120xi32, #tpu.memory_space<vmem>> -> memref<128xi32, #tpu.memory_space<vmem>>
      %dma_start3A_89 = arith.constant 0 : i32
      %dma_start3A_90 = arith.constant 0 : i32
      %dma_start3A_91 = tpu.memref_slice %arg2[%dma_start3A_89, %dma_start3A_90] : memref<10000x16xf32, #tpu.memory_space<hbm>> -> memref<10000x16xf32, #tpu.memory_space<hbm>>
      tpu.enqueue_indirect_dma source(%dma_start3A_91 : memref<10000x16xf32, #tpu.memory_space<hbm>>) target(%dma_start3A_87 : memref<128x16xf32, #tpu.memory_space<vmem>>) offsets(%dma_start3A_88 : memref<128xi32, #tpu.memory_space<vmem>>) semaphore(%arg7 : memref<!tpu.dma_semaphore, #tpu.memory_space<semaphore_mem>>)
      %mul3A_92 = arith.constant 8 : i32
      %mul3A_93 = arith.muli %scan3A_8, %mul3A_92 : i32
      %add3A_94 = arith.constant 7 : i32
      %add3A_95 = arith.addi %mul3A_93, %add3A_94 : i32
      %mul3A_96 = arith.constant 128 : i32
      %mul3A_97 = arith.muli %add3A_95, %mul3A_96 : i32
      %dma_start3A_98 = arith.constant 0 : i32
      %dma_start3A_99 = tpu.memref_slice %arg6[%mul3A_97, %dma_start3A_98] : memref<5120x16xf32, #tpu.memory_space<vmem>> -> memref<128x16xf32, #tpu.memory_space<vmem>>
      %dma_start3A_100 = tpu.memref_slice %arg5[%mul3A_97] : memref<5120xi32, #tpu.memory_space<vmem>> -> memref<128xi32, #tpu.memory_space<vmem>>
      %dma_start3A_101 = arith.constant 0 : i32
      %dma_start3A_102 = arith.constant 0 : i32
      %dma_start3A_103 = tpu.memref_slice %arg2[%dma_start3A_101, %dma_start3A_102] : memref<10000x16xf32, #tpu.memory_space<hbm>> -> memref<10000x16xf32, #tpu.memory_space<hbm>>
      tpu.enqueue_indirect_dma source(%dma_start3A_103 : memref<10000x16xf32, #tpu.memory_space<hbm>>) target(%dma_start3A_99 : memref<128x16xf32, #tpu.memory_space<vmem>>) offsets(%dma_start3A_100 : memref<128xi32, #tpu.memory_space<vmem>>) semaphore(%arg7 : memref<!tpu.dma_semaphore, #tpu.memory_space<semaphore_mem>>)
      %mul3A_104 = arith.constant 8 : i32
      %mul3A_105 = arith.muli %scan3A_8, %mul3A_104 : i32
      %add3A_106 = arith.constant 0 : i32
      %add3A_107 = arith.addi %mul3A_105, %add3A_106 : i32
      %mul3A_108 = arith.constant 128 : i32
      %mul3A_109 = arith.muli %add3A_107, %mul3A_108 : i32
      %dma_wait3A = arith.constant 0 : i32
      %dma_wait3A_110 = tpu.memref_slice %arg6[%mul3A_109, %dma_wait3A] : memref<5120x16xf32, #tpu.memory_space<vmem>> -> memref<128x16xf32, #tpu.memory_space<vmem>>
      %dma_wait3A_111 = tpu.memref_slice %arg5[%mul3A_109] : memref<5120xi32, #tpu.memory_space<vmem>> -> memref<128xi32, #tpu.memory_space<vmem>>
      %dma_wait3A_112 = arith.constant 0 : i32
      %dma_wait3A_113 = arith.constant 0 : i32
      %dma_wait3A_114 = tpu.memref_slice %arg2[%dma_wait3A_112, %dma_wait3A_113] : memref<10000x16xf32, #tpu.memory_space<hbm>> -> memref<10000x16xf32, #tpu.memory_space<hbm>>
      tpu.wait_indirect_dma semaphore(%arg7 : memref<!tpu.dma_semaphore, #tpu.memory_space<semaphore_mem>>) src(%dma_wait3A_114 : memref<10000x16xf32, #tpu.memory_space<hbm>>) dst(%dma_wait3A_110 : memref<128x16xf32, #tpu.memory_space<vmem>>)
      %mul3A_115 = arith.constant 8 : i32
      %mul3A_116 = arith.muli %scan3A_8, %mul3A_115 : i32
      %add3A_117 = arith.constant 1 : i32
      %add3A_118 = arith.addi %mul3A_116, %add3A_117 : i32
      %mul3A_119 = arith.constant 128 : i32
      %mul3A_120 = arith.muli %add3A_118, %mul3A_119 : i32
      %dma_wait3A_121 = arith.constant 0 : i32
      %dma_wait3A_122 = tpu.memref_slice %arg6[%mul3A_120, %dma_wait3A_121] : memref<5120x16xf32, #tpu.memory_space<vmem>> -> memref<128x16xf32, #tpu.memory_space<vmem>>
      %dma_wait3A_123 = tpu.memref_slice %arg5[%mul3A_120] : memref<5120xi32, #tpu.memory_space<vmem>> -> memref<128xi32, #tpu.memory_space<vmem>>
      %dma_wait3A_124 = arith.constant 0 : i32
      %dma_wait3A_125 = arith.constant 0 : i32
      %dma_wait3A_126 = tpu.memref_slice %arg2[%dma_wait3A_124, %dma_wait3A_125] : memref<10000x16xf32, #tpu.memory_space<hbm>> -> memref<10000x16xf32, #tpu.memory_space<hbm>>
      tpu.wait_indirect_dma semaphore(%arg7 : memref<!tpu.dma_semaphore, #tpu.memory_space<semaphore_mem>>) src(%dma_wait3A_126 : memref<10000x16xf32, #tpu.memory_space<hbm>>) dst(%dma_wait3A_122 : memref<128x16xf32, #tpu.memory_space<vmem>>)
      %mul3A_127 = arith.constant 8 : i32
      %mul3A_128 = arith.muli %scan3A_8, %mul3A_127 : i32
      %add3A_129 = arith.constant 2 : i32
      %add3A_130 = arith.addi %mul3A_128, %add3A_129 : i32
      %mul3A_131 = arith.constant 128 : i32
      %mul3A_132 = arith.muli %add3A_130, %mul3A_131 : i32
      %dma_wait3A_133 = arith.constant 0 : i32
      %dma_wait3A_134 = tpu.memref_slice %arg6[%mul3A_132, %dma_wait3A_133] : memref<5120x16xf32, #tpu.memory_space<vmem>> -> memref<128x16xf32, #tpu.memory_space<vmem>>
      %dma_wait3A_135 = tpu.memref_slice %arg5[%mul3A_132] : memref<5120xi32, #tpu.memory_space<vmem>> -> memref<128xi32, #tpu.memory_space<vmem>>
      %dma_wait3A_136 = arith.constant 0 : i32
      %dma_wait3A_137 = arith.constant 0 : i32
      %dma_wait3A_138 = tpu.memref_slice %arg2[%dma_wait3A_136, %dma_wait3A_137] : memref<10000x16xf32, #tpu.memory_space<hbm>> -> memref<10000x16xf32, #tpu.memory_space<hbm>>
      tpu.wait_indirect_dma semaphore(%arg7 : memref<!tpu.dma_semaphore, #tpu.memory_space<semaphore_mem>>) src(%dma_wait3A_138 : memref<10000x16xf32, #tpu.memory_space<hbm>>) dst(%dma_wait3A_134 : memref<128x16xf32, #tpu.memory_space<vmem>>)
      %mul3A_139 = arith.constant 8 : i32
      %mul3A_140 = arith.muli %scan3A_8, %mul3A_139 : i32
      %add3A_141 = arith.constant 3 : i32
      %add3A_142 = arith.addi %mul3A_140, %add3A_141 : i32
      %mul3A_143 = arith.constant 128 : i32
      %mul3A_144 = arith.muli %add3A_142, %mul3A_143 : i32
      %dma_wait3A_145 = arith.constant 0 : i32
      %dma_wait3A_146 = tpu.memref_slice %arg6[%mul3A_144, %dma_wait3A_145] : memref<5120x16xf32, #tpu.memory_space<vmem>> -> memref<128x16xf32, #tpu.memory_space<vmem>>
      %dma_wait3A_147 = tpu.memref_slice %arg5[%mul3A_144] : memref<5120xi32, #tpu.memory_space<vmem>> -> memref<128xi32, #tpu.memory_space<vmem>>
      %dma_wait3A_148 = arith.constant 0 : i32
      %dma_wait3A_149 = arith.constant 0 : i32
      %dma_wait3A_150 = tpu.memref_slice %arg2[%dma_wait3A_148, %dma_wait3A_149] : memref<10000x16xf32, #tpu.memory_space<hbm>> -> memref<10000x16xf32, #tpu.memory_space<hbm>>
      tpu.wait_indirect_dma semaphore(%arg7 : memref<!tpu.dma_semaphore, #tpu.memory_space<semaphore_mem>>) src(%dma_wait3A_150 : memref<10000x16xf32, #tpu.memory_space<hbm>>) dst(%dma_wait3A_146 : memref<128x16xf32, #tpu.memory_space<vmem>>)
      %mul3A_151 = arith.constant 8 : i32
      %mul3A_152 = arith.muli %scan3A_8, %mul3A_151 : i32
      %add3A_153 = arith.constant 4 : i32
      %add3A_154 = arith.addi %mul3A_152, %add3A_153 : i32
      %mul3A_155 = arith.constant 128 : i32
      %mul3A_156 = arith.muli %add3A_154, %mul3A_155 : i32
      %dma_wait3A_157 = arith.constant 0 : i32
      %dma_wait3A_158 = tpu.memref_slice %arg6[%mul3A_156, %dma_wait3A_157] : memref<5120x16xf32, #tpu.memory_space<vmem>> -> memref<128x16xf32, #tpu.memory_space<vmem>>
      %dma_wait3A_159 = tpu.memref_slice %arg5[%mul3A_156] : memref<5120xi32, #tpu.memory_space<vmem>> -> memref<128xi32, #tpu.memory_space<vmem>>
      %dma_wait3A_160 = arith.constant 0 : i32
      %dma_wait3A_161 = arith.constant 0 : i32
      %dma_wait3A_162 = tpu.memref_slice %arg2[%dma_wait3A_160, %dma_wait3A_161] : memref<10000x16xf32, #tpu.memory_space<hbm>> -> memref<10000x16xf32, #tpu.memory_space<hbm>>
      tpu.wait_indirect_dma semaphore(%arg7 : memref<!tpu.dma_semaphore, #tpu.memory_space<semaphore_mem>>) src(%dma_wait3A_162 : memref<10000x16xf32, #tpu.memory_space<hbm>>) dst(%dma_wait3A_158 : memref<128x16xf32, #tpu.memory_space<vmem>>)
      %mul3A_163 = arith.constant 8 : i32
      %mul3A_164 = arith.muli %scan3A_8, %mul3A_163 : i32
      %add3A_165 = arith.constant 5 : i32
      %add3A_166 = arith.addi %mul3A_164, %add3A_165 : i32
      %mul3A_167 = arith.constant 128 : i32
      %mul3A_168 = arith.muli %add3A_166, %mul3A_167 : i32
      %dma_wait3A_169 = arith.constant 0 : i32
      %dma_wait3A_170 = tpu.memref_slice %arg6[%mul3A_168, %dma_wait3A_169] : memref<5120x16xf32, #tpu.memory_space<vmem>> -> memref<128x16xf32, #tpu.memory_space<vmem>>
      %dma_wait3A_171 = tpu.memref_slice %arg5[%mul3A_168] : memref<5120xi32, #tpu.memory_space<vmem>> -> memref<128xi32, #tpu.memory_space<vmem>>
      %dma_wait3A_172 = arith.constant 0 : i32
      %dma_wait3A_173 = arith.constant 0 : i32
      %dma_wait3A_174 = tpu.memref_slice %arg2[%dma_wait3A_172, %dma_wait3A_173] : memref<10000x16xf32, #tpu.memory_space<hbm>> -> memref<10000x16xf32, #tpu.memory_space<hbm>>
      tpu.wait_indirect_dma semaphore(%arg7 : memref<!tpu.dma_semaphore, #tpu.memory_space<semaphore_mem>>) src(%dma_wait3A_174 : memref<10000x16xf32, #tpu.memory_space<hbm>>) dst(%dma_wait3A_170 : memref<128x16xf32, #tpu.memory_space<vmem>>)
      %mul3A_175 = arith.constant 8 : i32
      %mul3A_176 = arith.muli %scan3A_8, %mul3A_175 : i32
      %add3A_177 = arith.constant 6 : i32
      %add3A_178 = arith.addi %mul3A_176, %add3A_177 : i32
      %mul3A_179 = arith.constant 128 : i32
      %mul3A_180 = arith.muli %add3A_178, %mul3A_179 : i32
      %dma_wait3A_181 = arith.constant 0 : i32
      %dma_wait3A_182 = tpu.memref_slice %arg6[%mul3A_180, %dma_wait3A_181] : memref<5120x16xf32, #tpu.memory_space<vmem>> -> memref<128x16xf32, #tpu.memory_space<vmem>>
      %dma_wait3A_183 = tpu.memref_slice %arg5[%mul3A_180] : memref<5120xi32, #tpu.memory_space<vmem>> -> memref<128xi32, #tpu.memory_space<vmem>>
      %dma_wait3A_184 = arith.constant 0 : i32
      %dma_wait3A_185 = arith.constant 0 : i32
      %dma_wait3A_186 = tpu.memref_slice %arg2[%dma_wait3A_184, %dma_wait3A_185] : memref<10000x16xf32, #tpu.memory_space<hbm>> -> memref<10000x16xf32, #tpu.memory_space<hbm>>
      tpu.wait_indirect_dma semaphore(%arg7 : memref<!tpu.dma_semaphore, #tpu.memory_space<semaphore_mem>>) src(%dma_wait3A_186 : memref<10000x16xf32, #tpu.memory_space<hbm>>) dst(%dma_wait3A_182 : memref<128x16xf32, #tpu.memory_space<vmem>>)
      %mul3A_187 = arith.constant 8 : i32
      %mul3A_188 = arith.muli %scan3A_8, %mul3A_187 : i32
      %add3A_189 = arith.constant 7 : i32
      %add3A_190 = arith.addi %mul3A_188, %add3A_189 : i32
      %mul3A_191 = arith.constant 128 : i32
      %mul3A_192 = arith.muli %add3A_190, %mul3A_191 : i32
      %dma_wait3A_193 = arith.constant 0 : i32
      %dma_wait3A_194 = tpu.memref_slice %arg6[%mul3A_192, %dma_wait3A_193] : memref<5120x16xf32, #tpu.memory_space<vmem>> -> memref<128x16xf32, #tpu.memory_space<vmem>>
      %dma_wait3A_195 = tpu.memref_slice %arg5[%mul3A_192] : memref<5120xi32, #tpu.memory_space<vmem>> -> memref<128xi32, #tpu.memory_space<vmem>>
      %dma_wait3A_196 = arith.constant 0 : i32
      %dma_wait3A_197 = arith.constant 0 : i32
      %dma_wait3A_198 = tpu.memref_slice %arg2[%dma_wait3A_196, %dma_wait3A_197] : memref<10000x16xf32, #tpu.memory_space<hbm>> -> memref<10000x16xf32, #tpu.memory_space<hbm>>
      tpu.wait_indirect_dma semaphore(%arg7 : memref<!tpu.dma_semaphore, #tpu.memory_space<semaphore_mem>>) src(%dma_wait3A_198 : memref<10000x16xf32, #tpu.memory_space<hbm>>) dst(%dma_wait3A_194 : memref<128x16xf32, #tpu.memory_space<vmem>>)
    }
    %scan3A_7 = arith.constant 5 : i32
    "tpu.region"() ({
      %run_scoped3A = tpu.sem_alloc : memref<!tpu.dma_semaphore, #tpu.memory_space<semaphore_mem>>
      %dma_start3A = arith.constant 0 : i32
      %dma_start3A_8 = tpu.memref_slice %arg4[%mul3A_2, %dma_start3A] : memref<163840x16xf32, #tpu.memory_space<hbm>> -> memref<5120x16xf32, #tpu.memory_space<hbm>>
      %dma_start3A_9 = arith.constant 0 : i32
      %dma_start3A_10 = tpu.memref_slice %arg4[%mul3A_2, %dma_start3A_9] : memref<163840x16xf32, #tpu.memory_space<hbm>> -> memref<5120x16xf32, #tpu.memory_space<hbm>>
      tpu.enqueue_dma source(%arg6 : memref<5120x16xf32, #tpu.memory_space<vmem>>) target(%dma_start3A_10 : memref<5120x16xf32, #tpu.memory_space<hbm>>) target_semaphore(%run_scoped3A : memref<!tpu.dma_semaphore, #tpu.memory_space<semaphore_mem>>)
      %dma_wait3A = arith.constant 0 : i32
      %dma_wait3A_11 = tpu.memref_slice %arg4[%mul3A_2, %dma_wait3A] : memref<163840x16xf32, #tpu.memory_space<hbm>> -> memref<5120x16xf32, #tpu.memory_space<hbm>>
      %dma_wait3A_12 = arith.constant 0 : i32
      %dma_wait3A_13 = tpu.memref_slice %arg4[%mul3A_2, %dma_wait3A_12] : memref<163840x16xf32, #tpu.memory_space<hbm>> -> memref<5120x16xf32, #tpu.memory_space<hbm>>
      tpu.wait_dma2 semaphore(%run_scoped3A : memref<!tpu.dma_semaphore, #tpu.memory_space<semaphore_mem>>) src(%arg6 : memref<5120x16xf32, #tpu.memory_space<vmem>>) dst(%dma_wait3A_13 : memref<5120x16xf32, #tpu.memory_space<hbm>>)
      tpu.yield
    }) : () -> ()
    return
  }
}

#map = affine_map<(d0, d1) -> (0, 0)>
module attributes {stable_mosaic.version = 14 : i64} {
  func.func @_sc_counts_body(%arg0: i32, %arg1: i32, %arg2: memref<1280x128xi32, #tpu.memory_space<hbm>>, %arg3: memref<10016x16xf32, #tpu.memory_space<hbm>>, %arg4: memref<128x16xf32, #tpu.memory_space<hbm>>, %arg5: memref<20032x16xf32, #tpu.memory_space<hbm>>, %arg6: memref<40x128xi32, #tpu.memory_space<vmem>>, %arg7: memref<128x16xf32, #tpu.memory_space<vmem>>, %arg8: memref<10016x16xf32, #tpu.memory_space<vmem_shared>>) attributes {dimension_semantics = [#tpu.dimension_semantics<core_parallel>, #tpu.dimension_semantics<subcore_parallel>], iteration_bounds = array<i64: 2, 16>, scalar_prefetch = 0 : i64, scratch_operands = 3 : i64, tpu.core_type = #tpu.core_type<sc_vector_subcore>, window_params = [{transform_indices = #map}, {transform_indices = #map}, {transform_indices = #map}, {transform_indices = #map}]} {
    %mul3A = arith.constant 2 : i32
    %mul3A_0 = arith.muli %arg1, %mul3A : i32
    %add3A = arith.addi %mul3A_0, %arg0 : i32
    %mul3A_1 = arith.constant 626 : i32
    %mul3A_2 = arith.muli %arg1, %mul3A_1 : i32
    "tpu.region"() ({
      %run_scoped3A = tpu.sem_alloc : memref<!tpu.dma_semaphore, #tpu.memory_space<semaphore_mem>>
      %dma_start3A = arith.constant 0 : i32
      %dma_start3A_16 = tpu.memref_slice %arg8[%mul3A_2, %dma_start3A] : memref<10016x16xf32, #tpu.memory_space<vmem_shared>> -> memref<626x16xf32, #tpu.memory_space<vmem_shared>>
      %dma_start3A_17 = arith.constant 0 : i32
      %dma_start3A_18 = tpu.memref_slice %arg3[%mul3A_2, %dma_start3A_17] : memref<10016x16xf32, #tpu.memory_space<hbm>> -> memref<626x16xf32, #tpu.memory_space<hbm>>
      tpu.enqueue_dma source(%dma_start3A_18 : memref<626x16xf32, #tpu.memory_space<hbm>>) target(%dma_start3A_16 : memref<626x16xf32, #tpu.memory_space<vmem_shared>>) target_semaphore(%run_scoped3A : memref<!tpu.dma_semaphore, #tpu.memory_space<semaphore_mem>>)
      %dma_wait3A = arith.constant 0 : i32
      %dma_wait3A_19 = tpu.memref_slice %arg8[%mul3A_2, %dma_wait3A] : memref<10016x16xf32, #tpu.memory_space<vmem_shared>> -> memref<626x16xf32, #tpu.memory_space<vmem_shared>>
      %dma_wait3A_20 = arith.constant 0 : i32
      %dma_wait3A_21 = tpu.memref_slice %arg3[%mul3A_2, %dma_wait3A_20] : memref<10016x16xf32, #tpu.memory_space<hbm>> -> memref<626x16xf32, #tpu.memory_space<hbm>>
      tpu.wait_dma2 semaphore(%run_scoped3A : memref<!tpu.dma_semaphore, #tpu.memory_space<semaphore_mem>>) src(%dma_wait3A_21 : memref<626x16xf32, #tpu.memory_space<hbm>>) dst(%dma_wait3A_19 : memref<626x16xf32, #tpu.memory_space<vmem_shared>>)
      tpu.yield
    }) : () -> ()
    "tpu.region"() ({
      %run_scoped3A = tpu.sem_alloc : memref<!tpu.dma_semaphore, #tpu.memory_space<semaphore_mem>>
      tpu.enqueue_dma source(%arg4 : memref<128x16xf32, #tpu.memory_space<hbm>>) target(%arg7 : memref<128x16xf32, #tpu.memory_space<vmem>>) target_semaphore(%run_scoped3A : memref<!tpu.dma_semaphore, #tpu.memory_space<semaphore_mem>>)
      tpu.wait_dma2 semaphore(%run_scoped3A : memref<!tpu.dma_semaphore, #tpu.memory_space<semaphore_mem>>) src(%arg4 : memref<128x16xf32, #tpu.memory_space<hbm>>) dst(%arg7 : memref<128x16xf32, #tpu.memory_space<vmem>>)
      tpu.yield
    }) : () -> ()
    %mul3A_3 = arith.constant 40 : i32
    %mul3A_4 = arith.muli %add3A, %mul3A_3 : i32
    "tpu.region"() ({
      %run_scoped3A = tpu.sem_alloc : memref<!tpu.dma_semaphore, #tpu.memory_space<semaphore_mem>>
      %dma_start3A = arith.constant 0 : i32
      %dma_start3A_16 = tpu.memref_slice %arg2[%mul3A_4, %dma_start3A] : memref<1280x128xi32, #tpu.memory_space<hbm>> -> memref<40x128xi32, #tpu.memory_space<hbm>>
      %dma_start3A_17 = arith.constant 0 : i32
      %dma_start3A_18 = tpu.memref_slice %arg2[%mul3A_4, %dma_start3A_17] : memref<1280x128xi32, #tpu.memory_space<hbm>> -> memref<40x128xi32, #tpu.memory_space<hbm>>
      tpu.enqueue_dma source(%dma_start3A_18 : memref<40x128xi32, #tpu.memory_space<hbm>>) target(%arg6 : memref<40x128xi32, #tpu.memory_space<vmem>>) target_semaphore(%run_scoped3A : memref<!tpu.dma_semaphore, #tpu.memory_space<semaphore_mem>>)
      %dma_wait3A = arith.constant 0 : i32
      %dma_wait3A_19 = tpu.memref_slice %arg2[%mul3A_4, %dma_wait3A] : memref<1280x128xi32, #tpu.memory_space<hbm>> -> memref<40x128xi32, #tpu.memory_space<hbm>>
      %dma_wait3A_20 = arith.constant 0 : i32
      %dma_wait3A_21 = tpu.memref_slice %arg2[%mul3A_4, %dma_wait3A_20] : memref<1280x128xi32, #tpu.memory_space<hbm>> -> memref<40x128xi32, #tpu.memory_space<hbm>>
      tpu.wait_dma2 semaphore(%run_scoped3A : memref<!tpu.dma_semaphore, #tpu.memory_space<semaphore_mem>>) src(%dma_wait3A_21 : memref<40x128xi32, #tpu.memory_space<hbm>>) dst(%arg6 : memref<40x128xi32, #tpu.memory_space<vmem>>)
      tpu.yield
    }) : () -> ()
    %barrier3A = arith.constant 0 : index
    tpu.barrier barrier_id(%barrier3A)
    %scan3A = arith.constant 0 : i32
    %scan3A_5 = arith.constant 0 : i32
    %scan3A_6 = arith.constant 40 : i32
    %scan3A_7 = arith.addi %scan3A_5, %scan3A_6 : i32
    %scan3A_8 = arith.constant 1 : i32
    scf.for %scan3A_16 = %scan3A_5 to %scan3A_7 step %scan3A_8  : i32 {
      "tpu.region"() ({
        %run_scoped3A = tpu.sem_alloc : memref<!tpu.dma_semaphore, #tpu.memory_space<semaphore_mem>>
        %dma_start3A = arith.constant 0 : i32
        %dma_start3A_17 = tpu.memref_slice %arg6[%scan3A_16, %dma_start3A] : memref<40x128xi32, #tpu.memory_space<vmem>> -> memref<1x128xi32, #tpu.memory_space<vmem>>
        %dma_start3A_18 = tpu.memref_squeeze %dma_start3A_17 : memref<1x128xi32, #tpu.memory_space<vmem>> -> memref<128xi32, #tpu.memory_space<vmem>>
        %dma_start3A_19 = arith.constant 0 : i32
        %dma_start3A_20 = arith.constant 0 : i32
        %dma_start3A_21 = tpu.memref_slice %arg8[%dma_start3A_19, %dma_start3A_20] : memref<10016x16xf32, #tpu.memory_space<vmem_shared>> -> memref<10016x16xf32, #tpu.memory_space<vmem_shared>>
        tpu.enqueue_indirect_dma source(%arg7 : memref<128x16xf32, #tpu.memory_space<vmem>>) target(%dma_start3A_21 : memref<10016x16xf32, #tpu.memory_space<vmem_shared>>) offsets(%dma_start3A_18 : memref<128xi32, #tpu.memory_space<vmem>>) semaphore(%run_scoped3A : memref<!tpu.dma_semaphore, #tpu.memory_space<semaphore_mem>>) {add = true}
        %dma_wait3A = arith.constant 0 : i32
        %dma_wait3A_22 = tpu.memref_slice %arg6[%scan3A_16, %dma_wait3A] : memref<40x128xi32, #tpu.memory_space<vmem>> -> memref<1x128xi32, #tpu.memory_space<vmem>>
        %dma_wait3A_23 = tpu.memref_squeeze %dma_wait3A_22 : memref<1x128xi32, #tpu.memory_space<vmem>> -> memref<128xi32, #tpu.memory_space<vmem>>
        %dma_wait3A_24 = arith.constant 0 : i32
        %dma_wait3A_25 = arith.constant 0 : i32
        %dma_wait3A_26 = tpu.memref_slice %arg8[%dma_wait3A_24, %dma_wait3A_25] : memref<10016x16xf32, #tpu.memory_space<vmem_shared>> -> memref<10016x16xf32, #tpu.memory_space<vmem_shared>>
        tpu.wait_indirect_dma semaphore(%run_scoped3A : memref<!tpu.dma_semaphore, #tpu.memory_space<semaphore_mem>>) src(%arg7 : memref<128x16xf32, #tpu.memory_space<vmem>>) dst(%dma_wait3A_26 : memref<10016x16xf32, #tpu.memory_space<vmem_shared>>)
        tpu.yield
      }) : () -> ()
    }
    %scan3A_9 = arith.constant 40 : i32
    %barrier3A_10 = arith.constant 0 : index
    tpu.barrier barrier_id(%barrier3A_10)
    %mul3A_11 = arith.constant 10016 : i32
    %mul3A_12 = arith.muli %arg0, %mul3A_11 : i32
    %mul3A_13 = arith.constant 626 : i32
    %mul3A_14 = arith.muli %arg1, %mul3A_13 : i32
    %add3A_15 = arith.addi %mul3A_12, %mul3A_14 : i32
    "tpu.region"() ({
      %run_scoped3A = tpu.sem_alloc : memref<!tpu.dma_semaphore, #tpu.memory_space<semaphore_mem>>
      %dma_start3A = arith.constant 0 : i32
      %dma_start3A_16 = tpu.memref_slice %arg5[%add3A_15, %dma_start3A] : memref<20032x16xf32, #tpu.memory_space<hbm>> -> memref<626x16xf32, #tpu.memory_space<hbm>>
      %dma_start3A_17 = arith.constant 0 : i32
      %dma_start3A_18 = tpu.memref_slice %arg8[%mul3A_2, %dma_start3A_17] : memref<10016x16xf32, #tpu.memory_space<vmem_shared>> -> memref<626x16xf32, #tpu.memory_space<vmem_shared>>
      tpu.enqueue_dma source(%dma_start3A_18 : memref<626x16xf32, #tpu.memory_space<vmem_shared>>) target(%dma_start3A_16 : memref<626x16xf32, #tpu.memory_space<hbm>>) target_semaphore(%run_scoped3A : memref<!tpu.dma_semaphore, #tpu.memory_space<semaphore_mem>>)
      %dma_wait3A = arith.constant 0 : i32
      %dma_wait3A_19 = tpu.memref_slice %arg5[%add3A_15, %dma_wait3A] : memref<20032x16xf32, #tpu.memory_space<hbm>> -> memref<626x16xf32, #tpu.memory_space<hbm>>
      %dma_wait3A_20 = arith.constant 0 : i32
      %dma_wait3A_21 = tpu.memref_slice %arg8[%mul3A_2, %dma_wait3A_20] : memref<10016x16xf32, #tpu.memory_space<vmem_shared>> -> memref<626x16xf32, #tpu.memory_space<vmem_shared>>
      tpu.wait_dma2 semaphore(%run_scoped3A : memref<!tpu.dma_semaphore, #tpu.memory_space<semaphore_mem>>) src(%dma_wait3A_21 : memref<626x16xf32, #tpu.memory_space<vmem_shared>>) dst(%dma_wait3A_19 : memref<626x16xf32, #tpu.memory_space<hbm>>)
      tpu.yield
    }) : () -> ()
    return
  }
}

#map = affine_map<(d0, d1) -> (0, 0)>
#map1 = affine_map<(d0, d1) -> (0)>
module attributes {stable_mosaic.version = 14 : i64} {
  func.func @_sc_gather_body(%arg0: i32, %arg1: i32, %arg2: memref<10000x16xf32, #tpu.memory_space<hbm>>, %arg3: memref<163840xi32, #tpu.memory_space<hbm>>, %arg4: memref<163840x16xf32, #tpu.memory_space<hbm>>, %arg5: memref<5120xi32, #tpu.memory_space<vmem>>, %arg6: memref<5120x16xf32, #tpu.memory_space<vmem>>, %arg7: memref<!tpu.dma_semaphore, #tpu.memory_space<semaphore_mem>>) attributes {dimension_semantics = [#tpu.dimension_semantics<core_parallel>, #tpu.dimension_semantics<subcore_parallel>], iteration_bounds = array<i64: 2, 16>, scalar_prefetch = 0 : i64, scratch_operands = 3 : i64, tpu.core_type = #tpu.core_type<sc_vector_subcore>, window_params = [{transform_indices = #map}, {transform_indices = #map1}, {transform_indices = #map}]} {
    %mul3A = arith.constant 2 : i32
    %mul3A_0 = arith.muli %arg1, %mul3A : i32
    %add3A = arith.addi %mul3A_0, %arg0 : i32
    %mul3A_1 = arith.constant 5120 : i32
    %mul3A_2 = arith.muli %add3A, %mul3A_1 : i32
    "tpu.region"() ({
      %run_scoped3A = tpu.sem_alloc : memref<!tpu.dma_semaphore, #tpu.memory_space<semaphore_mem>>
      %dma_start3A = tpu.memref_slice %arg3[%mul3A_2] : memref<163840xi32, #tpu.memory_space<hbm>> -> memref<5120xi32, #tpu.memory_space<hbm>>
      %dma_start3A_8 = tpu.memref_slice %arg3[%mul3A_2] : memref<163840xi32, #tpu.memory_space<hbm>> -> memref<5120xi32, #tpu.memory_space<hbm>>
      tpu.enqueue_dma source(%dma_start3A_8 : memref<5120xi32, #tpu.memory_space<hbm>>) target(%arg5 : memref<5120xi32, #tpu.memory_space<vmem>>) target_semaphore(%run_scoped3A : memref<!tpu.dma_semaphore, #tpu.memory_space<semaphore_mem>>)
      %dma_wait3A = tpu.memref_slice %arg3[%mul3A_2] : memref<163840xi32, #tpu.memory_space<hbm>> -> memref<5120xi32, #tpu.memory_space<hbm>>
      %dma_wait3A_9 = tpu.memref_slice %arg3[%mul3A_2] : memref<163840xi32, #tpu.memory_space<hbm>> -> memref<5120xi32, #tpu.memory_space<hbm>>
      tpu.wait_dma2 semaphore(%run_scoped3A : memref<!tpu.dma_semaphore, #tpu.memory_space<semaphore_mem>>) src(%dma_wait3A_9 : memref<5120xi32, #tpu.memory_space<hbm>>) dst(%arg5 : memref<5120xi32, #tpu.memory_space<vmem>>)
      tpu.yield
    }) : () -> ()
    %scan3A = arith.constant 0 : i32
    %scan3A_3 = arith.constant 0 : i32
    %scan3A_4 = arith.constant 5 : i32
    %scan3A_5 = arith.addi %scan3A_3, %scan3A_4 : i32
    %scan3A_6 = arith.constant 1 : i32
    scf.for %scan3A_8 = %scan3A_3 to %scan3A_5 step %scan3A_6  : i32 {
      %mul3A_9 = arith.constant 8 : i32
      %mul3A_10 = arith.muli %scan3A_8, %mul3A_9 : i32
      %add3A_11 = arith.constant 0 : i32
      %add3A_12 = arith.addi %mul3A_10, %add3A_11 : i32
      %mul3A_13 = arith.constant 128 : i32
      %mul3A_14 = arith.muli %add3A_12, %mul3A_13 : i32
      %dma_start3A = arith.constant 0 : i32
      %dma_start3A_15 = tpu.memref_slice %arg6[%mul3A_14, %dma_start3A] : memref<5120x16xf32, #tpu.memory_space<vmem>> -> memref<128x16xf32, #tpu.memory_space<vmem>>
      %dma_start3A_16 = tpu.memref_slice %arg5[%mul3A_14] : memref<5120xi32, #tpu.memory_space<vmem>> -> memref<128xi32, #tpu.memory_space<vmem>>
      %dma_start3A_17 = arith.constant 0 : i32
      %dma_start3A_18 = arith.constant 0 : i32
      %dma_start3A_19 = tpu.memref_slice %arg2[%dma_start3A_17, %dma_start3A_18] : memref<10000x16xf32, #tpu.memory_space<hbm>> -> memref<10000x16xf32, #tpu.memory_space<hbm>>
      tpu.enqueue_indirect_dma source(%dma_start3A_19 : memref<10000x16xf32, #tpu.memory_space<hbm>>) target(%dma_start3A_15 : memref<128x16xf32, #tpu.memory_space<vmem>>) offsets(%dma_start3A_16 : memref<128xi32, #tpu.memory_space<vmem>>) semaphore(%arg7 : memref<!tpu.dma_semaphore, #tpu.memory_space<semaphore_mem>>)
      %mul3A_20 = arith.constant 8 : i32
      %mul3A_21 = arith.muli %scan3A_8, %mul3A_20 : i32
      %add3A_22 = arith.constant 1 : i32
      %add3A_23 = arith.addi %mul3A_21, %add3A_22 : i32
      %mul3A_24 = arith.constant 128 : i32
      %mul3A_25 = arith.muli %add3A_23, %mul3A_24 : i32
      %dma_start3A_26 = arith.constant 0 : i32
      %dma_start3A_27 = tpu.memref_slice %arg6[%mul3A_25, %dma_start3A_26] : memref<5120x16xf32, #tpu.memory_space<vmem>> -> memref<128x16xf32, #tpu.memory_space<vmem>>
      %dma_start3A_28 = tpu.memref_slice %arg5[%mul3A_25] : memref<5120xi32, #tpu.memory_space<vmem>> -> memref<128xi32, #tpu.memory_space<vmem>>
      %dma_start3A_29 = arith.constant 0 : i32
      %dma_start3A_30 = arith.constant 0 : i32
      %dma_start3A_31 = tpu.memref_slice %arg2[%dma_start3A_29, %dma_start3A_30] : memref<10000x16xf32, #tpu.memory_space<hbm>> -> memref<10000x16xf32, #tpu.memory_space<hbm>>
      tpu.enqueue_indirect_dma source(%dma_start3A_31 : memref<10000x16xf32, #tpu.memory_space<hbm>>) target(%dma_start3A_27 : memref<128x16xf32, #tpu.memory_space<vmem>>) offsets(%dma_start3A_28 : memref<128xi32, #tpu.memory_space<vmem>>) semaphore(%arg7 : memref<!tpu.dma_semaphore, #tpu.memory_space<semaphore_mem>>)
      %mul3A_32 = arith.constant 8 : i32
      %mul3A_33 = arith.muli %scan3A_8, %mul3A_32 : i32
      %add3A_34 = arith.constant 2 : i32
      %add3A_35 = arith.addi %mul3A_33, %add3A_34 : i32
      %mul3A_36 = arith.constant 128 : i32
      %mul3A_37 = arith.muli %add3A_35, %mul3A_36 : i32
      %dma_start3A_38 = arith.constant 0 : i32
      %dma_start3A_39 = tpu.memref_slice %arg6[%mul3A_37, %dma_start3A_38] : memref<5120x16xf32, #tpu.memory_space<vmem>> -> memref<128x16xf32, #tpu.memory_space<vmem>>
      %dma_start3A_40 = tpu.memref_slice %arg5[%mul3A_37] : memref<5120xi32, #tpu.memory_space<vmem>> -> memref<128xi32, #tpu.memory_space<vmem>>
      %dma_start3A_41 = arith.constant 0 : i32
      %dma_start3A_42 = arith.constant 0 : i32
      %dma_start3A_43 = tpu.memref_slice %arg2[%dma_start3A_41, %dma_start3A_42] : memref<10000x16xf32, #tpu.memory_space<hbm>> -> memref<10000x16xf32, #tpu.memory_space<hbm>>
      tpu.enqueue_indirect_dma source(%dma_start3A_43 : memref<10000x16xf32, #tpu.memory_space<hbm>>) target(%dma_start3A_39 : memref<128x16xf32, #tpu.memory_space<vmem>>) offsets(%dma_start3A_40 : memref<128xi32, #tpu.memory_space<vmem>>) semaphore(%arg7 : memref<!tpu.dma_semaphore, #tpu.memory_space<semaphore_mem>>)
      %mul3A_44 = arith.constant 8 : i32
      %mul3A_45 = arith.muli %scan3A_8, %mul3A_44 : i32
      %add3A_46 = arith.constant 3 : i32
      %add3A_47 = arith.addi %mul3A_45, %add3A_46 : i32
      %mul3A_48 = arith.constant 128 : i32
      %mul3A_49 = arith.muli %add3A_47, %mul3A_48 : i32
      %dma_start3A_50 = arith.constant 0 : i32
      %dma_start3A_51 = tpu.memref_slice %arg6[%mul3A_49, %dma_start3A_50] : memref<5120x16xf32, #tpu.memory_space<vmem>> -> memref<128x16xf32, #tpu.memory_space<vmem>>
      %dma_start3A_52 = tpu.memref_slice %arg5[%mul3A_49] : memref<5120xi32, #tpu.memory_space<vmem>> -> memref<128xi32, #tpu.memory_space<vmem>>
      %dma_start3A_53 = arith.constant 0 : i32
      %dma_start3A_54 = arith.constant 0 : i32
      %dma_start3A_55 = tpu.memref_slice %arg2[%dma_start3A_53, %dma_start3A_54] : memref<10000x16xf32, #tpu.memory_space<hbm>> -> memref<10000x16xf32, #tpu.memory_space<hbm>>
      tpu.enqueue_indirect_dma source(%dma_start3A_55 : memref<10000x16xf32, #tpu.memory_space<hbm>>) target(%dma_start3A_51 : memref<128x16xf32, #tpu.memory_space<vmem>>) offsets(%dma_start3A_52 : memref<128xi32, #tpu.memory_space<vmem>>) semaphore(%arg7 : memref<!tpu.dma_semaphore, #tpu.memory_space<semaphore_mem>>)
      %mul3A_56 = arith.constant 8 : i32
      %mul3A_57 = arith.muli %scan3A_8, %mul3A_56 : i32
      %add3A_58 = arith.constant 4 : i32
      %add3A_59 = arith.addi %mul3A_57, %add3A_58 : i32
      %mul3A_60 = arith.constant 128 : i32
      %mul3A_61 = arith.muli %add3A_59, %mul3A_60 : i32
      %dma_start3A_62 = arith.constant 0 : i32
      %dma_start3A_63 = tpu.memref_slice %arg6[%mul3A_61, %dma_start3A_62] : memref<5120x16xf32, #tpu.memory_space<vmem>> -> memref<128x16xf32, #tpu.memory_space<vmem>>
      %dma_start3A_64 = tpu.memref_slice %arg5[%mul3A_61] : memref<5120xi32, #tpu.memory_space<vmem>> -> memref<128xi32, #tpu.memory_space<vmem>>
      %dma_start3A_65 = arith.constant 0 : i32
      %dma_start3A_66 = arith.constant 0 : i32
      %dma_start3A_67 = tpu.memref_slice %arg2[%dma_start3A_65, %dma_start3A_66] : memref<10000x16xf32, #tpu.memory_space<hbm>> -> memref<10000x16xf32, #tpu.memory_space<hbm>>
      tpu.enqueue_indirect_dma source(%dma_start3A_67 : memref<10000x16xf32, #tpu.memory_space<hbm>>) target(%dma_start3A_63 : memref<128x16xf32, #tpu.memory_space<vmem>>) offsets(%dma_start3A_64 : memref<128xi32, #tpu.memory_space<vmem>>) semaphore(%arg7 : memref<!tpu.dma_semaphore, #tpu.memory_space<semaphore_mem>>)
      %mul3A_68 = arith.constant 8 : i32
      %mul3A_69 = arith.muli %scan3A_8, %mul3A_68 : i32
      %add3A_70 = arith.constant 5 : i32
      %add3A_71 = arith.addi %mul3A_69, %add3A_70 : i32
      %mul3A_72 = arith.constant 128 : i32
      %mul3A_73 = arith.muli %add3A_71, %mul3A_72 : i32
      %dma_start3A_74 = arith.constant 0 : i32
      %dma_start3A_75 = tpu.memref_slice %arg6[%mul3A_73, %dma_start3A_74] : memref<5120x16xf32, #tpu.memory_space<vmem>> -> memref<128x16xf32, #tpu.memory_space<vmem>>
      %dma_start3A_76 = tpu.memref_slice %arg5[%mul3A_73] : memref<5120xi32, #tpu.memory_space<vmem>> -> memref<128xi32, #tpu.memory_space<vmem>>
      %dma_start3A_77 = arith.constant 0 : i32
      %dma_start3A_78 = arith.constant 0 : i32
      %dma_start3A_79 = tpu.memref_slice %arg2[%dma_start3A_77, %dma_start3A_78] : memref<10000x16xf32, #tpu.memory_space<hbm>> -> memref<10000x16xf32, #tpu.memory_space<hbm>>
      tpu.enqueue_indirect_dma source(%dma_start3A_79 : memref<10000x16xf32, #tpu.memory_space<hbm>>) target(%dma_start3A_75 : memref<128x16xf32, #tpu.memory_space<vmem>>) offsets(%dma_start3A_76 : memref<128xi32, #tpu.memory_space<vmem>>) semaphore(%arg7 : memref<!tpu.dma_semaphore, #tpu.memory_space<semaphore_mem>>)
      %mul3A_80 = arith.constant 8 : i32
      %mul3A_81 = arith.muli %scan3A_8, %mul3A_80 : i32
      %add3A_82 = arith.constant 6 : i32
      %add3A_83 = arith.addi %mul3A_81, %add3A_82 : i32
      %mul3A_84 = arith.constant 128 : i32
      %mul3A_85 = arith.muli %add3A_83, %mul3A_84 : i32
      %dma_start3A_86 = arith.constant 0 : i32
      %dma_start3A_87 = tpu.memref_slice %arg6[%mul3A_85, %dma_start3A_86] : memref<5120x16xf32, #tpu.memory_space<vmem>> -> memref<128x16xf32, #tpu.memory_space<vmem>>
      %dma_start3A_88 = tpu.memref_slice %arg5[%mul3A_85] : memref<5120xi32, #tpu.memory_space<vmem>> -> memref<128xi32, #tpu.memory_space<vmem>>
      %dma_start3A_89 = arith.constant 0 : i32
      %dma_start3A_90 = arith.constant 0 : i32
      %dma_start3A_91 = tpu.memref_slice %arg2[%dma_start3A_89, %dma_start3A_90] : memref<10000x16xf32, #tpu.memory_space<hbm>> -> memref<10000x16xf32, #tpu.memory_space<hbm>>
      tpu.enqueue_indirect_dma source(%dma_start3A_91 : memref<10000x16xf32, #tpu.memory_space<hbm>>) target(%dma_start3A_87 : memref<128x16xf32, #tpu.memory_space<vmem>>) offsets(%dma_start3A_88 : memref<128xi32, #tpu.memory_space<vmem>>) semaphore(%arg7 : memref<!tpu.dma_semaphore, #tpu.memory_space<semaphore_mem>>)
      %mul3A_92 = arith.constant 8 : i32
      %mul3A_93 = arith.muli %scan3A_8, %mul3A_92 : i32
      %add3A_94 = arith.constant 7 : i32
      %add3A_95 = arith.addi %mul3A_93, %add3A_94 : i32
      %mul3A_96 = arith.constant 128 : i32
      %mul3A_97 = arith.muli %add3A_95, %mul3A_96 : i32
      %dma_start3A_98 = arith.constant 0 : i32
      %dma_start3A_99 = tpu.memref_slice %arg6[%mul3A_97, %dma_start3A_98] : memref<5120x16xf32, #tpu.memory_space<vmem>> -> memref<128x16xf32, #tpu.memory_space<vmem>>
      %dma_start3A_100 = tpu.memref_slice %arg5[%mul3A_97] : memref<5120xi32, #tpu.memory_space<vmem>> -> memref<128xi32, #tpu.memory_space<vmem>>
      %dma_start3A_101 = arith.constant 0 : i32
      %dma_start3A_102 = arith.constant 0 : i32
      %dma_start3A_103 = tpu.memref_slice %arg2[%dma_start3A_101, %dma_start3A_102] : memref<10000x16xf32, #tpu.memory_space<hbm>> -> memref<10000x16xf32, #tpu.memory_space<hbm>>
      tpu.enqueue_indirect_dma source(%dma_start3A_103 : memref<10000x16xf32, #tpu.memory_space<hbm>>) target(%dma_start3A_99 : memref<128x16xf32, #tpu.memory_space<vmem>>) offsets(%dma_start3A_100 : memref<128xi32, #tpu.memory_space<vmem>>) semaphore(%arg7 : memref<!tpu.dma_semaphore, #tpu.memory_space<semaphore_mem>>)
      %mul3A_104 = arith.constant 8 : i32
      %mul3A_105 = arith.muli %scan3A_8, %mul3A_104 : i32
      %add3A_106 = arith.constant 0 : i32
      %add3A_107 = arith.addi %mul3A_105, %add3A_106 : i32
      %mul3A_108 = arith.constant 128 : i32
      %mul3A_109 = arith.muli %add3A_107, %mul3A_108 : i32
      %dma_wait3A = arith.constant 0 : i32
      %dma_wait3A_110 = tpu.memref_slice %arg6[%mul3A_109, %dma_wait3A] : memref<5120x16xf32, #tpu.memory_space<vmem>> -> memref<128x16xf32, #tpu.memory_space<vmem>>
      %dma_wait3A_111 = tpu.memref_slice %arg5[%mul3A_109] : memref<5120xi32, #tpu.memory_space<vmem>> -> memref<128xi32, #tpu.memory_space<vmem>>
      %dma_wait3A_112 = arith.constant 0 : i32
      %dma_wait3A_113 = arith.constant 0 : i32
      %dma_wait3A_114 = tpu.memref_slice %arg2[%dma_wait3A_112, %dma_wait3A_113] : memref<10000x16xf32, #tpu.memory_space<hbm>> -> memref<10000x16xf32, #tpu.memory_space<hbm>>
      tpu.wait_indirect_dma semaphore(%arg7 : memref<!tpu.dma_semaphore, #tpu.memory_space<semaphore_mem>>) src(%dma_wait3A_114 : memref<10000x16xf32, #tpu.memory_space<hbm>>) dst(%dma_wait3A_110 : memref<128x16xf32, #tpu.memory_space<vmem>>)
      %mul3A_115 = arith.constant 8 : i32
      %mul3A_116 = arith.muli %scan3A_8, %mul3A_115 : i32
      %add3A_117 = arith.constant 1 : i32
      %add3A_118 = arith.addi %mul3A_116, %add3A_117 : i32
      %mul3A_119 = arith.constant 128 : i32
      %mul3A_120 = arith.muli %add3A_118, %mul3A_119 : i32
      %dma_wait3A_121 = arith.constant 0 : i32
      %dma_wait3A_122 = tpu.memref_slice %arg6[%mul3A_120, %dma_wait3A_121] : memref<5120x16xf32, #tpu.memory_space<vmem>> -> memref<128x16xf32, #tpu.memory_space<vmem>>
      %dma_wait3A_123 = tpu.memref_slice %arg5[%mul3A_120] : memref<5120xi32, #tpu.memory_space<vmem>> -> memref<128xi32, #tpu.memory_space<vmem>>
      %dma_wait3A_124 = arith.constant 0 : i32
      %dma_wait3A_125 = arith.constant 0 : i32
      %dma_wait3A_126 = tpu.memref_slice %arg2[%dma_wait3A_124, %dma_wait3A_125] : memref<10000x16xf32, #tpu.memory_space<hbm>> -> memref<10000x16xf32, #tpu.memory_space<hbm>>
      tpu.wait_indirect_dma semaphore(%arg7 : memref<!tpu.dma_semaphore, #tpu.memory_space<semaphore_mem>>) src(%dma_wait3A_126 : memref<10000x16xf32, #tpu.memory_space<hbm>>) dst(%dma_wait3A_122 : memref<128x16xf32, #tpu.memory_space<vmem>>)
      %mul3A_127 = arith.constant 8 : i32
      %mul3A_128 = arith.muli %scan3A_8, %mul3A_127 : i32
      %add3A_129 = arith.constant 2 : i32
      %add3A_130 = arith.addi %mul3A_128, %add3A_129 : i32
      %mul3A_131 = arith.constant 128 : i32
      %mul3A_132 = arith.muli %add3A_130, %mul3A_131 : i32
      %dma_wait3A_133 = arith.constant 0 : i32
      %dma_wait3A_134 = tpu.memref_slice %arg6[%mul3A_132, %dma_wait3A_133] : memref<5120x16xf32, #tpu.memory_space<vmem>> -> memref<128x16xf32, #tpu.memory_space<vmem>>
      %dma_wait3A_135 = tpu.memref_slice %arg5[%mul3A_132] : memref<5120xi32, #tpu.memory_space<vmem>> -> memref<128xi32, #tpu.memory_space<vmem>>
      %dma_wait3A_136 = arith.constant 0 : i32
      %dma_wait3A_137 = arith.constant 0 : i32
      %dma_wait3A_138 = tpu.memref_slice %arg2[%dma_wait3A_136, %dma_wait3A_137] : memref<10000x16xf32, #tpu.memory_space<hbm>> -> memref<10000x16xf32, #tpu.memory_space<hbm>>
      tpu.wait_indirect_dma semaphore(%arg7 : memref<!tpu.dma_semaphore, #tpu.memory_space<semaphore_mem>>) src(%dma_wait3A_138 : memref<10000x16xf32, #tpu.memory_space<hbm>>) dst(%dma_wait3A_134 : memref<128x16xf32, #tpu.memory_space<vmem>>)
      %mul3A_139 = arith.constant 8 : i32
      %mul3A_140 = arith.muli %scan3A_8, %mul3A_139 : i32
      %add3A_141 = arith.constant 3 : i32
      %add3A_142 = arith.addi %mul3A_140, %add3A_141 : i32
      %mul3A_143 = arith.constant 128 : i32
      %mul3A_144 = arith.muli %add3A_142, %mul3A_143 : i32
      %dma_wait3A_145 = arith.constant 0 : i32
      %dma_wait3A_146 = tpu.memref_slice %arg6[%mul3A_144, %dma_wait3A_145] : memref<5120x16xf32, #tpu.memory_space<vmem>> -> memref<128x16xf32, #tpu.memory_space<vmem>>
      %dma_wait3A_147 = tpu.memref_slice %arg5[%mul3A_144] : memref<5120xi32, #tpu.memory_space<vmem>> -> memref<128xi32, #tpu.memory_space<vmem>>
      %dma_wait3A_148 = arith.constant 0 : i32
      %dma_wait3A_149 = arith.constant 0 : i32
      %dma_wait3A_150 = tpu.memref_slice %arg2[%dma_wait3A_148, %dma_wait3A_149] : memref<10000x16xf32, #tpu.memory_space<hbm>> -> memref<10000x16xf32, #tpu.memory_space<hbm>>
      tpu.wait_indirect_dma semaphore(%arg7 : memref<!tpu.dma_semaphore, #tpu.memory_space<semaphore_mem>>) src(%dma_wait3A_150 : memref<10000x16xf32, #tpu.memory_space<hbm>>) dst(%dma_wait3A_146 : memref<128x16xf32, #tpu.memory_space<vmem>>)
      %mul3A_151 = arith.constant 8 : i32
      %mul3A_152 = arith.muli %scan3A_8, %mul3A_151 : i32
      %add3A_153 = arith.constant 4 : i32
      %add3A_154 = arith.addi %mul3A_152, %add3A_153 : i32
      %mul3A_155 = arith.constant 128 : i32
      %mul3A_156 = arith.muli %add3A_154, %mul3A_155 : i32
      %dma_wait3A_157 = arith.constant 0 : i32
      %dma_wait3A_158 = tpu.memref_slice %arg6[%mul3A_156, %dma_wait3A_157] : memref<5120x16xf32, #tpu.memory_space<vmem>> -> memref<128x16xf32, #tpu.memory_space<vmem>>
      %dma_wait3A_159 = tpu.memref_slice %arg5[%mul3A_156] : memref<5120xi32, #tpu.memory_space<vmem>> -> memref<128xi32, #tpu.memory_space<vmem>>
      %dma_wait3A_160 = arith.constant 0 : i32
      %dma_wait3A_161 = arith.constant 0 : i32
      %dma_wait3A_162 = tpu.memref_slice %arg2[%dma_wait3A_160, %dma_wait3A_161] : memref<10000x16xf32, #tpu.memory_space<hbm>> -> memref<10000x16xf32, #tpu.memory_space<hbm>>
      tpu.wait_indirect_dma semaphore(%arg7 : memref<!tpu.dma_semaphore, #tpu.memory_space<semaphore_mem>>) src(%dma_wait3A_162 : memref<10000x16xf32, #tpu.memory_space<hbm>>) dst(%dma_wait3A_158 : memref<128x16xf32, #tpu.memory_space<vmem>>)
      %mul3A_163 = arith.constant 8 : i32
      %mul3A_164 = arith.muli %scan3A_8, %mul3A_163 : i32
      %add3A_165 = arith.constant 5 : i32
      %add3A_166 = arith.addi %mul3A_164, %add3A_165 : i32
      %mul3A_167 = arith.constant 128 : i32
      %mul3A_168 = arith.muli %add3A_166, %mul3A_167 : i32
      %dma_wait3A_169 = arith.constant 0 : i32
      %dma_wait3A_170 = tpu.memref_slice %arg6[%mul3A_168, %dma_wait3A_169] : memref<5120x16xf32, #tpu.memory_space<vmem>> -> memref<128x16xf32, #tpu.memory_space<vmem>>
      %dma_wait3A_171 = tpu.memref_slice %arg5[%mul3A_168] : memref<5120xi32, #tpu.memory_space<vmem>> -> memref<128xi32, #tpu.memory_space<vmem>>
      %dma_wait3A_172 = arith.constant 0 : i32
      %dma_wait3A_173 = arith.constant 0 : i32
      %dma_wait3A_174 = tpu.memref_slice %arg2[%dma_wait3A_172, %dma_wait3A_173] : memref<10000x16xf32, #tpu.memory_space<hbm>> -> memref<10000x16xf32, #tpu.memory_space<hbm>>
      tpu.wait_indirect_dma semaphore(%arg7 : memref<!tpu.dma_semaphore, #tpu.memory_space<semaphore_mem>>) src(%dma_wait3A_174 : memref<10000x16xf32, #tpu.memory_space<hbm>>) dst(%dma_wait3A_170 : memref<128x16xf32, #tpu.memory_space<vmem>>)
      %mul3A_175 = arith.constant 8 : i32
      %mul3A_176 = arith.muli %scan3A_8, %mul3A_175 : i32
      %add3A_177 = arith.constant 6 : i32
      %add3A_178 = arith.addi %mul3A_176, %add3A_177 : i32
      %mul3A_179 = arith.constant 128 : i32
      %mul3A_180 = arith.muli %add3A_178, %mul3A_179 : i32
      %dma_wait3A_181 = arith.constant 0 : i32
      %dma_wait3A_182 = tpu.memref_slice %arg6[%mul3A_180, %dma_wait3A_181] : memref<5120x16xf32, #tpu.memory_space<vmem>> -> memref<128x16xf32, #tpu.memory_space<vmem>>
      %dma_wait3A_183 = tpu.memref_slice %arg5[%mul3A_180] : memref<5120xi32, #tpu.memory_space<vmem>> -> memref<128xi32, #tpu.memory_space<vmem>>
      %dma_wait3A_184 = arith.constant 0 : i32
      %dma_wait3A_185 = arith.constant 0 : i32
      %dma_wait3A_186 = tpu.memref_slice %arg2[%dma_wait3A_184, %dma_wait3A_185] : memref<10000x16xf32, #tpu.memory_space<hbm>> -> memref<10000x16xf32, #tpu.memory_space<hbm>>
      tpu.wait_indirect_dma semaphore(%arg7 : memref<!tpu.dma_semaphore, #tpu.memory_space<semaphore_mem>>) src(%dma_wait3A_186 : memref<10000x16xf32, #tpu.memory_space<hbm>>) dst(%dma_wait3A_182 : memref<128x16xf32, #tpu.memory_space<vmem>>)
      %mul3A_187 = arith.constant 8 : i32
      %mul3A_188 = arith.muli %scan3A_8, %mul3A_187 : i32
      %add3A_189 = arith.constant 7 : i32
      %add3A_190 = arith.addi %mul3A_188, %add3A_189 : i32
      %mul3A_191 = arith.constant 128 : i32
      %mul3A_192 = arith.muli %add3A_190, %mul3A_191 : i32
      %dma_wait3A_193 = arith.constant 0 : i32
      %dma_wait3A_194 = tpu.memref_slice %arg6[%mul3A_192, %dma_wait3A_193] : memref<5120x16xf32, #tpu.memory_space<vmem>> -> memref<128x16xf32, #tpu.memory_space<vmem>>
      %dma_wait3A_195 = tpu.memref_slice %arg5[%mul3A_192] : memref<5120xi32, #tpu.memory_space<vmem>> -> memref<128xi32, #tpu.memory_space<vmem>>
      %dma_wait3A_196 = arith.constant 0 : i32
      %dma_wait3A_197 = arith.constant 0 : i32
      %dma_wait3A_198 = tpu.memref_slice %arg2[%dma_wait3A_196, %dma_wait3A_197] : memref<10000x16xf32, #tpu.memory_space<hbm>> -> memref<10000x16xf32, #tpu.memory_space<hbm>>
      tpu.wait_indirect_dma semaphore(%arg7 : memref<!tpu.dma_semaphore, #tpu.memory_space<semaphore_mem>>) src(%dma_wait3A_198 : memref<10000x16xf32, #tpu.memory_space<hbm>>) dst(%dma_wait3A_194 : memref<128x16xf32, #tpu.memory_space<vmem>>)
    }
    %scan3A_7 = arith.constant 5 : i32
    "tpu.region"() ({
      %run_scoped3A = tpu.sem_alloc : memref<!tpu.dma_semaphore, #tpu.memory_space<semaphore_mem>>
      %dma_start3A = arith.constant 0 : i32
      %dma_start3A_8 = tpu.memref_slice %arg4[%mul3A_2, %dma_start3A] : memref<163840x16xf32, #tpu.memory_space<hbm>> -> memref<5120x16xf32, #tpu.memory_space<hbm>>
      %dma_start3A_9 = arith.constant 0 : i32
      %dma_start3A_10 = tpu.memref_slice %arg4[%mul3A_2, %dma_start3A_9] : memref<163840x16xf32, #tpu.memory_space<hbm>> -> memref<5120x16xf32, #tpu.memory_space<hbm>>
      tpu.enqueue_dma source(%arg6 : memref<5120x16xf32, #tpu.memory_space<vmem>>) target(%dma_start3A_10 : memref<5120x16xf32, #tpu.memory_space<hbm>>) target_semaphore(%run_scoped3A : memref<!tpu.dma_semaphore, #tpu.memory_space<semaphore_mem>>)
      %dma_wait3A = arith.constant 0 : i32
      %dma_wait3A_11 = tpu.memref_slice %arg4[%mul3A_2, %dma_wait3A] : memref<163840x16xf32, #tpu.memory_space<hbm>> -> memref<5120x16xf32, #tpu.memory_space<hbm>>
      %dma_wait3A_12 = arith.constant 0 : i32
      %dma_wait3A_13 = tpu.memref_slice %arg4[%mul3A_2, %dma_wait3A_12] : memref<163840x16xf32, #tpu.memory_space<hbm>> -> memref<5120x16xf32, #tpu.memory_space<hbm>>
      tpu.wait_dma2 semaphore(%run_scoped3A : memref<!tpu.dma_semaphore, #tpu.memory_space<semaphore_mem>>) src(%arg6 : memref<5120x16xf32, #tpu.memory_space<vmem>>) dst(%dma_wait3A_13 : memref<5120x16xf32, #tpu.memory_space<hbm>>)
      tpu.yield
    }) : () -> ()
    return
  }
}

#map = affine_map<(d0, d1) -> (0, 0)>
module attributes {stable_mosaic.version = 14 : i64} {
  func.func @_sc_scatter_body(%arg0: i32, %arg1: i32, %arg2: memref<163840x16xf32, #tpu.memory_space<hbm>>, %arg3: memref<1280x128xi32, #tpu.memory_space<hbm>>, %arg4: memref<10016x16xf32, #tpu.memory_space<hbm>>, %arg5: memref<20032x16xf32, #tpu.memory_space<hbm>>, %arg6: memref<40x128xi32, #tpu.memory_space<vmem>>, %arg7: memref<5120x16xf32, #tpu.memory_space<vmem>>, %arg8: memref<10016x16xf32, #tpu.memory_space<vmem_shared>>) attributes {dimension_semantics = [#tpu.dimension_semantics<core_parallel>, #tpu.dimension_semantics<subcore_parallel>], iteration_bounds = array<i64: 2, 16>, scalar_prefetch = 0 : i64, scratch_operands = 3 : i64, tpu.core_type = #tpu.core_type<sc_vector_subcore>, window_params = [{transform_indices = #map}, {transform_indices = #map}, {transform_indices = #map}, {transform_indices = #map}]} {
    %mul3A = arith.constant 2 : i32
    %mul3A_0 = arith.muli %arg1, %mul3A : i32
    %add3A = arith.addi %mul3A_0, %arg0 : i32
    %mul3A_1 = arith.constant 626 : i32
    %mul3A_2 = arith.muli %arg1, %mul3A_1 : i32
    "tpu.region"() ({
      %run_scoped3A = tpu.sem_alloc : memref<!tpu.dma_semaphore, #tpu.memory_space<semaphore_mem>>
      %dma_start3A = arith.constant 0 : i32
      %dma_start3A_18 = tpu.memref_slice %arg8[%mul3A_2, %dma_start3A] : memref<10016x16xf32, #tpu.memory_space<vmem_shared>> -> memref<626x16xf32, #tpu.memory_space<vmem_shared>>
      %dma_start3A_19 = arith.constant 0 : i32
      %dma_start3A_20 = tpu.memref_slice %arg4[%mul3A_2, %dma_start3A_19] : memref<10016x16xf32, #tpu.memory_space<hbm>> -> memref<626x16xf32, #tpu.memory_space<hbm>>
      tpu.enqueue_dma source(%dma_start3A_20 : memref<626x16xf32, #tpu.memory_space<hbm>>) target(%dma_start3A_18 : memref<626x16xf32, #tpu.memory_space<vmem_shared>>) target_semaphore(%run_scoped3A : memref<!tpu.dma_semaphore, #tpu.memory_space<semaphore_mem>>)
      %dma_wait3A = arith.constant 0 : i32
      %dma_wait3A_21 = tpu.memref_slice %arg8[%mul3A_2, %dma_wait3A] : memref<10016x16xf32, #tpu.memory_space<vmem_shared>> -> memref<626x16xf32, #tpu.memory_space<vmem_shared>>
      %dma_wait3A_22 = arith.constant 0 : i32
      %dma_wait3A_23 = tpu.memref_slice %arg4[%mul3A_2, %dma_wait3A_22] : memref<10016x16xf32, #tpu.memory_space<hbm>> -> memref<626x16xf32, #tpu.memory_space<hbm>>
      tpu.wait_dma2 semaphore(%run_scoped3A : memref<!tpu.dma_semaphore, #tpu.memory_space<semaphore_mem>>) src(%dma_wait3A_23 : memref<626x16xf32, #tpu.memory_space<hbm>>) dst(%dma_wait3A_21 : memref<626x16xf32, #tpu.memory_space<vmem_shared>>)
      tpu.yield
    }) : () -> ()
    %mul3A_3 = arith.constant 40 : i32
    %mul3A_4 = arith.muli %add3A, %mul3A_3 : i32
    "tpu.region"() ({
      %run_scoped3A = tpu.sem_alloc : memref<!tpu.dma_semaphore, #tpu.memory_space<semaphore_mem>>
      %dma_start3A = arith.constant 0 : i32
      %dma_start3A_18 = tpu.memref_slice %arg3[%mul3A_4, %dma_start3A] : memref<1280x128xi32, #tpu.memory_space<hbm>> -> memref<40x128xi32, #tpu.memory_space<hbm>>
      %dma_start3A_19 = arith.constant 0 : i32
      %dma_start3A_20 = tpu.memref_slice %arg3[%mul3A_4, %dma_start3A_19] : memref<1280x128xi32, #tpu.memory_space<hbm>> -> memref<40x128xi32, #tpu.memory_space<hbm>>
      tpu.enqueue_dma source(%dma_start3A_20 : memref<40x128xi32, #tpu.memory_space<hbm>>) target(%arg6 : memref<40x128xi32, #tpu.memory_space<vmem>>) target_semaphore(%run_scoped3A : memref<!tpu.dma_semaphore, #tpu.memory_space<semaphore_mem>>)
      %dma_wait3A = arith.constant 0 : i32
      %dma_wait3A_21 = tpu.memref_slice %arg3[%mul3A_4, %dma_wait3A] : memref<1280x128xi32, #tpu.memory_space<hbm>> -> memref<40x128xi32, #tpu.memory_space<hbm>>
      %dma_wait3A_22 = arith.constant 0 : i32
      %dma_wait3A_23 = tpu.memref_slice %arg3[%mul3A_4, %dma_wait3A_22] : memref<1280x128xi32, #tpu.memory_space<hbm>> -> memref<40x128xi32, #tpu.memory_space<hbm>>
      tpu.wait_dma2 semaphore(%run_scoped3A : memref<!tpu.dma_semaphore, #tpu.memory_space<semaphore_mem>>) src(%dma_wait3A_23 : memref<40x128xi32, #tpu.memory_space<hbm>>) dst(%arg6 : memref<40x128xi32, #tpu.memory_space<vmem>>)
      tpu.yield
    }) : () -> ()
    %mul3A_5 = arith.constant 5120 : i32
    %mul3A_6 = arith.muli %add3A, %mul3A_5 : i32
    "tpu.region"() ({
      %run_scoped3A = tpu.sem_alloc : memref<!tpu.dma_semaphore, #tpu.memory_space<semaphore_mem>>
      %dma_start3A = arith.constant 0 : i32
      %dma_start3A_18 = tpu.memref_slice %arg2[%mul3A_6, %dma_start3A] : memref<163840x16xf32, #tpu.memory_space<hbm>> -> memref<5120x16xf32, #tpu.memory_space<hbm>>
      %dma_start3A_19 = arith.constant 0 : i32
      %dma_start3A_20 = tpu.memref_slice %arg2[%mul3A_6, %dma_start3A_19] : memref<163840x16xf32, #tpu.memory_space<hbm>> -> memref<5120x16xf32, #tpu.memory_space<hbm>>
      tpu.enqueue_dma source(%dma_start3A_20 : memref<5120x16xf32, #tpu.memory_space<hbm>>) target(%arg7 : memref<5120x16xf32, #tpu.memory_space<vmem>>) target_semaphore(%run_scoped3A : memref<!tpu.dma_semaphore, #tpu.memory_space<semaphore_mem>>)
      %dma_wait3A = arith.constant 0 : i32
      %dma_wait3A_21 = tpu.memref_slice %arg2[%mul3A_6, %dma_wait3A] : memref<163840x16xf32, #tpu.memory_space<hbm>> -> memref<5120x16xf32, #tpu.memory_space<hbm>>
      %dma_wait3A_22 = arith.constant 0 : i32
      %dma_wait3A_23 = tpu.memref_slice %arg2[%mul3A_6, %dma_wait3A_22] : memref<163840x16xf32, #tpu.memory_space<hbm>> -> memref<5120x16xf32, #tpu.memory_space<hbm>>
      tpu.wait_dma2 semaphore(%run_scoped3A : memref<!tpu.dma_semaphore, #tpu.memory_space<semaphore_mem>>) src(%dma_wait3A_23 : memref<5120x16xf32, #tpu.memory_space<hbm>>) dst(%arg7 : memref<5120x16xf32, #tpu.memory_space<vmem>>)
      tpu.yield
    }) : () -> ()
    %barrier3A = arith.constant 0 : index
    tpu.barrier barrier_id(%barrier3A)
    %scan3A = arith.constant 0 : i32
    %scan3A_7 = arith.constant 0 : i32
    %scan3A_8 = arith.constant 40 : i32
    %scan3A_9 = arith.addi %scan3A_7, %scan3A_8 : i32
    %scan3A_10 = arith.constant 1 : i32
    scf.for %scan3A_18 = %scan3A_7 to %scan3A_9 step %scan3A_10  : i32 {
      %mul3A_19 = arith.constant 128 : i32
      %mul3A_20 = arith.muli %scan3A_18, %mul3A_19 : i32
      "tpu.region"() ({
        %run_scoped3A = tpu.sem_alloc : memref<!tpu.dma_semaphore, #tpu.memory_space<semaphore_mem>>
        %dma_start3A = arith.constant 0 : i32
        %dma_start3A_21 = tpu.memref_slice %arg7[%mul3A_20, %dma_start3A] : memref<5120x16xf32, #tpu.memory_space<vmem>> -> memref<128x16xf32, #tpu.memory_space<vmem>>
        %dma_start3A_22 = arith.constant 0 : i32
        %dma_start3A_23 = tpu.memref_slice %arg6[%scan3A_18, %dma_start3A_22] : memref<40x128xi32, #tpu.memory_space<vmem>> -> memref<1x128xi32, #tpu.memory_space<vmem>>
        %dma_start3A_24 = tpu.memref_squeeze %dma_start3A_23 : memref<1x128xi32, #tpu.memory_space<vmem>> -> memref<128xi32, #tpu.memory_space<vmem>>
        %dma_start3A_25 = arith.constant 0 : i32
        %dma_start3A_26 = arith.constant 0 : i32
        %dma_start3A_27 = tpu.memref_slice %arg8[%dma_start3A_25, %dma_start3A_26] : memref<10016x16xf32, #tpu.memory_space<vmem_shared>> -> memref<10016x16xf32, #tpu.memory_space<vmem_shared>>
        tpu.enqueue_indirect_dma source(%dma_start3A_21 : memref<128x16xf32, #tpu.memory_space<vmem>>) target(%dma_start3A_27 : memref<10016x16xf32, #tpu.memory_space<vmem_shared>>) offsets(%dma_start3A_24 : memref<128xi32, #tpu.memory_space<vmem>>) semaphore(%run_scoped3A : memref<!tpu.dma_semaphore, #tpu.memory_space<semaphore_mem>>) {add = true}
        %dma_wait3A = arith.constant 0 : i32
        %dma_wait3A_28 = tpu.memref_slice %arg7[%mul3A_20, %dma_wait3A] : memref<5120x16xf32, #tpu.memory_space<vmem>> -> memref<128x16xf32, #tpu.memory_space<vmem>>
        %dma_wait3A_29 = arith.constant 0 : i32
        %dma_wait3A_30 = tpu.memref_slice %arg6[%scan3A_18, %dma_wait3A_29] : memref<40x128xi32, #tpu.memory_space<vmem>> -> memref<1x128xi32, #tpu.memory_space<vmem>>
        %dma_wait3A_31 = tpu.memref_squeeze %dma_wait3A_30 : memref<1x128xi32, #tpu.memory_space<vmem>> -> memref<128xi32, #tpu.memory_space<vmem>>
        %dma_wait3A_32 = arith.constant 0 : i32
        %dma_wait3A_33 = arith.constant 0 : i32
        %dma_wait3A_34 = tpu.memref_slice %arg8[%dma_wait3A_32, %dma_wait3A_33] : memref<10016x16xf32, #tpu.memory_space<vmem_shared>> -> memref<10016x16xf32, #tpu.memory_space<vmem_shared>>
        tpu.wait_indirect_dma semaphore(%run_scoped3A : memref<!tpu.dma_semaphore, #tpu.memory_space<semaphore_mem>>) src(%dma_wait3A_28 : memref<128x16xf32, #tpu.memory_space<vmem>>) dst(%dma_wait3A_34 : memref<10016x16xf32, #tpu.memory_space<vmem_shared>>)
        tpu.yield
      }) : () -> ()
    }
    %scan3A_11 = arith.constant 40 : i32
    %barrier3A_12 = arith.constant 0 : index
    tpu.barrier barrier_id(%barrier3A_12)
    %mul3A_13 = arith.constant 10016 : i32
    %mul3A_14 = arith.muli %arg0, %mul3A_13 : i32
    %mul3A_15 = arith.constant 626 : i32
    %mul3A_16 = arith.muli %arg1, %mul3A_15 : i32
    %add3A_17 = arith.addi %mul3A_14, %mul3A_16 : i32
    "tpu.region"() ({
      %run_scoped3A = tpu.sem_alloc : memref<!tpu.dma_semaphore, #tpu.memory_space<semaphore_mem>>
      %dma_start3A = arith.constant 0 : i32
      %dma_start3A_18 = tpu.memref_slice %arg5[%add3A_17, %dma_start3A] : memref<20032x16xf32, #tpu.memory_space<hbm>> -> memref<626x16xf32, #tpu.memory_space<hbm>>
      %dma_start3A_19 = arith.constant 0 : i32
      %dma_start3A_20 = tpu.memref_slice %arg8[%mul3A_2, %dma_start3A_19] : memref<10016x16xf32, #tpu.memory_space<vmem_shared>> -> memref<626x16xf32, #tpu.memory_space<vmem_shared>>
      tpu.enqueue_dma source(%dma_start3A_20 : memref<626x16xf32, #tpu.memory_space<vmem_shared>>) target(%dma_start3A_18 : memref<626x16xf32, #tpu.memory_space<hbm>>) target_semaphore(%run_scoped3A : memref<!tpu.dma_semaphore, #tpu.memory_space<semaphore_mem>>)
      %dma_wait3A = arith.constant 0 : i32
      %dma_wait3A_21 = tpu.memref_slice %arg5[%add3A_17, %dma_wait3A] : memref<20032x16xf32, #tpu.memory_space<hbm>> -> memref<626x16xf32, #tpu.memory_space<hbm>>
      %dma_wait3A_22 = arith.constant 0 : i32
      %dma_wait3A_23 = tpu.memref_slice %arg8[%mul3A_2, %dma_wait3A_22] : memref<10016x16xf32, #tpu.memory_space<vmem_shared>> -> memref<626x16xf32, #tpu.memory_space<vmem_shared>>
      tpu.wait_dma2 semaphore(%run_scoped3A : memref<!tpu.dma_semaphore, #tpu.memory_space<semaphore_mem>>) src(%dma_wait3A_23 : memref<626x16xf32, #tpu.memory_space<vmem_shared>>) dst(%dma_wait3A_21 : memref<626x16xf32, #tpu.memory_space<hbm>>)
      tpu.yield
    }) : () -> ()
    return
  }
}

#map = affine_map<(d0, d1) -> (0, 0)>
module attributes {stable_mosaic.version = 14 : i64} {
  func.func @_sc_scatter_body(%arg0: i32, %arg1: i32, %arg2: memref<163840x16xf32, #tpu.memory_space<hbm>>, %arg3: memref<1280x128xi32, #tpu.memory_space<hbm>>, %arg4: memref<10016x16xf32, #tpu.memory_space<hbm>>, %arg5: memref<20032x16xf32, #tpu.memory_space<hbm>>, %arg6: memref<40x128xi32, #tpu.memory_space<vmem>>, %arg7: memref<5120x16xf32, #tpu.memory_space<vmem>>, %arg8: memref<10016x16xf32, #tpu.memory_space<vmem_shared>>) attributes {dimension_semantics = [#tpu.dimension_semantics<core_parallel>, #tpu.dimension_semantics<subcore_parallel>], iteration_bounds = array<i64: 2, 16>, scalar_prefetch = 0 : i64, scratch_operands = 3 : i64, tpu.core_type = #tpu.core_type<sc_vector_subcore>, window_params = [{transform_indices = #map}, {transform_indices = #map}, {transform_indices = #map}, {transform_indices = #map}]} {
    %mul3A = arith.constant 2 : i32
    %mul3A_0 = arith.muli %arg1, %mul3A : i32
    %add3A = arith.addi %mul3A_0, %arg0 : i32
    %mul3A_1 = arith.constant 626 : i32
    %mul3A_2 = arith.muli %arg1, %mul3A_1 : i32
    "tpu.region"() ({
      %run_scoped3A = tpu.sem_alloc : memref<!tpu.dma_semaphore, #tpu.memory_space<semaphore_mem>>
      %dma_start3A = arith.constant 0 : i32
      %dma_start3A_18 = tpu.memref_slice %arg8[%mul3A_2, %dma_start3A] : memref<10016x16xf32, #tpu.memory_space<vmem_shared>> -> memref<626x16xf32, #tpu.memory_space<vmem_shared>>
      %dma_start3A_19 = arith.constant 0 : i32
      %dma_start3A_20 = tpu.memref_slice %arg4[%mul3A_2, %dma_start3A_19] : memref<10016x16xf32, #tpu.memory_space<hbm>> -> memref<626x16xf32, #tpu.memory_space<hbm>>
      tpu.enqueue_dma source(%dma_start3A_20 : memref<626x16xf32, #tpu.memory_space<hbm>>) target(%dma_start3A_18 : memref<626x16xf32, #tpu.memory_space<vmem_shared>>) target_semaphore(%run_scoped3A : memref<!tpu.dma_semaphore, #tpu.memory_space<semaphore_mem>>)
      %dma_wait3A = arith.constant 0 : i32
      %dma_wait3A_21 = tpu.memref_slice %arg8[%mul3A_2, %dma_wait3A] : memref<10016x16xf32, #tpu.memory_space<vmem_shared>> -> memref<626x16xf32, #tpu.memory_space<vmem_shared>>
      %dma_wait3A_22 = arith.constant 0 : i32
      %dma_wait3A_23 = tpu.memref_slice %arg4[%mul3A_2, %dma_wait3A_22] : memref<10016x16xf32, #tpu.memory_space<hbm>> -> memref<626x16xf32, #tpu.memory_space<hbm>>
      tpu.wait_dma2 semaphore(%run_scoped3A : memref<!tpu.dma_semaphore, #tpu.memory_space<semaphore_mem>>) src(%dma_wait3A_23 : memref<626x16xf32, #tpu.memory_space<hbm>>) dst(%dma_wait3A_21 : memref<626x16xf32, #tpu.memory_space<vmem_shared>>)
      tpu.yield
    }) : () -> ()
    %mul3A_3 = arith.constant 40 : i32
    %mul3A_4 = arith.muli %add3A, %mul3A_3 : i32
    "tpu.region"() ({
      %run_scoped3A = tpu.sem_alloc : memref<!tpu.dma_semaphore, #tpu.memory_space<semaphore_mem>>
      %dma_start3A = arith.constant 0 : i32
      %dma_start3A_18 = tpu.memref_slice %arg3[%mul3A_4, %dma_start3A] : memref<1280x128xi32, #tpu.memory_space<hbm>> -> memref<40x128xi32, #tpu.memory_space<hbm>>
      %dma_start3A_19 = arith.constant 0 : i32
      %dma_start3A_20 = tpu.memref_slice %arg3[%mul3A_4, %dma_start3A_19] : memref<1280x128xi32, #tpu.memory_space<hbm>> -> memref<40x128xi32, #tpu.memory_space<hbm>>
      tpu.enqueue_dma source(%dma_start3A_20 : memref<40x128xi32, #tpu.memory_space<hbm>>) target(%arg6 : memref<40x128xi32, #tpu.memory_space<vmem>>) target_semaphore(%run_scoped3A : memref<!tpu.dma_semaphore, #tpu.memory_space<semaphore_mem>>)
      %dma_wait3A = arith.constant 0 : i32
      %dma_wait3A_21 = tpu.memref_slice %arg3[%mul3A_4, %dma_wait3A] : memref<1280x128xi32, #tpu.memory_space<hbm>> -> memref<40x128xi32, #tpu.memory_space<hbm>>
      %dma_wait3A_22 = arith.constant 0 : i32
      %dma_wait3A_23 = tpu.memref_slice %arg3[%mul3A_4, %dma_wait3A_22] : memref<1280x128xi32, #tpu.memory_space<hbm>> -> memref<40x128xi32, #tpu.memory_space<hbm>>
      tpu.wait_dma2 semaphore(%run_scoped3A : memref<!tpu.dma_semaphore, #tpu.memory_space<semaphore_mem>>) src(%dma_wait3A_23 : memref<40x128xi32, #tpu.memory_space<hbm>>) dst(%arg6 : memref<40x128xi32, #tpu.memory_space<vmem>>)
      tpu.yield
    }) : () -> ()
    %mul3A_5 = arith.constant 5120 : i32
    %mul3A_6 = arith.muli %add3A, %mul3A_5 : i32
    "tpu.region"() ({
      %run_scoped3A = tpu.sem_alloc : memref<!tpu.dma_semaphore, #tpu.memory_space<semaphore_mem>>
      %dma_start3A = arith.constant 0 : i32
      %dma_start3A_18 = tpu.memref_slice %arg2[%mul3A_6, %dma_start3A] : memref<163840x16xf32, #tpu.memory_space<hbm>> -> memref<5120x16xf32, #tpu.memory_space<hbm>>
      %dma_start3A_19 = arith.constant 0 : i32
      %dma_start3A_20 = tpu.memref_slice %arg2[%mul3A_6, %dma_start3A_19] : memref<163840x16xf32, #tpu.memory_space<hbm>> -> memref<5120x16xf32, #tpu.memory_space<hbm>>
      tpu.enqueue_dma source(%dma_start3A_20 : memref<5120x16xf32, #tpu.memory_space<hbm>>) target(%arg7 : memref<5120x16xf32, #tpu.memory_space<vmem>>) target_semaphore(%run_scoped3A : memref<!tpu.dma_semaphore, #tpu.memory_space<semaphore_mem>>)
      %dma_wait3A = arith.constant 0 : i32
      %dma_wait3A_21 = tpu.memref_slice %arg2[%mul3A_6, %dma_wait3A] : memref<163840x16xf32, #tpu.memory_space<hbm>> -> memref<5120x16xf32, #tpu.memory_space<hbm>>
      %dma_wait3A_22 = arith.constant 0 : i32
      %dma_wait3A_23 = tpu.memref_slice %arg2[%mul3A_6, %dma_wait3A_22] : memref<163840x16xf32, #tpu.memory_space<hbm>> -> memref<5120x16xf32, #tpu.memory_space<hbm>>
      tpu.wait_dma2 semaphore(%run_scoped3A : memref<!tpu.dma_semaphore, #tpu.memory_space<semaphore_mem>>) src(%dma_wait3A_23 : memref<5120x16xf32, #tpu.memory_space<hbm>>) dst(%arg7 : memref<5120x16xf32, #tpu.memory_space<vmem>>)
      tpu.yield
    }) : () -> ()
    %barrier3A = arith.constant 0 : index
    tpu.barrier barrier_id(%barrier3A)
    %scan3A = arith.constant 0 : i32
    %scan3A_7 = arith.constant 0 : i32
    %scan3A_8 = arith.constant 40 : i32
    %scan3A_9 = arith.addi %scan3A_7, %scan3A_8 : i32
    %scan3A_10 = arith.constant 1 : i32
    scf.for %scan3A_18 = %scan3A_7 to %scan3A_9 step %scan3A_10  : i32 {
      %mul3A_19 = arith.constant 128 : i32
      %mul3A_20 = arith.muli %scan3A_18, %mul3A_19 : i32
      "tpu.region"() ({
        %run_scoped3A = tpu.sem_alloc : memref<!tpu.dma_semaphore, #tpu.memory_space<semaphore_mem>>
        %dma_start3A = arith.constant 0 : i32
        %dma_start3A_21 = tpu.memref_slice %arg7[%mul3A_20, %dma_start3A] : memref<5120x16xf32, #tpu.memory_space<vmem>> -> memref<128x16xf32, #tpu.memory_space<vmem>>
        %dma_start3A_22 = arith.constant 0 : i32
        %dma_start3A_23 = tpu.memref_slice %arg6[%scan3A_18, %dma_start3A_22] : memref<40x128xi32, #tpu.memory_space<vmem>> -> memref<1x128xi32, #tpu.memory_space<vmem>>
        %dma_start3A_24 = tpu.memref_squeeze %dma_start3A_23 : memref<1x128xi32, #tpu.memory_space<vmem>> -> memref<128xi32, #tpu.memory_space<vmem>>
        %dma_start3A_25 = arith.constant 0 : i32
        %dma_start3A_26 = arith.constant 0 : i32
        %dma_start3A_27 = tpu.memref_slice %arg8[%dma_start3A_25, %dma_start3A_26] : memref<10016x16xf32, #tpu.memory_space<vmem_shared>> -> memref<10016x16xf32, #tpu.memory_space<vmem_shared>>
        tpu.enqueue_indirect_dma source(%dma_start3A_21 : memref<128x16xf32, #tpu.memory_space<vmem>>) target(%dma_start3A_27 : memref<10016x16xf32, #tpu.memory_space<vmem_shared>>) offsets(%dma_start3A_24 : memref<128xi32, #tpu.memory_space<vmem>>) semaphore(%run_scoped3A : memref<!tpu.dma_semaphore, #tpu.memory_space<semaphore_mem>>) {add = true}
        %dma_wait3A = arith.constant 0 : i32
        %dma_wait3A_28 = tpu.memref_slice %arg7[%mul3A_20, %dma_wait3A] : memref<5120x16xf32, #tpu.memory_space<vmem>> -> memref<128x16xf32, #tpu.memory_space<vmem>>
        %dma_wait3A_29 = arith.constant 0 : i32
        %dma_wait3A_30 = tpu.memref_slice %arg6[%scan3A_18, %dma_wait3A_29] : memref<40x128xi32, #tpu.memory_space<vmem>> -> memref<1x128xi32, #tpu.memory_space<vmem>>
        %dma_wait3A_31 = tpu.memref_squeeze %dma_wait3A_30 : memref<1x128xi32, #tpu.memory_space<vmem>> -> memref<128xi32, #tpu.memory_space<vmem>>
        %dma_wait3A_32 = arith.constant 0 : i32
        %dma_wait3A_33 = arith.constant 0 : i32
        %dma_wait3A_34 = tpu.memref_slice %arg8[%dma_wait3A_32, %dma_wait3A_33] : memref<10016x16xf32, #tpu.memory_space<vmem_shared>> -> memref<10016x16xf32, #tpu.memory_space<vmem_shared>>
        tpu.wait_indirect_dma semaphore(%run_scoped3A : memref<!tpu.dma_semaphore, #tpu.memory_space<semaphore_mem>>) src(%dma_wait3A_28 : memref<128x16xf32, #tpu.memory_space<vmem>>) dst(%dma_wait3A_34 : memref<10016x16xf32, #tpu.memory_space<vmem_shared>>)
        tpu.yield
      }) : () -> ()
    }
    %scan3A_11 = arith.constant 40 : i32
    %barrier3A_12 = arith.constant 0 : index
    tpu.barrier barrier_id(%barrier3A_12)
    %mul3A_13 = arith.constant 10016 : i32
    %mul3A_14 = arith.muli %arg0, %mul3A_13 : i32
    %mul3A_15 = arith.constant 626 : i32
    %mul3A_16 = arith.muli %arg1, %mul3A_15 : i32
    %add3A_17 = arith.addi %mul3A_14, %mul3A_16 : i32
    "tpu.region"() ({
      %run_scoped3A = tpu.sem_alloc : memref<!tpu.dma_semaphore, #tpu.memory_space<semaphore_mem>>
      %dma_start3A = arith.constant 0 : i32
      %dma_start3A_18 = tpu.memref_slice %arg5[%add3A_17, %dma_start3A] : memref<20032x16xf32, #tpu.memory_space<hbm>> -> memref<626x16xf32, #tpu.memory_space<hbm>>
      %dma_start3A_19 = arith.constant 0 : i32
      %dma_start3A_20 = tpu.memref_slice %arg8[%mul3A_2, %dma_start3A_19] : memref<10016x16xf32, #tpu.memory_space<vmem_shared>> -> memref<626x16xf32, #tpu.memory_space<vmem_shared>>
      tpu.enqueue_dma source(%dma_start3A_20 : memref<626x16xf32, #tpu.memory_space<vmem_shared>>) target(%dma_start3A_18 : memref<626x16xf32, #tpu.memory_space<hbm>>) target_semaphore(%run_scoped3A : memref<!tpu.dma_semaphore, #tpu.memory_space<semaphore_mem>>)
      %dma_wait3A = arith.constant 0 : i32
      %dma_wait3A_21 = tpu.memref_slice %arg5[%add3A_17, %dma_wait3A] : memref<20032x16xf32, #tpu.memory_space<hbm>> -> memref<626x16xf32, #tpu.memory_space<hbm>>
      %dma_wait3A_22 = arith.constant 0 : i32
      %dma_wait3A_23 = tpu.memref_slice %arg8[%mul3A_2, %dma_wait3A_22] : memref<10016x16xf32, #tpu.memory_space<vmem_shared>> -> memref<626x16xf32, #tpu.memory_space<vmem_shared>>
      tpu.wait_dma2 semaphore(%run_scoped3A : memref<!tpu.dma_semaphore, #tpu.memory_space<semaphore_mem>>) src(%dma_wait3A_23 : memref<626x16xf32, #tpu.memory_space<vmem_shared>>) dst(%dma_wait3A_21 : memref<626x16xf32, #tpu.memory_space<hbm>>)
      tpu.yield
    }) : () -> ()
    return
  }
}

module attributes {stable_mosaic.version = 14 : i64} {
  func.func @_mlp4_ln_body(%arg0: memref<10000x128xf32, #tpu.memory_space<vmem>>, %arg1: memref<128x16xf32, #tpu.memory_space<vmem>>, %arg2: memref<1x16xf32, #tpu.memory_space<vmem>>, %arg3: memref<16x16xf32, #tpu.memory_space<vmem>>, %arg4: memref<1x16xf32, #tpu.memory_space<vmem>>, %arg5: memref<16x16xf32, #tpu.memory_space<vmem>>, %arg6: memref<1x16xf32, #tpu.memory_space<vmem>>, %arg7: memref<16x16xf32, #tpu.memory_space<vmem>>, %arg8: memref<1x16xf32, #tpu.memory_space<vmem>>, %arg9: memref<1x16xf32, #tpu.memory_space<vmem>>, %arg10: memref<1x16xf32, #tpu.memory_space<vmem>>, %arg11: memref<10000x16xf32, #tpu.memory_space<vmem>>) attributes {dimension_semantics = [], scalar_prefetch = 0 : i64, scratch_operands = 0 : i64, tpu.core_type = #tpu.core_type<tc>} {
    %get3A = arith.constant 0 : index
    %get3A_0 = arith.constant 0 : index
    %get3A_1 = vector.load %arg0[%get3A, %get3A_0] : memref<10000x128xf32, #tpu.memory_space<vmem>>, vector<10000x128xf32>
    %get3A_2 = arith.constant 0 : index
    %get3A_3 = arith.constant 0 : index
    %get3A_4 = vector.load %arg1[%get3A_2, %get3A_3] : memref<128x16xf32, #tpu.memory_space<vmem>>, vector<128x16xf32>
    %dot_general3A = arith.constant dense<0.000000e+00> : vector<10000x16xf32>
    %dot_general3A_5 = tpu.matmul %get3A_1, %get3A_4, %dot_general3A {dimension_numbers = #tpu.dot_dimension_numbers<[1], [0], [0], [1], [0, 0, 1, 1], [], []>, transpose_lhs_hint = false} : vector<10000x128xf32>, vector<128x16xf32>, vector<10000x16xf32> -> vector<10000x16xf32>
    %get3A_6 = arith.constant 0 : index
    %get3A_7 = arith.constant 0 : index
    %get3A_8 = vector.load %arg2[%get3A_6, %get3A_7] : memref<1x16xf32, #tpu.memory_space<vmem>>, vector<1x16xf32>
    %add3A = vector.broadcast %get3A_8 : vector<1x16xf32> to vector<10000x16xf32>
    %add3A_9 = arith.addf %dot_general3A_5, %add3A : vector<10000x16xf32>
    %max3A = arith.constant 0.000000e+00 : f32
    %max3A_10 = vector.broadcast %max3A : f32 to vector<10000x16xf32>
    %max3A_11 = arith.maximumf %add3A_9, %max3A_10 : vector<10000x16xf32>
    %get3A_12 = arith.constant 0 : index
    %get3A_13 = arith.constant 0 : index
    %get3A_14 = vector.load %arg3[%get3A_12, %get3A_13] : memref<16x16xf32, #tpu.memory_space<vmem>>, vector<16x16xf32>
    %dot_general3A_15 = arith.constant dense<0.000000e+00> : vector<10000x16xf32>
    %dot_general3A_16 = tpu.matmul %max3A_11, %get3A_14, %dot_general3A_15 {dimension_numbers = #tpu.dot_dimension_numbers<[1], [0], [0], [1], [0, 0, 1, 1], [], []>, transpose_lhs_hint = false} : vector<10000x16xf32>, vector<16x16xf32>, vector<10000x16xf32> -> vector<10000x16xf32>
    %get3A_17 = arith.constant 0 : index
    %get3A_18 = arith.constant 0 : index
    %get3A_19 = vector.load %arg4[%get3A_17, %get3A_18] : memref<1x16xf32, #tpu.memory_space<vmem>>, vector<1x16xf32>
    %add3A_20 = vector.broadcast %get3A_19 : vector<1x16xf32> to vector<10000x16xf32>
    %add3A_21 = arith.addf %dot_general3A_16, %add3A_20 : vector<10000x16xf32>
    %max3A_22 = arith.constant 0.000000e+00 : f32
    %max3A_23 = vector.broadcast %max3A_22 : f32 to vector<10000x16xf32>
    %max3A_24 = arith.maximumf %add3A_21, %max3A_23 : vector<10000x16xf32>
    %get3A_25 = arith.constant 0 : index
    %get3A_26 = arith.constant 0 : index
    %get3A_27 = vector.load %arg5[%get3A_25, %get3A_26] : memref<16x16xf32, #tpu.memory_space<vmem>>, vector<16x16xf32>
    %dot_general3A_28 = arith.constant dense<0.000000e+00> : vector<10000x16xf32>
    %dot_general3A_29 = tpu.matmul %max3A_24, %get3A_27, %dot_general3A_28 {dimension_numbers = #tpu.dot_dimension_numbers<[1], [0], [0], [1], [0, 0, 1, 1], [], []>, transpose_lhs_hint = false} : vector<10000x16xf32>, vector<16x16xf32>, vector<10000x16xf32> -> vector<10000x16xf32>
    %get3A_30 = arith.constant 0 : index
    %get3A_31 = arith.constant 0 : index
    %get3A_32 = vector.load %arg6[%get3A_30, %get3A_31] : memref<1x16xf32, #tpu.memory_space<vmem>>, vector<1x16xf32>
    %add3A_33 = vector.broadcast %get3A_32 : vector<1x16xf32> to vector<10000x16xf32>
    %add3A_34 = arith.addf %dot_general3A_29, %add3A_33 : vector<10000x16xf32>
    %max3A_35 = arith.constant 0.000000e+00 : f32
    %max3A_36 = vector.broadcast %max3A_35 : f32 to vector<10000x16xf32>
    %max3A_37 = arith.maximumf %add3A_34, %max3A_36 : vector<10000x16xf32>
    %get3A_38 = arith.constant 0 : index
    %get3A_39 = arith.constant 0 : index
    %get3A_40 = vector.load %arg7[%get3A_38, %get3A_39] : memref<16x16xf32, #tpu.memory_space<vmem>>, vector<16x16xf32>
    %dot_general3A_41 = arith.constant dense<0.000000e+00> : vector<10000x16xf32>
    %dot_general3A_42 = tpu.matmul %max3A_37, %get3A_40, %dot_general3A_41 {dimension_numbers = #tpu.dot_dimension_numbers<[1], [0], [0], [1], [0, 0, 1, 1], [], []>, transpose_lhs_hint = false} : vector<10000x16xf32>, vector<16x16xf32>, vector<10000x16xf32> -> vector<10000x16xf32>
    %get3A_43 = arith.constant 0 : index
    %get3A_44 = arith.constant 0 : index
    %get3A_45 = vector.load %arg8[%get3A_43, %get3A_44] : memref<1x16xf32, #tpu.memory_space<vmem>>, vector<1x16xf32>
    %add3A_46 = vector.broadcast %get3A_45 : vector<1x16xf32> to vector<10000x16xf32>
    %add3A_47 = arith.addf %dot_general3A_42, %add3A_46 : vector<10000x16xf32>
    %reduce_sum3A = vector.shape_cast %add3A_47 : vector<10000x16xf32> to vector<1x10000x16xf32>
    %reduce_sum3A_48 = arith.constant dense<0.000000e+00> : vector<1xf32>
    %reduce_sum3A_49 = vector.multi_reduction <add>, %reduce_sum3A, %reduce_sum3A_48 [1, 2] : vector<1x10000x16xf32> to vector<1xf32>
    %reduce_sum3A_50 = vector.shape_cast %reduce_sum3A_49 : vector<1xf32> to vector<1x1x1xf32>
    %reduce_sum3A_51 = vector.extract %reduce_sum3A_50[0, 0, 0] : f32 from vector<1x1x1xf32>
    %div3A = arith.constant 1.600000e+05 : f32
    %div3A_52 = arith.divf %reduce_sum3A_51, %div3A : f32
    %sub3A = vector.broadcast %div3A_52 : f32 to vector<10000x16xf32>
    %sub3A_53 = arith.subf %add3A_47, %sub3A : vector<10000x16xf32>
    %integer_pow3A = arith.mulf %sub3A_53, %sub3A_53 : vector<10000x16xf32>
    %reduce_sum3A_54 = vector.shape_cast %integer_pow3A : vector<10000x16xf32> to vector<1x10000x16xf32>
    %reduce_sum3A_55 = arith.constant dense<0.000000e+00> : vector<1xf32>
    %reduce_sum3A_56 = vector.multi_reduction <add>, %reduce_sum3A_54, %reduce_sum3A_55 [1, 2] : vector<1x10000x16xf32> to vector<1xf32>
    %reduce_sum3A_57 = vector.shape_cast %reduce_sum3A_56 : vector<1xf32> to vector<1x1x1xf32>
    %reduce_sum3A_58 = vector.extract %reduce_sum3A_57[0, 0, 0] : f32 from vector<1x1x1xf32>
    %div3A_59 = arith.constant 1.600000e+05 : f32
    %div3A_60 = arith.divf %reduce_sum3A_58, %div3A_59 : f32
    %sqrt3A = math.sqrt %div3A_60 : f32
    %sub3A_61 = vector.broadcast %div3A_52 : f32 to vector<10000x16xf32>
    %sub3A_62 = arith.subf %add3A_47, %sub3A_61 : vector<10000x16xf32>
    %add3A_63 = arith.constant 9.99999974E-6 : f32
    %add3A_64 = arith.addf %sqrt3A, %add3A_63 : f32
    %div3A_65 = vector.broadcast %add3A_64 : f32 to vector<10000x16xf32>
    %div3A_66 = arith.divf %sub3A_62, %div3A_65 : vector<10000x16xf32>
    %get3A_67 = arith.constant 0 : index
    %get3A_68 = arith.constant 0 : index
    %get3A_69 = vector.load %arg9[%get3A_67, %get3A_68] : memref<1x16xf32, #tpu.memory_space<vmem>>, vector<1x16xf32>
    %mul3A = vector.broadcast %get3A_69 : vector<1x16xf32> to vector<10000x16xf32>
    %mul3A_70 = arith.mulf %div3A_66, %mul3A : vector<10000x16xf32>
    %get3A_71 = arith.constant 0 : index
    %get3A_72 = arith.constant 0 : index
    %get3A_73 = vector.load %arg10[%get3A_71, %get3A_72] : memref<1x16xf32, #tpu.memory_space<vmem>>, vector<1x16xf32>
    %add3A_74 = vector.broadcast %get3A_73 : vector<1x16xf32> to vector<10000x16xf32>
    %add3A_75 = arith.addf %mul3A_70, %add3A_74 : vector<10000x16xf32>
    %swap3A = arith.constant 0 : index
    %swap3A_76 = arith.constant 0 : index
    %swap3A_77 = vector.load %arg11[%swap3A, %swap3A_76] : memref<10000x16xf32, #tpu.memory_space<vmem>>, vector<10000x16xf32>
    tpu.vector_store %arg11[%swap3A, %swap3A_76], %add3A_75 {strides = array<i32>} : memref<10000x16xf32, #tpu.memory_space<vmem>>, vector<10000x16xf32>,
    return
  }
}

module attributes {stable_mosaic.version = 14 : i64} {
  func.func @_edge_body(%arg0: i32, %arg1: memref<2000x128xf32, #tpu.memory_space<vmem>>, %arg2: memref<2000x128xf32, #tpu.memory_space<vmem>>, %arg3: memref<8x128x128xf32, #tpu.memory_space<vmem>>, %arg4: memref<1x128xf32, #tpu.memory_space<vmem>>, %arg5: memref<128x128xf32, #tpu.memory_space<vmem>>, %arg6: memref<1x128xf32, #tpu.memory_space<vmem>>, %arg7: memref<128x256xf32, #tpu.memory_space<vmem>>, %arg8: memref<1x256xf32, #tpu.memory_space<vmem>>, %arg9: memref<1x256xf32, #tpu.memory_space<vmem>>, %arg10: memref<1x256xf32, #tpu.memory_space<vmem>>, %arg11: memref<8x128x256xf32, #tpu.memory_space<vmem>>, %arg12: memref<8x256x128xf32, #tpu.memory_space<vmem>>, %arg13: memref<2000x128xf32, #tpu.memory_space<vmem>>) attributes {dimension_semantics = [#tpu.dimension_semantics<arbitrary>], iteration_bounds = array<i64: 10>, scalar_prefetch = 0 : i64, scratch_operands = 0 : i64, tpu.core_type = #tpu.core_type<tc>, window_params = [{transform_indices = @transform_0, window_bounds = array<i64: 2000, 128>}, {transform_indices = @transform_1, window_bounds = array<i64: 2000, 128>}, {pipeline_mode = #tpu.pipeline_mode<synchronous>, transform_indices = @transform_2, window_bounds = array<i64: 8, 128, 128>}, {pipeline_mode = #tpu.pipeline_mode<synchronous>, transform_indices = @transform_3, window_bounds = array<i64: 1, 128>}, {pipeline_mode = #tpu.pipeline_mode<synchronous>, transform_indices = @transform_4, window_bounds = array<i64: 128, 128>}, {pipeline_mode = #tpu.pipeline_mode<synchronous>, transform_indices = @transform_5, window_bounds = array<i64: 1, 128>}, {pipeline_mode = #tpu.pipeline_mode<synchronous>, transform_indices = @transform_6, window_bounds = array<i64: 128, 256>}, {pipeline_mode = #tpu.pipeline_mode<synchronous>, transform_indices = @transform_7, window_bounds = array<i64: 1, 256>}, {pipeline_mode = #tpu.pipeline_mode<synchronous>, transform_indices = @transform_8, window_bounds = array<i64: 1, 256>}, {pipeline_mode = #tpu.pipeline_mode<synchronous>, transform_indices = @transform_9, window_bounds = array<i64: 1, 256>}, {pipeline_mode = #tpu.pipeline_mode<synchronous>, transform_indices = @transform_10, window_bounds = array<i64: 8, 128, 256>}, {pipeline_mode = #tpu.pipeline_mode<synchronous>, transform_indices = @transform_11, window_bounds = array<i64: 8, 256, 128>}, {transform_indices = @transform_12, window_bounds = array<i64: 2000, 128>}]} {
    %broadcast_in_dim3A = arith.constant 0.000000e+00 : f32
    %broadcast_in_dim3A_0 = vector.broadcast %broadcast_in_dim3A : f32 to vector<2000x128xf32>
    %get3A = arith.constant 0 : index
    %get3A_1 = arith.constant 0 : index
    %get3A_2 = vector.load %arg1[%get3A, %get3A_1] : memref<2000x128xf32, #tpu.memory_space<vmem>>, vector<2000x128xf32>
    %get3A_3 = arith.constant 0 : index
    %get3A_4 = arith.constant 0 : index
    %get3A_5 = arith.constant 0 : index
    %get3A_6 = vector.load %arg3[%get3A_3, %get3A_4, %get3A_5] : memref<8x128x128xf32, #tpu.memory_space<vmem>>, vector<1x128x128xf32>
    %get3A_7 = vector.shape_cast %get3A_6 : vector<1x128x128xf32> to vector<128x128xf32>
    %dot_general3A = arith.constant dense<0.000000e+00> : vector<2000x128xf32>
    %dot_general3A_8 = tpu.matmul %get3A_2, %get3A_7, %dot_general3A {dimension_numbers = #tpu.dot_dimension_numbers<[1], [0], [0], [1], [0, 0, 1, 1], [], []>, transpose_lhs_hint = false} : vector<2000x128xf32>, vector<128x128xf32>, vector<2000x128xf32> -> vector<2000x128xf32>
    %get3A_9 = arith.constant 0 : index
    %get3A_10 = arith.constant 0 : index
    %get3A_11 = vector.load %arg4[%get3A_9, %get3A_10] : memref<1x128xf32, #tpu.memory_space<vmem>>, vector<1x128xf32>
    %add3A = vector.broadcast %get3A_11 : vector<1x128xf32> to vector<2000x128xf32>
    %add3A_12 = arith.addf %dot_general3A_8, %add3A : vector<2000x128xf32>
    %max3A = arith.constant 0.000000e+00 : f32
    %max3A_13 = vector.broadcast %max3A : f32 to vector<2000x128xf32>
    %max3A_14 = arith.maximumf %add3A_12, %max3A_13 : vector<2000x128xf32>
    %get3A_15 = arith.constant 0 : index
    %get3A_16 = arith.constant 0 : index
    %get3A_17 = vector.load %arg5[%get3A_15, %get3A_16] : memref<128x128xf32, #tpu.memory_space<vmem>>, vector<128x128xf32>
    %dot_general3A_18 = arith.constant dense<0.000000e+00> : vector<2000x128xf32>
    %dot_general3A_19 = tpu.matmul %max3A_14, %get3A_17, %dot_general3A_18 {dimension_numbers = #tpu.dot_dimension_numbers<[1], [0], [0], [1], [0, 0, 1, 1], [], []>, transpose_lhs_hint = false} : vector<2000x128xf32>, vector<128x128xf32>, vector<2000x128xf32> -> vector<2000x128xf32>
    %get3A_20 = arith.constant 0 : index
    %get3A_21 = arith.constant 0 : index
    %get3A_22 = vector.load %arg6[%get3A_20, %get3A_21] : memref<1x128xf32, #tpu.memory_space<vmem>>, vector<1x128xf32>
    %add3A_23 = vector.broadcast %get3A_22 : vector<1x128xf32> to vector<2000x128xf32>
    %add3A_24 = arith.addf %dot_general3A_19, %add3A_23 : vector<2000x128xf32>
    %max3A_25 = arith.constant 0.000000e+00 : f32
    %max3A_26 = vector.broadcast %max3A_25 : f32 to vector<2000x128xf32>
    %max3A_27 = arith.maximumf %add3A_24, %max3A_26 : vector<2000x128xf32>
    %get3A_28 = arith.constant 0 : index
    %get3A_29 = arith.constant 0 : index
    %get3A_30 = vector.load %arg7[%get3A_28, %get3A_29] : memref<128x256xf32, #tpu.memory_space<vmem>>, vector<128x256xf32>
    %dot_general3A_31 = arith.constant dense<0.000000e+00> : vector<2000x256xf32>
    %dot_general3A_32 = tpu.matmul %max3A_27, %get3A_30, %dot_general3A_31 {dimension_numbers = #tpu.dot_dimension_numbers<[1], [0], [0], [1], [0, 0, 1, 1], [], []>, transpose_lhs_hint = false} : vector<2000x128xf32>, vector<128x256xf32>, vector<2000x256xf32> -> vector<2000x256xf32>
    %get3A_33 = arith.constant 0 : index
    %get3A_34 = arith.constant 0 : index
    %get3A_35 = vector.load %arg8[%get3A_33, %get3A_34] : memref<1x256xf32, #tpu.memory_space<vmem>>, vector<1x256xf32>
    %add3A_36 = vector.broadcast %get3A_35 : vector<1x256xf32> to vector<2000x256xf32>
    %add3A_37 = arith.addf %dot_general3A_32, %add3A_36 : vector<2000x256xf32>
    %reduce_sum3A = arith.constant dense<0.000000e+00> : vector<2000xf32>
    %reduce_sum3A_38 = vector.multi_reduction <add>, %add3A_37, %reduce_sum3A [1] : vector<2000x256xf32> to vector<2000xf32>
    %broadcast_in_dim3A_39 = vector.shape_cast %reduce_sum3A_38 : vector<2000xf32> to vector<2000x1xf32>
    %div3A = arith.constant 2.560000e+02 : f32
    %div3A_40 = vector.broadcast %div3A : f32 to vector<2000x1xf32>
    %div3A_41 = arith.divf %broadcast_in_dim3A_39, %div3A_40 : vector<2000x1xf32>
    %sub3A = vector.broadcast %div3A_41 : vector<2000x1xf32> to vector<2000x256xf32>
    %sub3A_42 = arith.subf %add3A_37, %sub3A : vector<2000x256xf32>
    %integer_pow3A = arith.mulf %sub3A_42, %sub3A_42 : vector<2000x256xf32>
    %reduce_sum3A_43 = arith.constant dense<0.000000e+00> : vector<2000xf32>
    %reduce_sum3A_44 = vector.multi_reduction <add>, %integer_pow3A, %reduce_sum3A_43 [1] : vector<2000x256xf32> to vector<2000xf32>
    %broadcast_in_dim3A_45 = vector.shape_cast %reduce_sum3A_44 : vector<2000xf32> to vector<2000x1xf32>
    %div3A_46 = arith.constant 2.560000e+02 : f32
    %div3A_47 = vector.broadcast %div3A_46 : f32 to vector<2000x1xf32>
    %div3A_48 = arith.divf %broadcast_in_dim3A_45, %div3A_47 : vector<2000x1xf32>
    %sub3A_49 = vector.broadcast %div3A_41 : vector<2000x1xf32> to vector<2000x256xf32>
    %sub3A_50 = arith.subf %add3A_37, %sub3A_49 : vector<2000x256xf32>
    %add3A_51 = arith.constant 9.99999974E-6 : f32
    %add3A_52 = vector.broadcast %add3A_51 : f32 to vector<2000x1xf32>
    %add3A_53 = arith.addf %div3A_48, %add3A_52 : vector<2000x1xf32>
    %rsqrt3A = math.rsqrt %add3A_53 : vector<2000x1xf32>
    %mul3A = vector.broadcast %rsqrt3A : vector<2000x1xf32> to vector<2000x256xf32>
    %mul3A_54 = arith.mulf %sub3A_50, %mul3A : vector<2000x256xf32>
    %get3A_55 = arith.constant 0 : index
    %get3A_56 = arith.constant 0 : index
    %get3A_57 = vector.load %arg9[%get3A_55, %get3A_56] : memref<1x256xf32, #tpu.memory_space<vmem>>, vector<1x256xf32>
    %mul3A_58 = vector.broadcast %get3A_57 : vector<1x256xf32> to vector<2000x256xf32>
    %mul3A_59 = arith.mulf %mul3A_54, %mul3A_58 : vector<2000x256xf32>
    %get3A_60 = arith.constant 0 : index
    %get3A_61 = arith.constant 0 : index
    %get3A_62 = vector.load %arg10[%get3A_60, %get3A_61] : memref<1x256xf32, #tpu.memory_space<vmem>>, vector<1x256xf32>
    %add3A_63 = vector.broadcast %get3A_62 : vector<1x256xf32> to vector<2000x256xf32>
    %add3A_64 = arith.addf %mul3A_59, %add3A_63 : vector<2000x256xf32>
    %get3A_65 = arith.constant 0 : index
    %get3A_66 = arith.constant 0 : index
    %get3A_67 = vector.load %arg2[%get3A_65, %get3A_66] : memref<2000x128xf32, #tpu.memory_space<vmem>>, vector<2000x128xf32>
    %get3A_68 = arith.constant 0 : index
    %get3A_69 = arith.constant 0 : index
    %get3A_70 = arith.constant 0 : index
    %get3A_71 = vector.load %arg11[%get3A_68, %get3A_69, %get3A_70] : memref<8x128x256xf32, #tpu.memory_space<vmem>>, vector<1x128x256xf32>
    %get3A_72 = vector.shape_cast %get3A_71 : vector<1x128x256xf32> to vector<128x256xf32>
    %dot_general3A_73 = arith.constant dense<0.000000e+00> : vector<2000x256xf32>
    %dot_general3A_74 = tpu.matmul %get3A_67, %get3A_72, %dot_general3A_73 {dimension_numbers = #tpu.dot_dimension_numbers<[1], [0], [0], [1], [0, 0, 1, 1], [], []>, transpose_lhs_hint = false} : vector<2000x128xf32>, vector<128x256xf32>, vector<2000x256xf32> -> vector<2000x256xf32>
    %mul3A_75 = arith.mulf %dot_general3A_74, %add3A_64 : vector<2000x256xf32>
    %get3A_76 = arith.constant 0 : index
    %get3A_77 = arith.constant 0 : index
    %get3A_78 = arith.constant 0 : index
    %get3A_79 = vector.load %arg12[%get3A_76, %get3A_77, %get3A_78] : memref<8x256x128xf32, #tpu.memory_space<vmem>>, vector<1x256x128xf32>
    %get3A_80 = vector.shape_cast %get3A_79 : vector<1x256x128xf32> to vector<256x128xf32>
    %dot_general3A_81 = arith.constant dense<0.000000e+00> : vector<2000x128xf32>
    %dot_general3A_82 = tpu.matmul %mul3A_75, %get3A_80, %dot_general3A_81 {dimension_numbers = #tpu.dot_dimension_numbers<[1], [0], [0], [1], [0, 0, 1, 1], [], []>, transpose_lhs_hint = false} : vector<2000x256xf32>, vector<256x128xf32>, vector<2000x128xf32> -> vector<2000x128xf32>
    %add3A_83 = arith.addf %broadcast_in_dim3A_0, %dot_general3A_82 : vector<2000x128xf32>
    %get3A_84 = arith.constant 0 : index
    %get3A_85 = arith.constant 0 : index
    %get3A_86 = vector.load %arg1[%get3A_84, %get3A_85] : memref<2000x128xf32, #tpu.memory_space<vmem>>, vector<2000x128xf32>
    %get3A_87 = arith.constant 1 : index
    %get3A_88 = arith.constant 0 : index
    %get3A_89 = arith.constant 0 : index
    %get3A_90 = vector.load %arg3[%get3A_87, %get3A_88, %get3A_89] : memref<8x128x128xf32, #tpu.memory_space<vmem>>, vector<1x128x128xf32>
    %get3A_91 = vector.shape_cast %get3A_90 : vector<1x128x128xf32> to vector<128x128xf32>
    %dot_general3A_92 = arith.constant dense<0.000000e+00> : vector<2000x128xf32>
    %dot_general3A_93 = tpu.matmul %get3A_86, %get3A_91, %dot_general3A_92 {dimension_numbers = #tpu.dot_dimension_numbers<[1], [0], [0], [1], [0, 0, 1, 1], [], []>, transpose_lhs_hint = false} : vector<2000x128xf32>, vector<128x128xf32>, vector<2000x128xf32> -> vector<2000x128xf32>
    %get3A_94 = arith.constant 0 : index
    %get3A_95 = arith.constant 0 : index
    %get3A_96 = vector.load %arg4[%get3A_94, %get3A_95] : memref<1x128xf32, #tpu.memory_space<vmem>>, vector<1x128xf32>
    %add3A_97 = vector.broadcast %get3A_96 : vector<1x128xf32> to vector<2000x128xf32>
    %add3A_98 = arith.addf %dot_general3A_93, %add3A_97 : vector<2000x128xf32>
    %max3A_99 = arith.constant 0.000000e+00 : f32
    %max3A_100 = vector.broadcast %max3A_99 : f32 to vector<2000x128xf32>
    %max3A_101 = arith.maximumf %add3A_98, %max3A_100 : vector<2000x128xf32>
    %get3A_102 = arith.constant 0 : index
    %get3A_103 = arith.constant 0 : index
    %get3A_104 = vector.load %arg5[%get3A_102, %get3A_103] : memref<128x128xf32, #tpu.memory_space<vmem>>, vector<128x128xf32>
    %dot_general3A_105 = arith.constant dense<0.000000e+00> : vector<2000x128xf32>
    %dot_general3A_106 = tpu.matmul %max3A_101, %get3A_104, %dot_general3A_105 {dimension_numbers = #tpu.dot_dimension_numbers<[1], [0], [0], [1], [0, 0, 1, 1], [], []>, transpose_lhs_hint = false} : vector<2000x128xf32>, vector<128x128xf32>, vector<2000x128xf32> -> vector<2000x128xf32>
    %get3A_107 = arith.constant 0 : index
    %get3A_108 = arith.constant 0 : index
    %get3A_109 = vector.load %arg6[%get3A_107, %get3A_108] : memref<1x128xf32, #tpu.memory_space<vmem>>, vector<1x128xf32>
    %add3A_110 = vector.broadcast %get3A_109 : vector<1x128xf32> to vector<2000x128xf32>
    %add3A_111 = arith.addf %dot_general3A_106, %add3A_110 : vector<2000x128xf32>
    %max3A_112 = arith.constant 0.000000e+00 : f32
    %max3A_113 = vector.broadcast %max3A_112 : f32 to vector<2000x128xf32>
    %max3A_114 = arith.maximumf %add3A_111, %max3A_113 : vector<2000x128xf32>
    %get3A_115 = arith.constant 0 : index
    %get3A_116 = arith.constant 0 : index
    %get3A_117 = vector.load %arg7[%get3A_115, %get3A_116] : memref<128x256xf32, #tpu.memory_space<vmem>>, vector<128x256xf32>
    %dot_general3A_118 = arith.constant dense<0.000000e+00> : vector<2000x256xf32>
    %dot_general3A_119 = tpu.matmul %max3A_114, %get3A_117, %dot_general3A_118 {dimension_numbers = #tpu.dot_dimension_numbers<[1], [0], [0], [1], [0, 0, 1, 1], [], []>, transpose_lhs_hint = false} : vector<2000x128xf32>, vector<128x256xf32>, vector<2000x256xf32> -> vector<2000x256xf32>
    %get3A_120 = arith.constant 0 : index
    %get3A_121 = arith.constant 0 : index
    %get3A_122 = vector.load %arg8[%get3A_120, %get3A_121] : memref<1x256xf32, #tpu.memory_space<vmem>>, vector<1x256xf32>
    %add3A_123 = vector.broadcast %get3A_122 : vector<1x256xf32> to vector<2000x256xf32>
    %add3A_124 = arith.addf %dot_general3A_119, %add3A_123 : vector<2000x256xf32>
    %reduce_sum3A_125 = arith.constant dense<0.000000e+00> : vector<2000xf32>
    %reduce_sum3A_126 = vector.multi_reduction <add>, %add3A_124, %reduce_sum3A_125 [1] : vector<2000x256xf32> to vector<2000xf32>
    %broadcast_in_dim3A_127 = vector.shape_cast %reduce_sum3A_126 : vector<2000xf32> to vector<2000x1xf32>
    %div3A_128 = arith.constant 2.560000e+02 : f32
    %div3A_129 = vector.broadcast %div3A_128 : f32 to vector<2000x1xf32>
    %div3A_130 = arith.divf %broadcast_in_dim3A_127, %div3A_129 : vector<2000x1xf32>
    %sub3A_131 = vector.broadcast %div3A_130 : vector<2000x1xf32> to vector<2000x256xf32>
    %sub3A_132 = arith.subf %add3A_124, %sub3A_131 : vector<2000x256xf32>
    %integer_pow3A_133 = arith.mulf %sub3A_132, %sub3A_132 : vector<2000x256xf32>
    %reduce_sum3A_134 = arith.constant dense<0.000000e+00> : vector<2000xf32>
    %reduce_sum3A_135 = vector.multi_reduction <add>, %integer_pow3A_133, %reduce_sum3A_134 [1] : vector<2000x256xf32> to vector<2000xf32>
    %broadcast_in_dim3A_136 = vector.shape_cast %reduce_sum3A_135 : vector<2000xf32> to vector<2000x1xf32>
    %div3A_137 = arith.constant 2.560000e+02 : f32
    %div3A_138 = vector.broadcast %div3A_137 : f32 to vector<2000x1xf32>
    %div3A_139 = arith.divf %broadcast_in_dim3A_136, %div3A_138 : vector<2000x1xf32>
    %sub3A_140 = vector.broadcast %div3A_130 : vector<2000x1xf32> to vector<2000x256xf32>
    %sub3A_141 = arith.subf %add3A_124, %sub3A_140 : vector<2000x256xf32>
    %add3A_142 = arith.constant 9.99999974E-6 : f32
    %add3A_143 = vector.broadcast %add3A_142 : f32 to vector<2000x1xf32>
    %add3A_144 = arith.addf %div3A_139, %add3A_143 : vector<2000x1xf32>
    %rsqrt3A_145 = math.rsqrt %add3A_144 : vector<2000x1xf32>
    %mul3A_146 = vector.broadcast %rsqrt3A_145 : vector<2000x1xf32> to vector<2000x256xf32>
    %mul3A_147 = arith.mulf %sub3A_141, %mul3A_146 : vector<2000x256xf32>
    %get3A_148 = arith.constant 0 : index
    %get3A_149 = arith.constant 0 : index
    %get3A_150 = vector.load %arg9[%get3A_148, %get3A_149] : memref<1x256xf32, #tpu.memory_space<vmem>>, vector<1x256xf32>
    %mul3A_151 = vector.broadcast %get3A_150 : vector<1x256xf32> to vector<2000x256xf32>
    %mul3A_152 = arith.mulf %mul3A_147, %mul3A_151 : vector<2000x256xf32>
    %get3A_153 = arith.constant 0 : index
    %get3A_154 = arith.constant 0 : index
    %get3A_155 = vector.load %arg10[%get3A_153, %get3A_154] : memref<1x256xf32, #tpu.memory_space<vmem>>, vector<1x256xf32>
    %add3A_156 = vector.broadcast %get3A_155 : vector<1x256xf32> to vector<2000x256xf32>
    %add3A_157 = arith.addf %mul3A_152, %add3A_156 : vector<2000x256xf32>
    %get3A_158 = arith.constant 0 : index
    %get3A_159 = arith.constant 0 : index
    %get3A_160 = vector.load %arg2[%get3A_158, %get3A_159] : memref<2000x128xf32, #tpu.memory_space<vmem>>, vector<2000x128xf32>
    %get3A_161 = arith.constant 1 : index
    %get3A_162 = arith.constant 0 : index
    %get3A_163 = arith.constant 0 : index
    %get3A_164 = vector.load %arg11[%get3A_161, %get3A_162, %get3A_163] : memref<8x128x256xf32, #tpu.memory_space<vmem>>, vector<1x128x256xf32>
    %get3A_165 = vector.shape_cast %get3A_164 : vector<1x128x256xf32> to vector<128x256xf32>
    %dot_general3A_166 = arith.constant dense<0.000000e+00> : vector<2000x256xf32>
    %dot_general3A_167 = tpu.matmul %get3A_160, %get3A_165, %dot_general3A_166 {dimension_numbers = #tpu.dot_dimension_numbers<[1], [0], [0], [1], [0, 0, 1, 1], [], []>, transpose_lhs_hint = false} : vector<2000x128xf32>, vector<128x256xf32>, vector<2000x256xf32> -> vector<2000x256xf32>
    %mul3A_168 = arith.mulf %dot_general3A_167, %add3A_157 : vector<2000x256xf32>
    %get3A_169 = arith.constant 1 : index
    %get3A_170 = arith.constant 0 : index
    %get3A_171 = arith.constant 0 : index
    %get3A_172 = vector.load %arg12[%get3A_169, %get3A_170, %get3A_171] : memref<8x256x128xf32, #tpu.memory_space<vmem>>, vector<1x256x128xf32>
    %get3A_173 = vector.shape_cast %get3A_172 : vector<1x256x128xf32> to vector<256x128xf32>
    %dot_general3A_174 = arith.constant dense<0.000000e+00> : vector<2000x128xf32>
    %dot_general3A_175 = tpu.matmul %mul3A_168, %get3A_173, %dot_general3A_174 {dimension_numbers = #tpu.dot_dimension_numbers<[1], [0], [0], [1], [0, 0, 1, 1], [], []>, transpose_lhs_hint = false} : vector<2000x256xf32>, vector<256x128xf32>, vector<2000x128xf32> -> vector<2000x128xf32>
    %add3A_176 = arith.addf %add3A_83, %dot_general3A_175 : vector<2000x128xf32>
    %get3A_177 = arith.constant 0 : index
    %get3A_178 = arith.constant 0 : index
    %get3A_179 = vector.load %arg1[%get3A_177, %get3A_178] : memref<2000x128xf32, #tpu.memory_space<vmem>>, vector<2000x128xf32>
    %get3A_180 = arith.constant 2 : index
    %get3A_181 = arith.constant 0 : index
    %get3A_182 = arith.constant 0 : index
    %get3A_183 = vector.load %arg3[%get3A_180, %get3A_181, %get3A_182] : memref<8x128x128xf32, #tpu.memory_space<vmem>>, vector<1x128x128xf32>
    %get3A_184 = vector.shape_cast %get3A_183 : vector<1x128x128xf32> to vector<128x128xf32>
    %dot_general3A_185 = arith.constant dense<0.000000e+00> : vector<2000x128xf32>
    %dot_general3A_186 = tpu.matmul %get3A_179, %get3A_184, %dot_general3A_185 {dimension_numbers = #tpu.dot_dimension_numbers<[1], [0], [0], [1], [0, 0, 1, 1], [], []>, transpose_lhs_hint = false} : vector<2000x128xf32>, vector<128x128xf32>, vector<2000x128xf32> -> vector<2000x128xf32>
    %get3A_187 = arith.constant 0 : index
    %get3A_188 = arith.constant 0 : index
    %get3A_189 = vector.load %arg4[%get3A_187, %get3A_188] : memref<1x128xf32, #tpu.memory_space<vmem>>, vector<1x128xf32>
    %add3A_190 = vector.broadcast %get3A_189 : vector<1x128xf32> to vector<2000x128xf32>
    %add3A_191 = arith.addf %dot_general3A_186, %add3A_190 : vector<2000x128xf32>
    %max3A_192 = arith.constant 0.000000e+00 : f32
    %max3A_193 = vector.broadcast %max3A_192 : f32 to vector<2000x128xf32>
    %max3A_194 = arith.maximumf %add3A_191, %max3A_193 : vector<2000x128xf32>
    %get3A_195 = arith.constant 0 : index
    %get3A_196 = arith.constant 0 : index
    %get3A_197 = vector.load %arg5[%get3A_195, %get3A_196] : memref<128x128xf32, #tpu.memory_space<vmem>>, vector<128x128xf32>
    %dot_general3A_198 = arith.constant dense<0.000000e+00> : vector<2000x128xf32>
    %dot_general3A_199 = tpu.matmul %max3A_194, %get3A_197, %dot_general3A_198 {dimension_numbers = #tpu.dot_dimension_numbers<[1], [0], [0], [1], [0, 0, 1, 1], [], []>, transpose_lhs_hint = false} : vector<2000x128xf32>, vector<128x128xf32>, vector<2000x128xf32> -> vector<2000x128xf32>
    %get3A_200 = arith.constant 0 : index
    %get3A_201 = arith.constant 0 : index
    %get3A_202 = vector.load %arg6[%get3A_200, %get3A_201] : memref<1x128xf32, #tpu.memory_space<vmem>>, vector<1x128xf32>
    %add3A_203 = vector.broadcast %get3A_202 : vector<1x128xf32> to vector<2000x128xf32>
    %add3A_204 = arith.addf %dot_general3A_199, %add3A_203 : vector<2000x128xf32>
    %max3A_205 = arith.constant 0.000000e+00 : f32
    %max3A_206 = vector.broadcast %max3A_205 : f32 to vector<2000x128xf32>
    %max3A_207 = arith.maximumf %add3A_204, %max3A_206 : vector<2000x128xf32>
    %get3A_208 = arith.constant 0 : index
    %get3A_209 = arith.constant 0 : index
    %get3A_210 = vector.load %arg7[%get3A_208, %get3A_209] : memref<128x256xf32, #tpu.memory_space<vmem>>, vector<128x256xf32>
    %dot_general3A_211 = arith.constant dense<0.000000e+00> : vector<2000x256xf32>
    %dot_general3A_212 = tpu.matmul %max3A_207, %get3A_210, %dot_general3A_211 {dimension_numbers = #tpu.dot_dimension_numbers<[1], [0], [0], [1], [0, 0, 1, 1], [], []>, transpose_lhs_hint = false} : vector<2000x128xf32>, vector<128x256xf32>, vector<2000x256xf32> -> vector<2000x256xf32>
    %get3A_213 = arith.constant 0 : index
    %get3A_214 = arith.constant 0 : index
    %get3A_215 = vector.load %arg8[%get3A_213, %get3A_214] : memref<1x256xf32, #tpu.memory_space<vmem>>, vector<1x256xf32>
    %add3A_216 = vector.broadcast %get3A_215 : vector<1x256xf32> to vector<2000x256xf32>
    %add3A_217 = arith.addf %dot_general3A_212, %add3A_216 : vector<2000x256xf32>
    %reduce_sum3A_218 = arith.constant dense<0.000000e+00> : vector<2000xf32>
    %reduce_sum3A_219 = vector.multi_reduction <add>, %add3A_217, %reduce_sum3A_218 [1] : vector<2000x256xf32> to vector<2000xf32>
    %broadcast_in_dim3A_220 = vector.shape_cast %reduce_sum3A_219 : vector<2000xf32> to vector<2000x1xf32>
    %div3A_221 = arith.constant 2.560000e+02 : f32
    %div3A_222 = vector.broadcast %div3A_221 : f32 to vector<2000x1xf32>
    %div3A_223 = arith.divf %broadcast_in_dim3A_220, %div3A_222 : vector<2000x1xf32>
    %sub3A_224 = vector.broadcast %div3A_223 : vector<2000x1xf32> to vector<2000x256xf32>
    %sub3A_225 = arith.subf %add3A_217, %sub3A_224 : vector<2000x256xf32>
    %integer_pow3A_226 = arith.mulf %sub3A_225, %sub3A_225 : vector<2000x256xf32>
    %reduce_sum3A_227 = arith.constant dense<0.000000e+00> : vector<2000xf32>
    %reduce_sum3A_228 = vector.multi_reduction <add>, %integer_pow3A_226, %reduce_sum3A_227 [1] : vector<2000x256xf32> to vector<2000xf32>
    %broadcast_in_dim3A_229 = vector.shape_cast %reduce_sum3A_228 : vector<2000xf32> to vector<2000x1xf32>
    %div3A_230 = arith.constant 2.560000e+02 : f32
    %div3A_231 = vector.broadcast %div3A_230 : f32 to vector<2000x1xf32>
    %div3A_232 = arith.divf %broadcast_in_dim3A_229, %div3A_231 : vector<2000x1xf32>
    %sub3A_233 = vector.broadcast %div3A_223 : vector<2000x1xf32> to vector<2000x256xf32>
    %sub3A_234 = arith.subf %add3A_217, %sub3A_233 : vector<2000x256xf32>
    %add3A_235 = arith.constant 9.99999974E-6 : f32
    %add3A_236 = vector.broadcast %add3A_235 : f32 to vector<2000x1xf32>
    %add3A_237 = arith.addf %div3A_232, %add3A_236 : vector<2000x1xf32>
    %rsqrt3A_238 = math.rsqrt %add3A_237 : vector<2000x1xf32>
    %mul3A_239 = vector.broadcast %rsqrt3A_238 : vector<2000x1xf32> to vector<2000x256xf32>
    %mul3A_240 = arith.mulf %sub3A_234, %mul3A_239 : vector<2000x256xf32>
    %get3A_241 = arith.constant 0 : index
    %get3A_242 = arith.constant 0 : index
    %get3A_243 = vector.load %arg9[%get3A_241, %get3A_242] : memref<1x256xf32, #tpu.memory_space<vmem>>, vector<1x256xf32>
    %mul3A_244 = vector.broadcast %get3A_243 : vector<1x256xf32> to vector<2000x256xf32>
    %mul3A_245 = arith.mulf %mul3A_240, %mul3A_244 : vector<2000x256xf32>
    %get3A_246 = arith.constant 0 : index
    %get3A_247 = arith.constant 0 : index
    %get3A_248 = vector.load %arg10[%get3A_246, %get3A_247] : memref<1x256xf32, #tpu.memory_space<vmem>>, vector<1x256xf32>
    %add3A_249 = vector.broadcast %get3A_248 : vector<1x256xf32> to vector<2000x256xf32>
    %add3A_250 = arith.addf %mul3A_245, %add3A_249 : vector<2000x256xf32>
    %get3A_251 = arith.constant 0 : index
    %get3A_252 = arith.constant 0 : index
    %get3A_253 = vector.load %arg2[%get3A_251, %get3A_252] : memref<2000x128xf32, #tpu.memory_space<vmem>>, vector<2000x128xf32>
    %get3A_254 = arith.constant 2 : index
    %get3A_255 = arith.constant 0 : index
    %get3A_256 = arith.constant 0 : index
    %get3A_257 = vector.load %arg11[%get3A_254, %get3A_255, %get3A_256] : memref<8x128x256xf32, #tpu.memory_space<vmem>>, vector<1x128x256xf32>
    %get3A_258 = vector.shape_cast %get3A_257 : vector<1x128x256xf32> to vector<128x256xf32>
    %dot_general3A_259 = arith.constant dense<0.000000e+00> : vector<2000x256xf32>
    %dot_general3A_260 = tpu.matmul %get3A_253, %get3A_258, %dot_general3A_259 {dimension_numbers = #tpu.dot_dimension_numbers<[1], [0], [0], [1], [0, 0, 1, 1], [], []>, transpose_lhs_hint = false} : vector<2000x128xf32>, vector<128x256xf32>, vector<2000x256xf32> -> vector<2000x256xf32>
    %mul3A_261 = arith.mulf %dot_general3A_260, %add3A_250 : vector<2000x256xf32>
    %get3A_262 = arith.constant 2 : index
    %get3A_263 = arith.constant 0 : index
    %get3A_264 = arith.constant 0 : index
    %get3A_265 = vector.load %arg12[%get3A_262, %get3A_263, %get3A_264] : memref<8x256x128xf32, #tpu.memory_space<vmem>>, vector<1x256x128xf32>
    %get3A_266 = vector.shape_cast %get3A_265 : vector<1x256x128xf32> to vector<256x128xf32>
    %dot_general3A_267 = arith.constant dense<0.000000e+00> : vector<2000x128xf32>
    %dot_general3A_268 = tpu.matmul %mul3A_261, %get3A_266, %dot_general3A_267 {dimension_numbers = #tpu.dot_dimension_numbers<[1], [0], [0], [1], [0, 0, 1, 1], [], []>, transpose_lhs_hint = false} : vector<2000x256xf32>, vector<256x128xf32>, vector<2000x128xf32> -> vector<2000x128xf32>
    %add3A_269 = arith.addf %add3A_176, %dot_general3A_268 : vector<2000x128xf32>
    %get3A_270 = arith.constant 0 : index
    %get3A_271 = arith.constant 0 : index
    %get3A_272 = vector.load %arg1[%get3A_270, %get3A_271] : memref<2000x128xf32, #tpu.memory_space<vmem>>, vector<2000x128xf32>
    %get3A_273 = arith.constant 3 : index
    %get3A_274 = arith.constant 0 : index
    %get3A_275 = arith.constant 0 : index
    %get3A_276 = vector.load %arg3[%get3A_273, %get3A_274, %get3A_275] : memref<8x128x128xf32, #tpu.memory_space<vmem>>, vector<1x128x128xf32>
    %get3A_277 = vector.shape_cast %get3A_276 : vector<1x128x128xf32> to vector<128x128xf32>
    %dot_general3A_278 = arith.constant dense<0.000000e+00> : vector<2000x128xf32>
    %dot_general3A_279 = tpu.matmul %get3A_272, %get3A_277, %dot_general3A_278 {dimension_numbers = #tpu.dot_dimension_numbers<[1], [0], [0], [1], [0, 0, 1, 1], [], []>, transpose_lhs_hint = false} : vector<2000x128xf32>, vector<128x128xf32>, vector<2000x128xf32> -> vector<2000x128xf32>
    %get3A_280 = arith.constant 0 : index
    %get3A_281 = arith.constant 0 : index
    %get3A_282 = vector.load %arg4[%get3A_280, %get3A_281] : memref<1x128xf32, #tpu.memory_space<vmem>>, vector<1x128xf32>
    %add3A_283 = vector.broadcast %get3A_282 : vector<1x128xf32> to vector<2000x128xf32>
    %add3A_284 = arith.addf %dot_general3A_279, %add3A_283 : vector<2000x128xf32>
    %max3A_285 = arith.constant 0.000000e+00 : f32
    %max3A_286 = vector.broadcast %max3A_285 : f32 to vector<2000x128xf32>
    %max3A_287 = arith.maximumf %add3A_284, %max3A_286 : vector<2000x128xf32>
    %get3A_288 = arith.constant 0 : index
    %get3A_289 = arith.constant 0 : index
    %get3A_290 = vector.load %arg5[%get3A_288, %get3A_289] : memref<128x128xf32, #tpu.memory_space<vmem>>, vector<128x128xf32>
    %dot_general3A_291 = arith.constant dense<0.000000e+00> : vector<2000x128xf32>
    %dot_general3A_292 = tpu.matmul %max3A_287, %get3A_290, %dot_general3A_291 {dimension_numbers = #tpu.dot_dimension_numbers<[1], [0], [0], [1], [0, 0, 1, 1], [], []>, transpose_lhs_hint = false} : vector<2000x128xf32>, vector<128x128xf32>, vector<2000x128xf32> -> vector<2000x128xf32>
    %get3A_293 = arith.constant 0 : index
    %get3A_294 = arith.constant 0 : index
    %get3A_295 = vector.load %arg6[%get3A_293, %get3A_294] : memref<1x128xf32, #tpu.memory_space<vmem>>, vector<1x128xf32>
    %add3A_296 = vector.broadcast %get3A_295 : vector<1x128xf32> to vector<2000x128xf32>
    %add3A_297 = arith.addf %dot_general3A_292, %add3A_296 : vector<2000x128xf32>
    %max3A_298 = arith.constant 0.000000e+00 : f32
    %max3A_299 = vector.broadcast %max3A_298 : f32 to vector<2000x128xf32>
    %max3A_300 = arith.maximumf %add3A_297, %max3A_299 : vector<2000x128xf32>
    %get3A_301 = arith.constant 0 : index
    %get3A_302 = arith.constant 0 : index
    %get3A_303 = vector.load %arg7[%get3A_301, %get3A_302] : memref<128x256xf32, #tpu.memory_space<vmem>>, vector<128x256xf32>
    %dot_general3A_304 = arith.constant dense<0.000000e+00> : vector<2000x256xf32>
    %dot_general3A_305 = tpu.matmul %max3A_300, %get3A_303, %dot_general3A_304 {dimension_numbers = #tpu.dot_dimension_numbers<[1], [0], [0], [1], [0, 0, 1, 1], [], []>, transpose_lhs_hint = false} : vector<2000x128xf32>, vector<128x256xf32>, vector<2000x256xf32> -> vector<2000x256xf32>
    %get3A_306 = arith.constant 0 : index
    %get3A_307 = arith.constant 0 : index
    %get3A_308 = vector.load %arg8[%get3A_306, %get3A_307] : memref<1x256xf32, #tpu.memory_space<vmem>>, vector<1x256xf32>
    %add3A_309 = vector.broadcast %get3A_308 : vector<1x256xf32> to vector<2000x256xf32>
    %add3A_310 = arith.addf %dot_general3A_305, %add3A_309 : vector<2000x256xf32>
    %reduce_sum3A_311 = arith.constant dense<0.000000e+00> : vector<2000xf32>
    %reduce_sum3A_312 = vector.multi_reduction <add>, %add3A_310, %reduce_sum3A_311 [1] : vector<2000x256xf32> to vector<2000xf32>
    %broadcast_in_dim3A_313 = vector.shape_cast %reduce_sum3A_312 : vector<2000xf32> to vector<2000x1xf32>
    %div3A_314 = arith.constant 2.560000e+02 : f32
    %div3A_315 = vector.broadcast %div3A_314 : f32 to vector<2000x1xf32>
    %div3A_316 = arith.divf %broadcast_in_dim3A_313, %div3A_315 : vector<2000x1xf32>
    %sub3A_317 = vector.broadcast %div3A_316 : vector<2000x1xf32> to vector<2000x256xf32>
    %sub3A_318 = arith.subf %add3A_310, %sub3A_317 : vector<2000x256xf32>
    %integer_pow3A_319 = arith.mulf %sub3A_318, %sub3A_318 : vector<2000x256xf32>
    %reduce_sum3A_320 = arith.constant dense<0.000000e+00> : vector<2000xf32>
    %reduce_sum3A_321 = vector.multi_reduction <add>, %integer_pow3A_319, %reduce_sum3A_320 [1] : vector<2000x256xf32> to vector<2000xf32>
    %broadcast_in_dim3A_322 = vector.shape_cast %reduce_sum3A_321 : vector<2000xf32> to vector<2000x1xf32>
    %div3A_323 = arith.constant 2.560000e+02 : f32
    %div3A_324 = vector.broadcast %div3A_323 : f32 to vector<2000x1xf32>
    %div3A_325 = arith.divf %broadcast_in_dim3A_322, %div3A_324 : vector<2000x1xf32>
    %sub3A_326 = vector.broadcast %div3A_316 : vector<2000x1xf32> to vector<2000x256xf32>
    %sub3A_327 = arith.subf %add3A_310, %sub3A_326 : vector<2000x256xf32>
    %add3A_328 = arith.constant 9.99999974E-6 : f32
    %add3A_329 = vector.broadcast %add3A_328 : f32 to vector<2000x1xf32>
    %add3A_330 = arith.addf %div3A_325, %add3A_329 : vector<2000x1xf32>
    %rsqrt3A_331 = math.rsqrt %add3A_330 : vector<2000x1xf32>
    %mul3A_332 = vector.broadcast %rsqrt3A_331 : vector<2000x1xf32> to vector<2000x256xf32>
    %mul3A_333 = arith.mulf %sub3A_327, %mul3A_332 : vector<2000x256xf32>
    %get3A_334 = arith.constant 0 : index
    %get3A_335 = arith.constant 0 : index
    %get3A_336 = vector.load %arg9[%get3A_334, %get3A_335] : memref<1x256xf32, #tpu.memory_space<vmem>>, vector<1x256xf32>
    %mul3A_337 = vector.broadcast %get3A_336 : vector<1x256xf32> to vector<2000x256xf32>
    %mul3A_338 = arith.mulf %mul3A_333, %mul3A_337 : vector<2000x256xf32>
    %get3A_339 = arith.constant 0 : index
    %get3A_340 = arith.constant 0 : index
    %get3A_341 = vector.load %arg10[%get3A_339, %get3A_340] : memref<1x256xf32, #tpu.memory_space<vmem>>, vector<1x256xf32>
    %add3A_342 = vector.broadcast %get3A_341 : vector<1x256xf32> to vector<2000x256xf32>
    %add3A_343 = arith.addf %mul3A_338, %add3A_342 : vector<2000x256xf32>
    %get3A_344 = arith.constant 0 : index
    %get3A_345 = arith.constant 0 : index
    %get3A_346 = vector.load %arg2[%get3A_344, %get3A_345] : memref<2000x128xf32, #tpu.memory_space<vmem>>, vector<2000x128xf32>
    %get3A_347 = arith.constant 3 : index
    %get3A_348 = arith.constant 0 : index
    %get3A_349 = arith.constant 0 : index
    %get3A_350 = vector.load %arg11[%get3A_347, %get3A_348, %get3A_349] : memref<8x128x256xf32, #tpu.memory_space<vmem>>, vector<1x128x256xf32>
    %get3A_351 = vector.shape_cast %get3A_350 : vector<1x128x256xf32> to vector<128x256xf32>
    %dot_general3A_352 = arith.constant dense<0.000000e+00> : vector<2000x256xf32>
    %dot_general3A_353 = tpu.matmul %get3A_346, %get3A_351, %dot_general3A_352 {dimension_numbers = #tpu.dot_dimension_numbers<[1], [0], [0], [1], [0, 0, 1, 1], [], []>, transpose_lhs_hint = false} : vector<2000x128xf32>, vector<128x256xf32>, vector<2000x256xf32> -> vector<2000x256xf32>
    %mul3A_354 = arith.mulf %dot_general3A_353, %add3A_343 : vector<2000x256xf32>
    %get3A_355 = arith.constant 3 : index
    %get3A_356 = arith.constant 0 : index
    %get3A_357 = arith.constant 0 : index
    %get3A_358 = vector.load %arg12[%get3A_355, %get3A_356, %get3A_357] : memref<8x256x128xf32, #tpu.memory_space<vmem>>, vector<1x256x128xf32>
    %get3A_359 = vector.shape_cast %get3A_358 : vector<1x256x128xf32> to vector<256x128xf32>
    %dot_general3A_360 = arith.constant dense<0.000000e+00> : vector<2000x128xf32>
    %dot_general3A_361 = tpu.matmul %mul3A_354, %get3A_359, %dot_general3A_360 {dimension_numbers = #tpu.dot_dimension_numbers<[1], [0], [0], [1], [0, 0, 1, 1], [], []>, transpose_lhs_hint = false} : vector<2000x256xf32>, vector<256x128xf32>, vector<2000x128xf32> -> vector<2000x128xf32>
    %add3A_362 = arith.addf %add3A_269, %dot_general3A_361 : vector<2000x128xf32>
    %get3A_363 = arith.constant 0 : index
    %get3A_364 = arith.constant 0 : index
    %get3A_365 = vector.load %arg1[%get3A_363, %get3A_364] : memref<2000x128xf32, #tpu.memory_space<vmem>>, vector<2000x128xf32>
    %get3A_366 = arith.constant 4 : index
    %get3A_367 = arith.constant 0 : index
    %get3A_368 = arith.constant 0 : index
    %get3A_369 = vector.load %arg3[%get3A_366, %get3A_367, %get3A_368] : memref<8x128x128xf32, #tpu.memory_space<vmem>>, vector<1x128x128xf32>
    %get3A_370 = vector.shape_cast %get3A_369 : vector<1x128x128xf32> to vector<128x128xf32>
    %dot_general3A_371 = arith.constant dense<0.000000e+00> : vector<2000x128xf32>
    %dot_general3A_372 = tpu.matmul %get3A_365, %get3A_370, %dot_general3A_371 {dimension_numbers = #tpu.dot_dimension_numbers<[1], [0], [0], [1], [0, 0, 1, 1], [], []>, transpose_lhs_hint = false} : vector<2000x128xf32>, vector<128x128xf32>, vector<2000x128xf32> -> vector<2000x128xf32>
    %get3A_373 = arith.constant 0 : index
    %get3A_374 = arith.constant 0 : index
    %get3A_375 = vector.load %arg4[%get3A_373, %get3A_374] : memref<1x128xf32, #tpu.memory_space<vmem>>, vector<1x128xf32>
    %add3A_376 = vector.broadcast %get3A_375 : vector<1x128xf32> to vector<2000x128xf32>
    %add3A_377 = arith.addf %dot_general3A_372, %add3A_376 : vector<2000x128xf32>
    %max3A_378 = arith.constant 0.000000e+00 : f32
    %max3A_379 = vector.broadcast %max3A_378 : f32 to vector<2000x128xf32>
    %max3A_380 = arith.maximumf %add3A_377, %max3A_379 : vector<2000x128xf32>
    %get3A_381 = arith.constant 0 : index
    %get3A_382 = arith.constant 0 : index
    %get3A_383 = vector.load %arg5[%get3A_381, %get3A_382] : memref<128x128xf32, #tpu.memory_space<vmem>>, vector<128x128xf32>
    %dot_general3A_384 = arith.constant dense<0.000000e+00> : vector<2000x128xf32>
    %dot_general3A_385 = tpu.matmul %max3A_380, %get3A_383, %dot_general3A_384 {dimension_numbers = #tpu.dot_dimension_numbers<[1], [0], [0], [1], [0, 0, 1, 1], [], []>, transpose_lhs_hint = false} : vector<2000x128xf32>, vector<128x128xf32>, vector<2000x128xf32> -> vector<2000x128xf32>
    %get3A_386 = arith.constant 0 : index
    %get3A_387 = arith.constant 0 : index
    %get3A_388 = vector.load %arg6[%get3A_386, %get3A_387] : memref<1x128xf32, #tpu.memory_space<vmem>>, vector<1x128xf32>
    %add3A_389 = vector.broadcast %get3A_388 : vector<1x128xf32> to vector<2000x128xf32>
    %add3A_390 = arith.addf %dot_general3A_385, %add3A_389 : vector<2000x128xf32>
    %max3A_391 = arith.constant 0.000000e+00 : f32
    %max3A_392 = vector.broadcast %max3A_391 : f32 to vector<2000x128xf32>
    %max3A_393 = arith.maximumf %add3A_390, %max3A_392 : vector<2000x128xf32>
    %get3A_394 = arith.constant 0 : index
    %get3A_395 = arith.constant 0 : index
    %get3A_396 = vector.load %arg7[%get3A_394, %get3A_395] : memref<128x256xf32, #tpu.memory_space<vmem>>, vector<128x256xf32>
    %dot_general3A_397 = arith.constant dense<0.000000e+00> : vector<2000x256xf32>
    %dot_general3A_398 = tpu.matmul %max3A_393, %get3A_396, %dot_general3A_397 {dimension_numbers = #tpu.dot_dimension_numbers<[1], [0], [0], [1], [0, 0, 1, 1], [], []>, transpose_lhs_hint = false} : vector<2000x128xf32>, vector<128x256xf32>, vector<2000x256xf32> -> vector<2000x256xf32>
    %get3A_399 = arith.constant 0 : index
    %get3A_400 = arith.constant 0 : index
    %get3A_401 = vector.load %arg8[%get3A_399, %get3A_400] : memref<1x256xf32, #tpu.memory_space<vmem>>, vector<1x256xf32>
    %add3A_402 = vector.broadcast %get3A_401 : vector<1x256xf32> to vector<2000x256xf32>
    %add3A_403 = arith.addf %dot_general3A_398, %add3A_402 : vector<2000x256xf32>
    %reduce_sum3A_404 = arith.constant dense<0.000000e+00> : vector<2000xf32>
    %reduce_sum3A_405 = vector.multi_reduction <add>, %add3A_403, %reduce_sum3A_404 [1] : vector<2000x256xf32> to vector<2000xf32>
    %broadcast_in_dim3A_406 = vector.shape_cast %reduce_sum3A_405 : vector<2000xf32> to vector<2000x1xf32>
    %div3A_407 = arith.constant 2.560000e+02 : f32
    %div3A_408 = vector.broadcast %div3A_407 : f32 to vector<2000x1xf32>
    %div3A_409 = arith.divf %broadcast_in_dim3A_406, %div3A_408 : vector<2000x1xf32>
    %sub3A_410 = vector.broadcast %div3A_409 : vector<2000x1xf32> to vector<2000x256xf32>
    %sub3A_411 = arith.subf %add3A_403, %sub3A_410 : vector<2000x256xf32>
    %integer_pow3A_412 = arith.mulf %sub3A_411, %sub3A_411 : vector<2000x256xf32>
    %reduce_sum3A_413 = arith.constant dense<0.000000e+00> : vector<2000xf32>
    %reduce_sum3A_414 = vector.multi_reduction <add>, %integer_pow3A_412, %reduce_sum3A_413 [1] : vector<2000x256xf32> to vector<2000xf32>
    %broadcast_in_dim3A_415 = vector.shape_cast %reduce_sum3A_414 : vector<2000xf32> to vector<2000x1xf32>
    %div3A_416 = arith.constant 2.560000e+02 : f32
    %div3A_417 = vector.broadcast %div3A_416 : f32 to vector<2000x1xf32>
    %div3A_418 = arith.divf %broadcast_in_dim3A_415, %div3A_417 : vector<2000x1xf32>
    %sub3A_419 = vector.broadcast %div3A_409 : vector<2000x1xf32> to vector<2000x256xf32>
    %sub3A_420 = arith.subf %add3A_403, %sub3A_419 : vector<2000x256xf32>
    %add3A_421 = arith.constant 9.99999974E-6 : f32
    %add3A_422 = vector.broadcast %add3A_421 : f32 to vector<2000x1xf32>
    %add3A_423 = arith.addf %div3A_418, %add3A_422 : vector<2000x1xf32>
    %rsqrt3A_424 = math.rsqrt %add3A_423 : vector<2000x1xf32>
    %mul3A_425 = vector.broadcast %rsqrt3A_424 : vector<2000x1xf32> to vector<2000x256xf32>
    %mul3A_426 = arith.mulf %sub3A_420, %mul3A_425 : vector<2000x256xf32>
    %get3A_427 = arith.constant 0 : index
    %get3A_428 = arith.constant 0 : index
    %get3A_429 = vector.load %arg9[%get3A_427, %get3A_428] : memref<1x256xf32, #tpu.memory_space<vmem>>, vector<1x256xf32>
    %mul3A_430 = vector.broadcast %get3A_429 : vector<1x256xf32> to vector<2000x256xf32>
    %mul3A_431 = arith.mulf %mul3A_426, %mul3A_430 : vector<2000x256xf32>
    %get3A_432 = arith.constant 0 : index
    %get3A_433 = arith.constant 0 : index
    %get3A_434 = vector.load %arg10[%get3A_432, %get3A_433] : memref<1x256xf32, #tpu.memory_space<vmem>>, vector<1x256xf32>
    %add3A_435 = vector.broadcast %get3A_434 : vector<1x256xf32> to vector<2000x256xf32>
    %add3A_436 = arith.addf %mul3A_431, %add3A_435 : vector<2000x256xf32>
    %get3A_437 = arith.constant 0 : index
    %get3A_438 = arith.constant 0 : index
    %get3A_439 = vector.load %arg2[%get3A_437, %get3A_438] : memref<2000x128xf32, #tpu.memory_space<vmem>>, vector<2000x128xf32>
    %get3A_440 = arith.constant 4 : index
    %get3A_441 = arith.constant 0 : index
    %get3A_442 = arith.constant 0 : index
    %get3A_443 = vector.load %arg11[%get3A_440, %get3A_441, %get3A_442] : memref<8x128x256xf32, #tpu.memory_space<vmem>>, vector<1x128x256xf32>
    %get3A_444 = vector.shape_cast %get3A_443 : vector<1x128x256xf32> to vector<128x256xf32>
    %dot_general3A_445 = arith.constant dense<0.000000e+00> : vector<2000x256xf32>
    %dot_general3A_446 = tpu.matmul %get3A_439, %get3A_444, %dot_general3A_445 {dimension_numbers = #tpu.dot_dimension_numbers<[1], [0], [0], [1], [0, 0, 1, 1], [], []>, transpose_lhs_hint = false} : vector<2000x128xf32>, vector<128x256xf32>, vector<2000x256xf32> -> vector<2000x256xf32>
    %mul3A_447 = arith.mulf %dot_general3A_446, %add3A_436 : vector<2000x256xf32>
    %get3A_448 = arith.constant 4 : index
    %get3A_449 = arith.constant 0 : index
    %get3A_450 = arith.constant 0 : index
    %get3A_451 = vector.load %arg12[%get3A_448, %get3A_449, %get3A_450] : memref<8x256x128xf32, #tpu.memory_space<vmem>>, vector<1x256x128xf32>
    %get3A_452 = vector.shape_cast %get3A_451 : vector<1x256x128xf32> to vector<256x128xf32>
    %dot_general3A_453 = arith.constant dense<0.000000e+00> : vector<2000x128xf32>
    %dot_general3A_454 = tpu.matmul %mul3A_447, %get3A_452, %dot_general3A_453 {dimension_numbers = #tpu.dot_dimension_numbers<[1], [0], [0], [1], [0, 0, 1, 1], [], []>, transpose_lhs_hint = false} : vector<2000x256xf32>, vector<256x128xf32>, vector<2000x128xf32> -> vector<2000x128xf32>
    %add3A_455 = arith.addf %add3A_362, %dot_general3A_454 : vector<2000x128xf32>
    %get3A_456 = arith.constant 0 : index
    %get3A_457 = arith.constant 0 : index
    %get3A_458 = vector.load %arg1[%get3A_456, %get3A_457] : memref<2000x128xf32, #tpu.memory_space<vmem>>, vector<2000x128xf32>
    %get3A_459 = arith.constant 5 : index
    %get3A_460 = arith.constant 0 : index
    %get3A_461 = arith.constant 0 : index
    %get3A_462 = vector.load %arg3[%get3A_459, %get3A_460, %get3A_461] : memref<8x128x128xf32, #tpu.memory_space<vmem>>, vector<1x128x128xf32>
    %get3A_463 = vector.shape_cast %get3A_462 : vector<1x128x128xf32> to vector<128x128xf32>
    %dot_general3A_464 = arith.constant dense<0.000000e+00> : vector<2000x128xf32>
    %dot_general3A_465 = tpu.matmul %get3A_458, %get3A_463, %dot_general3A_464 {dimension_numbers = #tpu.dot_dimension_numbers<[1], [0], [0], [1], [0, 0, 1, 1], [], []>, transpose_lhs_hint = false} : vector<2000x128xf32>, vector<128x128xf32>, vector<2000x128xf32> -> vector<2000x128xf32>
    %get3A_466 = arith.constant 0 : index
    %get3A_467 = arith.constant 0 : index
    %get3A_468 = vector.load %arg4[%get3A_466, %get3A_467] : memref<1x128xf32, #tpu.memory_space<vmem>>, vector<1x128xf32>
    %add3A_469 = vector.broadcast %get3A_468 : vector<1x128xf32> to vector<2000x128xf32>
    %add3A_470 = arith.addf %dot_general3A_465, %add3A_469 : vector<2000x128xf32>
    %max3A_471 = arith.constant 0.000000e+00 : f32
    %max3A_472 = vector.broadcast %max3A_471 : f32 to vector<2000x128xf32>
    %max3A_473 = arith.maximumf %add3A_470, %max3A_472 : vector<2000x128xf32>
    %get3A_474 = arith.constant 0 : index
    %get3A_475 = arith.constant 0 : index
    %get3A_476 = vector.load %arg5[%get3A_474, %get3A_475] : memref<128x128xf32, #tpu.memory_space<vmem>>, vector<128x128xf32>
    %dot_general3A_477 = arith.constant dense<0.000000e+00> : vector<2000x128xf32>
    %dot_general3A_478 = tpu.matmul %max3A_473, %get3A_476, %dot_general3A_477 {dimension_numbers = #tpu.dot_dimension_numbers<[1], [0], [0], [1], [0, 0, 1, 1], [], []>, transpose_lhs_hint = false} : vector<2000x128xf32>, vector<128x128xf32>, vector<2000x128xf32> -> vector<2000x128xf32>
    %get3A_479 = arith.constant 0 : index
    %get3A_480 = arith.constant 0 : index
    %get3A_481 = vector.load %arg6[%get3A_479, %get3A_480] : memref<1x128xf32, #tpu.memory_space<vmem>>, vector<1x128xf32>
    %add3A_482 = vector.broadcast %get3A_481 : vector<1x128xf32> to vector<2000x128xf32>
    %add3A_483 = arith.addf %dot_general3A_478, %add3A_482 : vector<2000x128xf32>
    %max3A_484 = arith.constant 0.000000e+00 : f32
    %max3A_485 = vector.broadcast %max3A_484 : f32 to vector<2000x128xf32>
    %max3A_486 = arith.maximumf %add3A_483, %max3A_485 : vector<2000x128xf32>
    %get3A_487 = arith.constant 0 : index
    %get3A_488 = arith.constant 0 : index
    %get3A_489 = vector.load %arg7[%get3A_487, %get3A_488] : memref<128x256xf32, #tpu.memory_space<vmem>>, vector<128x256xf32>
    %dot_general3A_490 = arith.constant dense<0.000000e+00> : vector<2000x256xf32>
    %dot_general3A_491 = tpu.matmul %max3A_486, %get3A_489, %dot_general3A_490 {dimension_numbers = #tpu.dot_dimension_numbers<[1], [0], [0], [1], [0, 0, 1, 1], [], []>, transpose_lhs_hint = false} : vector<2000x128xf32>, vector<128x256xf32>, vector<2000x256xf32> -> vector<2000x256xf32>
    %get3A_492 = arith.constant 0 : index
    %get3A_493 = arith.constant 0 : index
    %get3A_494 = vector.load %arg8[%get3A_492, %get3A_493] : memref<1x256xf32, #tpu.memory_space<vmem>>, vector<1x256xf32>
    %add3A_495 = vector.broadcast %get3A_494 : vector<1x256xf32> to vector<2000x256xf32>
    %add3A_496 = arith.addf %dot_general3A_491, %add3A_495 : vector<2000x256xf32>
    %reduce_sum3A_497 = arith.constant dense<0.000000e+00> : vector<2000xf32>
    %reduce_sum3A_498 = vector.multi_reduction <add>, %add3A_496, %reduce_sum3A_497 [1] : vector<2000x256xf32> to vector<2000xf32>
    %broadcast_in_dim3A_499 = vector.shape_cast %reduce_sum3A_498 : vector<2000xf32> to vector<2000x1xf32>
    %div3A_500 = arith.constant 2.560000e+02 : f32
    %div3A_501 = vector.broadcast %div3A_500 : f32 to vector<2000x1xf32>
    %div3A_502 = arith.divf %broadcast_in_dim3A_499, %div3A_501 : vector<2000x1xf32>
    %sub3A_503 = vector.broadcast %div3A_502 : vector<2000x1xf32> to vector<2000x256xf32>
    %sub3A_504 = arith.subf %add3A_496, %sub3A_503 : vector<2000x256xf32>
    %integer_pow3A_505 = arith.mulf %sub3A_504, %sub3A_504 : vector<2000x256xf32>
    %reduce_sum3A_506 = arith.constant dense<0.000000e+00> : vector<2000xf32>
    %reduce_sum3A_507 = vector.multi_reduction <add>, %integer_pow3A_505, %reduce_sum3A_506 [1] : vector<2000x256xf32> to vector<2000xf32>
    %broadcast_in_dim3A_508 = vector.shape_cast %reduce_sum3A_507 : vector<2000xf32> to vector<2000x1xf32>
    %div3A_509 = arith.constant 2.560000e+02 : f32
    %div3A_510 = vector.broadcast %div3A_509 : f32 to vector<2000x1xf32>
    %div3A_511 = arith.divf %broadcast_in_dim3A_508, %div3A_510 : vector<2000x1xf32>
    %sub3A_512 = vector.broadcast %div3A_502 : vector<2000x1xf32> to vector<2000x256xf32>
    %sub3A_513 = arith.subf %add3A_496, %sub3A_512 : vector<2000x256xf32>
    %add3A_514 = arith.constant 9.99999974E-6 : f32
    %add3A_515 = vector.broadcast %add3A_514 : f32 to vector<2000x1xf32>
    %add3A_516 = arith.addf %div3A_511, %add3A_515 : vector<2000x1xf32>
    %rsqrt3A_517 = math.rsqrt %add3A_516 : vector<2000x1xf32>
    %mul3A_518 = vector.broadcast %rsqrt3A_517 : vector<2000x1xf32> to vector<2000x256xf32>
    %mul3A_519 = arith.mulf %sub3A_513, %mul3A_518 : vector<2000x256xf32>
    %get3A_520 = arith.constant 0 : index
    %get3A_521 = arith.constant 0 : index
    %get3A_522 = vector.load %arg9[%get3A_520, %get3A_521] : memref<1x256xf32, #tpu.memory_space<vmem>>, vector<1x256xf32>
    %mul3A_523 = vector.broadcast %get3A_522 : vector<1x256xf32> to vector<2000x256xf32>
    %mul3A_524 = arith.mulf %mul3A_519, %mul3A_523 : vector<2000x256xf32>
    %get3A_525 = arith.constant 0 : index
    %get3A_526 = arith.constant 0 : index
    %get3A_527 = vector.load %arg10[%get3A_525, %get3A_526] : memref<1x256xf32, #tpu.memory_space<vmem>>, vector<1x256xf32>
    %add3A_528 = vector.broadcast %get3A_527 : vector<1x256xf32> to vector<2000x256xf32>
    %add3A_529 = arith.addf %mul3A_524, %add3A_528 : vector<2000x256xf32>
    %get3A_530 = arith.constant 0 : index
    %get3A_531 = arith.constant 0 : index
    %get3A_532 = vector.load %arg2[%get3A_530, %get3A_531] : memref<2000x128xf32, #tpu.memory_space<vmem>>, vector<2000x128xf32>
    %get3A_533 = arith.constant 5 : index
    %get3A_534 = arith.constant 0 : index
    %get3A_535 = arith.constant 0 : index
    %get3A_536 = vector.load %arg11[%get3A_533, %get3A_534, %get3A_535] : memref<8x128x256xf32, #tpu.memory_space<vmem>>, vector<1x128x256xf32>
    %get3A_537 = vector.shape_cast %get3A_536 : vector<1x128x256xf32> to vector<128x256xf32>
    %dot_general3A_538 = arith.constant dense<0.000000e+00> : vector<2000x256xf32>
    %dot_general3A_539 = tpu.matmul %get3A_532, %get3A_537, %dot_general3A_538 {dimension_numbers = #tpu.dot_dimension_numbers<[1], [0], [0], [1], [0, 0, 1, 1], [], []>, transpose_lhs_hint = false} : vector<2000x128xf32>, vector<128x256xf32>, vector<2000x256xf32> -> vector<2000x256xf32>
    %mul3A_540 = arith.mulf %dot_general3A_539, %add3A_529 : vector<2000x256xf32>
    %get3A_541 = arith.constant 5 : index
    %get3A_542 = arith.constant 0 : index
    %get3A_543 = arith.constant 0 : index
    %get3A_544 = vector.load %arg12[%get3A_541, %get3A_542, %get3A_543] : memref<8x256x128xf32, #tpu.memory_space<vmem>>, vector<1x256x128xf32>
    %get3A_545 = vector.shape_cast %get3A_544 : vector<1x256x128xf32> to vector<256x128xf32>
    %dot_general3A_546 = arith.constant dense<0.000000e+00> : vector<2000x128xf32>
    %dot_general3A_547 = tpu.matmul %mul3A_540, %get3A_545, %dot_general3A_546 {dimension_numbers = #tpu.dot_dimension_numbers<[1], [0], [0], [1], [0, 0, 1, 1], [], []>, transpose_lhs_hint = false} : vector<2000x256xf32>, vector<256x128xf32>, vector<2000x128xf32> -> vector<2000x128xf32>
    %add3A_548 = arith.addf %add3A_455, %dot_general3A_547 : vector<2000x128xf32>
    %get3A_549 = arith.constant 0 : index
    %get3A_550 = arith.constant 0 : index
    %get3A_551 = vector.load %arg1[%get3A_549, %get3A_550] : memref<2000x128xf32, #tpu.memory_space<vmem>>, vector<2000x128xf32>
    %get3A_552 = arith.constant 6 : index
    %get3A_553 = arith.constant 0 : index
    %get3A_554 = arith.constant 0 : index
    %get3A_555 = vector.load %arg3[%get3A_552, %get3A_553, %get3A_554] : memref<8x128x128xf32, #tpu.memory_space<vmem>>, vector<1x128x128xf32>
    %get3A_556 = vector.shape_cast %get3A_555 : vector<1x128x128xf32> to vector<128x128xf32>
    %dot_general3A_557 = arith.constant dense<0.000000e+00> : vector<2000x128xf32>
    %dot_general3A_558 = tpu.matmul %get3A_551, %get3A_556, %dot_general3A_557 {dimension_numbers = #tpu.dot_dimension_numbers<[1], [0], [0], [1], [0, 0, 1, 1], [], []>, transpose_lhs_hint = false} : vector<2000x128xf32>, vector<128x128xf32>, vector<2000x128xf32> -> vector<2000x128xf32>
    %get3A_559 = arith.constant 0 : index
    %get3A_560 = arith.constant 0 : index
    %get3A_561 = vector.load %arg4[%get3A_559, %get3A_560] : memref<1x128xf32, #tpu.memory_space<vmem>>, vector<1x128xf32>
    %add3A_562 = vector.broadcast %get3A_561 : vector<1x128xf32> to vector<2000x128xf32>
    %add3A_563 = arith.addf %dot_general3A_558, %add3A_562 : vector<2000x128xf32>
    %max3A_564 = arith.constant 0.000000e+00 : f32
    %max3A_565 = vector.broadcast %max3A_564 : f32 to vector<2000x128xf32>
    %max3A_566 = arith.maximumf %add3A_563, %max3A_565 : vector<2000x128xf32>
    %get3A_567 = arith.constant 0 : index
    %get3A_568 = arith.constant 0 : index
    %get3A_569 = vector.load %arg5[%get3A_567, %get3A_568] : memref<128x128xf32, #tpu.memory_space<vmem>>, vector<128x128xf32>
    %dot_general3A_570 = arith.constant dense<0.000000e+00> : vector<2000x128xf32>
    %dot_general3A_571 = tpu.matmul %max3A_566, %get3A_569, %dot_general3A_570 {dimension_numbers = #tpu.dot_dimension_numbers<[1], [0], [0], [1], [0, 0, 1, 1], [], []>, transpose_lhs_hint = false} : vector<2000x128xf32>, vector<128x128xf32>, vector<2000x128xf32> -> vector<2000x128xf32>
    %get3A_572 = arith.constant 0 : index
    %get3A_573 = arith.constant 0 : index
    %get3A_574 = vector.load %arg6[%get3A_572, %get3A_573] : memref<1x128xf32, #tpu.memory_space<vmem>>, vector<1x128xf32>
    %add3A_575 = vector.broadcast %get3A_574 : vector<1x128xf32> to vector<2000x128xf32>
    %add3A_576 = arith.addf %dot_general3A_571, %add3A_575 : vector<2000x128xf32>
    %max3A_577 = arith.constant 0.000000e+00 : f32
    %max3A_578 = vector.broadcast %max3A_577 : f32 to vector<2000x128xf32>
    %max3A_579 = arith.maximumf %add3A_576, %max3A_578 : vector<2000x128xf32>
    %get3A_580 = arith.constant 0 : index
    %get3A_581 = arith.constant 0 : index
    %get3A_582 = vector.load %arg7[%get3A_580, %get3A_581] : memref<128x256xf32, #tpu.memory_space<vmem>>, vector<128x256xf32>
    %dot_general3A_583 = arith.constant dense<0.000000e+00> : vector<2000x256xf32>
    %dot_general3A_584 = tpu.matmul %max3A_579, %get3A_582, %dot_general3A_583 {dimension_numbers = #tpu.dot_dimension_numbers<[1], [0], [0], [1], [0, 0, 1, 1], [], []>, transpose_lhs_hint = false} : vector<2000x128xf32>, vector<128x256xf32>, vector<2000x256xf32> -> vector<2000x256xf32>
    %get3A_585 = arith.constant 0 : index
    %get3A_586 = arith.constant 0 : index
    %get3A_587 = vector.load %arg8[%get3A_585, %get3A_586] : memref<1x256xf32, #tpu.memory_space<vmem>>, vector<1x256xf32>
    %add3A_588 = vector.broadcast %get3A_587 : vector<1x256xf32> to vector<2000x256xf32>
    %add3A_589 = arith.addf %dot_general3A_584, %add3A_588 : vector<2000x256xf32>
    %reduce_sum3A_590 = arith.constant dense<0.000000e+00> : vector<2000xf32>
    %reduce_sum3A_591 = vector.multi_reduction <add>, %add3A_589, %reduce_sum3A_590 [1] : vector<2000x256xf32> to vector<2000xf32>
    %broadcast_in_dim3A_592 = vector.shape_cast %reduce_sum3A_591 : vector<2000xf32> to vector<2000x1xf32>
    %div3A_593 = arith.constant 2.560000e+02 : f32
    %div3A_594 = vector.broadcast %div3A_593 : f32 to vector<2000x1xf32>
    %div3A_595 = arith.divf %broadcast_in_dim3A_592, %div3A_594 : vector<2000x1xf32>
    %sub3A_596 = vector.broadcast %div3A_595 : vector<2000x1xf32> to vector<2000x256xf32>
    %sub3A_597 = arith.subf %add3A_589, %sub3A_596 : vector<2000x256xf32>
    %integer_pow3A_598 = arith.mulf %sub3A_597, %sub3A_597 : vector<2000x256xf32>
    %reduce_sum3A_599 = arith.constant dense<0.000000e+00> : vector<2000xf32>
    %reduce_sum3A_600 = vector.multi_reduction <add>, %integer_pow3A_598, %reduce_sum3A_599 [1] : vector<2000x256xf32> to vector<2000xf32>
    %broadcast_in_dim3A_601 = vector.shape_cast %reduce_sum3A_600 : vector<2000xf32> to vector<2000x1xf32>
    %div3A_602 = arith.constant 2.560000e+02 : f32
    %div3A_603 = vector.broadcast %div3A_602 : f32 to vector<2000x1xf32>
    %div3A_604 = arith.divf %broadcast_in_dim3A_601, %div3A_603 : vector<2000x1xf32>
    %sub3A_605 = vector.broadcast %div3A_595 : vector<2000x1xf32> to vector<2000x256xf32>
    %sub3A_606 = arith.subf %add3A_589, %sub3A_605 : vector<2000x256xf32>
    %add3A_607 = arith.constant 9.99999974E-6 : f32
    %add3A_608 = vector.broadcast %add3A_607 : f32 to vector<2000x1xf32>
    %add3A_609 = arith.addf %div3A_604, %add3A_608 : vector<2000x1xf32>
    %rsqrt3A_610 = math.rsqrt %add3A_609 : vector<2000x1xf32>
    %mul3A_611 = vector.broadcast %rsqrt3A_610 : vector<2000x1xf32> to vector<2000x256xf32>
    %mul3A_612 = arith.mulf %sub3A_606, %mul3A_611 : vector<2000x256xf32>
    %get3A_613 = arith.constant 0 : index
    %get3A_614 = arith.constant 0 : index
    %get3A_615 = vector.load %arg9[%get3A_613, %get3A_614] : memref<1x256xf32, #tpu.memory_space<vmem>>, vector<1x256xf32>
    %mul3A_616 = vector.broadcast %get3A_615 : vector<1x256xf32> to vector<2000x256xf32>
    %mul3A_617 = arith.mulf %mul3A_612, %mul3A_616 : vector<2000x256xf32>
    %get3A_618 = arith.constant 0 : index
    %get3A_619 = arith.constant 0 : index
    %get3A_620 = vector.load %arg10[%get3A_618, %get3A_619] : memref<1x256xf32, #tpu.memory_space<vmem>>, vector<1x256xf32>
    %add3A_621 = vector.broadcast %get3A_620 : vector<1x256xf32> to vector<2000x256xf32>
    %add3A_622 = arith.addf %mul3A_617, %add3A_621 : vector<2000x256xf32>
    %get3A_623 = arith.constant 0 : index
    %get3A_624 = arith.constant 0 : index
    %get3A_625 = vector.load %arg2[%get3A_623, %get3A_624] : memref<2000x128xf32, #tpu.memory_space<vmem>>, vector<2000x128xf32>
    %get3A_626 = arith.constant 6 : index
    %get3A_627 = arith.constant 0 : index
    %get3A_628 = arith.constant 0 : index
    %get3A_629 = vector.load %arg11[%get3A_626, %get3A_627, %get3A_628] : memref<8x128x256xf32, #tpu.memory_space<vmem>>, vector<1x128x256xf32>
    %get3A_630 = vector.shape_cast %get3A_629 : vector<1x128x256xf32> to vector<128x256xf32>
    %dot_general3A_631 = arith.constant dense<0.000000e+00> : vector<2000x256xf32>
    %dot_general3A_632 = tpu.matmul %get3A_625, %get3A_630, %dot_general3A_631 {dimension_numbers = #tpu.dot_dimension_numbers<[1], [0], [0], [1], [0, 0, 1, 1], [], []>, transpose_lhs_hint = false} : vector<2000x128xf32>, vector<128x256xf32>, vector<2000x256xf32> -> vector<2000x256xf32>
    %mul3A_633 = arith.mulf %dot_general3A_632, %add3A_622 : vector<2000x256xf32>
    %get3A_634 = arith.constant 6 : index
    %get3A_635 = arith.constant 0 : index
    %get3A_636 = arith.constant 0 : index
    %get3A_637 = vector.load %arg12[%get3A_634, %get3A_635, %get3A_636] : memref<8x256x128xf32, #tpu.memory_space<vmem>>, vector<1x256x128xf32>
    %get3A_638 = vector.shape_cast %get3A_637 : vector<1x256x128xf32> to vector<256x128xf32>
    %dot_general3A_639 = arith.constant dense<0.000000e+00> : vector<2000x128xf32>
    %dot_general3A_640 = tpu.matmul %mul3A_633, %get3A_638, %dot_general3A_639 {dimension_numbers = #tpu.dot_dimension_numbers<[1], [0], [0], [1], [0, 0, 1, 1], [], []>, transpose_lhs_hint = false} : vector<2000x256xf32>, vector<256x128xf32>, vector<2000x128xf32> -> vector<2000x128xf32>
    %add3A_641 = arith.addf %add3A_548, %dot_general3A_640 : vector<2000x128xf32>
    %get3A_642 = arith.constant 0 : index
    %get3A_643 = arith.constant 0 : index
    %get3A_644 = vector.load %arg1[%get3A_642, %get3A_643] : memref<2000x128xf32, #tpu.memory_space<vmem>>, vector<2000x128xf32>
    %get3A_645 = arith.constant 7 : index
    %get3A_646 = arith.constant 0 : index
    %get3A_647 = arith.constant 0 : index
    %get3A_648 = vector.load %arg3[%get3A_645, %get3A_646, %get3A_647] : memref<8x128x128xf32, #tpu.memory_space<vmem>>, vector<1x128x128xf32>
    %get3A_649 = vector.shape_cast %get3A_648 : vector<1x128x128xf32> to vector<128x128xf32>
    %dot_general3A_650 = arith.constant dense<0.000000e+00> : vector<2000x128xf32>
    %dot_general3A_651 = tpu.matmul %get3A_644, %get3A_649, %dot_general3A_650 {dimension_numbers = #tpu.dot_dimension_numbers<[1], [0], [0], [1], [0, 0, 1, 1], [], []>, transpose_lhs_hint = false} : vector<2000x128xf32>, vector<128x128xf32>, vector<2000x128xf32> -> vector<2000x128xf32>
    %get3A_652 = arith.constant 0 : index
    %get3A_653 = arith.constant 0 : index
    %get3A_654 = vector.load %arg4[%get3A_652, %get3A_653] : memref<1x128xf32, #tpu.memory_space<vmem>>, vector<1x128xf32>
    %add3A_655 = vector.broadcast %get3A_654 : vector<1x128xf32> to vector<2000x128xf32>
    %add3A_656 = arith.addf %dot_general3A_651, %add3A_655 : vector<2000x128xf32>
    %max3A_657 = arith.constant 0.000000e+00 : f32
    %max3A_658 = vector.broadcast %max3A_657 : f32 to vector<2000x128xf32>
    %max3A_659 = arith.maximumf %add3A_656, %max3A_658 : vector<2000x128xf32>
    %get3A_660 = arith.constant 0 : index
    %get3A_661 = arith.constant 0 : index
    %get3A_662 = vector.load %arg5[%get3A_660, %get3A_661] : memref<128x128xf32, #tpu.memory_space<vmem>>, vector<128x128xf32>
    %dot_general3A_663 = arith.constant dense<0.000000e+00> : vector<2000x128xf32>
    %dot_general3A_664 = tpu.matmul %max3A_659, %get3A_662, %dot_general3A_663 {dimension_numbers = #tpu.dot_dimension_numbers<[1], [0], [0], [1], [0, 0, 1, 1], [], []>, transpose_lhs_hint = false} : vector<2000x128xf32>, vector<128x128xf32>, vector<2000x128xf32> -> vector<2000x128xf32>
    %get3A_665 = arith.constant 0 : index
    %get3A_666 = arith.constant 0 : index
    %get3A_667 = vector.load %arg6[%get3A_665, %get3A_666] : memref<1x128xf32, #tpu.memory_space<vmem>>, vector<1x128xf32>
    %add3A_668 = vector.broadcast %get3A_667 : vector<1x128xf32> to vector<2000x128xf32>
    %add3A_669 = arith.addf %dot_general3A_664, %add3A_668 : vector<2000x128xf32>
    %max3A_670 = arith.constant 0.000000e+00 : f32
    %max3A_671 = vector.broadcast %max3A_670 : f32 to vector<2000x128xf32>
    %max3A_672 = arith.maximumf %add3A_669, %max3A_671 : vector<2000x128xf32>
    %get3A_673 = arith.constant 0 : index
    %get3A_674 = arith.constant 0 : index
    %get3A_675 = vector.load %arg7[%get3A_673, %get3A_674] : memref<128x256xf32, #tpu.memory_space<vmem>>, vector<128x256xf32>
    %dot_general3A_676 = arith.constant dense<0.000000e+00> : vector<2000x256xf32>
    %dot_general3A_677 = tpu.matmul %max3A_672, %get3A_675, %dot_general3A_676 {dimension_numbers = #tpu.dot_dimension_numbers<[1], [0], [0], [1], [0, 0, 1, 1], [], []>, transpose_lhs_hint = false} : vector<2000x128xf32>, vector<128x256xf32>, vector<2000x256xf32> -> vector<2000x256xf32>
    %get3A_678 = arith.constant 0 : index
    %get3A_679 = arith.constant 0 : index
    %get3A_680 = vector.load %arg8[%get3A_678, %get3A_679] : memref<1x256xf32, #tpu.memory_space<vmem>>, vector<1x256xf32>
    %add3A_681 = vector.broadcast %get3A_680 : vector<1x256xf32> to vector<2000x256xf32>
    %add3A_682 = arith.addf %dot_general3A_677, %add3A_681 : vector<2000x256xf32>
    %reduce_sum3A_683 = arith.constant dense<0.000000e+00> : vector<2000xf32>
    %reduce_sum3A_684 = vector.multi_reduction <add>, %add3A_682, %reduce_sum3A_683 [1] : vector<2000x256xf32> to vector<2000xf32>
    %broadcast_in_dim3A_685 = vector.shape_cast %reduce_sum3A_684 : vector<2000xf32> to vector<2000x1xf32>
    %div3A_686 = arith.constant 2.560000e+02 : f32
    %div3A_687 = vector.broadcast %div3A_686 : f32 to vector<2000x1xf32>
    %div3A_688 = arith.divf %broadcast_in_dim3A_685, %div3A_687 : vector<2000x1xf32>
    %sub3A_689 = vector.broadcast %div3A_688 : vector<2000x1xf32> to vector<2000x256xf32>
    %sub3A_690 = arith.subf %add3A_682, %sub3A_689 : vector<2000x256xf32>
    %integer_pow3A_691 = arith.mulf %sub3A_690, %sub3A_690 : vector<2000x256xf32>
    %reduce_sum3A_692 = arith.constant dense<0.000000e+00> : vector<2000xf32>
    %reduce_sum3A_693 = vector.multi_reduction <add>, %integer_pow3A_691, %reduce_sum3A_692 [1] : vector<2000x256xf32> to vector<2000xf32>
    %broadcast_in_dim3A_694 = vector.shape_cast %reduce_sum3A_693 : vector<2000xf32> to vector<2000x1xf32>
    %div3A_695 = arith.constant 2.560000e+02 : f32
    %div3A_696 = vector.broadcast %div3A_695 : f32 to vector<2000x1xf32>
    %div3A_697 = arith.divf %broadcast_in_dim3A_694, %div3A_696 : vector<2000x1xf32>
    %sub3A_698 = vector.broadcast %div3A_688 : vector<2000x1xf32> to vector<2000x256xf32>
    %sub3A_699 = arith.subf %add3A_682, %sub3A_698 : vector<2000x256xf32>
    %add3A_700 = arith.constant 9.99999974E-6 : f32
    %add3A_701 = vector.broadcast %add3A_700 : f32 to vector<2000x1xf32>
    %add3A_702 = arith.addf %div3A_697, %add3A_701 : vector<2000x1xf32>
    %rsqrt3A_703 = math.rsqrt %add3A_702 : vector<2000x1xf32>
    %mul3A_704 = vector.broadcast %rsqrt3A_703 : vector<2000x1xf32> to vector<2000x256xf32>
    %mul3A_705 = arith.mulf %sub3A_699, %mul3A_704 : vector<2000x256xf32>
    %get3A_706 = arith.constant 0 : index
    %get3A_707 = arith.constant 0 : index
    %get3A_708 = vector.load %arg9[%get3A_706, %get3A_707] : memref<1x256xf32, #tpu.memory_space<vmem>>, vector<1x256xf32>
    %mul3A_709 = vector.broadcast %get3A_708 : vector<1x256xf32> to vector<2000x256xf32>
    %mul3A_710 = arith.mulf %mul3A_705, %mul3A_709 : vector<2000x256xf32>
    %get3A_711 = arith.constant 0 : index
    %get3A_712 = arith.constant 0 : index
    %get3A_713 = vector.load %arg10[%get3A_711, %get3A_712] : memref<1x256xf32, #tpu.memory_space<vmem>>, vector<1x256xf32>
    %add3A_714 = vector.broadcast %get3A_713 : vector<1x256xf32> to vector<2000x256xf32>
    %add3A_715 = arith.addf %mul3A_710, %add3A_714 : vector<2000x256xf32>
    %get3A_716 = arith.constant 0 : index
    %get3A_717 = arith.constant 0 : index
    %get3A_718 = vector.load %arg2[%get3A_716, %get3A_717] : memref<2000x128xf32, #tpu.memory_space<vmem>>, vector<2000x128xf32>
    %get3A_719 = arith.constant 7 : index
    %get3A_720 = arith.constant 0 : index
    %get3A_721 = arith.constant 0 : index
    %get3A_722 = vector.load %arg11[%get3A_719, %get3A_720, %get3A_721] : memref<8x128x256xf32, #tpu.memory_space<vmem>>, vector<1x128x256xf32>
    %get3A_723 = vector.shape_cast %get3A_722 : vector<1x128x256xf32> to vector<128x256xf32>
    %dot_general3A_724 = arith.constant dense<0.000000e+00> : vector<2000x256xf32>
    %dot_general3A_725 = tpu.matmul %get3A_718, %get3A_723, %dot_general3A_724 {dimension_numbers = #tpu.dot_dimension_numbers<[1], [0], [0], [1], [0, 0, 1, 1], [], []>, transpose_lhs_hint = false} : vector<2000x128xf32>, vector<128x256xf32>, vector<2000x256xf32> -> vector<2000x256xf32>
    %mul3A_726 = arith.mulf %dot_general3A_725, %add3A_715 : vector<2000x256xf32>
    %get3A_727 = arith.constant 7 : index
    %get3A_728 = arith.constant 0 : index
    %get3A_729 = arith.constant 0 : index
    %get3A_730 = vector.load %arg12[%get3A_727, %get3A_728, %get3A_729] : memref<8x256x128xf32, #tpu.memory_space<vmem>>, vector<1x256x128xf32>
    %get3A_731 = vector.shape_cast %get3A_730 : vector<1x256x128xf32> to vector<256x128xf32>
    %dot_general3A_732 = arith.constant dense<0.000000e+00> : vector<2000x128xf32>
    %dot_general3A_733 = tpu.matmul %mul3A_726, %get3A_731, %dot_general3A_732 {dimension_numbers = #tpu.dot_dimension_numbers<[1], [0], [0], [1], [0, 0, 1, 1], [], []>, transpose_lhs_hint = false} : vector<2000x256xf32>, vector<256x128xf32>, vector<2000x128xf32> -> vector<2000x128xf32>
    %add3A_734 = arith.addf %add3A_641, %dot_general3A_733 : vector<2000x128xf32>
    %swap3A = arith.constant 0 : index
    %swap3A_735 = arith.constant 0 : index
    %swap3A_736 = vector.load %arg13[%swap3A, %swap3A_735] : memref<2000x128xf32, #tpu.memory_space<vmem>>, vector<2000x128xf32>
    tpu.vector_store %arg13[%swap3A, %swap3A_735], %add3A_734 {strides = array<i32>} : memref<2000x128xf32, #tpu.memory_space<vmem>>, vector<2000x128xf32>,
    return
  }
  func.func @transform_0(%arg0: i32) -> (i32, i32) {
    %c0_i32 = arith.constant 0 : i32
    %c0_i32_0 = arith.constant 0 : i32
    return %arg0, %c0_i32 : i32, i32
  }
  func.func @transform_1(%arg0: i32) -> (i32, i32) {
    %c0_i32 = arith.constant 0 : i32
    %c0_i32_0 = arith.constant 0 : i32
    return %arg0, %c0_i32 : i32, i32
  }
  func.func @transform_2(%arg0: i32) -> (i32, i32, i32) {
    %c0_i32 = arith.constant 0 : i32
    %c0_i32_0 = arith.constant 0 : i32
    %c0_i32_1 = arith.constant 0 : i32
    %c0_i32_2 = arith.constant 0 : i32
    return %c0_i32, %c0_i32_0, %c0_i32_1 : i32, i32, i32
  }
  func.func @transform_3(%arg0: i32) -> (i32, i32) {
    %c0_i32 = arith.constant 0 : i32
    %c0_i32_0 = arith.constant 0 : i32
    %c0_i32_1 = arith.constant 0 : i32
    return %c0_i32, %c0_i32_0 : i32, i32
  }
  func.func @transform_4(%arg0: i32) -> (i32, i32) {
    %c0_i32 = arith.constant 0 : i32
    %c0_i32_0 = arith.constant 0 : i32
    %c0_i32_1 = arith.constant 0 : i32
    return %c0_i32, %c0_i32_0 : i32, i32
  }
  func.func @transform_5(%arg0: i32) -> (i32, i32) {
    %c0_i32 = arith.constant 0 : i32
    %c0_i32_0 = arith.constant 0 : i32
    %c0_i32_1 = arith.constant 0 : i32
    return %c0_i32, %c0_i32_0 : i32, i32
  }
  func.func @transform_6(%arg0: i32) -> (i32, i32) {
    %c0_i32 = arith.constant 0 : i32
    %c0_i32_0 = arith.constant 0 : i32
    %c0_i32_1 = arith.constant 0 : i32
    return %c0_i32, %c0_i32_0 : i32, i32
  }
  func.func @transform_7(%arg0: i32) -> (i32, i32) {
    %c0_i32 = arith.constant 0 : i32
    %c0_i32_0 = arith.constant 0 : i32
    %c0_i32_1 = arith.constant 0 : i32
    return %c0_i32, %c0_i32_0 : i32, i32
  }
  func.func @transform_8(%arg0: i32) -> (i32, i32) {
    %c0_i32 = arith.constant 0 : i32
    %c0_i32_0 = arith.constant 0 : i32
    %c0_i32_1 = arith.constant 0 : i32
    return %c0_i32, %c0_i32_0 : i32, i32
  }
  func.func @transform_9(%arg0: i32) -> (i32, i32) {
    %c0_i32 = arith.constant 0 : i32
    %c0_i32_0 = arith.constant 0 : i32
    %c0_i32_1 = arith.constant 0 : i32
    return %c0_i32, %c0_i32_0 : i32, i32
  }
  func.func @transform_10(%arg0: i32) -> (i32, i32, i32) {
    %c0_i32 = arith.constant 0 : i32
    %c0_i32_0 = arith.constant 0 : i32
    %c0_i32_1 = arith.constant 0 : i32
    %c0_i32_2 = arith.constant 0 : i32
    return %c0_i32, %c0_i32_0, %c0_i32_1 : i32, i32, i32
  }
  func.func @transform_11(%arg0: i32) -> (i32, i32, i32) {
    %c0_i32 = arith.constant 0 : i32
    %c0_i32_0 = arith.constant 0 : i32
    %c0_i32_1 = arith.constant 0 : i32
    %c0_i32_2 = arith.constant 0 : i32
    return %c0_i32, %c0_i32_0, %c0_i32_1 : i32, i32, i32
  }
  func.func @transform_12(%arg0: i32) -> (i32, i32) {
    %c0_i32 = arith.constant 0 : i32
    %c0_i32_0 = arith.constant 0 : i32
    return %arg0, %c0_i32 : i32, i32
  }
}

module attributes {stable_mosaic.version = 14 : i64} {
  func.func @_update_body(%arg0: memref<20032x16xf32, #tpu.memory_space<vmem>>, %arg1: memref<20032x16xf32, #tpu.memory_space<vmem>>, %arg2: memref<10000x16xf32, #tpu.memory_space<vmem>>, %arg3: memref<16x16xf32, #tpu.memory_space<vmem>>, %arg4: memref<1x16xf32, #tpu.memory_space<vmem>>, %arg5: memref<1x16xf32, #tpu.memory_space<vmem>>, %arg6: memref<1x16xf32, #tpu.memory_space<vmem>>, %arg7: memref<10000x16xf32, #tpu.memory_space<vmem>>) attributes {dimension_semantics = [], scalar_prefetch = 0 : i64, scratch_operands = 0 : i64, tpu.core_type = #tpu.core_type<tc>} {
    %get3A = arith.constant 0 : index
    %get3A_0 = arith.constant 0 : index
    %get3A_1 = vector.load %arg0[%get3A, %get3A_0] : memref<20032x16xf32, #tpu.memory_space<vmem>>, vector<10000x16xf32>
    %get3A_2 = arith.constant 10016 : index
    %get3A_3 = arith.constant 0 : index
    %get3A_4 = vector.load %arg0[%get3A_2, %get3A_3] : memref<20032x16xf32, #tpu.memory_space<vmem>>, vector<10000x16xf32>
    %add3A = arith.addf %get3A_1, %get3A_4 : vector<10000x16xf32>
    %get3A_5 = arith.constant 0 : index
    %get3A_6 = arith.constant 0 : index
    %get3A_7 = vector.load %arg1[%get3A_5, %get3A_6] : memref<20032x16xf32, #tpu.memory_space<vmem>>, vector<10000x16xf32>
    %get3A_8 = arith.constant 10016 : index
    %get3A_9 = arith.constant 0 : index
    %get3A_10 = vector.load %arg1[%get3A_8, %get3A_9] : memref<20032x16xf32, #tpu.memory_space<vmem>>, vector<10000x16xf32>
    %add3A_11 = arith.addf %get3A_7, %get3A_10 : vector<10000x16xf32>
    %max3A = arith.constant 1.000000e+00 : f32
    %max3A_12 = vector.broadcast %max3A : f32 to vector<10000x16xf32>
    %max3A_13 = arith.maximumf %add3A_11, %max3A_12 : vector<10000x16xf32>
    %div3A = arith.divf %add3A, %max3A_13 : vector<10000x16xf32>
    %get3A_14 = arith.constant 0 : index
    %get3A_15 = arith.constant 0 : index
    %get3A_16 = vector.load %arg2[%get3A_14, %get3A_15] : memref<10000x16xf32, #tpu.memory_space<vmem>>, vector<10000x16xf32>
    %get3A_17 = arith.constant 0 : index
    %get3A_18 = arith.constant 0 : index
    %get3A_19 = vector.load %arg3[%get3A_17, %get3A_18] : memref<16x16xf32, #tpu.memory_space<vmem>>, vector<16x16xf32>
    %dot_general3A = arith.constant dense<0.000000e+00> : vector<10000x16xf32>
    %dot_general3A_20 = tpu.matmul %get3A_16, %get3A_19, %dot_general3A {dimension_numbers = #tpu.dot_dimension_numbers<[1], [0], [0], [1], [0, 0, 1, 1], [], []>, transpose_lhs_hint = false} : vector<10000x16xf32>, vector<16x16xf32>, vector<10000x16xf32> -> vector<10000x16xf32>
    %add3A_21 = arith.addf %div3A, %dot_general3A_20 : vector<10000x16xf32>
    %get3A_22 = arith.constant 0 : index
    %get3A_23 = arith.constant 0 : index
    %get3A_24 = vector.load %arg4[%get3A_22, %get3A_23] : memref<1x16xf32, #tpu.memory_space<vmem>>, vector<1x16xf32>
    %add3A_25 = vector.broadcast %get3A_24 : vector<1x16xf32> to vector<10000x16xf32>
    %add3A_26 = arith.addf %add3A_21, %add3A_25 : vector<10000x16xf32>
    %max3A_27 = arith.constant 0.000000e+00 : f32
    %max3A_28 = vector.broadcast %max3A_27 : f32 to vector<10000x16xf32>
    %max3A_29 = arith.maximumf %add3A_26, %max3A_28 : vector<10000x16xf32>
    %reduce_sum3A = vector.shape_cast %max3A_29 : vector<10000x16xf32> to vector<1x10000x16xf32>
    %reduce_sum3A_30 = arith.constant dense<0.000000e+00> : vector<1xf32>
    %reduce_sum3A_31 = vector.multi_reduction <add>, %reduce_sum3A, %reduce_sum3A_30 [1, 2] : vector<1x10000x16xf32> to vector<1xf32>
    %reduce_sum3A_32 = vector.shape_cast %reduce_sum3A_31 : vector<1xf32> to vector<1x1x1xf32>
    %reduce_sum3A_33 = vector.extract %reduce_sum3A_32[0, 0, 0] : f32 from vector<1x1x1xf32>
    %div3A_34 = arith.constant 1.600000e+05 : f32
    %div3A_35 = arith.divf %reduce_sum3A_33, %div3A_34 : f32
    %sub3A = vector.broadcast %div3A_35 : f32 to vector<10000x16xf32>
    %sub3A_36 = arith.subf %max3A_29, %sub3A : vector<10000x16xf32>
    %integer_pow3A = arith.mulf %sub3A_36, %sub3A_36 : vector<10000x16xf32>
    %reduce_sum3A_37 = vector.shape_cast %integer_pow3A : vector<10000x16xf32> to vector<1x10000x16xf32>
    %reduce_sum3A_38 = arith.constant dense<0.000000e+00> : vector<1xf32>
    %reduce_sum3A_39 = vector.multi_reduction <add>, %reduce_sum3A_37, %reduce_sum3A_38 [1, 2] : vector<1x10000x16xf32> to vector<1xf32>
    %reduce_sum3A_40 = vector.shape_cast %reduce_sum3A_39 : vector<1xf32> to vector<1x1x1xf32>
    %reduce_sum3A_41 = vector.extract %reduce_sum3A_40[0, 0, 0] : f32 from vector<1x1x1xf32>
    %div3A_42 = arith.constant 1.600000e+05 : f32
    %div3A_43 = arith.divf %reduce_sum3A_41, %div3A_42 : f32
    %sqrt3A = math.sqrt %div3A_43 : f32
    %sub3A_44 = vector.broadcast %div3A_35 : f32 to vector<10000x16xf32>
    %sub3A_45 = arith.subf %max3A_29, %sub3A_44 : vector<10000x16xf32>
    %add3A_46 = arith.constant 9.99999974E-6 : f32
    %add3A_47 = arith.addf %sqrt3A, %add3A_46 : f32
    %div3A_48 = vector.broadcast %add3A_47 : f32 to vector<10000x16xf32>
    %div3A_49 = arith.divf %sub3A_45, %div3A_48 : vector<10000x16xf32>
    %get3A_50 = arith.constant 0 : index
    %get3A_51 = arith.constant 0 : index
    %get3A_52 = vector.load %arg5[%get3A_50, %get3A_51] : memref<1x16xf32, #tpu.memory_space<vmem>>, vector<1x16xf32>
    %mul3A = vector.broadcast %get3A_52 : vector<1x16xf32> to vector<10000x16xf32>
    %mul3A_53 = arith.mulf %div3A_49, %mul3A : vector<10000x16xf32>
    %add3A_54 = arith.addf %get3A_16, %mul3A_53 : vector<10000x16xf32>
    %get3A_55 = arith.constant 0 : index
    %get3A_56 = arith.constant 0 : index
    %get3A_57 = vector.load %arg6[%get3A_55, %get3A_56] : memref<1x16xf32, #tpu.memory_space<vmem>>, vector<1x16xf32>
    %add3A_58 = vector.broadcast %get3A_57 : vector<1x16xf32> to vector<10000x16xf32>
    %add3A_59 = arith.addf %add3A_54, %add3A_58 : vector<10000x16xf32>
    %swap3A = arith.constant 0 : index
    %swap3A_60 = arith.constant 0 : index
    %swap3A_61 = vector.load %arg7[%swap3A, %swap3A_60] : memref<10000x16xf32, #tpu.memory_space<vmem>>, vector<10000x16xf32>
    tpu.vector_store %arg7[%swap3A, %swap3A_60], %add3A_59 {strides = array<i32>} : memref<10000x16xf32, #tpu.memory_space<vmem>>, vector<10000x16xf32>,
    return
  }
}

module attributes {stable_mosaic.version = 14 : i64} {
  func.func @_mlp4_body(%arg0: memref<10000x16xf32, #tpu.memory_space<vmem>>, %arg1: memref<16x16xf32, #tpu.memory_space<vmem>>, %arg2: memref<1x16xf32, #tpu.memory_space<vmem>>, %arg3: memref<16x16xf32, #tpu.memory_space<vmem>>, %arg4: memref<1x16xf32, #tpu.memory_space<vmem>>, %arg5: memref<16x16xf32, #tpu.memory_space<vmem>>, %arg6: memref<1x16xf32, #tpu.memory_space<vmem>>, %arg7: memref<16x128xf32, #tpu.memory_space<vmem>>, %arg8: memref<1x128xf32, #tpu.memory_space<vmem>>, %arg9: memref<10000x128xf32, #tpu.memory_space<vmem>>) attributes {dimension_semantics = [], scalar_prefetch = 0 : i64, scratch_operands = 0 : i64, tpu.core_type = #tpu.core_type<tc>} {
    %get3A = arith.constant 0 : index
    %get3A_0 = arith.constant 0 : index
    %get3A_1 = vector.load %arg0[%get3A, %get3A_0] : memref<10000x16xf32, #tpu.memory_space<vmem>>, vector<10000x16xf32>
    %get3A_2 = arith.constant 0 : index
    %get3A_3 = arith.constant 0 : index
    %get3A_4 = vector.load %arg1[%get3A_2, %get3A_3] : memref<16x16xf32, #tpu.memory_space<vmem>>, vector<16x16xf32>
    %dot_general3A = arith.constant dense<0.000000e+00> : vector<10000x16xf32>
    %dot_general3A_5 = tpu.matmul %get3A_1, %get3A_4, %dot_general3A {dimension_numbers = #tpu.dot_dimension_numbers<[1], [0], [0], [1], [0, 0, 1, 1], [], []>, transpose_lhs_hint = false} : vector<10000x16xf32>, vector<16x16xf32>, vector<10000x16xf32> -> vector<10000x16xf32>
    %get3A_6 = arith.constant 0 : index
    %get3A_7 = arith.constant 0 : index
    %get3A_8 = vector.load %arg2[%get3A_6, %get3A_7] : memref<1x16xf32, #tpu.memory_space<vmem>>, vector<1x16xf32>
    %add3A = vector.broadcast %get3A_8 : vector<1x16xf32> to vector<10000x16xf32>
    %add3A_9 = arith.addf %dot_general3A_5, %add3A : vector<10000x16xf32>
    %max3A = arith.constant 0.000000e+00 : f32
    %max3A_10 = vector.broadcast %max3A : f32 to vector<10000x16xf32>
    %max3A_11 = arith.maximumf %add3A_9, %max3A_10 : vector<10000x16xf32>
    %get3A_12 = arith.constant 0 : index
    %get3A_13 = arith.constant 0 : index
    %get3A_14 = vector.load %arg3[%get3A_12, %get3A_13] : memref<16x16xf32, #tpu.memory_space<vmem>>, vector<16x16xf32>
    %dot_general3A_15 = arith.constant dense<0.000000e+00> : vector<10000x16xf32>
    %dot_general3A_16 = tpu.matmul %max3A_11, %get3A_14, %dot_general3A_15 {dimension_numbers = #tpu.dot_dimension_numbers<[1], [0], [0], [1], [0, 0, 1, 1], [], []>, transpose_lhs_hint = false} : vector<10000x16xf32>, vector<16x16xf32>, vector<10000x16xf32> -> vector<10000x16xf32>
    %get3A_17 = arith.constant 0 : index
    %get3A_18 = arith.constant 0 : index
    %get3A_19 = vector.load %arg4[%get3A_17, %get3A_18] : memref<1x16xf32, #tpu.memory_space<vmem>>, vector<1x16xf32>
    %add3A_20 = vector.broadcast %get3A_19 : vector<1x16xf32> to vector<10000x16xf32>
    %add3A_21 = arith.addf %dot_general3A_16, %add3A_20 : vector<10000x16xf32>
    %max3A_22 = arith.constant 0.000000e+00 : f32
    %max3A_23 = vector.broadcast %max3A_22 : f32 to vector<10000x16xf32>
    %max3A_24 = arith.maximumf %add3A_21, %max3A_23 : vector<10000x16xf32>
    %get3A_25 = arith.constant 0 : index
    %get3A_26 = arith.constant 0 : index
    %get3A_27 = vector.load %arg5[%get3A_25, %get3A_26] : memref<16x16xf32, #tpu.memory_space<vmem>>, vector<16x16xf32>
    %dot_general3A_28 = arith.constant dense<0.000000e+00> : vector<10000x16xf32>
    %dot_general3A_29 = tpu.matmul %max3A_24, %get3A_27, %dot_general3A_28 {dimension_numbers = #tpu.dot_dimension_numbers<[1], [0], [0], [1], [0, 0, 1, 1], [], []>, transpose_lhs_hint = false} : vector<10000x16xf32>, vector<16x16xf32>, vector<10000x16xf32> -> vector<10000x16xf32>
    %get3A_30 = arith.constant 0 : index
    %get3A_31 = arith.constant 0 : index
    %get3A_32 = vector.load %arg6[%get3A_30, %get3A_31] : memref<1x16xf32, #tpu.memory_space<vmem>>, vector<1x16xf32>
    %add3A_33 = vector.broadcast %get3A_32 : vector<1x16xf32> to vector<10000x16xf32>
    %add3A_34 = arith.addf %dot_general3A_29, %add3A_33 : vector<10000x16xf32>
    %max3A_35 = arith.constant 0.000000e+00 : f32
    %max3A_36 = vector.broadcast %max3A_35 : f32 to vector<10000x16xf32>
    %max3A_37 = arith.maximumf %add3A_34, %max3A_36 : vector<10000x16xf32>
    %get3A_38 = arith.constant 0 : index
    %get3A_39 = arith.constant 0 : index
    %get3A_40 = vector.load %arg7[%get3A_38, %get3A_39] : memref<16x128xf32, #tpu.memory_space<vmem>>, vector<16x128xf32>
    %dot_general3A_41 = arith.constant dense<0.000000e+00> : vector<10000x128xf32>
    %dot_general3A_42 = tpu.matmul %max3A_37, %get3A_40, %dot_general3A_41 {dimension_numbers = #tpu.dot_dimension_numbers<[1], [0], [0], [1], [0, 0, 1, 1], [], []>, transpose_lhs_hint = false} : vector<10000x16xf32>, vector<16x128xf32>, vector<10000x128xf32> -> vector<10000x128xf32>
    %get3A_43 = arith.constant 0 : index
    %get3A_44 = arith.constant 0 : index
    %get3A_45 = vector.load %arg8[%get3A_43, %get3A_44] : memref<1x128xf32, #tpu.memory_space<vmem>>, vector<1x128xf32>
    %add3A_46 = vector.broadcast %get3A_45 : vector<1x128xf32> to vector<10000x128xf32>
    %add3A_47 = arith.addf %dot_general3A_42, %add3A_46 : vector<10000x128xf32>
    %swap3A = arith.constant 0 : index
    %swap3A_48 = arith.constant 0 : index
    %swap3A_49 = vector.load %arg9[%swap3A, %swap3A_48] : memref<10000x128xf32, #tpu.memory_space<vmem>>, vector<10000x128xf32>
    tpu.vector_store %arg9[%swap3A, %swap3A_48], %add3A_47 {strides = array<i32>} : memref<10000x128xf32, #tpu.memory_space<vmem>>, vector<10000x128xf32>,
    return
  }
}

</mosaic_0001>

<sc_bundles>
// kernel: kernel.13.cloned.1.call-start
scs
__scs_entry_jumppad:
0x0: {  	(pc) =	sbr.rel $0x88, $3  }
0x1: {  	(tag) =	ssettag $0x0;
	lr =	simm.s32 $0x1  }
0x2: {  	[smem:$0x3F74] =	sst lr;
	_ =	strace $0xD0000000  }
0x3: {  	_ = 	snop  }
0x4: {  	_ = 	snop  }
0x5: {  	_ = 	snop  }
0x6: {  	_ = 	snop  }
0x7: {  	_ = 	snop  }
__scs_overlays_trampoline_lowered:
0x8: {  	[smem:$0x3F83] =	sst s0  }
0x9: {  	[smem:$0x3F84] =	sst s1  }
0xa: {  	[smem:$0x3F85] =	sst s2  }
0xb: {  	[smem:$0x3F86] =	sst s3  }
0xc: {  	[smem:$0x3F87] =	sst s4  }
0xd: {  	[smem:$0x3F88] =	sst s5  }
0xe: {  	[smem:$0x3F89] =	sst s6  }
0xf: {  	[smem:$0x3F8A] =	sst s7  }
0x10: {  	[smem:$0x3F8B] =	sst s8  }
0x11: {  	[smem:$0x3F8C] =	sst s9;
	s0 =	simm.s32 @!p0 $0x0  }
0x12: {  	s1 =	sld [smem:$0x3F72];
	s0 =	simm.s32 @p0 $0x1  }
0x13: {  	[smem:$0x3F8D] =	sst s0;
	s0 =	simm.s32 @!p1 $0x0  }
0x14: {  	s2 =	sld [smem:$0x3F71];
	s0 =	simm.s32 @p1 $0x1  }
0x15: {  	[smem:$0x3F8E] =	sst s0;
	s0 =	simm.s32 @!p2 $0x0  }
0x16: {  	s3 =	sld [smem:$0x3FDB];
	s0 =	simm.s32 @p2 $0x1  }
0x17: {  	s4 =	simm.s32 $0x1BF5;
	[smem:$0x3F90] =	sst s0  }
0x18: {  	s0 =	sld [smem:$0x3F73];
	_ =	swait.ge [sflag:s4], $0x0  }
0x19: {  	s7 =	sld [smem:$0x3F74]  }
0x1a: {  	s8 =	sadd.s32 $0xFFFFE003, lr  }
0x1b: {  	s9 =	sadd.s32 $0xFFFFFEF7, lr;
	s5 =	simm.s32 $0xFFFFFFFF;
	p2 =	slt.u32 s8, $0xFFFFF086  }
0x1c: {  	p1 =	slt.u32 s9, $0xF7A;
	s5 =	simm.s32 @!p2 $0x0  }
0x1d: {  	s5 =	simm.s32 @p1 $0x1;
	p0 =	seq.s32 s7, s2  }
0x1e: {  	s7 =	smul.u32 @!p0 $0xF7A, s2;
	p2 =	seq.s32 @!p0 s5, $0x0  }
0x1f: {  	s9 =	smul.u32 $0xF7A, s1;
	s8 =	simm.s32 @!p0 $0x1BF5;
	p2 =	por !p2, p0  }
0x20: {  	[sflag:s8] =	ssyncset.s32 @!p0 $0xFFFFF086;
	s6 =	sadd.s32 @!p0 s3, s7;
	s7 =	simm.s32 @!p0 $0x108  }
0x21: {  	s3 =	sadd.s32 s3, s9;
	s6 =	sadd.s32 @!p0 $0x88, s6;
	s7 =	simm.s32 @p2 $0x1082  }
0x22: {  	[simem:s7], [sflag:s8] =	dma.local @!p0 [hbm:s6], $0xF7A  }
0x23: {  	s9 =	sor.u32 $0xD0000000, s2;
	s6 =	simm.s32 $0x108;
	_ =	swait.ge @!p0 [sflag:s8], $0x0  }
0x24: {  	s3 =	sadd.s32 $0x88, s3;
	s6 =	simm.s32 @!p1 $0x1082;
	[sflag:s4] =	ssyncset.s32 $0xFFFFF086  }
0x25: {  	[simem:s6], [sflag:s4] =	dma.local [hbm:s3], $0xF7A  }
0x26: {  	[smem:$0x3F74] =	sst s1;
	(tag) =	ssettag s2;
	_ =	strace s9  }
0x27: {  	s1 =	sld [smem:$0x3F84]  }
0x28: {  	s2 =	sld [smem:$0x3F85]  }
0x29: {  	s4 =	sld [smem:$0x3F87]  }
0x2a: {  	p0 =	seq.s32 s5, $0x0;
	s5 =	sld [smem:$0x3F88]  }
0x2b: {  	s6 =	sld [smem:$0x3F89]  }
0x2c: {  	s7 =	sld [smem:$0x3F8A]  }
0x2d: {  	s3 =	simm.s32 $0x108;
	s8 =	sld [smem:$0x3F8B]  }
0x2e: {  	s3 =	simm.s32 @!p0 $0x1082;
	s9 =	sld [smem:$0x3F8C]  }
0x2f: {  	lr =	sadd.s32 s0, s3;
	s0 =	sld [smem:$0x3F83]  }
0x30: {  	s3 =	sld [smem:$0x3F86]  }
0x31: {  	[smem:$0x3F8F] =	sst s10  }
0x32: {  	s10 =	sld [smem:$0x3F8D];
	_ =	sdelay $0x3  }
0x33: {  	p0 =	seq.s32 s10, $0x1;
	s10 =	sld [smem:$0x3F8F];
	_ =	sdelay $0x3  }
0x34: {  	[smem:$0x3F8F] =	sst s10  }
0x35: {  	s10 =	sld [smem:$0x3F8E];
	_ =	sdelay $0x3  }
0x36: {  	p1 =	seq.s32 s10, $0x1;
	s10 =	sld [smem:$0x3F8F];
	_ =	sdelay $0x3  }
0x37: {  	[smem:$0x3F8F] =	sst s10  }
0x38: {  	s10 =	sld [smem:$0x3F90]  }
0x39: {  	_ = 	snop;
	(pc) =	sbr.ind lr, $3  }
0x3a: {  	_ = 	snop  }
0x3b: {  	_ = 	snop  }
0x3c: {  	p2 =	seq.s32 s10, $0x1;
	s10 =	sld [smem:$0x3F8F]  }
0x3d: {  	_ =	shalt  }
0x3e: {  	_ =	shalt  }
0x3f: {  	_ =	shalt  }
0x40: {  	_ =	shalt  }
0x41: {  	_ =	shalt  }
0x42: {  	_ =	shalt  }
0x43: {  	_ =	shalt  }
0x44: {  	_ =	shalt  }
0x45: {  	_ =	shalt  }
0x46: {  	_ =	shalt  }
0x47: {  	_ =	shalt  }
0x48: {  	_ =	shalt  }
0x49: {  	_ =	shalt  }
0x4a: {  	_ =	shalt  }
0x4b: {  	_ =	shalt  }
0x4c: {  	_ =	shalt  }
0x4d: {  	_ =	shalt  }
0x4e: {  	_ =	shalt  }
0x4f: {  	_ =	shalt  }
0x50: {  	_ =	shalt  }
0x51: {  	_ =	shalt  }
0x52: {  	_ =	shalt  }
0x53: {  	_ =	shalt  }
0x54: {  	_ =	shalt  }
0x55: {  	_ =	shalt  }
0x56: {  	_ =	shalt  }
0x57: {  	_ =	shalt  }
0x58: {  	_ =	shalt  }
0x59: {  	_ =	shalt  }
0x5a: {  	_ =	shalt  }
0x5b: {  	_ =	shalt  }
0x5c: {  	_ =	shalt  }
0x5d: {  	_ =	shalt  }
0x5e: {  	_ =	shalt  }
0x5f: {  	_ =	shalt  }
0x60: {  	_ =	shalt  }
0x61: {  	_ =	shalt  }
0x62: {  	_ =	shalt  }
0x63: {  	_ =	shalt  }
0x64: {  	_ =	shalt  }
0x65: {  	_ =	shalt  }
0x66: {  	_ =	shalt  }
0x67: {  	_ =	shalt  }
0x68: {  	_ =	shalt  }
0x69: {  	_ =	shalt  }
0x6a: {  	_ =	shalt  }
0x6b: {  	_ =	shalt  }
0x6c: {  	_ =	shalt  }
0x6d: {  	_ =	shalt  }
0x6e: {  	_ =	shalt  }
0x6f: {  	_ =	shalt  }
0x70: {  	_ =	shalt  }
0x71: {  	_ =	shalt  }
0x72: {  	_ =	shalt  }
0x73: {  	_ =	shalt  }
0x74: {  	_ =	shalt  }
0x75: {  	_ =	shalt  }
0x76: {  	_ =	shalt  }
0x77: {  	_ =	shalt  }
0x78: {  	_ =	shalt  }
0x79: {  	_ =	shalt  }
0x7a: {  	_ =	shalt  }
0x7b: {  	_ =	shalt  }
0x7c: {  	_ =	shalt  }
0x7d: {  	_ =	shalt  }
0x7e: {  	_ =	shalt  }
0x7f: {  	_ =	shalt  }
0x80: {  	_ =	shalt  }
0x81: {  	_ =	shalt  }
0x82: {  	_ =	shalt  }
0x83: {  	_ =	shalt  }
0x84: {  	_ =	shalt  }
0x85: {  	_ =	shalt  }
0x86: {  	_ =	shalt  }
0x87: {  	_ =	shalt  }
.Lfunc_end0:
.L_simem_size_0:
called_computation_lowered:
.L_overlay_start_0:
0x88: {  	s2 =	sld [smem:$0x3FD9]  }
0x89: {  	s3 =	sld [smem:$0x3FFE];
	_ =	sdelay $0x1  }
0x8a: {  	s1 =	srdreg.scid  }
0x8b: {  	s0 =	sand.u32 $0x1, s1  }
0x8c: {  	s17 =	sshll.u32 s0, $0xA;
	s2 =	sadd.s32 s3, s2  }
0x8d: {  	s2 =	sadd.s32 s2, s17  }
0x8e: {  	[smem:$0x3F9B] =	sst s2  }
0x8f: {  	_ = 	snop  }
0x90: {  	(tm) =	ssettm $0x1  }
0x91: {  	s18 =	sld [smem:$0x3FFB];
	_ =	sdelay $0x3  }
0x92: {  	_ =	strace s18  }
0x93: {  	s2 =	sld [smem:$0x3FFC];
	_ =	sdelay $0x3  }
0x94: {  	_ =	strace s2  }
0x95: {  	s2 =	sld [smem:$0x3FFD];
	_ =	sdelay $0x3  }
0x96: {  	_ =	strace s2  }
0x97: {  	_ =	strace $0x8FFFFFFF  }
0x98: {  	s19 =	sld [smem:$0x3FDB];
	_ =	sdelay $0x1  }
0x99: {  	s20 =	simm.s32 $_scs_section_size  }
0x9a: {  	s4 =	simm.s32 $_size__tile_overlayer_lowered;
	s5 =	simm.s32 $_tile_overlayer_lowered  }
0x9b: {  	s6 =	simm.s32 $0x1BFF;
	s21 =	sshll.u32 s5, $0x1;
	s3 =	sadd.s32 s20, s19  }
0x9c: {  	s22 =	simm.s32 $0x0;
	s4 =	sshll.u32 s4, $0x1;
	s5 =	sadd.s32 s21, s3  }
0x9d: {  	[timem:s22], [sflag:s6] =	dma.local [hbm:s5], s4  }
0x9e: {  	_ =	swait.ge [sflag:s6], s4  }
0x9f: {  	s4 =	ssub.s32 $0x0, s4;
	[sflag:s6] =	ssyncset.done $0x0  }
0xa0: {  	[sflag:s6] =	ssyncadd.s32 s4;
	_ =	sdelay $0x1  }
0xa1: {  	s23 =	simm.s32 $0x1B8B  }
0xa2: {  	_ =	swait.ge [sflag:s23], $0x1  }
0xa3: {  	[sflag:s23] =	ssyncset.done $0x0  }
0xa4: {  	[sflag:s23] =	ssyncadd.s32 $0xFFFFFFFF  }
0xa5: {  	s4 =	sld [smem:$0x0]  }
0xa6: {  	s5 =	sand.u32 $0xFFFFFFFE, s1  }
0xa7: {  	p0 =	sne.s32 s1, s5  }
0xa8: {  	s5 =	sshll.u32 @p0 s5, $0xE  }
0xa9: {  	s5 =	sadd.s32 @p0 $0x11B8D, s5;
	s6 =	sshll.u32 @p0 s4, $0x11  }
0xaa: {  	s5 =	sor.u32 @p0 s6, s5  }
0xab: {  	[sflag:s5] =	ssyncadd.remote.s32 @p0 $0x1;
	_ =	sdelay $0x1  }
0xac: {  	s5 =	simm.s32 @p0 $0x1B8D  }
0xad: {  	_ =	swait.eq @p0 [sflag:s5], $0x1  }
0xae: {  	[sflag:s5] =	ssyncadd.s32 @p0 $0xFFFFFFFF  }
0xaf: {  	s6 =	sshll.u32 @!p0 s1, $0xE  }
0xb0: {  	s6 =	sor.u32 @!p0 $0x4000, s6;
	s5 =	simm.s32 @!p0 $0x1B8D  }
0xb1: {  	s4 =	sshll.u32 @!p0 s4, $0x11;
	s6 =	sadd.s32 @!p0 $0x11B8D, s6;
	_ =	swait.eq @!p0 [sflag:s5], $0x1  }
0xb2: {  	s4 =	sor.u32 @!p0 s4, s6;
	[sflag:s5] =	ssyncadd.s32 @!p0 $0xFFFFFFFF  }
0xb3: {  	s25 =	simm.s32 $0x1B8E;
	s24 =	sld [smem:$0x3FFE];
	[sflag:s4] =	ssyncadd.remote.s32 @!p0 $0x1  }
0xb4: {  	s26 =	simm.s32 $execute0_lowered;
	[smem:$0x3FD2] =	sst s25  }
0xb5: {  	s5 =	sshll.u32 s26, $0x1;
	_ =	strace $0x80000049;
	[dreg:$0x1] =	wrdreg $0xFFFFFFFF  }
0xb6: {  	s28 =	simm.s32 $_size_execute0_lowered;
	s3 =	sadd.s32 s3, s5;
	[dreg:$0x0] =	wrdreg $0x0  }
0xb7: {  	s5 =	sshll.u32 s28, $0x1;
	[dreg:$0x2] =	wrdreg s3  }
0xb8: {  	[dreg:$0x3] =	wrdreg s5  }
0xb9: {  	[dreg:$0x4] =	wrdreg $0xC0  }
0xba: {  	_ =	task [dreg:s22], $0x5FFFF  }
0xbb: {  	[dreg:$0x1] =	wrdreg $0xFFFFFFFF  }
0xbc: {  	[dreg:$0x0] =	wrdreg $0x60  }
0xbd: {  	[dreg:$0x2] =	wrdreg s24  }
0xbe: {  	[dreg:$0x3] =	wrdreg $0x1C000  }
0xbf: {  	[dreg:$0x4] =	wrdreg $0x9  }
0xc0: {  	_ =	task.clear_ibuf [dreg:s22], $0x5FFFF;
	_ =	strace $0x90000049  }
0xc1: {  	s29 =	simm.s32 $0x9;
	_ =	strace $0x8000004B  }
0xc2: {  	_ =	swait.ge [sflag:s29], $0x1  }
0xc3: {  	[sflag:s29] =	ssyncadd.s32 $0xFFFFFFFF  }
0xc4: {  	_ =	strace $0x9000004B  }
0xc5: {  	_ =	sfence  }
0xc6: {  	s30 =	sld [smem:$0x0];
	_ =	sdelay $0x2  }
0xc7: {  	s31 =	sshll.u32 s1, $0xD;
	s1 =	sshrl.u32 s1, $0x2  }
0xc8: {  	s4 =	sand.u32 $0x4000, s31;
	s1 =	sadd.s32 s1, s30  }
0xc9: {  	s0 =	sor.u32 s4, s0;
	s1 =	sshll.u32 s1, $0x11  }
0xca: {  	s0 =	sor.u32 s1, s0  }
0xcb: {  	s0 =	sadd.s32 $0x8F2B, s0  }
0xcc: {  	[sflag:s0] =	ssyncadd.remote.s32 $0x1  }
0xcd: {  	_ =	sfence.sel $0xFFFF  }
0xce: {  	[dreg:$0x0] =	wrdreg $0xFFFFFFFF;
	(pc) =	sbr.abs _section_cstart, $3  }
0xcf: {  	[dreg:$0x1] =	wrdreg $0xFFFFFFFF  }
0xd0: {  	_ =	task.clear_ibuf [dreg:s22], $0x2FFFF;
	_ =	strace $0x9FFFFFFF  }
0xd1: {  	(tm) =	ssettm $0x7FFFFFFF  }
tec
execute0_lowered:
.L_overlay_start_1:
0x0: {  	(tag) =	ssettag $0x1  }
0x1: {  	s1 =	srdreg.scid  }
0x2: {  	s0 =	stileid.u32;
	s5 =	rddreg [dreg:$0x0]  }
0x3: {  	s2 =	rddreg [dreg:$0x1];
	s3 =	simm.s32 $0x0;
	s12 =	simm.s32 $0x1400  }
0x4: {  	s13 =	simm.s32 $0x80;
	s14 =	simm.s32 $0x0;
	s4 =	sand.u32 $0x1, s1  }
0x5: {  	s26 =	sshll.u32 s0, $0x1;
	s7 =	smul.u32 $0x2720, s0;
	[smem:$0x7FF] =	sst s3  }
0x6: {  	s8 =	smul.u32 $0x4E4, s0;
	s31 =	sshll.u32 s0, $0x6;
	s1 =	sor.u32 s4, s26  }
0x7: {  	s9 =	smul.u32 $0x4E40, s4;
	s11 =	ssub.s32 $0x2, s4;
	s4 =	sadd.s32 $0x6CA00, s5  }
0x8: {  	s6 =	smul.u32 $0x280, s1;
	s1 =	rddreg [dreg:$0x2];
	_ =	strace $0x8000004A  }
0x9: {  	s28 =	sshrl.u32 s7, $0x3;
	s29 =	sshrl.u32 s11, $0x1;
	s30 =	sadd.s32 s7, s2  }
0xa: {  	s8 =	sadd.s32 s8, s9;
	s9 =	ssub.s32 s11, s29;
	s11 =	simm.s32 $0x1  }
0xb: {  	s10 =	sadd.s32 s6, s5;
	s6 =	sadd.s32 s28, s5;
	s8 =	sadd.s32 s8, s5  }
0xc: {  	s9 =	smax.u32 s9, $0x1;
	s5 =	sadd.s32 $0x67A00, s6;
	s6 =	sor.u32 $0x1C01, s31  }
0xd: {  	s7 =	sadd.s32 $0x62A00, s10;
	s8 =	sadd.s32 $0x6CC00, s8;
	s10 =	sshrl.u32 s30, $0x3  }
.LBB2_1:
0xe: {  	[spmem:s10], [sflag:s6] =	dma.local [hbm:s5], $0x4E4  }
0xf: {  	_ =	swait.ge [sflag:s11], $0x4E4  }
0x10: {  	[sflag:s11] =	ssyncset.done $0x0  }
0x11: {  	[sflag:s11] =	ssyncadd.s32 $0xFFFFFB1C  }
0x12: {  	[tilespmem:s12], [sflag:$0x1] =	stream.linear.gather [hbm4b:s4+s3], $0x800, $0x38;
	[tilespmem:$0x4320] =	vst v63  }
0x13: {  	_ =	swait.ge [sflag:s11], $0x800  }
0x14: {  	[sflag:s11] =	ssyncset.done $0x0  }
0x15: {  	[sflag:s11] =	ssyncadd.s32 $0xFFFFF800  }
0x16: {  	[tilespmem:s3], [sflag:$0x1] =	stream.linear.gather [hbm4b:s7+s3], $0x1400, $0x38;
	[tilespmem:$0x4320] =	vst v63  }
0x17: {  	_ =	swait.ge [sflag:s11], $0x1400  }
0x18: {  	[sflag:s11] =	ssyncset.done $0x0  }
0x19: {  	[sflag:s11] =	ssyncadd.s32 $0xFFFFEC00  }
0x1a: {  	s15 =	simm.s32 $0x0;
	[bflag:$0x0] =	sbarrier.arrive $0xFFFF  }
0x1b: {  	[spmem:s2] =	stream.indirect.scatter.add.f32 [tilespmem:s12], [sflag:$0x1], $0x10, s15, s13, $0xb8;
	[tilespmem:$0x4320] =	vst v63  }
0x1c: {  	_ =	swait.ge [sflag:s11], $0x800  }
0x1d: {  	s15 =	simm.s32 $0x200;
	[sflag:s11] =	ssyncset.done $0x0  }
.LBB2_2:
0x1e: {  	s16 =	sshra.s32 s15, $0x2;
	[sflag:s11] =	ssyncadd.s32 $0xFFFFF800;
	p0 =	sne.s32 s15, $0x4E00  }
0x1f: {  	[spmem:s2] =	stream.indirect.scatter.add.f32 [tilespmem:s12], [sflag:$0x1], $0x10, s16, s13, $0xb8;
	[tilespmem:$0x4320] =	vst v63  }
.Ltmp0:
0x20: {  	_ = 	snop;
	(pc) =	sbr.rel @p0 .LBB2_2-.Ltmp0, $4  }
0x21: {  	_ = 	snop  }
0x22: {  	s15 =	sadd.s32 $0x200, s15  }
0x23: {  	_ =	swait.ge [sflag:s11], $0x800  }
0x24: {  	[sflag:s11] =	ssyncset.done $0x0  }
0x25: {  	s14 =	sadd.s32 $0x1, s14  }
0x26: {  	[sflag:s11] =	ssyncadd.s32 $0xFFFFF800;
	p0 =	sne.s32 s14, s9  }
.Ltmp1:
0x27: {  	[bflag:$0x0] =	sbarrier.arrive $0xFFFF;
	(pc) =	sbr.rel @p0 .LBB2_1-.Ltmp1, $4  }
0x28: {  	[hbm:s8], [sflag:s6] =	dma.local [spmem:s10], $0x4E4  }
0x29: {  	_ =	swait.ge [sflag:s11], $0x4E4  }
0x2a: {  	[sflag:s11] =	ssyncset.done $0x0  }
0x2b: {  	[sflag:s11] =	ssyncadd.s32 $0xFFFFFB1C  }
0x2c: {  	_ =	sfence.sel $0x180000  }
0x2d: {  	[bflag:$0x0] =	sbarrier.arrive $0xFFFF  }
0x2e: {  	p0 =	sne.s32 s0, $0x0;
	_ =	strace $0x9000004A  }
0x2f: {  	s0 =	sadd.s32 @!p0 $0x100000, s1;
	[bflag:$0x2] =	sbarrier.arrive $0xFFFF  }
0x30: {  	[sflag:s0] =	ssyncadd.tile.s32 @!p0 $0x1;
	_ =	shalt  }
.Lfunc_end2:
_tile_overlayer_lowered:
.L_overlay_start_2:
0x31: {  	(tag) =	ssettag $0x2  }
0x32: {  	s0 =	rddreg [dreg:$0x0];
	s2 =	stileid.u32  }
0x33: {  	s1 =	rddreg [dreg:$0x1];
	p0 =	sne.s32 s2, $0x0  }
0x34: {  	s3 =	rddreg [dreg:$0x2];
	[bflag:$0x3] =	sbarrier.arrive $0xFFFF;
	s2 =	simm.s32 @!p0 $0x1C01  }
0x35: {  	[timem:s3], [sflag:s2] =	dma.local @!p0 [hbm:s0], s1  }
0x36: {  	s0 =	simm.s32 @!p0 $0x1  }
0x37: {  	_ =	swait.ge @!p0 [sflag:s0], s1  }
0x38: {  	s1 =	ssub.s32 @!p0 $0x0, s1;
	[sflag:s0] =	ssyncset.done @!p0 $0x0  }
0x39: {  	[sflag:s0] =	ssyncadd.s32 @!p0 s1  }
0x3a: {  	[bflag:$0x3] =	sbarrier.arrive $0xFFFF  }
0x3b: {  	_ =	shalt  }

// kernel: kernel.16.cloned.1.call-start
scs
__scs_entry_jumppad:
0x0: {  	(pc) =	sbr.rel $0x88, $3  }
0x1: {  	(tag) =	ssettag $0x0;
	lr =	simm.s32 $0x1  }
0x2: {  	[smem:$0x3F74] =	sst lr;
	_ =	strace $0xD0000000  }
0x3: {  	_ = 	snop  }
0x4: {  	_ = 	snop  }
0x5: {  	_ = 	snop  }
0x6: {  	_ = 	snop  }
0x7: {  	_ = 	snop  }
__scs_overlays_trampoline_lowered:
0x8: {  	[smem:$0x3F83] =	sst s0  }
0x9: {  	[smem:$0x3F84] =	sst s1  }
0xa: {  	[smem:$0x3F85] =	sst s2  }
0xb: {  	[smem:$0x3F86] =	sst s3  }
0xc: {  	[smem:$0x3F87] =	sst s4  }
0xd: {  	[smem:$0x3F88] =	sst s5  }
0xe: {  	[smem:$0x3F89] =	sst s6  }
0xf: {  	[smem:$0x3F8A] =	sst s7  }
0x10: {  	[smem:$0x3F8B] =	sst s8  }
0x11: {  	[smem:$0x3F8C] =	sst s9;
	s0 =	simm.s32 @!p0 $0x0  }
0x12: {  	s1 =	sld [smem:$0x3F72];
	s0 =	simm.s32 @p0 $0x1  }
0x13: {  	[smem:$0x3F8D] =	sst s0;
	s0 =	simm.s32 @!p1 $0x0  }
0x14: {  	s2 =	sld [smem:$0x3F71];
	s0 =	simm.s32 @p1 $0x1  }
0x15: {  	[smem:$0x3F8E] =	sst s0;
	s0 =	simm.s32 @!p2 $0x0  }
0x16: {  	s3 =	sld [smem:$0x3FDB];
	s0 =	simm.s32 @p2 $0x1  }
0x17: {  	s4 =	simm.s32 $0x1BF5;
	[smem:$0x3F90] =	sst s0  }
0x18: {  	s0 =	sld [smem:$0x3F73];
	_ =	swait.ge [sflag:s4], $0x0  }
0x19: {  	s7 =	sld [smem:$0x3F74]  }
0x1a: {  	s8 =	sadd.s32 $0xFFFFE003, lr  }
0x1b: {  	s9 =	sadd.s32 $0xFFFFFEF7, lr;
	s5 =	simm.s32 $0xFFFFFFFF;
	p2 =	slt.u32 s8, $0xFFFFF086  }
0x1c: {  	p1 =	slt.u32 s9, $0xF7A;
	s5 =	simm.s32 @!p2 $0x0  }
0x1d: {  	s5 =	simm.s32 @p1 $0x1;
	p0 =	seq.s32 s7, s2  }
0x1e: {  	s7 =	smul.u32 @!p0 $0xF7A, s2;
	p2 =	seq.s32 @!p0 s5, $0x0  }
0x1f: {  	s9 =	smul.u32 $0xF7A, s1;
	s8 =	simm.s32 @!p0 $0x1BF5;
	p2 =	por !p2, p0  }
0x20: {  	[sflag:s8] =	ssyncset.s32 @!p0 $0xFFFFF086;
	s6 =	sadd.s32 @!p0 s3, s7;
	s7 =	simm.s32 @!p0 $0x108  }
0x21: {  	s3 =	sadd.s32 s3, s9;
	s6 =	sadd.s32 @!p0 $0x88, s6;
	s7 =	simm.s32 @p2 $0x1082  }
0x22: {  	[simem:s7], [sflag:s8] =	dma.local @!p0 [hbm:s6], $0xF7A  }
0x23: {  	s9 =	sor.u32 $0xD0000000, s2;
	s6 =	simm.s32 $0x108;
	_ =	swait.ge @!p0 [sflag:s8], $0x0  }
0x24: {  	s3 =	sadd.s32 $0x88, s3;
	s6 =	simm.s32 @!p1 $0x1082;
	[sflag:s4] =	ssyncset.s32 $0xFFFFF086  }
0x25: {  	[simem:s6], [sflag:s4] =	dma.local [hbm:s3], $0xF7A  }
0x26: {  	[smem:$0x3F74] =	sst s1;
	(tag) =	ssettag s2;
	_ =	strace s9  }
0x27: {  	s1 =	sld [smem:$0x3F84]  }
0x28: {  	s2 =	sld [smem:$0x3F85]  }
0x29: {  	s4 =	sld [smem:$0x3F87]  }
0x2a: {  	p0 =	seq.s32 s5, $0x0;
	s5 =	sld [smem:$0x3F88]  }
0x2b: {  	s6 =	sld [smem:$0x3F89]  }
0x2c: {  	s7 =	sld [smem:$0x3F8A]  }
0x2d: {  	s3 =	simm.s32 $0x108;
	s8 =	sld [smem:$0x3F8B]  }
0x2e: {  	s3 =	simm.s32 @!p0 $0x1082;
	s9 =	sld [smem:$0x3F8C]  }
0x2f: {  	lr =	sadd.s32 s0, s3;
	s0 =	sld [smem:$0x3F83]  }
0x30: {  	s3 =	sld [smem:$0x3F86]  }
0x31: {  	[smem:$0x3F8F] =	sst s10  }
0x32: {  	s10 =	sld [smem:$0x3F8D];
	_ =	sdelay $0x3  }
0x33: {  	p0 =	seq.s32 s10, $0x1;
	s10 =	sld [smem:$0x3F8F];
	_ =	sdelay $0x3  }
0x34: {  	[smem:$0x3F8F] =	sst s10  }
0x35: {  	s10 =	sld [smem:$0x3F8E];
	_ =	sdelay $0x3  }
0x36: {  	p1 =	seq.s32 s10, $0x1;
	s10 =	sld [smem:$0x3F8F];
	_ =	sdelay $0x3  }
0x37: {  	[smem:$0x3F8F] =	sst s10  }
0x38: {  	s10 =	sld [smem:$0x3F90]  }
0x39: {  	_ = 	snop;
	(pc) =	sbr.ind lr, $3  }
0x3a: {  	_ = 	snop  }
0x3b: {  	_ = 	snop  }
0x3c: {  	p2 =	seq.s32 s10, $0x1;
	s10 =	sld [smem:$0x3F8F]  }
0x3d: {  	_ =	shalt  }
0x3e: {  	_ =	shalt  }
0x3f: {  	_ =	shalt  }
0x40: {  	_ =	shalt  }
0x41: {  	_ =	shalt  }
0x42: {  	_ =	shalt  }
0x43: {  	_ =	shalt  }
0x44: {  	_ =	shalt  }
0x45: {  	_ =	shalt  }
0x46: {  	_ =	shalt  }
0x47: {  	_ =	shalt  }
0x48: {  	_ =	shalt  }
0x49: {  	_ =	shalt  }
0x4a: {  	_ =	shalt  }
0x4b: {  	_ =	shalt  }
0x4c: {  	_ =	shalt  }
0x4d: {  	_ =	shalt  }
0x4e: {  	_ =	shalt  }
0x4f: {  	_ =	shalt  }
0x50: {  	_ =	shalt  }
0x51: {  	_ =	shalt  }
0x52: {  	_ =	shalt  }
0x53: {  	_ =	shalt  }
0x54: {  	_ =	shalt  }
0x55: {  	_ =	shalt  }
0x56: {  	_ =	shalt  }
0x57: {  	_ =	shalt  }
0x58: {  	_ =	shalt  }
0x59: {  	_ =	shalt  }
0x5a: {  	_ =	shalt  }
0x5b: {  	_ =	shalt  }
0x5c: {  	_ =	shalt  }
0x5d: {  	_ =	shalt  }
0x5e: {  	_ =	shalt  }
0x5f: {  	_ =	shalt  }
0x60: {  	_ =	shalt  }
0x61: {  	_ =	shalt  }
0x62: {  	_ =	shalt  }
0x63: {  	_ =	shalt  }
0x64: {  	_ =	shalt  }
0x65: {  	_ =	shalt  }
0x66: {  	_ =	shalt  }
0x67: {  	_ =	shalt  }
0x68: {  	_ =	shalt  }
0x69: {  	_ =	shalt  }
0x6a: {  	_ =	shalt  }
0x6b: {  	_ =	shalt  }
0x6c: {  	_ =	shalt  }
0x6d: {  	_ =	shalt  }
0x6e: {  	_ =	shalt  }
0x6f: {  	_ =	shalt  }
0x70: {  	_ =	shalt  }
0x71: {  	_ =	shalt  }
0x72: {  	_ =	shalt  }
0x73: {  	_ =	shalt  }
0x74: {  	_ =	shalt  }
0x75: {  	_ =	shalt  }
0x76: {  	_ =	shalt  }
0x77: {  	_ =	shalt  }
0x78: {  	_ =	shalt  }
0x79: {  	_ =	shalt  }
0x7a: {  	_ =	shalt  }
0x7b: {  	_ =	shalt  }
0x7c: {  	_ =	shalt  }
0x7d: {  	_ =	shalt  }
0x7e: {  	_ =	shalt  }
0x7f: {  	_ =	shalt  }
0x80: {  	_ =	shalt  }
0x81: {  	_ =	shalt  }
0x82: {  	_ =	shalt  }
0x83: {  	_ =	shalt  }
0x84: {  	_ =	shalt  }
0x85: {  	_ =	shalt  }
0x86: {  	_ =	shalt  }
0x87: {  	_ =	shalt  }
.Lfunc_end0:
.L_simem_size_0:
called_computation.1_lowered:
.L_overlay_start_0:
0x88: {  	s2 =	sld [smem:$0x3FD9]  }
0x89: {  	s3 =	sld [smem:$0x3FFE];
	_ =	sdelay $0x1  }
0x8a: {  	s1 =	srdreg.scid  }
0x8b: {  	s0 =	sand.u32 $0x1, s1  }
0x8c: {  	s16 =	sshll.u32 s0, $0xA;
	s2 =	sadd.s32 s3, s2  }
0x8d: {  	s2 =	sadd.s32 s2, s16  }
0x8e: {  	[smem:$0x3F9B] =	sst s2  }
0x8f: {  	_ = 	snop  }
0x90: {  	(tm) =	ssettm $0x1  }
0x91: {  	s17 =	sld [smem:$0x3FFB];
	_ =	sdelay $0x3  }
0x92: {  	_ =	strace s17  }
0x93: {  	s2 =	sld [smem:$0x3FFC];
	_ =	sdelay $0x3  }
0x94: {  	_ =	strace s2  }
0x95: {  	s2 =	sld [smem:$0x3FFD];
	_ =	sdelay $0x3  }
0x96: {  	_ =	strace s2  }
0x97: {  	_ =	strace $0x8FFFFFFF  }
0x98: {  	s18 =	sld [smem:$0x3FDB];
	_ =	sdelay $0x1  }
0x99: {  	s19 =	simm.s32 $_scs_section_size  }
0x9a: {  	s4 =	simm.s32 $_size__tile_overlayer_lowered;
	s5 =	simm.s32 $_tile_overlayer_lowered  }
0x9b: {  	s22 =	simm.s32 $0x1BFF;
	s21 =	sshll.u32 s5, $0x1;
	s2 =	sadd.s32 s19, s18  }
0x9c: {  	s6 =	simm.s32 $0x0;
	s20 =	sshll.u32 s4, $0x1;
	s4 =	sadd.s32 s21, s2  }
0x9d: {  	[timem:s6], [sflag:s22] =	dma.local [hbm:s4], s20  }
0x9e: {  	_ =	swait.ge [sflag:s22], s20  }
0x9f: {  	s3 =	ssub.s32 $0x0, s20;
	[sflag:s22] =	ssyncset.done $0x0  }
0xa0: {  	[sflag:s22] =	ssyncadd.s32 s3;
	_ =	sdelay $0x1  }
0xa1: {  	s23 =	simm.s32 $0x1B8B  }
0xa2: {  	_ =	swait.ge [sflag:s23], $0x1  }
0xa3: {  	[sflag:s23] =	ssyncset.done $0x0  }
0xa4: {  	s25 =	simm.s32 $0x1B8E;
	s24 =	sld [smem:$0x3FFE];
	[sflag:s23] =	ssyncadd.s32 $0xFFFFFFFF  }
0xa5: {  	s26 =	simm.s32 $execute0_lowered;
	[smem:$0x3FD2] =	sst s25  }
0xa6: {  	s4 =	sshll.u32 s26, $0x1;
	_ =	strace $0x80000046;
	[dreg:$0x1] =	wrdreg $0xFFFFFFFF  }
0xa7: {  	s28 =	simm.s32 $_size_execute0_lowered;
	s2 =	sadd.s32 s2, s4;
	[dreg:$0x0] =	wrdreg $0x0  }
0xa8: {  	s4 =	sshll.u32 s28, $0x1;
	[dreg:$0x2] =	wrdreg s2  }
0xa9: {  	[dreg:$0x3] =	wrdreg s4  }
0xaa: {  	[dreg:$0x4] =	wrdreg $0xC0  }
0xab: {  	_ =	task [dreg:s6], $0x5FFFF  }
0xac: {  	[dreg:$0x1] =	wrdreg $0xFFFFFFFF  }
0xad: {  	[dreg:$0x0] =	wrdreg $0x60  }
0xae: {  	[dreg:$0x2] =	wrdreg s24  }
0xaf: {  	[dreg:$0x3] =	wrdreg $0xA  }
0xb0: {  	_ =	task.clear_ibuf [dreg:s6], $0x4FFFF;
	_ =	strace $0x90000046  }
0xb1: {  	s29 =	simm.s32 $0xA;
	_ =	strace $0x80000048  }
0xb2: {  	_ =	swait.ge [sflag:s29], $0x1  }
0xb3: {  	[sflag:s29] =	ssyncadd.s32 $0xFFFFFFFF  }
0xb4: {  	_ =	strace $0x90000048  }
0xb5: {  	_ =	sfence  }
0xb6: {  	s30 =	sld [smem:$0x0];
	_ =	sdelay $0x2  }
0xb7: {  	s31 =	sshll.u32 s1, $0xD;
	s1 =	sshrl.u32 s1, $0x2  }
0xb8: {  	s3 =	sand.u32 $0x4000, s31;
	s1 =	sadd.s32 s1, s30  }
0xb9: {  	s0 =	sor.u32 s3, s0;
	s1 =	sshll.u32 s1, $0x11  }
0xba: {  	s0 =	sor.u32 s1, s0  }
0xbb: {  	s0 =	sadd.s32 $0x8F2B, s0  }
0xbc: {  	[sflag:s0] =	ssyncadd.remote.s32 $0x1  }
0xbd: {  	_ =	sfence.sel $0xFFFF  }
0xbe: {  	[dreg:$0x0] =	wrdreg $0xFFFFFFFF;
	(pc) =	sbr.abs _section_cstart, $3  }
0xbf: {  	[dreg:$0x1] =	wrdreg $0xFFFFFFFF  }
0xc0: {  	_ =	task.clear_ibuf [dreg:s6], $0x2FFFF;
	_ =	strace $0x9FFFFFFF  }
0xc1: {  	(tm) =	ssettm $0x7FFFFFFF  }
tec
execute0_lowered:
.L_overlay_start_1:
0x0: {  	(tag) =	ssettag $0x1  }
0x1: {  	s1 =	srdreg.scid;
	s0 =	stileid.u32  }
0x2: {  	s1 =	sand.u32 $0x1, s1;
	s2 =	sshll.u32 s0, $0x1  }
0x3: {  	s4 =	rddreg [dreg:$0x0];
	s3 =	sor.u32 s1, s2;
	s2 =	simm.s32 $0x0  }
0x4: {  	s19 =	simm.s32 $0x1C00;
	[smem:$0x7FF] =	sst s2  }
0x5: {  	s20 =	simm.s32 $0x100;
	_ =	strace $0x80000047;
	[dreg:$0x4] =	wrdreg s19  }
0x6: {  	s21 =	simm.s32 $0x2400;
	[dreg:$0x5] =	wrdreg s20  }
0x7: {  	s22 =	simm.s32 $0x180;
	[dreg:$0x6] =	wrdreg s21  }
0x8: {  	s23 =	simm.s32 $0x2C00;
	[dreg:$0x7] =	wrdreg s22  }
0x9: {  	s24 =	simm.s32 $0x200;
	[dreg:$0x8] =	wrdreg s23  }
0xa: {  	s25 =	simm.s32 $0x3400;
	[dreg:$0x9] =	wrdreg s24  }
0xb: {  	s26 =	simm.s32 $0x280;
	[dreg:$0xa] =	wrdreg s25  }
0xc: {  	s0 =	simm.s32 $0x3C00;
	[dreg:$0xb] =	wrdreg s26  }
0xd: {  	s6 =	simm.s32 $0x4400;
	[dreg:$0xc] =	wrdreg s0  }
0xe: {  	s7 =	simm.s32 $0x380;
	[dreg:$0xe] =	wrdreg s6  }
0xf: {  	s8 =	simm.s32 $0x4C00;
	[dreg:$0xf] =	wrdreg s7  }
0x10: {  	s9 =	simm.s32 $0x400;
	[dreg:$0x10] =	wrdreg s8  }
0x11: {  	s10 =	simm.s32 $0x5400;
	[dreg:$0x11] =	wrdreg s9  }
0x12: {  	s11 =	simm.s32 $0x480;
	[dreg:$0x12] =	wrdreg s10  }
0x13: {  	s12 =	simm.s32 $0x5C00;
	[dreg:$0x13] =	wrdreg s11  }
0x14: {  	s13 =	simm.s32 $0x500;
	[dreg:$0x14] =	wrdreg s12  }
0x15: {  	s14 =	simm.s32 $0x6400;
	[dreg:$0x15] =	wrdreg s13  }
0x16: {  	s15 =	simm.s32 $0x580;
	[dreg:$0x16] =	wrdreg s14  }
0x17: {  	s16 =	simm.s32 $0x6C00;
	[dreg:$0x17] =	wrdreg s15  }
0x18: {  	s17 =	simm.s32 $0x600;
	[dreg:$0x18] =	wrdreg s16  }
0x19: {  	s18 =	simm.s32 $0x7400;
	[dreg:$0x19] =	wrdreg s17  }
0x1a: {  	[dreg:$0x1a] =	wrdreg s18;
	s19 =	simm.s32 $0x680  }
0x1b: {  	s20 =	simm.s32 $0x7C00;
	[dreg:$0x1b] =	wrdreg s19  }
0x1c: {  	s21 =	simm.s32 $0x700;
	[dreg:$0x1c] =	wrdreg s20  }
0x1d: {  	s22 =	simm.s32 $0x8400;
	[dreg:$0x1d] =	wrdreg s21  }
0x1e: {  	s23 =	simm.s32 $0x780;
	[dreg:$0x1e] =	wrdreg s22  }
0x1f: {  	s24 =	simm.s32 $0x8C00;
	[dreg:$0x1f] =	wrdreg s23  }
0x20: {  	s25 =	simm.s32 $0x800;
	[smem:$0x7E4] =	sst s24  }
0x21: {  	s26 =	simm.s32 $0x9400;
	[smem:$0x7EB] =	sst s25  }
0x22: {  	s0 =	simm.s32 $0x880;
	[smem:$0x7E9] =	sst s26  }
0x23: {  	s6 =	simm.s32 $0x900;
	[smem:$0x7ED] =	sst s0  }
0x24: {  	s7 =	simm.s32 $0xA400;
	[smem:$0x7E5] =	sst s6  }
0x25: {  	s8 =	simm.s32 $0x980;
	[smem:$0x7EA] =	sst s7  }
0x26: {  	s9 =	simm.s32 $0xAC00;
	[smem:$0x7EE] =	sst s8  }
0x27: {  	s10 =	simm.s32 $0xA00;
	[smem:$0x7EC] =	sst s9  }
0x28: {  	s11 =	simm.s32 $0xB400;
	[smem:$0x7EF] =	sst s10  }
0x29: {  	s12 =	simm.s32 $0xA80;
	[smem:$0x7E8] =	sst s11  }
0x2a: {  	s13 =	simm.s32 $0xBC00;
	[smem:$0x7F1] =	sst s12  }
0x2b: {  	s14 =	simm.s32 $0xB00;
	[smem:$0x7F0] =	sst s13  }
0x2c: {  	s15 =	simm.s32 $0xC400;
	[smem:$0x7F2] =	sst s14  }
0x2d: {  	s16 =	simm.s32 $0xB80;
	[smem:$0x7E6] =	sst s15  }
0x2e: {  	s17 =	simm.s32 $0xCC00;
	[smem:$0x7F4] =	sst s16  }
0x2f: {  	s18 =	simm.s32 $0xC00;
	[smem:$0x7F3] =	sst s17  }
0x30: {  	[smem:$0x7F6] =	sst s18;
	s19 =	simm.s32 $0xD400  }
0x31: {  	s20 =	simm.s32 $0xC80;
	[smem:$0x7F8] =	sst s19  }
0x32: {  	s21 =	simm.s32 $0xDC00;
	[smem:$0x7F7] =	sst s20  }
0x33: {  	s22 =	simm.s32 $0xD00;
	[smem:$0x7F5] =	sst s21  }
0x34: {  	s23 =	simm.s32 $0xE400;
	[smem:$0x7FB] =	sst s22  }
0x35: {  	s5 =	smul.u32 $0x280, s3;
	s24 =	simm.s32 $0xD80;
	[smem:$0x7F9] =	sst s23  }
0x36: {  	s3 =	smul.u32 $0x2800, s3;
	s25 =	simm.s32 $0xEC00;
	[smem:$0x7FC] =	sst s24  }
0x37: {  	s5 =	sadd.s32 s5, s4;
	s6 =	simm.s32 $0xE00;
	[smem:$0x7FA] =	sst s25  }
0x38: {  	s3 =	sadd.s32 s3, s4;
	s5 =	sadd.s32 $0xDA00, s5;
	[smem:$0x7FD] =	sst s6  }
0x39: {  	s3 =	sadd.s32 $0x12A00, s3;
	[dreg:$0x2] =	wrdreg s5  }
0x3a: {  	[dreg:$0x3] =	wrdreg s3;
	s5 =	simm.s32 $0x300  }
0x3b: {  	[dreg:$0xd] =	wrdreg s5;
	s5 =	simm.s32 $0x9C00  }
0x3c: {  	[smem:$0x7E7] =	sst s5  }
0x3d: {  	s3 =	simm.s32 $0x2;
	s5 =	rddreg [dreg:$0x2]  }
0x3e: {  	[tilespmem:s2], [sflag:$0x2] =	stream.linear.gather [hbm4b:s5+s2], $0x1400, $0x38;
	[tilespmem:$0x15400] =	vst v63  }
0x3f: {  	_ =	swait.ge [sflag:s3], $0x1400  }
0x40: {  	s26 =	rddreg [dreg:$0x7]  }
0x41: {  	s8 =	rddreg [dreg:$0xa]  }
0x42: {  	s9 =	rddreg [dreg:$0xc]  }
0x43: {  	s7 =	simm.s32 $0x80;
	s10 =	rddreg [dreg:$0x5]  }
0x44: {  	s5 =	sadd.s32 $0x8A00, s4;
	[sflag:s3] =	ssyncset.done $0x0;
	s11 =	rddreg [dreg:$0x4]  }
0x45: {  	s4 =	simm.s32 $0x1400;
	s12 =	rddreg [dreg:$0x6];
	[sflag:s3] =	ssyncadd.s32 $0xFFFFEC00  }
0x46: {  	[tilespmem:s4], [sflag:$0x1] =	stream.indirect.gather [hbm4b:s5+s7], $0x10, s2, s7, $0xb8;
	[tilespmem:$0x15400] =	vst v63  }
0x47: {  	s13 =	rddreg [dreg:$0x8]  }
0x48: {  	[tilespmem:s11], [sflag:$0x1] =	stream.indirect.gather [hbm4b:s5+s7], $0x10, s7, s7, $0xb8;
	[tilespmem:$0x15400] =	vst v63  }
0x49: {  	s14 =	rddreg [dreg:$0x9]  }
0x4a: {  	[tilespmem:s12], [sflag:$0x1] =	stream.indirect.gather [hbm4b:s5+s7], $0x10, s10, s7, $0xb8;
	[tilespmem:$0x15400] =	vst v63  }
0x4b: {  	s0 =	rddreg [dreg:$0xb]  }
0x4c: {  	[tilespmem:s13], [sflag:$0x1] =	stream.indirect.gather [hbm4b:s5+s7], $0x10, s26, s7, $0xb8;
	[tilespmem:$0x15400] =	vst v63  }
0x4d: {  	s15 =	rddreg [dreg:$0xe]  }
0x4e: {  	[tilespmem:s8], [sflag:$0x1] =	stream.indirect.gather [hbm4b:s5+s7], $0x10, s14, s7, $0xb8;
	[tilespmem:$0x15400] =	vst v63  }
0x4f: {  	s16 =	rddreg [dreg:$0xd]  }
0x50: {  	[tilespmem:s9], [sflag:$0x1] =	stream.indirect.gather [hbm4b:s5+s7], $0x10, s0, s7, $0xb8;
	[tilespmem:$0x15400] =	vst v63  }
0x51: {  	s17 =	rddreg [dreg:$0xf]  }
0x52: {  	[tilespmem:s15], [sflag:$0x1] =	stream.indirect.gather [hbm4b:s5+s7], $0x10, s16, s7, $0xb8;
	[tilespmem:$0x15400] =	vst v63  }
0x53: {  	s6 =	simm.s32 $0x1;
	s18 =	rddreg [dreg:$0x10]  }
0x54: {  	[tilespmem:s18], [sflag:$0x1] =	stream.indirect.gather [hbm4b:s5+s7], $0x10, s17, s7, $0xb8;
	[tilespmem:$0x15400] =	vst v63  }
0x55: {  	_ =	swait.ge [sflag:s6], $0x800  }
0x56: {  	[sflag:s6] =	ssyncset.done $0x0  }
0x57: {  	[sflag:s6] =	ssyncadd.s32 $0xFFFFF800  }
0x58: {  	_ =	swait.ge [sflag:s6], $0x800  }
0x59: {  	[sflag:s6] =	ssyncset.done $0x0  }
0x5a: {  	[sflag:s6] =	ssyncadd.s32 $0xFFFFF800  }
0x5b: {  	_ =	swait.ge [sflag:s6], $0x800  }
0x5c: {  	[sflag:s6] =	ssyncset.done $0x0  }
0x5d: {  	[sflag:s6] =	ssyncadd.s32 $0xFFFFF800  }
0x5e: {  	_ =	swait.ge [sflag:s6], $0x800  }
0x5f: {  	[sflag:s6] =	ssyncset.done $0x0  }
0x60: {  	[sflag:s6] =	ssyncadd.s32 $0xFFFFF800  }
0x61: {  	_ =	swait.ge [sflag:s6], $0x800  }
0x62: {  	[sflag:s6] =	ssyncset.done $0x0  }
0x63: {  	[sflag:s6] =	ssyncadd.s32 $0xFFFFF800  }
0x64: {  	_ =	swait.ge [sflag:s6], $0x800  }
0x65: {  	[sflag:s6] =	ssyncset.done $0x0  }
0x66: {  	[sflag:s6] =	ssyncadd.s32 $0xFFFFF800  }
0x67: {  	_ =	swait.ge [sflag:s6], $0x800  }
0x68: {  	[sflag:s6] =	ssyncset.done $0x0  }
0x69: {  	[sflag:s6] =	ssyncadd.s32 $0xFFFFF800  }
0x6a: {  	_ =	swait.ge [sflag:s6], $0x800  }
0x6b: {  	s19 =	rddreg [dreg:$0x17]  }
0x6c: {  	s20 =	rddreg [dreg:$0x1e]  }
0x6d: {  	s21 =	rddreg [dreg:$0x15]  }
0x6e: {  	s22 =	rddreg [dreg:$0x14]  }
0x6f: {  	s23 =	rddreg [dreg:$0x11]  }
0x70: {  	s24 =	rddreg [dreg:$0x13]  }
0x71: {  	s25 =	rddreg [dreg:$0x12]  }
0x72: {  	s15 =	rddreg [dreg:$0x18];
	[sflag:s6] =	ssyncset.done $0x0  }
0x73: {  	s16 =	rddreg [dreg:$0x1a];
	[sflag:s6] =	ssyncadd.s32 $0xFFFFF800  }
0x74: {  	[tilespmem:s25], [sflag:$0x1] =	stream.indirect.gather [hbm4b:s5+s7], $0x10, s23, s7, $0xb8;
	[tilespmem:$0x15400] =	vst v63  }
0x75: {  	s17 =	rddreg [dreg:$0x16]  }
0x76: {  	[tilespmem:s22], [sflag:$0x1] =	stream.indirect.gather [hbm4b:s5+s7], $0x10, s24, s7, $0xb8;
	[tilespmem:$0x15400] =	vst v63  }
0x77: {  	s26 =	rddreg [dreg:$0x1b]  }
0x78: {  	[tilespmem:s17], [sflag:$0x1] =	stream.indirect.gather [hbm4b:s5+s7], $0x10, s21, s7, $0xb8;
	[tilespmem:$0x15400] =	vst v63  }
0x79: {  	s0 =	rddreg [dreg:$0x19]  }
0x7a: {  	[tilespmem:s15], [sflag:$0x1] =	stream.indirect.gather [hbm4b:s5+s7], $0x10, s19, s7, $0xb8;
	[tilespmem:$0x15400] =	vst v63  }
0x7b: {  	s13 =	rddreg [dreg:$0x1c]  }
0x7c: {  	[tilespmem:s16], [sflag:$0x1] =	stream.indirect.gather [hbm4b:s5+s7], $0x10, s0, s7, $0xb8;
	[tilespmem:$0x15400] =	vst v63  }
0x7d: {  	s14 =	rddreg [dreg:$0x1d]  }
0x7e: {  	[tilespmem:s13], [sflag:$0x1] =	stream.indirect.gather [hbm4b:s5+s7], $0x10, s26, s7, $0xb8;
	[tilespmem:$0x15400] =	vst v63  }
0x7f: {  	s15 =	sld [smem:$0x7E4]  }
0x80: {  	[tilespmem:s20], [sflag:$0x1] =	stream.indirect.gather [hbm4b:s5+s7], $0x10, s14, s7, $0xb8;
	[tilespmem:$0x15400] =	vst v63  }
0x81: {  	s16 =	rddreg [dreg:$0x1f]  }
0x82: {  	[tilespmem:s15], [sflag:$0x1] =	stream.indirect.gather [hbm4b:s5+s7], $0x10, s16, s7, $0xb8;
	[tilespmem:$0x15400] =	vst v63  }
0x83: {  	_ =	swait.ge [sflag:s6], $0x800  }
0x84: {  	[sflag:s6] =	ssyncset.done $0x0  }
0x85: {  	[sflag:s6] =	ssyncadd.s32 $0xFFFFF800  }
0x86: {  	_ =	swait.ge [sflag:s6], $0x800  }
0x87: {  	[sflag:s6] =	ssyncset.done $0x0  }
0x88: {  	[sflag:s6] =	ssyncadd.s32 $0xFFFFF800  }
0x89: {  	_ =	swait.ge [sflag:s6], $0x800  }
0x8a: {  	[sflag:s6] =	ssyncset.done $0x0  }
0x8b: {  	[sflag:s6] =	ssyncadd.s32 $0xFFFFF800  }
0x8c: {  	_ =	swait.ge [sflag:s6], $0x800  }
0x8d: {  	[sflag:s6] =	ssyncset.done $0x0  }
0x8e: {  	[sflag:s6] =	ssyncadd.s32 $0xFFFFF800  }
0x8f: {  	_ =	swait.ge [sflag:s6], $0x800  }
0x90: {  	[sflag:s6] =	ssyncset.done $0x0  }
0x91: {  	[sflag:s6] =	ssyncadd.s32 $0xFFFFF800  }
0x92: {  	_ =	swait.ge [sflag:s6], $0x800  }
0x93: {  	[sflag:s6] =	ssyncset.done $0x0  }
0x94: {  	[sflag:s6] =	ssyncadd.s32 $0xFFFFF800  }
0x95: {  	_ =	swait.ge [sflag:s6], $0x800  }
0x96: {  	[sflag:s6] =	ssyncset.done $0x0  }
0x97: {  	[sflag:s6] =	ssyncadd.s32 $0xFFFFF800  }
0x98: {  	_ =	swait.ge [sflag:s6], $0x800  }
0x99: {  	s17 =	sld [smem:$0x7E5]  }
0x9a: {  	s9 =	sld [smem:$0x7E6]  }
0x9b: {  	s18 =	sld [smem:$0x7E7]  }
0x9c: {  	s19 =	sld [smem:$0x7E8]  }
0x9d: {  	s20 =	sld [smem:$0x7E9]  }
0x9e: {  	s21 =	sld [smem:$0x7EA]  }
0x9f: {  	s22 =	sld [smem:$0x7EB]  }
0xa0: {  	s23 =	sld [smem:$0x7EC]  }
0xa1: {  	[sflag:s6] =	ssyncset.done $0x0;
	s24 =	sld [smem:$0x7ED]  }
0xa2: {  	s25 =	sld [smem:$0x7EE];
	[sflag:s6] =	ssyncadd.s32 $0xFFFFF800  }
0xa3: {  	[tilespmem:s20], [sflag:$0x1] =	stream.indirect.gather [hbm4b:s5+s7], $0x10, s22, s7, $0xb8;
	[tilespmem:$0x15400] =	vst v63  }
0xa4: {  	s26 =	sld [smem:$0x7EF]  }
0xa5: {  	[tilespmem:s18], [sflag:$0x1] =	stream.indirect.gather [hbm4b:s5+s7], $0x10, s24, s7, $0xb8;
	[tilespmem:$0x15400] =	vst v63  }
0xa6: {  	s0 =	sld [smem:$0x7F0]  }
0xa7: {  	[tilespmem:s21], [sflag:$0x1] =	stream.indirect.gather [hbm4b:s5+s7], $0x10, s17, s7, $0xb8;
	[tilespmem:$0x15400] =	vst v63  }
0xa8: {  	s13 =	sld [smem:$0x7F1]  }
0xa9: {  	[tilespmem:s23], [sflag:$0x1] =	stream.indirect.gather [hbm4b:s5+s7], $0x10, s25, s7, $0xb8;
	[tilespmem:$0x15400] =	vst v63  }
0xaa: {  	s14 =	sld [smem:$0x7F2]  }
0xab: {  	[tilespmem:s19], [sflag:$0x1] =	stream.indirect.gather [hbm4b:s5+s7], $0x10, s26, s7, $0xb8;
	[tilespmem:$0x15400] =	vst v63  }
0xac: {  	s15 =	sld [smem:$0x7F3]  }
0xad: {  	[tilespmem:s0], [sflag:$0x1] =	stream.indirect.gather [hbm4b:s5+s7], $0x10, s13, s7, $0xb8;
	[tilespmem:$0x15400] =	vst v63  }
0xae: {  	s16 =	sld [smem:$0x7F4]  }
0xaf: {  	[tilespmem:s9], [sflag:$0x1] =	stream.indirect.gather [hbm4b:s5+s7], $0x10, s14, s7, $0xb8;
	[tilespmem:$0x15400] =	vst v63  }
0xb0: {  	_ = 	snop  }
0xb1: {  	[tilespmem:s15], [sflag:$0x1] =	stream.indirect.gather [hbm4b:s5+s7], $0x10, s16, s7, $0xb8;
	[tilespmem:$0x15400] =	vst v63  }
0xb2: {  	_ =	swait.ge [sflag:s6], $0x800  }
0xb3: {  	[sflag:s6] =	ssyncset.done $0x0  }
0xb4: {  	[sflag:s6] =	ssyncadd.s32 $0xFFFFF800  }
0xb5: {  	_ =	swait.ge [sflag:s6], $0x800  }
0xb6: {  	[sflag:s6] =	ssyncset.done $0x0  }
0xb7: {  	[sflag:s6] =	ssyncadd.s32 $0xFFFFF800  }
0xb8: {  	_ =	swait.ge [sflag:s6], $0x800  }
0xb9: {  	[sflag:s6] =	ssyncset.done $0x0  }
0xba: {  	[sflag:s6] =	ssyncadd.s32 $0xFFFFF800  }
0xbb: {  	_ =	swait.ge [sflag:s6], $0x800  }
0xbc: {  	[sflag:s6] =	ssyncset.done $0x0  }
0xbd: {  	[sflag:s6] =	ssyncadd.s32 $0xFFFFF800  }
0xbe: {  	_ =	swait.ge [sflag:s6], $0x800  }
0xbf: {  	[sflag:s6] =	ssyncset.done $0x0  }
0xc0: {  	[sflag:s6] =	ssyncadd.s32 $0xFFFFF800  }
0xc1: {  	_ =	swait.ge [sflag:s6], $0x800  }
0xc2: {  	[sflag:s6] =	ssyncset.done $0x0  }
0xc3: {  	[sflag:s6] =	ssyncadd.s32 $0xFFFFF800  }
0xc4: {  	_ =	swait.ge [sflag:s6], $0x800  }
0xc5: {  	[sflag:s6] =	ssyncset.done $0x0  }
0xc6: {  	[sflag:s6] =	ssyncadd.s32 $0xFFFFF800  }
0xc7: {  	_ =	swait.ge [sflag:s6], $0x800  }
0xc8: {  	s17 =	sld [smem:$0x7F5]  }
0xc9: {  	s18 =	sld [smem:$0x7F6]  }
0xca: {  	s19 =	sld [smem:$0x7F7]  }
0xcb: {  	s20 =	sld [smem:$0x7F8]  }
0xcc: {  	[sflag:s6] =	ssyncset.done $0x0;
	s21 =	sld [smem:$0x7F9]  }
0xcd: {  	s22 =	sld [smem:$0x7FA];
	[sflag:s6] =	ssyncadd.s32 $0xFFFFF800  }
0xce: {  	[tilespmem:s20], [sflag:$0x1] =	stream.indirect.gather [hbm4b:s5+s7], $0x10, s18, s7, $0xb8;
	[tilespmem:$0x15400] =	vst v63  }
0xcf: {  	s23 =	sld [smem:$0x7FB]  }
0xd0: {  	[tilespmem:s17], [sflag:$0x1] =	stream.indirect.gather [hbm4b:s5+s7], $0x10, s19, s7, $0xb8;
	[tilespmem:$0x15400] =	vst v63  }
0xd1: {  	s24 =	sld [smem:$0x7FC]  }
0xd2: {  	[tilespmem:s21], [sflag:$0x1] =	stream.indirect.gather [hbm4b:s5+s7], $0x10, s23, s7, $0xb8;
	[tilespmem:$0x15400] =	vst v63  }
0xd3: {  	s25 =	sld [smem:$0x7FD]  }
0xd4: {  	[tilespmem:s22], [sflag:$0x1] =	stream.indirect.gather [hbm4b:s5+s7], $0x10, s24, s7, $0xb8;
	[tilespmem:$0x15400] =	vst v63  }
0xd5: {  	s26 =	simm.s32 $0xF400  }
0xd6: {  	[tilespmem:s26], [sflag:$0x1] =	stream.indirect.gather [hbm4b:s5+s7], $0x10, s25, s7, $0xb8;
	[tilespmem:$0x15400] =	vst v63  }
0xd7: {  	s8 =	simm.s32 $0xE80;
	s9 =	simm.s32 $0xFC00  }
0xd8: {  	[tilespmem:s9], [sflag:$0x1] =	stream.indirect.gather [hbm4b:s5+s7], $0x10, s8, s7, $0xb8;
	[tilespmem:$0x15400] =	vst v63  }
0xd9: {  	s11 =	simm.s32 $0x10400;
	s10 =	simm.s32 $0xF00  }
0xda: {  	[tilespmem:s11], [sflag:$0x1] =	stream.indirect.gather [hbm4b:s5+s7], $0x10, s10, s7, $0xb8;
	[tilespmem:$0x15400] =	vst v63  }
0xdb: {  	s12 =	simm.s32 $0xF80;
	s13 =	simm.s32 $0x10C00  }
0xdc: {  	[tilespmem:s13], [sflag:$0x1] =	stream.indirect.gather [hbm4b:s5+s7], $0x10, s12, s7, $0xb8;
	[tilespmem:$0x15400] =	vst v63  }
0xdd: {  	_ =	swait.ge [sflag:s6], $0x800  }
0xde: {  	[sflag:s6] =	ssyncset.done $0x0  }
0xdf: {  	[sflag:s6] =	ssyncadd.s32 $0xFFFFF800  }
0xe0: {  	_ =	swait.ge [sflag:s6], $0x800  }
0xe1: {  	[sflag:s6] =	ssyncset.done $0x0  }
0xe2: {  	[sflag:s6] =	ssyncadd.s32 $0xFFFFF800  }
0xe3: {  	_ =	swait.ge [sflag:s6], $0x800  }
0xe4: {  	[sflag:s6] =	ssyncset.done $0x0  }
0xe5: {  	[sflag:s6] =	ssyncadd.s32 $0xFFFFF800  }
0xe6: {  	_ =	swait.ge [sflag:s6], $0x800  }
0xe7: {  	[sflag:s6] =	ssyncset.done $0x0  }
0xe8: {  	[sflag:s6] =	ssyncadd.s32 $0xFFFFF800  }
0xe9: {  	_ =	swait.ge [sflag:s6], $0x800  }
0xea: {  	[sflag:s6] =	ssyncset.done $0x0  }
0xeb: {  	[sflag:s6] =	ssyncadd.s32 $0xFFFFF800  }
0xec: {  	_ =	swait.ge [sflag:s6], $0x800  }
0xed: {  	[sflag:s6] =	ssyncset.done $0x0  }
0xee: {  	[sflag:s6] =	ssyncadd.s32 $0xFFFFF800  }
0xef: {  	_ =	swait.ge [sflag:s6], $0x800  }
0xf0: {  	[sflag:s6] =	ssyncset.done $0x0  }
0xf1: {  	[sflag:s6] =	ssyncadd.s32 $0xFFFFF800  }
0xf2: {  	_ =	swait.ge [sflag:s6], $0x800  }
0xf3: {  	[sflag:s6] =	ssyncset.done $0x0  }
0xf4: {  	s14 =	simm.s32 $0x1000;
	s15 =	simm.s32 $0x11400;
	[sflag:s6] =	ssyncadd.s32 $0xFFFFF800  }
0xf5: {  	[tilespmem:s15], [sflag:$0x1] =	stream.indirect.gather [hbm4b:s5+s7], $0x10, s14, s7, $0xb8;
	[tilespmem:$0x15400] =	vst v63  }
0xf6: {  	s18 =	simm.s32 $0x11C00;
	s17 =	simm.s32 $0x1080  }
0xf7: {  	[tilespmem:s18], [sflag:$0x1] =	stream.indirect.gather [hbm4b:s5+s7], $0x10, s17, s7, $0xb8;
	[tilespmem:$0x15400] =	vst v63  }
0xf8: {  	s20 =	simm.s32 $0x12400;
	s19 =	simm.s32 $0x1100  }
0xf9: {  	[tilespmem:s20], [sflag:$0x1] =	stream.indirect.gather [hbm4b:s5+s7], $0x10, s19, s7, $0xb8;
	[tilespmem:$0x15400] =	vst v63  }
0xfa: {  	s1 =	ssub.s32 $0x2, s1;
	s21 =	simm.s32 $0x1180;
	s22 =	simm.s32 $0x12C00  }
0xfb: {  	[tilespmem:s22], [sflag:$0x1] =	stream.indirect.gather [hbm4b:s5+s7], $0x10, s21, s7, $0xb8;
	[tilespmem:$0x15400] =	vst v63  }
0xfc: {  	s16 =	sshrl.u32 s1, $0x1;
	s23 =	simm.s32 $0x1200;
	s24 =	simm.s32 $0x13400  }
0xfd: {  	[tilespmem:s24], [sflag:$0x1] =	stream.indirect.gather [hbm4b:s5+s7], $0x10, s23, s7, $0xb8;
	[tilespmem:$0x15400] =	vst v63  }
0xfe: {  	s0 =	ssub.s32 s1, s16;
	s25 =	simm.s32 $0x1280;
	s26 =	simm.s32 $0x13C00  }
0xff: {  	[tilespmem:s26], [sflag:$0x1] =	stream.indirect.gather [hbm4b:s5+s7], $0x10, s25, s7, $0xb8;
	[tilespmem:$0x15400] =	vst v63  }
0x100: {  	s28 =	simm.s32 $0x1300;
	s29 =	simm.s32 $0x14400;
	s0 =	smax.u32 s0, $0x1  }
0x101: {  	[tilespmem:s29], [sflag:$0x1] =	stream.indirect.gather [hbm4b:s5+s7], $0x10, s28, s7, $0xb8;
	[tilespmem:$0x15400] =	vst v63  }
0x102: {  	s30 =	simm.s32 $0x1380;
	s31 =	simm.s32 $0x14C00;
	p0 =	sne.s32 s0, $0x1  }
0x103: {  	[tilespmem:s31], [sflag:$0x1] =	stream.indirect.gather [hbm4b:s5+s7], $0x10, s30, s7, $0xb8;
	[tilespmem:$0x15400] =	vst v63  }
.Ltmp0:
0x104: {  	_ = 	snop;
	(pc) =	sbr.rel @!p0 .LBB2_2-.Ltmp0, $4  }
0x105: {  	_ =	swait.ge [sflag:s6], $0x800  }
0x106: {  	[sflag:s6] =	ssyncset.done $0x0  }
0x107: {  	[sflag:s6] =	ssyncadd.s32 $0xFFFFF800  }
0x108: {  	s1 =	sadd.s32 $0xFFFFFFFF, s0;
	_ =	swait.ge [sflag:s6], $0x800  }
.LBB2_1:
0x109: {  	[sflag:s6] =	ssyncset.done $0x0  }
0x10a: {  	[sflag:s6] =	ssyncadd.s32 $0xFFFFF800  }
0x10b: {  	_ =	swait.ge [sflag:s6], $0x800  }
0x10c: {  	[sflag:s6] =	ssyncset.done $0x0  }
0x10d: {  	[sflag:s6] =	ssyncadd.s32 $0xFFFFF800  }
0x10e: {  	_ =	swait.ge [sflag:s6], $0x800  }
0x10f: {  	[sflag:s6] =	ssyncset.done $0x0  }
0x110: {  	[sflag:s6] =	ssyncadd.s32 $0xFFFFF800  }
0x111: {  	_ =	swait.ge [sflag:s6], $0x800  }
0x112: {  	[sflag:s6] =	ssyncset.done $0x0  }
0x113: {  	[sflag:s6] =	ssyncadd.s32 $0xFFFFF800  }
0x114: {  	_ =	swait.ge [sflag:s6], $0x800  }
0x115: {  	[sflag:s6] =	ssyncset.done $0x0  }
0x116: {  	[sflag:s6] =	ssyncadd.s32 $0xFFFFF800  }
0x117: {  	_ =	swait.ge [sflag:s6], $0x800  }
0x118: {  	[sflag:s6] =	ssyncset.done $0x0  }
0x119: {  	[sflag:s6] =	ssyncadd.s32 $0xFFFFF800  }
0x11a: {  	_ =	swait.ge [sflag:s6], $0x800  }
0x11b: {  	[sflag:s6] =	ssyncset.done $0x0  }
0x11c: {  	s0 =	rddreg [dreg:$0x3];
	[sflag:s6] =	ssyncadd.s32 $0xFFFFF800  }
0x11d: {  	[hbm4b:s0+s2] =	stream.linear.scatter [tilespmem:s4], [sflag:$0x2], $0x14000, $0x38;
	[tilespmem:$0x15400] =	vst v63  }
0x11e: {  	_ =	swait.ge [sflag:s3], $0x14000  }
0x11f: {  	[sflag:s3] =	ssyncset.done $0x0  }
0x120: {  	s15 =	rddreg [dreg:$0x2];
	[sflag:s3] =	ssyncadd.s32 $0xFFFEC000  }
0x121: {  	[tilespmem:s2], [sflag:$0x2] =	stream.linear.gather [hbm4b:s15+s2], $0x1400, $0x38;
	[tilespmem:$0x15400] =	vst v63  }
0x122: {  	_ =	swait.ge [sflag:s3], $0x1400  }
0x123: {  	s16 =	rddreg [dreg:$0x7]  }
0x124: {  	s8 =	rddreg [dreg:$0xa]  }
0x125: {  	s9 =	rddreg [dreg:$0xc]  }
0x126: {  	s10 =	rddreg [dreg:$0x5]  }
0x127: {  	[sflag:s3] =	ssyncset.done $0x0;
	s11 =	rddreg [dreg:$0x4]  }
0x128: {  	s12 =	rddreg [dreg:$0x6];
	[sflag:s3] =	ssyncadd.s32 $0xFFFFEC00  }
0x129: {  	[tilespmem:s4], [sflag:$0x1] =	stream.indirect.gather [hbm4b:s5+s7], $0x10, s2, s7, $0xb8;
	[tilespmem:$0x15400] =	vst v63  }
0x12a: {  	s13 =	rddreg [dreg:$0x8]  }
0x12b: {  	[tilespmem:s11], [sflag:$0x1] =	stream.indirect.gather [hbm4b:s5+s7], $0x10, s7, s7, $0xb8;
	[tilespmem:$0x15400] =	vst v63  }
0x12c: {  	s14 =	rddreg [dreg:$0x9]  }
0x12d: {  	[tilespmem:s12], [sflag:$0x1] =	stream.indirect.gather [hbm4b:s5+s7], $0x10, s10, s7, $0xb8;
	[tilespmem:$0x15400] =	vst v63  }
0x12e: {  	s15 =	rddreg [dreg:$0xd]  }
0x12f: {  	[tilespmem:s13], [sflag:$0x1] =	stream.indirect.gather [hbm4b:s5+s7], $0x10, s16, s7, $0xb8;
	[tilespmem:$0x15400] =	vst v63  }
0x130: {  	s11 =	rddreg [dreg:$0xb]  }
0x131: {  	[tilespmem:s8], [sflag:$0x1] =	stream.indirect.gather [hbm4b:s5+s7], $0x10, s14, s7, $0xb8;
	[tilespmem:$0x15400] =	vst v63  }
0x132: {  	s12 =	rddreg [dreg:$0xe]  }
0x133: {  	[tilespmem:s9], [sflag:$0x1] =	stream.indirect.gather [hbm4b:s5+s7], $0x10, s11, s7, $0xb8;
	[tilespmem:$0x15400] =	vst v63  }
0x134: {  	s16 =	rddreg [dreg:$0xf]  }
0x135: {  	[tilespmem:s12], [sflag:$0x1] =	stream.indirect.gather [hbm4b:s5+s7], $0x10, s15, s7, $0xb8;
	[tilespmem:$0x15400] =	vst v63  }
0x136: {  	s11 =	rddreg [dreg:$0x10]  }
0x137: {  	[tilespmem:s11], [sflag:$0x1] =	stream.indirect.gather [hbm4b:s5+s7], $0x10, s16, s7, $0xb8;
	[tilespmem:$0x15400] =	vst v63  }
0x138: {  	_ =	swait.ge [sflag:s6], $0x800  }
0x139: {  	[sflag:s6] =	ssyncset.done $0x0  }
0x13a: {  	[sflag:s6] =	ssyncadd.s32 $0xFFFFF800  }
0x13b: {  	_ =	swait.ge [sflag:s6], $0x800  }
0x13c: {  	[sflag:s6] =	ssyncset.done $0x0  }
0x13d: {  	[sflag:s6] =	ssyncadd.s32 $0xFFFFF800  }
0x13e: {  	_ =	swait.ge [sflag:s6], $0x800  }
0x13f: {  	[sflag:s6] =	ssyncset.done $0x0  }
0x140: {  	[sflag:s6] =	ssyncadd.s32 $0xFFFFF800  }
0x141: {  	_ =	swait.ge [sflag:s6], $0x800  }
0x142: {  	[sflag:s6] =	ssyncset.done $0x0  }
0x143: {  	[sflag:s6] =	ssyncadd.s32 $0xFFFFF800  }
0x144: {  	_ =	swait.ge [sflag:s6], $0x800  }
0x145: {  	[sflag:s6] =	ssyncset.done $0x0  }
0x146: {  	[sflag:s6] =	ssyncadd.s32 $0xFFFFF800  }
0x147: {  	_ =	swait.ge [sflag:s6], $0x800  }
0x148: {  	[sflag:s6] =	ssyncset.done $0x0  }
0x149: {  	[sflag:s6] =	ssyncadd.s32 $0xFFFFF800  }
0x14a: {  	_ =	swait.ge [sflag:s6], $0x800  }
0x14b: {  	[sflag:s6] =	ssyncset.done $0x0  }
0x14c: {  	[sflag:s6] =	ssyncadd.s32 $0xFFFFF800  }
0x14d: {  	_ =	swait.ge [sflag:s6], $0x800  }
0x14e: {  	s0 =	rddreg [dreg:$0x17]  }
0x14f: {  	s8 =	rddreg [dreg:$0x1e]  }
0x150: {  	s9 =	rddreg [dreg:$0x15]  }
0x151: {  	s10 =	rddreg [dreg:$0x14]  }
0x152: {  	s11 =	rddreg [dreg:$0x11]  }
0x153: {  	s12 =	rddreg [dreg:$0x13]  }
0x154: {  	s13 =	rddreg [dreg:$0x12]  }
0x155: {  	[sflag:s6] =	ssyncset.done $0x0;
	s14 =	rddreg [dreg:$0x18]  }
0x156: {  	s15 =	rddreg [dreg:$0x1a];
	[sflag:s6] =	ssyncadd.s32 $0xFFFFF800  }
0x157: {  	[tilespmem:s13], [sflag:$0x1] =	stream.indirect.gather [hbm4b:s5+s7], $0x10, s11, s7, $0xb8;
	[tilespmem:$0x15400] =	vst v63  }
0x158: {  	s16 =	rddreg [dreg:$0x16]  }
0x159: {  	[tilespmem:s10], [sflag:$0x1] =	stream.indirect.gather [hbm4b:s5+s7], $0x10, s12, s7, $0xb8;
	[tilespmem:$0x15400] =	vst v63  }
0x15a: {  	s11 =	rddreg [dreg:$0x1b]  }
0x15b: {  	[tilespmem:s16], [sflag:$0x1] =	stream.indirect.gather [hbm4b:s5+s7], $0x10, s9, s7, $0xb8;
	[tilespmem:$0x15400] =	vst v63  }
0x15c: {  	s13 =	rddreg [dreg:$0x1c]  }
0x15d: {  	[tilespmem:s14], [sflag:$0x1] =	stream.indirect.gather [hbm4b:s5+s7], $0x10, s0, s7, $0xb8;
	[tilespmem:$0x15400] =	vst v63  }
0x15e: {  	s12 =	rddreg [dreg:$0x19]  }
0x15f: {  	[tilespmem:s15], [sflag:$0x1] =	stream.indirect.gather [hbm4b:s5+s7], $0x10, s12, s7, $0xb8;
	[tilespmem:$0x15400] =	vst v63  }
0x160: {  	s16 =	sld [smem:$0x7E4]  }
0x161: {  	[tilespmem:s13], [sflag:$0x1] =	stream.indirect.gather [hbm4b:s5+s7], $0x10, s11, s7, $0xb8;
	[tilespmem:$0x15400] =	vst v63  }
0x162: {  	s14 =	rddreg [dreg:$0x1d]  }
0x163: {  	[tilespmem:s8], [sflag:$0x1] =	stream.indirect.gather [hbm4b:s5+s7], $0x10, s14, s7, $0xb8;
	[tilespmem:$0x15400] =	vst v63  }
0x164: {  	s12 =	rddreg [dreg:$0x1f]  }
0x165: {  	[tilespmem:s16], [sflag:$0x1] =	stream.indirect.gather [hbm4b:s5+s7], $0x10, s12, s7, $0xb8;
	[tilespmem:$0x15400] =	vst v63  }
0x166: {  	_ =	swait.ge [sflag:s6], $0x800  }
0x167: {  	[sflag:s6] =	ssyncset.done $0x0  }
0x168: {  	[sflag:s6] =	ssyncadd.s32 $0xFFFFF800  }
0x169: {  	_ =	swait.ge [sflag:s6], $0x800  }
0x16a: {  	[sflag:s6] =	ssyncset.done $0x0  }
0x16b: {  	[sflag:s6] =	ssyncadd.s32 $0xFFFFF800  }
0x16c: {  	_ =	swait.ge [sflag:s6], $0x800  }
0x16d: {  	[sflag:s6] =	ssyncset.done $0x0  }
0x16e: {  	[sflag:s6] =	ssyncadd.s32 $0xFFFFF800  }
0x16f: {  	_ =	swait.ge [sflag:s6], $0x800  }
0x170: {  	[sflag:s6] =	ssyncset.done $0x0  }
0x171: {  	[sflag:s6] =	ssyncadd.s32 $0xFFFFF800  }
0x172: {  	_ =	swait.ge [sflag:s6], $0x800  }
0x173: {  	[sflag:s6] =	ssyncset.done $0x0  }
0x174: {  	[sflag:s6] =	ssyncadd.s32 $0xFFFFF800  }
0x175: {  	_ =	swait.ge [sflag:s6], $0x800  }
0x176: {  	[sflag:s6] =	ssyncset.done $0x0  }
0x177: {  	[sflag:s6] =	ssyncadd.s32 $0xFFFFF800  }
0x178: {  	_ =	swait.ge [sflag:s6], $0x800  }
0x179: {  	[sflag:s6] =	ssyncset.done $0x0  }
0x17a: {  	[sflag:s6] =	ssyncadd.s32 $0xFFFFF800  }
0x17b: {  	_ =	swait.ge [sflag:s6], $0x800  }
0x17c: {  	s0 =	sld [smem:$0x7E5]  }
0x17d: {  	s8 =	sld [smem:$0x7E6]  }
0x17e: {  	s9 =	sld [smem:$0x7E7]  }
0x17f: {  	s10 =	sld [smem:$0x7E8]  }
0x180: {  	s11 =	sld [smem:$0x7E9]  }
0x181: {  	s12 =	sld [smem:$0x7EA]  }
0x182: {  	s13 =	sld [smem:$0x7EB]  }
0x183: {  	s14 =	sld [smem:$0x7EC]  }
0x184: {  	[sflag:s6] =	ssyncset.done $0x0;
	s15 =	sld [smem:$0x7ED]  }
0x185: {  	s16 =	sld [smem:$0x7EE];
	[sflag:s6] =	ssyncadd.s32 $0xFFFFF800  }
0x186: {  	[tilespmem:s11], [sflag:$0x1] =	stream.indirect.gather [hbm4b:s5+s7], $0x10, s13, s7, $0xb8;
	[tilespmem:$0x15400] =	vst v63  }
0x187: {  	s11 =	sld [smem:$0x7EF]  }
0x188: {  	[tilespmem:s9], [sflag:$0x1] =	stream.indirect.gather [hbm4b:s5+s7], $0x10, s15, s7, $0xb8;
	[tilespmem:$0x15400] =	vst v63  }
0x189: {  	s13 =	sld [smem:$0x7F1]  }
0x18a: {  	[tilespmem:s12], [sflag:$0x1] =	stream.indirect.gather [hbm4b:s5+s7], $0x10, s0, s7, $0xb8;
	[tilespmem:$0x15400] =	vst v63  }
0x18b: {  	s9 =	sld [smem:$0x7F0]  }
0x18c: {  	[tilespmem:s14], [sflag:$0x1] =	stream.indirect.gather [hbm4b:s5+s7], $0x10, s16, s7, $0xb8;
	[tilespmem:$0x15400] =	vst v63  }
0x18d: {  	s15 =	sld [smem:$0x7F2]  }
0x18e: {  	[tilespmem:s10], [sflag:$0x1] =	stream.indirect.gather [hbm4b:s5+s7], $0x10, s11, s7, $0xb8;
	[tilespmem:$0x15400] =	vst v63  }
0x18f: {  	s16 =	sld [smem:$0x7F3]  }
0x190: {  	[tilespmem:s9], [sflag:$0x1] =	stream.indirect.gather [hbm4b:s5+s7], $0x10, s13, s7, $0xb8;
	[tilespmem:$0x15400] =	vst v63  }
0x191: {  	s9 =	sld [smem:$0x7F4]  }
0x192: {  	[tilespmem:s8], [sflag:$0x1] =	stream.indirect.gather [hbm4b:s5+s7], $0x10, s15, s7, $0xb8;
	[tilespmem:$0x15400] =	vst v63  }
0x193: {  	_ = 	snop  }
0x194: {  	[tilespmem:s16], [sflag:$0x1] =	stream.indirect.gather [hbm4b:s5+s7], $0x10, s9, s7, $0xb8;
	[tilespmem:$0x15400] =	vst v63  }
0x195: {  	_ =	swait.ge [sflag:s6], $0x800  }
0x196: {  	[sflag:s6] =	ssyncset.done $0x0  }
0x197: {  	[sflag:s6] =	ssyncadd.s32 $0xFFFFF800  }
0x198: {  	_ =	swait.ge [sflag:s6], $0x800  }
0x199: {  	[sflag:s6] =	ssyncset.done $0x0  }
0x19a: {  	[sflag:s6] =	ssyncadd.s32 $0xFFFFF800  }
0x19b: {  	_ =	swait.ge [sflag:s6], $0x800  }
0x19c: {  	[sflag:s6] =	ssyncset.done $0x0  }
0x19d: {  	[sflag:s6] =	ssyncadd.s32 $0xFFFFF800  }
0x19e: {  	_ =	swait.ge [sflag:s6], $0x800  }
0x19f: {  	[sflag:s6] =	ssyncset.done $0x0  }
0x1a0: {  	[sflag:s6] =	ssyncadd.s32 $0xFFFFF800  }
0x1a1: {  	_ =	swait.ge [sflag:s6], $0x800  }
0x1a2: {  	[sflag:s6] =	ssyncset.done $0x0  }
0x1a3: {  	[sflag:s6] =	ssyncadd.s32 $0xFFFFF800  }
0x1a4: {  	_ =	swait.ge [sflag:s6], $0x800  }
0x1a5: {  	[sflag:s6] =	ssyncset.done $0x0  }
0x1a6: {  	[sflag:s6] =	ssyncadd.s32 $0xFFFFF800  }
0x1a7: {  	_ =	swait.ge [sflag:s6], $0x800  }
0x1a8: {  	[sflag:s6] =	ssyncset.done $0x0  }
0x1a9: {  	[sflag:s6] =	ssyncadd.s32 $0xFFFFF800  }
0x1aa: {  	_ =	swait.ge [sflag:s6], $0x800  }
0x1ab: {  	s10 =	sld [smem:$0x7F5]  }
0x1ac: {  	s14 =	sld [smem:$0x7F6]  }
0x1ad: {  	s15 =	sld [smem:$0x7F7]  }
0x1ae: {  	s12 =	sld [smem:$0x7F8]  }
0x1af: {  	[sflag:s6] =	ssyncset.done $0x0;
	s13 =	sld [smem:$0x7F9]  }
0x1b0: {  	s16 =	sld [smem:$0x7FA];
	[sflag:s6] =	ssyncadd.s32 $0xFFFFF800  }
0x1b1: {  	[tilespmem:s12], [sflag:$0x1] =	stream.indirect.gather [hbm4b:s5+s7], $0x10, s14, s7, $0xb8;
	[tilespmem:$0x15400] =	vst v63  }
0x1b2: {  	s14 =	sld [smem:$0x7FB]  }
0x1b3: {  	[tilespmem:s10], [sflag:$0x1] =	stream.indirect.gather [hbm4b:s5+s7], $0x10, s15, s7, $0xb8;
	[tilespmem:$0x15400] =	vst v63  }
0x1b4: {  	s15 =	sld [smem:$0x7FC]  }
0x1b5: {  	[tilespmem:s13], [sflag:$0x1] =	stream.indirect.gather [hbm4b:s5+s7], $0x10, s14, s7, $0xb8;
	[tilespmem:$0x15400] =	vst v63  }
0x1b6: {  	s0 =	sld [smem:$0x7FD]  }
0x1b7: {  	[tilespmem:s16], [sflag:$0x1] =	stream.indirect.gather [hbm4b:s5+s7], $0x10, s15, s7, $0xb8;
	[tilespmem:$0x15400] =	vst v63  }
0x1b8: {  	s16 =	simm.s32 $0xF400  }
0x1b9: {  	[tilespmem:s16], [sflag:$0x1] =	stream.indirect.gather [hbm4b:s5+s7], $0x10, s0, s7, $0xb8;
	[tilespmem:$0x15400] =	vst v63  }
0x1ba: {  	s9 =	simm.s32 $0xE80;
	s10 =	simm.s32 $0xFC00  }
0x1bb: {  	[tilespmem:s10], [sflag:$0x1] =	stream.indirect.gather [hbm4b:s5+s7], $0x10, s9, s7, $0xb8;
	[tilespmem:$0x15400] =	vst v63  }
0x1bc: {  	s11 =	simm.s32 $0xF00;
	s12 =	simm.s32 $0x10400  }
0x1bd: {  	[tilespmem:s12], [sflag:$0x1] =	stream.indirect.gather [hbm4b:s5+s7], $0x10, s11, s7, $0xb8;
	[tilespmem:$0x15400] =	vst v63  }
0x1be: {  	s13 =	simm.s32 $0xF80;
	s14 =	simm.s32 $0x10C00  }
0x1bf: {  	[tilespmem:s14], [sflag:$0x1] =	stream.indirect.gather [hbm4b:s5+s7], $0x10, s13, s7, $0xb8;
	[tilespmem:$0x15400] =	vst v63  }
0x1c0: {  	_ =	swait.ge [sflag:s6], $0x800  }
0x1c1: {  	[sflag:s6] =	ssyncset.done $0x0  }
0x1c2: {  	[sflag:s6] =	ssyncadd.s32 $0xFFFFF800  }
0x1c3: {  	_ =	swait.ge [sflag:s6], $0x800  }
0x1c4: {  	[sflag:s6] =	ssyncset.done $0x0  }
0x1c5: {  	[sflag:s6] =	ssyncadd.s32 $0xFFFFF800  }
0x1c6: {  	_ =	swait.ge [sflag:s6], $0x800  }
0x1c7: {  	[sflag:s6] =	ssyncset.done $0x0  }
0x1c8: {  	[sflag:s6] =	ssyncadd.s32 $0xFFFFF800  }
0x1c9: {  	_ =	swait.ge [sflag:s6], $0x800  }
0x1ca: {  	[sflag:s6] =	ssyncset.done $0x0  }
0x1cb: {  	[sflag:s6] =	ssyncadd.s32 $0xFFFFF800  }
0x1cc: {  	_ =	swait.ge [sflag:s6], $0x800  }
0x1cd: {  	[sflag:s6] =	ssyncset.done $0x0  }
0x1ce: {  	[sflag:s6] =	ssyncadd.s32 $0xFFFFF800  }
0x1cf: {  	_ =	swait.ge [sflag:s6], $0x800  }
0x1d0: {  	[sflag:s6] =	ssyncset.done $0x0  }
0x1d1: {  	[sflag:s6] =	ssyncadd.s32 $0xFFFFF800  }
0x1d2: {  	_ =	swait.ge [sflag:s6], $0x800  }
0x1d3: {  	[sflag:s6] =	ssyncset.done $0x0  }
0x1d4: {  	[sflag:s6] =	ssyncadd.s32 $0xFFFFF800  }
0x1d5: {  	_ =	swait.ge [sflag:s6], $0x800  }
0x1d6: {  	[sflag:s6] =	ssyncset.done $0x0  }
0x1d7: {  	s15 =	simm.s32 $0x1000;
	s16 =	simm.s32 $0x11400;
	[sflag:s6] =	ssyncadd.s32 $0xFFFFF800  }
0x1d8: {  	[tilespmem:s16], [sflag:$0x1] =	stream.indirect.gather [hbm4b:s5+s7], $0x10, s15, s7, $0xb8;
	[tilespmem:$0x15400] =	vst v63  }
0x1d9: {  	_ = 	snop  }
0x1da: {  	[tilespmem:s18], [sflag:$0x1] =	stream.indirect.gather [hbm4b:s5+s7], $0x10, s17, s7, $0xb8;
	[tilespmem:$0x15400] =	vst v63  }
0x1db: {  	_ = 	snop  }
0x1dc: {  	[tilespmem:s20], [sflag:$0x1] =	stream.indirect.gather [hbm4b:s5+s7], $0x10, s19, s7, $0xb8;
	[tilespmem:$0x15400] =	vst v63  }
0x1dd: {  	_ = 	snop  }
0x1de: {  	[tilespmem:s22], [sflag:$0x1] =	stream.indirect.gather [hbm4b:s5+s7], $0x10, s21, s7, $0xb8;
	[tilespmem:$0x15400] =	vst v63  }
0x1df: {  	_ = 	snop  }
0x1e0: {  	[tilespmem:s24], [sflag:$0x1] =	stream.indirect.gather [hbm4b:s5+s7], $0x10, s23, s7, $0xb8;
	[tilespmem:$0x15400] =	vst v63  }
0x1e1: {  	_ = 	snop  }
0x1e2: {  	[tilespmem:s26], [sflag:$0x1] =	stream.indirect.gather [hbm4b:s5+s7], $0x10, s25, s7, $0xb8;
	[tilespmem:$0x15400] =	vst v63  }
0x1e3: {  	_ = 	snop  }
0x1e4: {  	[tilespmem:s29], [sflag:$0x1] =	stream.indirect.gather [hbm4b:s5+s7], $0x10, s28, s7, $0xb8;
	[tilespmem:$0x15400] =	vst v63  }
0x1e5: {  	p0 =	sne.s32 s1, $0x1  }
0x1e6: {  	[tilespmem:s31], [sflag:$0x1] =	stream.indirect.gather [hbm4b:s5+s7], $0x10, s30, s7, $0xb8;
	[tilespmem:$0x15400] =	vst v63  }
.Ltmp1:
0x1e7: {  	_ = 	snop;
	(pc) =	sbr.rel @p0 .LBB2_1-.Ltmp1, $4  }
0x1e8: {  	_ =	swait.ge [sflag:s6], $0x800  }
0x1e9: {  	[sflag:s6] =	ssyncset.done $0x0  }
0x1ea: {  	[sflag:s6] =	ssyncadd.s32 $0xFFFFF800  }
0x1eb: {  	s1 =	sadd.s32 $0xFFFFFFFF, s1;
	_ =	swait.ge [sflag:s6], $0x800  }
.LBB2_2:
0x1ec: {  	[sflag:s6] =	ssyncset.done $0x0  }
0x1ed: {  	[sflag:s6] =	ssyncadd.s32 $0xFFFFF800  }
0x1ee: {  	_ =	swait.ge [sflag:s6], $0x800  }
0x1ef: {  	[sflag:s6] =	ssyncset.done $0x0  }
0x1f0: {  	[sflag:s6] =	ssyncadd.s32 $0xFFFFF800  }
0x1f1: {  	_ =	swait.ge [sflag:s6], $0x800  }
0x1f2: {  	[sflag:s6] =	ssyncset.done $0x0  }
0x1f3: {  	[sflag:s6] =	ssyncadd.s32 $0xFFFFF800  }
0x1f4: {  	_ =	swait.ge [sflag:s6], $0x800  }
0x1f5: {  	[sflag:s6] =	ssyncset.done $0x0  }
0x1f6: {  	[sflag:s6] =	ssyncadd.s32 $0xFFFFF800  }
0x1f7: {  	_ =	swait.ge [sflag:s6], $0x800  }
0x1f8: {  	[sflag:s6] =	ssyncset.done $0x0  }
0x1f9: {  	[sflag:s6] =	ssyncadd.s32 $0xFFFFF800  }
0x1fa: {  	_ =	swait.ge [sflag:s6], $0x800  }
0x1fb: {  	[sflag:s6] =	ssyncset.done $0x0  }
0x1fc: {  	[sflag:s6] =	ssyncadd.s32 $0xFFFFF800  }
0x1fd: {  	_ =	swait.ge [sflag:s6], $0x800  }
0x1fe: {  	[sflag:s6] =	ssyncset.done $0x0  }
0x1ff: {  	s0 =	rddreg [dreg:$0x3];
	[sflag:s6] =	ssyncadd.s32 $0xFFFFF800  }
0x200: {  	[hbm4b:s0+s2] =	stream.linear.scatter [tilespmem:s4], [sflag:$0x2], $0x14000, $0x38;
	[tilespmem:$0x15400] =	vst v63  }
0x201: {  	_ =	swait.ge [sflag:s3], $0x14000  }
0x202: {  	[sflag:s3] =	ssyncset.done $0x0  }
0x203: {  	[sflag:s3] =	ssyncadd.s32 $0xFFFEC000  }
0x204: {  	_ =	sfence.sel $0x180000  }
0x205: {  	[bflag:$0x0] =	sbarrier.arrive $0xFFFF  }
0x206: {  	_ =	strace $0x90000047  }
0x207: {  	s31 =	stileid.u32;
	[bflag:$0x2] =	sbarrier.arrive $0xFFFF  }
0x208: {  	p0 =	sne.s32 s31, $0x0;
	s0 =	rddreg [dreg:$0x1]  }
0x209: {  	s0 =	sadd.s32 @!p0 $0x100000, s0  }
0x20a: {  	[sflag:s0] =	ssyncadd.tile.s32 @!p0 $0x1;
	_ =	shalt  }
.Lfunc_end2:
_tile_overlayer_lowered:
.L_overlay_start_2:
0x20b: {  	(tag) =	ssettag $0x2  }
0x20c: {  	s0 =	rddreg [dreg:$0x0];
	s2 =	stileid.u32  }
0x20d: {  	s1 =	rddreg [dreg:$0x1];
	p0 =	sne.s32 s2, $0x0  }
0x20e: {  	s3 =	rddreg [dreg:$0x2];
	[bflag:$0x3] =	sbarrier.arrive $0xFFFF;
	s2 =	simm.s32 @!p0 $0x1C02  }
0x20f: {  	[timem:s3], [sflag:s2] =	dma.local @!p0 [hbm:s0], s1  }
0x210: {  	s0 =	simm.s32 @!p0 $0x2  }
0x211: {  	_ =	swait.ge @!p0 [sflag:s0], s1  }
0x212: {  	s1 =	ssub.s32 @!p0 $0x0, s1;
	[sflag:s0] =	ssyncset.done @!p0 $0x0  }
0x213: {  	[sflag:s0] =	ssyncadd.s32 @!p0 s1  }
0x214: {  	[bflag:$0x3] =	sbarrier.arrive $0xFFFF  }
0x215: {  	_ =	shalt  }

// kernel: kernel.19.cloned.1.call-start
scs
__scs_entry_jumppad:
0x0: {  	(pc) =	sbr.rel $0x88, $3  }
0x1: {  	(tag) =	ssettag $0x0;
	lr =	simm.s32 $0x1  }
0x2: {  	[smem:$0x3F74] =	sst lr;
	_ =	strace $0xD0000000  }
0x3: {  	_ = 	snop  }
0x4: {  	_ = 	snop  }
0x5: {  	_ = 	snop  }
0x6: {  	_ = 	snop  }
0x7: {  	_ = 	snop  }
__scs_overlays_trampoline_lowered:
0x8: {  	[smem:$0x3F83] =	sst s0  }
0x9: {  	[smem:$0x3F84] =	sst s1  }
0xa: {  	[smem:$0x3F85] =	sst s2  }
0xb: {  	[smem:$0x3F86] =	sst s3  }
0xc: {  	[smem:$0x3F87] =	sst s4  }
0xd: {  	[smem:$0x3F88] =	sst s5  }
0xe: {  	[smem:$0x3F89] =	sst s6  }
0xf: {  	[smem:$0x3F8A] =	sst s7  }
0x10: {  	[smem:$0x3F8B] =	sst s8  }
0x11: {  	[smem:$0x3F8C] =	sst s9;
	s0 =	simm.s32 @!p0 $0x0  }
0x12: {  	s1 =	sld [smem:$0x3F72];
	s0 =	simm.s32 @p0 $0x1  }
0x13: {  	[smem:$0x3F8D] =	sst s0;
	s0 =	simm.s32 @!p1 $0x0  }
0x14: {  	s2 =	sld [smem:$0x3F71];
	s0 =	simm.s32 @p1 $0x1  }
0x15: {  	[smem:$0x3F8E] =	sst s0;
	s0 =	simm.s32 @!p2 $0x0  }
0x16: {  	s3 =	sld [smem:$0x3FDB];
	s0 =	simm.s32 @p2 $0x1  }
0x17: {  	s4 =	simm.s32 $0x1BF5;
	[smem:$0x3F90] =	sst s0  }
0x18: {  	s0 =	sld [smem:$0x3F73];
	_ =	swait.ge [sflag:s4], $0x0  }
0x19: {  	s7 =	sld [smem:$0x3F74]  }
0x1a: {  	s8 =	sadd.s32 $0xFFFFE003, lr  }
0x1b: {  	s9 =	sadd.s32 $0xFFFFFEF7, lr;
	s5 =	simm.s32 $0xFFFFFFFF;
	p2 =	slt.u32 s8, $0xFFFFF086  }
0x1c: {  	p1 =	slt.u32 s9, $0xF7A;
	s5 =	simm.s32 @!p2 $0x0  }
0x1d: {  	s5 =	simm.s32 @p1 $0x1;
	p0 =	seq.s32 s7, s2  }
0x1e: {  	s7 =	smul.u32 @!p0 $0xF7A, s2;
	p2 =	seq.s32 @!p0 s5, $0x0  }
0x1f: {  	s9 =	smul.u32 $0xF7A, s1;
	s8 =	simm.s32 @!p0 $0x1BF5;
	p2 =	por !p2, p0  }
0x20: {  	[sflag:s8] =	ssyncset.s32 @!p0 $0xFFFFF086;
	s6 =	sadd.s32 @!p0 s3, s7;
	s7 =	simm.s32 @!p0 $0x108  }
0x21: {  	s3 =	sadd.s32 s3, s9;
	s6 =	sadd.s32 @!p0 $0x88, s6;
	s7 =	simm.s32 @p2 $0x1082  }
0x22: {  	[simem:s7], [sflag:s8] =	dma.local @!p0 [hbm:s6], $0xF7A  }
0x23: {  	s9 =	sor.u32 $0xD0000000, s2;
	s6 =	simm.s32 $0x108;
	_ =	swait.ge @!p0 [sflag:s8], $0x0  }
0x24: {  	s3 =	sadd.s32 $0x88, s3;
	s6 =	simm.s32 @!p1 $0x1082;
	[sflag:s4] =	ssyncset.s32 $0xFFFFF086  }
0x25: {  	[simem:s6], [sflag:s4] =	dma.local [hbm:s3], $0xF7A  }
0x26: {  	[smem:$0x3F74] =	sst s1;
	(tag) =	ssettag s2;
	_ =	strace s9  }
0x27: {  	s1 =	sld [smem:$0x3F84]  }
0x28: {  	s2 =	sld [smem:$0x3F85]  }
0x29: {  	s4 =	sld [smem:$0x3F87]  }
0x2a: {  	p0 =	seq.s32 s5, $0x0;
	s5 =	sld [smem:$0x3F88]  }
0x2b: {  	s6 =	sld [smem:$0x3F89]  }
0x2c: {  	s7 =	sld [smem:$0x3F8A]  }
0x2d: {  	s3 =	simm.s32 $0x108;
	s8 =	sld [smem:$0x3F8B]  }
0x2e: {  	s3 =	simm.s32 @!p0 $0x1082;
	s9 =	sld [smem:$0x3F8C]  }
0x2f: {  	lr =	sadd.s32 s0, s3;
	s0 =	sld [smem:$0x3F83]  }
0x30: {  	s3 =	sld [smem:$0x3F86]  }
0x31: {  	[smem:$0x3F8F] =	sst s10  }
0x32: {  	s10 =	sld [smem:$0x3F8D];
	_ =	sdelay $0x3  }
0x33: {  	p0 =	seq.s32 s10, $0x1;
	s10 =	sld [smem:$0x3F8F];
	_ =	sdelay $0x3  }
0x34: {  	[smem:$0x3F8F] =	sst s10  }
0x35: {  	s10 =	sld [smem:$0x3F8E];
	_ =	sdelay $0x3  }
0x36: {  	p1 =	seq.s32 s10, $0x1;
	s10 =	sld [smem:$0x3F8F];
	_ =	sdelay $0x3  }
0x37: {  	[smem:$0x3F8F] =	sst s10  }
0x38: {  	s10 =	sld [smem:$0x3F90]  }
0x39: {  	_ = 	snop;
	(pc) =	sbr.ind lr, $3  }
0x3a: {  	_ = 	snop  }
0x3b: {  	_ = 	snop  }
0x3c: {  	p2 =	seq.s32 s10, $0x1;
	s10 =	sld [smem:$0x3F8F]  }
0x3d: {  	_ =	shalt  }
0x3e: {  	_ =	shalt  }
0x3f: {  	_ =	shalt  }
0x40: {  	_ =	shalt  }
0x41: {  	_ =	shalt  }
0x42: {  	_ =	shalt  }
0x43: {  	_ =	shalt  }
0x44: {  	_ =	shalt  }
0x45: {  	_ =	shalt  }
0x46: {  	_ =	shalt  }
0x47: {  	_ =	shalt  }
0x48: {  	_ =	shalt  }
0x49: {  	_ =	shalt  }
0x4a: {  	_ =	shalt  }
0x4b: {  	_ =	shalt  }
0x4c: {  	_ =	shalt  }
0x4d: {  	_ =	shalt  }
0x4e: {  	_ =	shalt  }
0x4f: {  	_ =	shalt  }
0x50: {  	_ =	shalt  }
0x51: {  	_ =	shalt  }
0x52: {  	_ =	shalt  }
0x53: {  	_ =	shalt  }
0x54: {  	_ =	shalt  }
0x55: {  	_ =	shalt  }
0x56: {  	_ =	shalt  }
0x57: {  	_ =	shalt  }
0x58: {  	_ =	shalt  }
0x59: {  	_ =	shalt  }
0x5a: {  	_ =	shalt  }
0x5b: {  	_ =	shalt  }
0x5c: {  	_ =	shalt  }
0x5d: {  	_ =	shalt  }
0x5e: {  	_ =	shalt  }
0x5f: {  	_ =	shalt  }
0x60: {  	_ =	shalt  }
0x61: {  	_ =	shalt  }
0x62: {  	_ =	shalt  }
0x63: {  	_ =	shalt  }
0x64: {  	_ =	shalt  }
0x65: {  	_ =	shalt  }
0x66: {  	_ =	shalt  }
0x67: {  	_ =	shalt  }
0x68: {  	_ =	shalt  }
0x69: {  	_ =	shalt  }
0x6a: {  	_ =	shalt  }
0x6b: {  	_ =	shalt  }
0x6c: {  	_ =	shalt  }
0x6d: {  	_ =	shalt  }
0x6e: {  	_ =	shalt  }
0x6f: {  	_ =	shalt  }
0x70: {  	_ =	shalt  }
0x71: {  	_ =	shalt  }
0x72: {  	_ =	shalt  }
0x73: {  	_ =	shalt  }
0x74: {  	_ =	shalt  }
0x75: {  	_ =	shalt  }
0x76: {  	_ =	shalt  }
0x77: {  	_ =	shalt  }
0x78: {  	_ =	shalt  }
0x79: {  	_ =	shalt  }
0x7a: {  	_ =	shalt  }
0x7b: {  	_ =	shalt  }
0x7c: {  	_ =	shalt  }
0x7d: {  	_ =	shalt  }
0x7e: {  	_ =	shalt  }
0x7f: {  	_ =	shalt  }
0x80: {  	_ =	shalt  }
0x81: {  	_ =	shalt  }
0x82: {  	_ =	shalt  }
0x83: {  	_ =	shalt  }
0x84: {  	_ =	shalt  }
0x85: {  	_ =	shalt  }
0x86: {  	_ =	shalt  }
0x87: {  	_ =	shalt  }
.Lfunc_end0:
.L_simem_size_0:
called_computation.2_lowered:
.L_overlay_start_0:
0x88: {  	s2 =	sld [smem:$0x3FD9]  }
0x89: {  	s3 =	sld [smem:$0x3FFE];
	_ =	sdelay $0x1  }
0x8a: {  	s1 =	srdreg.scid  }
0x8b: {  	s0 =	sand.u32 $0x1, s1  }
0x8c: {  	s17 =	sshll.u32 s0, $0xA;
	s2 =	sadd.s32 s3, s2  }
0x8d: {  	s2 =	sadd.s32 s2, s17  }
0x8e: {  	[smem:$0x3F9B] =	sst s2  }
0x8f: {  	_ = 	snop  }
0x90: {  	(tm) =	ssettm $0x1  }
0x91: {  	s18 =	sld [smem:$0x3FFB];
	_ =	sdelay $0x3  }
0x92: {  	_ =	strace s18  }
0x93: {  	s2 =	sld [smem:$0x3FFC];
	_ =	sdelay $0x3  }
0x94: {  	_ =	strace s2  }
0x95: {  	s2 =	sld [smem:$0x3FFD];
	_ =	sdelay $0x3  }
0x96: {  	_ =	strace s2  }
0x97: {  	_ =	strace $0x8FFFFFFF  }
0x98: {  	s19 =	sld [smem:$0x3FDB];
	_ =	sdelay $0x1  }
0x99: {  	s20 =	simm.s32 $_scs_section_size  }
0x9a: {  	s4 =	simm.s32 $_size__tile_overlayer_lowered;
	s5 =	simm.s32 $_tile_overlayer_lowered  }
0x9b: {  	s6 =	simm.s32 $0x1BFF;
	s21 =	sshll.u32 s5, $0x1;
	s3 =	sadd.s32 s20, s19  }
0x9c: {  	s22 =	simm.s32 $0x0;
	s4 =	sshll.u32 s4, $0x1;
	s5 =	sadd.s32 s21, s3  }
0x9d: {  	[timem:s22], [sflag:s6] =	dma.local [hbm:s5], s4  }
0x9e: {  	_ =	swait.ge [sflag:s6], s4  }
0x9f: {  	s4 =	ssub.s32 $0x0, s4;
	[sflag:s6] =	ssyncset.done $0x0  }
0xa0: {  	[sflag:s6] =	ssyncadd.s32 s4;
	_ =	sdelay $0x1  }
0xa1: {  	s23 =	simm.s32 $0x1B8B  }
0xa2: {  	_ =	swait.ge [sflag:s23], $0x1  }
0xa3: {  	[sflag:s23] =	ssyncset.done $0x0  }
0xa4: {  	[sflag:s23] =	ssyncadd.s32 $0xFFFFFFFF  }
0xa5: {  	s4 =	sld [smem:$0x0]  }
0xa6: {  	s5 =	sand.u32 $0xFFFFFFFE, s1  }
0xa7: {  	p0 =	sne.s32 s1, s5  }
0xa8: {  	s5 =	sshll.u32 @p0 s5, $0xE  }
0xa9: {  	s5 =	sadd.s32 @p0 $0x11B8D, s5;
	s6 =	sshll.u32 @p0 s4, $0x11  }
0xaa: {  	s5 =	sor.u32 @p0 s6, s5  }
0xab: {  	[sflag:s5] =	ssyncadd.remote.s32 @p0 $0x1;
	_ =	sdelay $0x1  }
0xac: {  	s5 =	simm.s32 @p0 $0x1B8D  }
0xad: {  	_ =	swait.eq @p0 [sflag:s5], $0x1  }
0xae: {  	[sflag:s5] =	ssyncadd.s32 @p0 $0xFFFFFFFF  }
0xaf: {  	s6 =	sshll.u32 @!p0 s1, $0xE  }
0xb0: {  	s6 =	sor.u32 @!p0 $0x4000, s6;
	s5 =	simm.s32 @!p0 $0x1B8D  }
0xb1: {  	s4 =	sshll.u32 @!p0 s4, $0x11;
	s6 =	sadd.s32 @!p0 $0x11B8D, s6;
	_ =	swait.eq @!p0 [sflag:s5], $0x1  }
0xb2: {  	s4 =	sor.u32 @!p0 s4, s6;
	[sflag:s5] =	ssyncadd.s32 @!p0 $0xFFFFFFFF  }
0xb3: {  	s25 =	simm.s32 $0x1B8E;
	s24 =	sld [smem:$0x3FFE];
	[sflag:s4] =	ssyncadd.remote.s32 @!p0 $0x1  }
0xb4: {  	s26 =	simm.s32 $execute0_lowered;
	[smem:$0x3FD2] =	sst s25  }
0xb5: {  	s5 =	sshll.u32 s26, $0x1;
	_ =	strace $0x8000004C;
	[dreg:$0x1] =	wrdreg $0xFFFFFFFF  }
0xb6: {  	s28 =	simm.s32 $_size_execute0_lowered;
	s3 =	sadd.s32 s3, s5;
	[dreg:$0x0] =	wrdreg $0x0  }
0xb7: {  	s5 =	sshll.u32 s28, $0x1;
	[dreg:$0x2] =	wrdreg s3  }
0xb8: {  	[dreg:$0x3] =	wrdreg s5  }
0xb9: {  	[dreg:$0x4] =	wrdreg $0xC0  }
0xba: {  	_ =	task [dreg:s22], $0x5FFFF  }
0xbb: {  	[dreg:$0x1] =	wrdreg $0xFFFFFFFF  }
0xbc: {  	[dreg:$0x0] =	wrdreg $0x60  }
0xbd: {  	[dreg:$0x2] =	wrdreg s24  }
0xbe: {  	[dreg:$0x3] =	wrdreg $0x154000  }
0xbf: {  	[dreg:$0x4] =	wrdreg $0xA  }
0xc0: {  	_ =	task.clear_ibuf [dreg:s22], $0x5FFFF;
	_ =	strace $0x9000004C  }
0xc1: {  	s29 =	simm.s32 $0xA;
	_ =	strace $0x8000004E  }
0xc2: {  	_ =	swait.ge [sflag:s29], $0x1  }
0xc3: {  	[sflag:s29] =	ssyncadd.s32 $0xFFFFFFFF  }
0xc4: {  	_ =	strace $0x9000004E  }
0xc5: {  	_ =	sfence  }
0xc6: {  	s30 =	sld [smem:$0x0];
	_ =	sdelay $0x2  }
0xc7: {  	s31 =	sshll.u32 s1, $0xD;
	s1 =	sshrl.u32 s1, $0x2  }
0xc8: {  	s4 =	sand.u32 $0x4000, s31;
	s1 =	sadd.s32 s1, s30  }
0xc9: {  	s0 =	sor.u32 s4, s0;
	s1 =	sshll.u32 s1, $0x11  }
0xca: {  	s0 =	sor.u32 s1, s0  }
0xcb: {  	s0 =	sadd.s32 $0x8F2B, s0  }
0xcc: {  	[sflag:s0] =	ssyncadd.remote.s32 $0x1  }
0xcd: {  	_ =	sfence.sel $0xFFFF  }
0xce: {  	[dreg:$0x0] =	wrdreg $0xFFFFFFFF;
	(pc) =	sbr.abs _section_cstart, $3  }
0xcf: {  	[dreg:$0x1] =	wrdreg $0xFFFFFFFF  }
0xd0: {  	_ =	task.clear_ibuf [dreg:s22], $0x2FFFF;
	_ =	strace $0x9FFFFFFF  }
0xd1: {  	(tm) =	ssettm $0x7FFFFFFF  }
tec
execute0_lowered:
.L_overlay_start_1:
0x0: {  	(tag) =	ssettag $0x1  }
0x1: {  	s1 =	srdreg.scid;
	s5 =	rddreg [dreg:$0x0]  }
0x2: {  	s0 =	stileid.u32;
	s2 =	rddreg [dreg:$0x1]  }
0x3: {  	s3 =	simm.s32 $0x0;
	s13 =	simm.s32 $0x0;
	s8 =	smul.u32 $0x2720, s0  }
0x4: {  	s4 =	sand.u32 $0x1, s1;
	s26 =	sshll.u32 s0, $0x1;
	s9 =	smul.u32 $0x4E4, s0  }
0x5: {  	[smem:$0x7FF] =	sst s3;
	s1 =	sor.u32 s4, s26;
	s10 =	smul.u32 $0x4E40, s4  }
0x6: {  	s31 =	sshll.u32 s0, $0x6;
	s4 =	ssub.s32 $0x2, s4;
	s6 =	smul.u32 $0x2800, s1  }
0x7: {  	s7 =	smul.u32 $0x280, s1;
	s1 =	rddreg [dreg:$0x2];
	_ =	strace $0x8000004D  }
0x8: {  	s29 =	sshrl.u32 s8, $0x3;
	s30 =	sshrl.u32 s4, $0x1;
	s12 =	sadd.s32 s8, s2  }
0x9: {  	s9 =	sadd.s32 s9, s10;
	s10 =	ssub.s32 s4, s30;
	s11 =	sadd.s32 s6, s5  }
0xa: {  	s28 =	sadd.s32 s7, s5;
	s7 =	sadd.s32 s29, s5;
	s9 =	sadd.s32 s9, s5  }
0xb: {  	s5 =	sor.u32 $0x1C01, s31;
	s4 =	sadd.s32 $0x67A00, s7;
	s6 =	sadd.s32 $0x62A00, s28  }
0xc: {  	s7 =	sadd.s32 $0x76A00, s11;
	s8 =	sadd.s32 $0x12A00, s9;
	s9 =	smax.u32 s10, $0x1  }
0xd: {  	s10 =	sshrl.u32 s12, $0x3;
	s11 =	simm.s32 $0x1;
	s12 =	simm.s32 $0x80  }
.LBB2_1:
0xe: {  	[spmem:s10], [sflag:s5] =	dma.local [hbm:s4], $0x4E4  }
0xf: {  	_ =	swait.ge [sflag:s11], $0x4E4  }
0x10: {  	[sflag:s11] =	ssyncset.done $0x0  }
0x11: {  	[sflag:s11] =	ssyncadd.s32 $0xFFFFFB1C  }
0x12: {  	[tilespmem:s3], [sflag:$0x1] =	stream.linear.gather [hbm4b:s6+s3], $0x1400, $0x38;
	[tilespmem:$0x17B20] =	vst v63  }
0x13: {  	_ =	swait.ge [sflag:s11], $0x1400  }
0x14: {  	[sflag:s11] =	ssyncset.done $0x0  }
0x15: {  	s14 =	simm.s32 $0x1400;
	[sflag:s11] =	ssyncadd.s32 $0xFFFFEC00  }
0x16: {  	[tilespmem:s14], [sflag:$0x1] =	stream.linear.gather [hbm4b:s7+s3], $0x14000, $0x38;
	[tilespmem:$0x17B20] =	vst v63  }
0x17: {  	_ =	swait.ge [sflag:s11], $0x14000  }
0x18: {  	[sflag:s11] =	ssyncset.done $0x0  }
0x19: {  	[sflag:s11] =	ssyncadd.s32 $0xFFFEC000  }
0x1a: {  	s15 =	simm.s32 $0x0;
	[bflag:$0x0] =	sbarrier.arrive $0xFFFF  }
0x1b: {  	[spmem:s2] =	stream.indirect.scatter.add.f32 [tilespmem:s14], [sflag:$0x1], $0x10, s15, s12, $0xb8;
	[tilespmem:$0x17B20] =	vst v63  }
0x1c: {  	_ =	swait.ge [sflag:s11], $0x800  }
0x1d: {  	s15 =	simm.s32 $0x200;
	[sflag:s11] =	ssyncset.done $0x0  }
.LBB2_2:
0x1e: {  	s16 =	sshra.s32 s15, $0x2  }
0x1f: {  	[sflag:s11] =	ssyncadd.s32 $0xFFFFF800;
	s14 =	sadd.s32 $0x800, s14;
	p0 =	sne.s32 s15, $0x4E00  }
0x20: {  	[spmem:s2] =	stream.indirect.scatter.add.f32 [tilespmem:s14], [sflag:$0x1], $0x10, s16, s12, $0xb8;
	[tilespmem:$0x17B20] =	vst v63  }
.Ltmp0:
0x21: {  	_ = 	snop;
	(pc) =	sbr.rel @p0 .LBB2_2-.Ltmp0, $4  }
0x22: {  	_ = 	snop  }
0x23: {  	s15 =	sadd.s32 $0x200, s15  }
0x24: {  	_ =	swait.ge [sflag:s11], $0x800  }
0x25: {  	[sflag:s11] =	ssyncset.done $0x0  }
0x26: {  	s13 =	sadd.s32 $0x1, s13  }
0x27: {  	[sflag:s11] =	ssyncadd.s32 $0xFFFFF800;
	p0 =	sne.s32 s13, s9  }
.Ltmp1:
0x28: {  	[bflag:$0x0] =	sbarrier.arrive $0xFFFF;
	(pc) =	sbr.rel @p0 .LBB2_1-.Ltmp1, $4  }
0x29: {  	[hbm:s8], [sflag:s5] =	dma.local [spmem:s10], $0x4E4  }
0x2a: {  	_ =	swait.ge [sflag:s11], $0x4E4  }
0x2b: {  	[sflag:s11] =	ssyncset.done $0x0  }
0x2c: {  	[sflag:s11] =	ssyncadd.s32 $0xFFFFFB1C  }
0x2d: {  	_ =	sfence.sel $0x180000  }
0x2e: {  	[bflag:$0x0] =	sbarrier.arrive $0xFFFF  }
0x2f: {  	p0 =	sne.s32 s0, $0x0;
	_ =	strace $0x9000004D  }
0x30: {  	s0 =	sadd.s32 @!p0 $0x100000, s1;
	[bflag:$0x2] =	sbarrier.arrive $0xFFFF  }
0x31: {  	[sflag:s0] =	ssyncadd.tile.s32 @!p0 $0x1;
	_ =	shalt  }
.Lfunc_end2:
_tile_overlayer_lowered:
.L_overlay_start_2:
0x32: {  	(tag) =	ssettag $0x2  }
0x33: {  	s0 =	rddreg [dreg:$0x0];
	s2 =	stileid.u32  }
0x34: {  	s1 =	rddreg [dreg:$0x1];
	p0 =	sne.s32 s2, $0x0  }
0x35: {  	s3 =	rddreg [dreg:$0x2];
	[bflag:$0x3] =	sbarrier.arrive $0xFFFF;
	s2 =	simm.s32 @!p0 $0x1C01  }
0x36: {  	[timem:s3], [sflag:s2] =	dma.local @!p0 [hbm:s0], s1  }
0x37: {  	s0 =	simm.s32 @!p0 $0x1  }
0x38: {  	_ =	swait.ge @!p0 [sflag:s0], s1  }
0x39: {  	s1 =	ssub.s32 @!p0 $0x0, s1;
	[sflag:s0] =	ssyncset.done @!p0 $0x0  }
0x3a: {  	[sflag:s0] =	ssyncadd.s32 @!p0 s1  }
0x3b: {  	[bflag:$0x3] =	sbarrier.arrive $0xFFFF  }
0x3c: {  	_ =	shalt  }

// kernel: kernel.22.cloned.1.call-start
scs
__scs_entry_jumppad:
0x0: {  	(pc) =	sbr.rel $0x88, $3  }
0x1: {  	(tag) =	ssettag $0x0;
	lr =	simm.s32 $0x1  }
0x2: {  	[smem:$0x3F74] =	sst lr;
	_ =	strace $0xD0000000  }
0x3: {  	_ = 	snop  }
0x4: {  	_ = 	snop  }
0x5: {  	_ = 	snop  }
0x6: {  	_ = 	snop  }
0x7: {  	_ = 	snop  }
__scs_overlays_trampoline_lowered:
0x8: {  	[smem:$0x3F83] =	sst s0  }
0x9: {  	[smem:$0x3F84] =	sst s1  }
0xa: {  	[smem:$0x3F85] =	sst s2  }
0xb: {  	[smem:$0x3F86] =	sst s3  }
0xc: {  	[smem:$0x3F87] =	sst s4  }
0xd: {  	[smem:$0x3F88] =	sst s5  }
0xe: {  	[smem:$0x3F89] =	sst s6  }
0xf: {  	[smem:$0x3F8A] =	sst s7  }
0x10: {  	[smem:$0x3F8B] =	sst s8  }
0x11: {  	[smem:$0x3F8C] =	sst s9;
	s0 =	simm.s32 @!p0 $0x0  }
0x12: {  	s1 =	sld [smem:$0x3F72];
	s0 =	simm.s32 @p0 $0x1  }
0x13: {  	[smem:$0x3F8D] =	sst s0;
	s0 =	simm.s32 @!p1 $0x0  }
0x14: {  	s2 =	sld [smem:$0x3F71];
	s0 =	simm.s32 @p1 $0x1  }
0x15: {  	[smem:$0x3F8E] =	sst s0;
	s0 =	simm.s32 @!p2 $0x0  }
0x16: {  	s3 =	sld [smem:$0x3FDB];
	s0 =	simm.s32 @p2 $0x1  }
0x17: {  	s4 =	simm.s32 $0x1BF5;
	[smem:$0x3F90] =	sst s0  }
0x18: {  	s0 =	sld [smem:$0x3F73];
	_ =	swait.ge [sflag:s4], $0x0  }
0x19: {  	s7 =	sld [smem:$0x3F74]  }
0x1a: {  	s8 =	sadd.s32 $0xFFFFE003, lr  }
0x1b: {  	s9 =	sadd.s32 $0xFFFFFEF7, lr;
	s5 =	simm.s32 $0xFFFFFFFF;
	p2 =	slt.u32 s8, $0xFFFFF086  }
0x1c: {  	p1 =	slt.u32 s9, $0xF7A;
	s5 =	simm.s32 @!p2 $0x0  }
0x1d: {  	s5 =	simm.s32 @p1 $0x1;
	p0 =	seq.s32 s7, s2  }
0x1e: {  	s7 =	smul.u32 @!p0 $0xF7A, s2;
	p2 =	seq.s32 @!p0 s5, $0x0  }
0x1f: {  	s9 =	smul.u32 $0xF7A, s1;
	s8 =	simm.s32 @!p0 $0x1BF5;
	p2 =	por !p2, p0  }
0x20: {  	[sflag:s8] =	ssyncset.s32 @!p0 $0xFFFFF086;
	s6 =	sadd.s32 @!p0 s3, s7;
	s7 =	simm.s32 @!p0 $0x108  }
0x21: {  	s3 =	sadd.s32 s3, s9;
	s6 =	sadd.s32 @!p0 $0x88, s6;
	s7 =	simm.s32 @p2 $0x1082  }
0x22: {  	[simem:s7], [sflag:s8] =	dma.local @!p0 [hbm:s6], $0xF7A  }
0x23: {  	s9 =	sor.u32 $0xD0000000, s2;
	s6 =	simm.s32 $0x108;
	_ =	swait.ge @!p0 [sflag:s8], $0x0  }
0x24: {  	s3 =	sadd.s32 $0x88, s3;
	s6 =	simm.s32 @!p1 $0x1082;
	[sflag:s4] =	ssyncset.s32 $0xFFFFF086  }
0x25: {  	[simem:s6], [sflag:s4] =	dma.local [hbm:s3], $0xF7A  }
0x26: {  	[smem:$0x3F74] =	sst s1;
	(tag) =	ssettag s2;
	_ =	strace s9  }
0x27: {  	s1 =	sld [smem:$0x3F84]  }
0x28: {  	s2 =	sld [smem:$0x3F85]  }
0x29: {  	s4 =	sld [smem:$0x3F87]  }
0x2a: {  	p0 =	seq.s32 s5, $0x0;
	s5 =	sld [smem:$0x3F88]  }
0x2b: {  	s6 =	sld [smem:$0x3F89]  }
0x2c: {  	s7 =	sld [smem:$0x3F8A]  }
0x2d: {  	s3 =	simm.s32 $0x108;
	s8 =	sld [smem:$0x3F8B]  }
0x2e: {  	s3 =	simm.s32 @!p0 $0x1082;
	s9 =	sld [smem:$0x3F8C]  }
0x2f: {  	lr =	sadd.s32 s0, s3;
	s0 =	sld [smem:$0x3F83]  }
0x30: {  	s3 =	sld [smem:$0x3F86]  }
0x31: {  	[smem:$0x3F8F] =	sst s10  }
0x32: {  	s10 =	sld [smem:$0x3F8D];
	_ =	sdelay $0x3  }
0x33: {  	p0 =	seq.s32 s10, $0x1;
	s10 =	sld [smem:$0x3F8F];
	_ =	sdelay $0x3  }
0x34: {  	[smem:$0x3F8F] =	sst s10  }
0x35: {  	s10 =	sld [smem:$0x3F8E];
	_ =	sdelay $0x3  }
0x36: {  	p1 =	seq.s32 s10, $0x1;
	s10 =	sld [smem:$0x3F8F];
	_ =	sdelay $0x3  }
0x37: {  	[smem:$0x3F8F] =	sst s10  }
0x38: {  	s10 =	sld [smem:$0x3F90]  }
0x39: {  	_ = 	snop;
	(pc) =	sbr.ind lr, $3  }
0x3a: {  	_ = 	snop  }
0x3b: {  	_ = 	snop  }
0x3c: {  	p2 =	seq.s32 s10, $0x1;
	s10 =	sld [smem:$0x3F8F]  }
0x3d: {  	_ =	shalt  }
0x3e: {  	_ =	shalt  }
0x3f: {  	_ =	shalt  }
0x40: {  	_ =	shalt  }
0x41: {  	_ =	shalt  }
0x42: {  	_ =	shalt  }
0x43: {  	_ =	shalt  }
0x44: {  	_ =	shalt  }
0x45: {  	_ =	shalt  }
0x46: {  	_ =	shalt  }
0x47: {  	_ =	shalt  }
0x48: {  	_ =	shalt  }
0x49: {  	_ =	shalt  }
0x4a: {  	_ =	shalt  }
0x4b: {  	_ =	shalt  }
0x4c: {  	_ =	shalt  }
0x4d: {  	_ =	shalt  }
0x4e: {  	_ =	shalt  }
0x4f: {  	_ =	shalt  }
0x50: {  	_ =	shalt  }
0x51: {  	_ =	shalt  }
0x52: {  	_ =	shalt  }
0x53: {  	_ =	shalt  }
0x54: {  	_ =	shalt  }
0x55: {  	_ =	shalt  }
0x56: {  	_ =	shalt  }
0x57: {  	_ =	shalt  }
0x58: {  	_ =	shalt  }
0x59: {  	_ =	shalt  }
0x5a: {  	_ =	shalt  }
0x5b: {  	_ =	shalt  }
0x5c: {  	_ =	shalt  }
0x5d: {  	_ =	shalt  }
0x5e: {  	_ =	shalt  }
0x5f: {  	_ =	shalt  }
0x60: {  	_ =	shalt  }
0x61: {  	_ =	shalt  }
0x62: {  	_ =	shalt  }
0x63: {  	_ =	shalt  }
0x64: {  	_ =	shalt  }
0x65: {  	_ =	shalt  }
0x66: {  	_ =	shalt  }
0x67: {  	_ =	shalt  }
0x68: {  	_ =	shalt  }
0x69: {  	_ =	shalt  }
0x6a: {  	_ =	shalt  }
0x6b: {  	_ =	shalt  }
0x6c: {  	_ =	shalt  }
0x6d: {  	_ =	shalt  }
0x6e: {  	_ =	shalt  }
0x6f: {  	_ =	shalt  }
0x70: {  	_ =	shalt  }
0x71: {  	_ =	shalt  }
0x72: {  	_ =	shalt  }
0x73: {  	_ =	shalt  }
0x74: {  	_ =	shalt  }
0x75: {  	_ =	shalt  }
0x76: {  	_ =	shalt  }
0x77: {  	_ =	shalt  }
0x78: {  	_ =	shalt  }
0x79: {  	_ =	shalt  }
0x7a: {  	_ =	shalt  }
0x7b: {  	_ =	shalt  }
0x7c: {  	_ =	shalt  }
0x7d: {  	_ =	shalt  }
0x7e: {  	_ =	shalt  }
0x7f: {  	_ =	shalt  }
0x80: {  	_ =	shalt  }
0x81: {  	_ =	shalt  }
0x82: {  	_ =	shalt  }
0x83: {  	_ =	shalt  }
0x84: {  	_ =	shalt  }
0x85: {  	_ =	shalt  }
0x86: {  	_ =	shalt  }
0x87: {  	_ =	shalt  }
.Lfunc_end0:
.L_simem_size_0:
called_computation.3_lowered:
.L_overlay_start_0:
0x88: {  	s2 =	sld [smem:$0x3FD9]  }
0x89: {  	s3 =	sld [smem:$0x3FFE];
	_ =	sdelay $0x1  }
0x8a: {  	s1 =	srdreg.scid  }
0x8b: {  	s0 =	sand.u32 $0x1, s1  }
0x8c: {  	s16 =	sshll.u32 s0, $0xA;
	s2 =	sadd.s32 s3, s2  }
0x8d: {  	s2 =	sadd.s32 s2, s16  }
0x8e: {  	[smem:$0x3F9B] =	sst s2  }
0x8f: {  	_ = 	snop  }
0x90: {  	(tm) =	ssettm $0x1  }
0x91: {  	s17 =	sld [smem:$0x3FFB];
	_ =	sdelay $0x3  }
0x92: {  	_ =	strace s17  }
0x93: {  	s2 =	sld [smem:$0x3FFC];
	_ =	sdelay $0x3  }
0x94: {  	_ =	strace s2  }
0x95: {  	s2 =	sld [smem:$0x3FFD];
	_ =	sdelay $0x3  }
0x96: {  	_ =	strace s2  }
0x97: {  	_ =	strace $0x8FFFFFFF  }
0x98: {  	s18 =	sld [smem:$0x3FDB];
	_ =	sdelay $0x1  }
0x99: {  	s19 =	simm.s32 $_scs_section_size  }
0x9a: {  	s4 =	simm.s32 $_size__tile_overlayer_lowered;
	s5 =	simm.s32 $_tile_overlayer_lowered  }
0x9b: {  	s22 =	simm.s32 $0x1BFF;
	s21 =	sshll.u32 s5, $0x1;
	s2 =	sadd.s32 s19, s18  }
0x9c: {  	s6 =	simm.s32 $0x0;
	s20 =	sshll.u32 s4, $0x1;
	s4 =	sadd.s32 s21, s2  }
0x9d: {  	[timem:s6], [sflag:s22] =	dma.local [hbm:s4], s20  }
0x9e: {  	_ =	swait.ge [sflag:s22], s20  }
0x9f: {  	s3 =	ssub.s32 $0x0, s20;
	[sflag:s22] =	ssyncset.done $0x0  }
0xa0: {  	[sflag:s22] =	ssyncadd.s32 s3;
	_ =	sdelay $0x1  }
0xa1: {  	s23 =	simm.s32 $0x1B8B  }
0xa2: {  	_ =	swait.ge [sflag:s23], $0x1  }
0xa3: {  	[sflag:s23] =	ssyncset.done $0x0  }
0xa4: {  	s25 =	simm.s32 $0x1B8E;
	s24 =	sld [smem:$0x3FFE];
	[sflag:s23] =	ssyncadd.s32 $0xFFFFFFFF  }
0xa5: {  	s26 =	simm.s32 $execute0_lowered;
	[smem:$0x3FD2] =	sst s25  }
0xa6: {  	s4 =	sshll.u32 s26, $0x1;
	_ =	strace $0x8000004F;
	[dreg:$0x1] =	wrdreg $0xFFFFFFFF  }
0xa7: {  	s28 =	simm.s32 $_size_execute0_lowered;
	s2 =	sadd.s32 s2, s4;
	[dreg:$0x0] =	wrdreg $0x0  }
0xa8: {  	s4 =	sshll.u32 s28, $0x1;
	[dreg:$0x2] =	wrdreg s2  }
0xa9: {  	[dreg:$0x3] =	wrdreg s4  }
0xaa: {  	[dreg:$0x4] =	wrdreg $0xC0  }
0xab: {  	_ =	task [dreg:s6], $0x5FFFF  }
0xac: {  	[dreg:$0x1] =	wrdreg $0xFFFFFFFF  }
0xad: {  	[dreg:$0x0] =	wrdreg $0x60  }
0xae: {  	[dreg:$0x2] =	wrdreg s24  }
0xaf: {  	[dreg:$0x3] =	wrdreg $0x9  }
0xb0: {  	_ =	task.clear_ibuf [dreg:s6], $0x4FFFF;
	_ =	strace $0x9000004F  }
0xb1: {  	s29 =	simm.s32 $0x9;
	_ =	strace $0x80000051  }
0xb2: {  	_ =	swait.ge [sflag:s29], $0x1  }
0xb3: {  	[sflag:s29] =	ssyncadd.s32 $0xFFFFFFFF  }
0xb4: {  	_ =	strace $0x90000051  }
0xb5: {  	_ =	sfence  }
0xb6: {  	s30 =	sld [smem:$0x0];
	_ =	sdelay $0x2  }
0xb7: {  	s31 =	sshll.u32 s1, $0xD;
	s1 =	sshrl.u32 s1, $0x2  }
0xb8: {  	s3 =	sand.u32 $0x4000, s31;
	s1 =	sadd.s32 s1, s30  }
0xb9: {  	s0 =	sor.u32 s3, s0;
	s1 =	sshll.u32 s1, $0x11  }
0xba: {  	s0 =	sor.u32 s1, s0  }
0xbb: {  	s0 =	sadd.s32 $0x8F2B, s0  }
0xbc: {  	[sflag:s0] =	ssyncadd.remote.s32 $0x1  }
0xbd: {  	_ =	sfence.sel $0xFFFF  }
0xbe: {  	[dreg:$0x0] =	wrdreg $0xFFFFFFFF;
	(pc) =	sbr.abs _section_cstart, $3  }
0xbf: {  	[dreg:$0x1] =	wrdreg $0xFFFFFFFF  }
0xc0: {  	_ =	task.clear_ibuf [dreg:s6], $0x2FFFF;
	_ =	strace $0x9FFFFFFF  }
0xc1: {  	(tm) =	ssettm $0x7FFFFFFF  }
tec
execute0_lowered:
.L_overlay_start_1:
0x0: {  	(tag) =	ssettag $0x1  }
0x1: {  	s1 =	srdreg.scid;
	s0 =	stileid.u32  }
0x2: {  	s1 =	sand.u32 $0x1, s1;
	s2 =	sshll.u32 s0, $0x1  }
0x3: {  	s4 =	rddreg [dreg:$0x0];
	s3 =	sor.u32 s1, s2;
	s2 =	simm.s32 $0x0  }
0x4: {  	s19 =	simm.s32 $0x1C00;
	[smem:$0x7FF] =	sst s2  }
0x5: {  	s20 =	simm.s32 $0x100;
	_ =	strace $0x80000050;
	[dreg:$0x4] =	wrdreg s19  }
0x6: {  	s21 =	simm.s32 $0x2400;
	[dreg:$0x5] =	wrdreg s20  }
0x7: {  	s22 =	simm.s32 $0x180;
	[dreg:$0x6] =	wrdreg s21  }
0x8: {  	s23 =	simm.s32 $0x2C00;
	[dreg:$0x7] =	wrdreg s22  }
0x9: {  	s24 =	simm.s32 $0x200;
	[dreg:$0x8] =	wrdreg s23  }
0xa: {  	s25 =	simm.s32 $0x3400;
	[dreg:$0x9] =	wrdreg s24  }
0xb: {  	s26 =	simm.s32 $0x280;
	[dreg:$0xa] =	wrdreg s25  }
0xc: {  	s0 =	simm.s32 $0x3C00;
	[dreg:$0xb] =	wrdreg s26  }
0xd: {  	s6 =	simm.s32 $0x4400;
	[dreg:$0xc] =	wrdreg s0  }
0xe: {  	s7 =	simm.s32 $0x380;
	[dreg:$0xe] =	wrdreg s6  }
0xf: {  	s8 =	simm.s32 $0x4C00;
	[dreg:$0xf] =	wrdreg s7  }
0x10: {  	s9 =	simm.s32 $0x400;
	[dreg:$0x10] =	wrdreg s8  }
0x11: {  	s10 =	simm.s32 $0x5400;
	[dreg:$0x11] =	wrdreg s9  }
0x12: {  	s11 =	simm.s32 $0x480;
	[dreg:$0x12] =	wrdreg s10  }
0x13: {  	s12 =	simm.s32 $0x5C00;
	[dreg:$0x13] =	wrdreg s11  }
0x14: {  	s13 =	simm.s32 $0x500;
	[dreg:$0x14] =	wrdreg s12  }
0x15: {  	s14 =	simm.s32 $0x6400;
	[dreg:$0x15] =	wrdreg s13  }
0x16: {  	s15 =	simm.s32 $0x580;
	[dreg:$0x16] =	wrdreg s14  }
0x17: {  	s16 =	simm.s32 $0x6C00;
	[dreg:$0x17] =	wrdreg s15  }
0x18: {  	s17 =	simm.s32 $0x600;
	[dreg:$0x18] =	wrdreg s16  }
0x19: {  	s18 =	simm.s32 $0x7400;
	[dreg:$0x19] =	wrdreg s17  }
0x1a: {  	[dreg:$0x1a] =	wrdreg s18;
	s19 =	simm.s32 $0x680  }
0x1b: {  	s20 =	simm.s32 $0x7C00;
	[dreg:$0x1b] =	wrdreg s19  }
0x1c: {  	s21 =	simm.s32 $0x700;
	[dreg:$0x1c] =	wrdreg s20  }
0x1d: {  	s22 =	simm.s32 $0x8400;
	[dreg:$0x1d] =	wrdreg s21  }
0x1e: {  	s23 =	simm.s32 $0x780;
	[dreg:$0x1e] =	wrdreg s22  }
0x1f: {  	s24 =	simm.s32 $0x8C00;
	[dreg:$0x1f] =	wrdreg s23  }
0x20: {  	s25 =	simm.s32 $0x800;
	[smem:$0x7E4] =	sst s24  }
0x21: {  	s26 =	simm.s32 $0x9400;
	[smem:$0x7EB] =	sst s25  }
0x22: {  	s0 =	simm.s32 $0x880;
	[smem:$0x7E9] =	sst s26  }
0x23: {  	s6 =	simm.s32 $0x900;
	[smem:$0x7ED] =	sst s0  }
0x24: {  	s7 =	simm.s32 $0xA400;
	[smem:$0x7E5] =	sst s6  }
0x25: {  	s8 =	simm.s32 $0x980;
	[smem:$0x7EA] =	sst s7  }
0x26: {  	s9 =	simm.s32 $0xAC00;
	[smem:$0x7EE] =	sst s8  }
0x27: {  	s10 =	simm.s32 $0xA00;
	[smem:$0x7EC] =	sst s9  }
0x28: {  	s11 =	simm.s32 $0xB400;
	[smem:$0x7EF] =	sst s10  }
0x29: {  	s12 =	simm.s32 $0xA80;
	[smem:$0x7E8] =	sst s11  }
0x2a: {  	s13 =	simm.s32 $0xBC00;
	[smem:$0x7F1] =	sst s12  }
0x2b: {  	s14 =	simm.s32 $0xB00;
	[smem:$0x7F0] =	sst s13  }
0x2c: {  	s15 =	simm.s32 $0xC400;
	[smem:$0x7F2] =	sst s14  }
0x2d: {  	s16 =	simm.s32 $0xB80;
	[smem:$0x7E6] =	sst s15  }
0x2e: {  	s17 =	simm.s32 $0xCC00;
	[smem:$0x7F4] =	sst s16  }
0x2f: {  	s18 =	simm.s32 $0xC00;
	[smem:$0x7F3] =	sst s17  }
0x30: {  	[smem:$0x7F6] =	sst s18;
	s19 =	simm.s32 $0xD400  }
0x31: {  	s20 =	simm.s32 $0xC80;
	[smem:$0x7F8] =	sst s19  }
0x32: {  	s21 =	simm.s32 $0xDC00;
	[smem:$0x7F7] =	sst s20  }
0x33: {  	s22 =	simm.s32 $0xD00;
	[smem:$0x7F5] =	sst s21  }
0x34: {  	s23 =	simm.s32 $0xE400;
	[smem:$0x7FB] =	sst s22  }
0x35: {  	s5 =	smul.u32 $0x280, s3;
	s24 =	simm.s32 $0xD80;
	[smem:$0x7F9] =	sst s23  }
0x36: {  	s3 =	smul.u32 $0x2800, s3;
	s25 =	simm.s32 $0xEC00;
	[smem:$0x7FC] =	sst s24  }
0x37: {  	s5 =	sadd.s32 s5, s4;
	s6 =	simm.s32 $0xE00;
	[smem:$0x7FA] =	sst s25  }
0x38: {  	s3 =	sadd.s32 s3, s4;
	s5 =	sadd.s32 $0xDA00, s5;
	[smem:$0x7FD] =	sst s6  }
0x39: {  	s3 =	sadd.s32 $0x12A00, s3;
	[dreg:$0x2] =	wrdreg s5  }
0x3a: {  	[dreg:$0x3] =	wrdreg s3;
	s5 =	simm.s32 $0x300  }
0x3b: {  	[dreg:$0xd] =	wrdreg s5;
	s5 =	simm.s32 $0x9C00  }
0x3c: {  	[smem:$0x7E7] =	sst s5  }
0x3d: {  	s3 =	simm.s32 $0x2;
	s5 =	rddreg [dreg:$0x2]  }
0x3e: {  	[tilespmem:s2], [sflag:$0x2] =	stream.linear.gather [hbm4b:s5+s2], $0x1400, $0x38;
	[tilespmem:$0x15400] =	vst v63  }
0x3f: {  	_ =	swait.ge [sflag:s3], $0x1400  }
0x40: {  	s26 =	rddreg [dreg:$0x7]  }
0x41: {  	s8 =	rddreg [dreg:$0xa]  }
0x42: {  	s9 =	rddreg [dreg:$0xc]  }
0x43: {  	s7 =	simm.s32 $0x80;
	s10 =	rddreg [dreg:$0x5]  }
0x44: {  	s5 =	sadd.s32 $0x8A00, s4;
	[sflag:s3] =	ssyncset.done $0x0;
	s11 =	rddreg [dreg:$0x4]  }
0x45: {  	s4 =	simm.s32 $0x1400;
	s12 =	rddreg [dreg:$0x6];
	[sflag:s3] =	ssyncadd.s32 $0xFFFFEC00  }
0x46: {  	[tilespmem:s4], [sflag:$0x1] =	stream.indirect.gather [hbm4b:s5+s7], $0x10, s2, s7, $0xb8;
	[tilespmem:$0x15400] =	vst v63  }
0x47: {  	s13 =	rddreg [dreg:$0x8]  }
0x48: {  	[tilespmem:s11], [sflag:$0x1] =	stream.indirect.gather [hbm4b:s5+s7], $0x10, s7, s7, $0xb8;
	[tilespmem:$0x15400] =	vst v63  }
0x49: {  	s14 =	rddreg [dreg:$0x9]  }
0x4a: {  	[tilespmem:s12], [sflag:$0x1] =	stream.indirect.gather [hbm4b:s5+s7], $0x10, s10, s7, $0xb8;
	[tilespmem:$0x15400] =	vst v63  }
0x4b: {  	s0 =	rddreg [dreg:$0xb]  }
0x4c: {  	[tilespmem:s13], [sflag:$0x1] =	stream.indirect.gather [hbm4b:s5+s7], $0x10, s26, s7, $0xb8;
	[tilespmem:$0x15400] =	vst v63  }
0x4d: {  	s15 =	rddreg [dreg:$0xe]  }
0x4e: {  	[tilespmem:s8], [sflag:$0x1] =	stream.indirect.gather [hbm4b:s5+s7], $0x10, s14, s7, $0xb8;
	[tilespmem:$0x15400] =	vst v63  }
0x4f: {  	s16 =	rddreg [dreg:$0xd]  }
0x50: {  	[tilespmem:s9], [sflag:$0x1] =	stream.indirect.gather [hbm4b:s5+s7], $0x10, s0, s7, $0xb8;
	[tilespmem:$0x15400] =	vst v63  }
0x51: {  	s17 =	rddreg [dreg:$0xf]  }
0x52: {  	[tilespmem:s15], [sflag:$0x1] =	stream.indirect.gather [hbm4b:s5+s7], $0x10, s16, s7, $0xb8;
	[tilespmem:$0x15400] =	vst v63  }
0x53: {  	s6 =	simm.s32 $0x1;
	s18 =	rddreg [dreg:$0x10]  }
0x54: {  	[tilespmem:s18], [sflag:$0x1] =	stream.indirect.gather [hbm4b:s5+s7], $0x10, s17, s7, $0xb8;
	[tilespmem:$0x15400] =	vst v63  }
0x55: {  	_ =	swait.ge [sflag:s6], $0x800  }
0x56: {  	[sflag:s6] =	ssyncset.done $0x0  }
0x57: {  	[sflag:s6] =	ssyncadd.s32 $0xFFFFF800  }
0x58: {  	_ =	swait.ge [sflag:s6], $0x800  }
0x59: {  	[sflag:s6] =	ssyncset.done $0x0  }
0x5a: {  	[sflag:s6] =	ssyncadd.s32 $0xFFFFF800  }
0x5b: {  	_ =	swait.ge [sflag:s6], $0x800  }
0x5c: {  	[sflag:s6] =	ssyncset.done $0x0  }
0x5d: {  	[sflag:s6] =	ssyncadd.s32 $0xFFFFF800  }
0x5e: {  	_ =	swait.ge [sflag:s6], $0x800  }
0x5f: {  	[sflag:s6] =	ssyncset.done $0x0  }
0x60: {  	[sflag:s6] =	ssyncadd.s32 $0xFFFFF800  }
0x61: {  	_ =	swait.ge [sflag:s6], $0x800  }
0x62: {  	[sflag:s6] =	ssyncset.done $0x0  }
0x63: {  	[sflag:s6] =	ssyncadd.s32 $0xFFFFF800  }
0x64: {  	_ =	swait.ge [sflag:s6], $0x800  }
0x65: {  	[sflag:s6] =	ssyncset.done $0x0  }
0x66: {  	[sflag:s6] =	ssyncadd.s32 $0xFFFFF800  }
0x67: {  	_ =	swait.ge [sflag:s6], $0x800  }
0x68: {  	[sflag:s6] =	ssyncset.done $0x0  }
0x69: {  	[sflag:s6] =	ssyncadd.s32 $0xFFFFF800  }
0x6a: {  	_ =	swait.ge [sflag:s6], $0x800  }
0x6b: {  	s19 =	rddreg [dreg:$0x17]  }
0x6c: {  	s20 =	rddreg [dreg:$0x1e]  }
0x6d: {  	s21 =	rddreg [dreg:$0x15]  }
0x6e: {  	s22 =	rddreg [dreg:$0x14]  }
0x6f: {  	s23 =	rddreg [dreg:$0x11]  }
0x70: {  	s24 =	rddreg [dreg:$0x13]  }
0x71: {  	s25 =	rddreg [dreg:$0x12]  }
0x72: {  	s15 =	rddreg [dreg:$0x18];
	[sflag:s6] =	ssyncset.done $0x0  }
0x73: {  	s16 =	rddreg [dreg:$0x1a];
	[sflag:s6] =	ssyncadd.s32 $0xFFFFF800  }
0x74: {  	[tilespmem:s25], [sflag:$0x1] =	stream.indirect.gather [hbm4b:s5+s7], $0x10, s23, s7, $0xb8;
	[tilespmem:$0x15400] =	vst v63  }
0x75: {  	s17 =	rddreg [dreg:$0x16]  }
0x76: {  	[tilespmem:s22], [sflag:$0x1] =	stream.indirect.gather [hbm4b:s5+s7], $0x10, s24, s7, $0xb8;
	[tilespmem:$0x15400] =	vst v63  }
0x77: {  	s26 =	rddreg [dreg:$0x1b]  }
0x78: {  	[tilespmem:s17], [sflag:$0x1] =	stream.indirect.gather [hbm4b:s5+s7], $0x10, s21, s7, $0xb8;
	[tilespmem:$0x15400] =	vst v63  }
0x79: {  	s0 =	rddreg [dreg:$0x19]  }
0x7a: {  	[tilespmem:s15], [sflag:$0x1] =	stream.indirect.gather [hbm4b:s5+s7], $0x10, s19, s7, $0xb8;
	[tilespmem:$0x15400] =	vst v63  }
0x7b: {  	s13 =	rddreg [dreg:$0x1c]  }
0x7c: {  	[tilespmem:s16], [sflag:$0x1] =	stream.indirect.gather [hbm4b:s5+s7], $0x10, s0, s7, $0xb8;
	[tilespmem:$0x15400] =	vst v63  }
0x7d: {  	s14 =	rddreg [dreg:$0x1d]  }
0x7e: {  	[tilespmem:s13], [sflag:$0x1] =	stream.indirect.gather [hbm4b:s5+s7], $0x10, s26, s7, $0xb8;
	[tilespmem:$0x15400] =	vst v63  }
0x7f: {  	s15 =	sld [smem:$0x7E4]  }
0x80: {  	[tilespmem:s20], [sflag:$0x1] =	stream.indirect.gather [hbm4b:s5+s7], $0x10, s14, s7, $0xb8;
	[tilespmem:$0x15400] =	vst v63  }
0x81: {  	s16 =	rddreg [dreg:$0x1f]  }
0x82: {  	[tilespmem:s15], [sflag:$0x1] =	stream.indirect.gather [hbm4b:s5+s7], $0x10, s16, s7, $0xb8;
	[tilespmem:$0x15400] =	vst v63  }
0x83: {  	_ =	swait.ge [sflag:s6], $0x800  }
0x84: {  	[sflag:s6] =	ssyncset.done $0x0  }
0x85: {  	[sflag:s6] =	ssyncadd.s32 $0xFFFFF800  }
0x86: {  	_ =	swait.ge [sflag:s6], $0x800  }
0x87: {  	[sflag:s6] =	ssyncset.done $0x0  }
0x88: {  	[sflag:s6] =	ssyncadd.s32 $0xFFFFF800  }
0x89: {  	_ =	swait.ge [sflag:s6], $0x800  }
0x8a: {  	[sflag:s6] =	ssyncset.done $0x0  }
0x8b: {  	[sflag:s6] =	ssyncadd.s32 $0xFFFFF800  }
0x8c: {  	_ =	swait.ge [sflag:s6], $0x800  }
0x8d: {  	[sflag:s6] =	ssyncset.done $0x0  }
0x8e: {  	[sflag:s6] =	ssyncadd.s32 $0xFFFFF800  }
0x8f: {  	_ =	swait.ge [sflag:s6], $0x800  }
0x90: {  	[sflag:s6] =	ssyncset.done $0x0  }
0x91: {  	[sflag:s6] =	ssyncadd.s32 $0xFFFFF800  }
0x92: {  	_ =	swait.ge [sflag:s6], $0x800  }
0x93: {  	[sflag:s6] =	ssyncset.done $0x0  }
0x94: {  	[sflag:s6] =	ssyncadd.s32 $0xFFFFF800  }
0x95: {  	_ =	swait.ge [sflag:s6], $0x800  }
0x96: {  	[sflag:s6] =	ssyncset.done $0x0  }
0x97: {  	[sflag:s6] =	ssyncadd.s32 $0xFFFFF800  }
0x98: {  	_ =	swait.ge [sflag:s6], $0x800  }
0x99: {  	s17 =	sld [smem:$0x7E5]  }
0x9a: {  	s9 =	sld [smem:$0x7E6]  }
0x9b: {  	s18 =	sld [smem:$0x7E7]  }
0x9c: {  	s19 =	sld [smem:$0x7E8]  }
0x9d: {  	s20 =	sld [smem:$0x7E9]  }
0x9e: {  	s21 =	sld [smem:$0x7EA]  }
0x9f: {  	s22 =	sld [smem:$0x7EB]  }
0xa0: {  	s23 =	sld [smem:$0x7EC]  }
0xa1: {  	[sflag:s6] =	ssyncset.done $0x0;
	s24 =	sld [smem:$0x7ED]  }
0xa2: {  	s25 =	sld [smem:$0x7EE];
	[sflag:s6] =	ssyncadd.s32 $0xFFFFF800  }
0xa3: {  	[tilespmem:s20], [sflag:$0x1] =	stream.indirect.gather [hbm4b:s5+s7], $0x10, s22, s7, $0xb8;
	[tilespmem:$0x15400] =	vst v63  }
0xa4: {  	s26 =	sld [smem:$0x7EF]  }
0xa5: {  	[tilespmem:s18], [sflag:$0x1] =	stream.indirect.gather [hbm4b:s5+s7], $0x10, s24, s7, $0xb8;
	[tilespmem:$0x15400] =	vst v63  }
0xa6: {  	s0 =	sld [smem:$0x7F0]  }
0xa7: {  	[tilespmem:s21], [sflag:$0x1] =	stream.indirect.gather [hbm4b:s5+s7], $0x10, s17, s7, $0xb8;
	[tilespmem:$0x15400] =	vst v63  }
0xa8: {  	s13 =	sld [smem:$0x7F1]  }
0xa9: {  	[tilespmem:s23], [sflag:$0x1] =	stream.indirect.gather [hbm4b:s5+s7], $0x10, s25, s7, $0xb8;
	[tilespmem:$0x15400] =	vst v63  }
0xaa: {  	s14 =	sld [smem:$0x7F2]  }
0xab: {  	[tilespmem:s19], [sflag:$0x1] =	stream.indirect.gather [hbm4b:s5+s7], $0x10, s26, s7, $0xb8;
	[tilespmem:$0x15400] =	vst v63  }
0xac: {  	s15 =	sld [smem:$0x7F3]  }
0xad: {  	[tilespmem:s0], [sflag:$0x1] =	stream.indirect.gather [hbm4b:s5+s7], $0x10, s13, s7, $0xb8;
	[tilespmem:$0x15400] =	vst v63  }
0xae: {  	s16 =	sld [smem:$0x7F4]  }
0xaf: {  	[tilespmem:s9], [sflag:$0x1] =	stream.indirect.gather [hbm4b:s5+s7], $0x10, s14, s7, $0xb8;
	[tilespmem:$0x15400] =	vst v63  }
0xb0: {  	_ = 	snop  }
0xb1: {  	[tilespmem:s15], [sflag:$0x1] =	stream.indirect.gather [hbm4b:s5+s7], $0x10, s16, s7, $0xb8;
	[tilespmem:$0x15400] =	vst v63  }
0xb2: {  	_ =	swait.ge [sflag:s6], $0x800  }
0xb3: {  	[sflag:s6] =	ssyncset.done $0x0  }
0xb4: {  	[sflag:s6] =	ssyncadd.s32 $0xFFFFF800  }
0xb5: {  	_ =	swait.ge [sflag:s6], $0x800  }
0xb6: {  	[sflag:s6] =	ssyncset.done $0x0  }
0xb7: {  	[sflag:s6] =	ssyncadd.s32 $0xFFFFF800  }
0xb8: {  	_ =	swait.ge [sflag:s6], $0x800  }
0xb9: {  	[sflag:s6] =	ssyncset.done $0x0  }
0xba: {  	[sflag:s6] =	ssyncadd.s32 $0xFFFFF800  }
0xbb: {  	_ =	swait.ge [sflag:s6], $0x800  }
0xbc: {  	[sflag:s6] =	ssyncset.done $0x0  }
0xbd: {  	[sflag:s6] =	ssyncadd.s32 $0xFFFFF800  }
0xbe: {  	_ =	swait.ge [sflag:s6], $0x800  }
0xbf: {  	[sflag:s6] =	ssyncset.done $0x0  }
0xc0: {  	[sflag:s6] =	ssyncadd.s32 $0xFFFFF800  }
0xc1: {  	_ =	swait.ge [sflag:s6], $0x800  }
0xc2: {  	[sflag:s6] =	ssyncset.done $0x0  }
0xc3: {  	[sflag:s6] =	ssyncadd.s32 $0xFFFFF800  }
0xc4: {  	_ =	swait.ge [sflag:s6], $0x800  }
0xc5: {  	[sflag:s6] =	ssyncset.done $0x0  }
0xc6: {  	[sflag:s6] =	ssyncadd.s32 $0xFFFFF800  }
0xc7: {  	_ =	swait.ge [sflag:s6], $0x800  }
0xc8: {  	s17 =	sld [smem:$0x7F5]  }
0xc9: {  	s18 =	sld [smem:$0x7F6]  }
0xca: {  	s19 =	sld [smem:$0x7F7]  }
0xcb: {  	s20 =	sld [smem:$0x7F8]  }
0xcc: {  	[sflag:s6] =	ssyncset.done $0x0;
	s21 =	sld [smem:$0x7F9]  }
0xcd: {  	s22 =	sld [smem:$0x7FA];
	[sflag:s6] =	ssyncadd.s32 $0xFFFFF800  }
0xce: {  	[tilespmem:s20], [sflag:$0x1] =	stream.indirect.gather [hbm4b:s5+s7], $0x10, s18, s7, $0xb8;
	[tilespmem:$0x15400] =	vst v63  }
0xcf: {  	s23 =	sld [smem:$0x7FB]  }
0xd0: {  	[tilespmem:s17], [sflag:$0x1] =	stream.indirect.gather [hbm4b:s5+s7], $0x10, s19, s7, $0xb8;
	[tilespmem:$0x15400] =	vst v63  }
0xd1: {  	s24 =	sld [smem:$0x7FC]  }
0xd2: {  	[tilespmem:s21], [sflag:$0x1] =	stream.indirect.gather [hbm4b:s5+s7], $0x10, s23, s7, $0xb8;
	[tilespmem:$0x15400] =	vst v63  }
0xd3: {  	s25 =	sld [smem:$0x7FD]  }
0xd4: {  	[tilespmem:s22], [sflag:$0x1] =	stream.indirect.gather [hbm4b:s5+s7], $0x10, s24, s7, $0xb8;
	[tilespmem:$0x15400] =	vst v63  }
0xd5: {  	s26 =	simm.s32 $0xF400  }
0xd6: {  	[tilespmem:s26], [sflag:$0x1] =	stream.indirect.gather [hbm4b:s5+s7], $0x10, s25, s7, $0xb8;
	[tilespmem:$0x15400] =	vst v63  }
0xd7: {  	s8 =	simm.s32 $0xE80;
	s9 =	simm.s32 $0xFC00  }
0xd8: {  	[tilespmem:s9], [sflag:$0x1] =	stream.indirect.gather [hbm4b:s5+s7], $0x10, s8, s7, $0xb8;
	[tilespmem:$0x15400] =	vst v63  }
0xd9: {  	s11 =	simm.s32 $0x10400;
	s10 =	simm.s32 $0xF00  }
0xda: {  	[tilespmem:s11], [sflag:$0x1] =	stream.indirect.gather [hbm4b:s5+s7], $0x10, s10, s7, $0xb8;
	[tilespmem:$0x15400] =	vst v63  }
0xdb: {  	s12 =	simm.s32 $0xF80;
	s13 =	simm.s32 $0x10C00  }
0xdc: {  	[tilespmem:s13], [sflag:$0x1] =	stream.indirect.gather [hbm4b:s5+s7], $0x10, s12, s7, $0xb8;
	[tilespmem:$0x15400] =	vst v63  }
0xdd: {  	_ =	swait.ge [sflag:s6], $0x800  }
0xde: {  	[sflag:s6] =	ssyncset.done $0x0  }
0xdf: {  	[sflag:s6] =	ssyncadd.s32 $0xFFFFF800  }
0xe0: {  	_ =	swait.ge [sflag:s6], $0x800  }
0xe1: {  	[sflag:s6] =	ssyncset.done $0x0  }
0xe2: {  	[sflag:s6] =	ssyncadd.s32 $0xFFFFF800  }
0xe3: {  	_ =	swait.ge [sflag:s6], $0x800  }
0xe4: {  	[sflag:s6] =	ssyncset.done $0x0  }
0xe5: {  	[sflag:s6] =	ssyncadd.s32 $0xFFFFF800  }
0xe6: {  	_ =	swait.ge [sflag:s6], $0x800  }
0xe7: {  	[sflag:s6] =	ssyncset.done $0x0  }
0xe8: {  	[sflag:s6] =	ssyncadd.s32 $0xFFFFF800  }
0xe9: {  	_ =	swait.ge [sflag:s6], $0x800  }
0xea: {  	[sflag:s6] =	ssyncset.done $0x0  }
0xeb: {  	[sflag:s6] =	ssyncadd.s32 $0xFFFFF800  }
0xec: {  	_ =	swait.ge [sflag:s6], $0x800  }
0xed: {  	[sflag:s6] =	ssyncset.done $0x0  }
0xee: {  	[sflag:s6] =	ssyncadd.s32 $0xFFFFF800  }
0xef: {  	_ =	swait.ge [sflag:s6], $0x800  }
0xf0: {  	[sflag:s6] =	ssyncset.done $0x0  }
0xf1: {  	[sflag:s6] =	ssyncadd.s32 $0xFFFFF800  }
0xf2: {  	_ =	swait.ge [sflag:s6], $0x800  }
0xf3: {  	[sflag:s6] =	ssyncset.done $0x0  }
0xf4: {  	s14 =	simm.s32 $0x1000;
	s15 =	simm.s32 $0x11400;
	[sflag:s6] =	ssyncadd.s32 $0xFFFFF800  }
0xf5: {  	[tilespmem:s15], [sflag:$0x1] =	stream.indirect.gather [hbm4b:s5+s7], $0x10, s14, s7, $0xb8;
	[tilespmem:$0x15400] =	vst v63  }
0xf6: {  	s18 =	simm.s32 $0x11C00;
	s17 =	simm.s32 $0x1080  }
0xf7: {  	[tilespmem:s18], [sflag:$0x1] =	stream.indirect.gather [hbm4b:s5+s7], $0x10, s17, s7, $0xb8;
	[tilespmem:$0x15400] =	vst v63  }
0xf8: {  	s20 =	simm.s32 $0x12400;
	s19 =	simm.s32 $0x1100  }
0xf9: {  	[tilespmem:s20], [sflag:$0x1] =	stream.indirect.gather [hbm4b:s5+s7], $0x10, s19, s7, $0xb8;
	[tilespmem:$0x15400] =	vst v63  }
0xfa: {  	s1 =	ssub.s32 $0x2, s1;
	s21 =	simm.s32 $0x1180;
	s22 =	simm.s32 $0x12C00  }
0xfb: {  	[tilespmem:s22], [sflag:$0x1] =	stream.indirect.gather [hbm4b:s5+s7], $0x10, s21, s7, $0xb8;
	[tilespmem:$0x15400] =	vst v63  }
0xfc: {  	s16 =	sshrl.u32 s1, $0x1;
	s23 =	simm.s32 $0x1200;
	s24 =	simm.s32 $0x13400  }
0xfd: {  	[tilespmem:s24], [sflag:$0x1] =	stream.indirect.gather [hbm4b:s5+s7], $0x10, s23, s7, $0xb8;
	[tilespmem:$0x15400] =	vst v63  }
0xfe: {  	s0 =	ssub.s32 s1, s16;
	s25 =	simm.s32 $0x1280;
	s26 =	simm.s32 $0x13C00  }
0xff: {  	[tilespmem:s26], [sflag:$0x1] =	stream.indirect.gather [hbm4b:s5+s7], $0x10, s25, s7, $0xb8;
	[tilespmem:$0x15400] =	vst v63  }
0x100: {  	s28 =	simm.s32 $0x1300;
	s29 =	simm.s32 $0x14400;
	s0 =	smax.u32 s0, $0x1  }
0x101: {  	[tilespmem:s29], [sflag:$0x1] =	stream.indirect.gather [hbm4b:s5+s7], $0x10, s28, s7, $0xb8;
	[tilespmem:$0x15400] =	vst v63  }
0x102: {  	s30 =	simm.s32 $0x1380;
	s31 =	simm.s32 $0x14C00;
	p0 =	sne.s32 s0, $0x1  }
0x103: {  	[tilespmem:s31], [sflag:$0x1] =	stream.indirect.gather [hbm4b:s5+s7], $0x10, s30, s7, $0xb8;
	[tilespmem:$0x15400] =	vst v63  }
.Ltmp0:
0x104: {  	_ = 	snop;
	(pc) =	sbr.rel @!p0 .LBB2_2-.Ltmp0, $4  }
0x105: {  	_ =	swait.ge [sflag:s6], $0x800  }
0x106: {  	[sflag:s6] =	ssyncset.done $0x0  }
0x107: {  	[sflag:s6] =	ssyncadd.s32 $0xFFFFF800  }
0x108: {  	s1 =	sadd.s32 $0xFFFFFFFF, s0;
	_ =	swait.ge [sflag:s6], $0x800  }
.LBB2_1:
0x109: {  	[sflag:s6] =	ssyncset.done $0x0  }
0x10a: {  	[sflag:s6] =	ssyncadd.s32 $0xFFFFF800  }
0x10b: {  	_ =	swait.ge [sflag:s6], $0x800  }
0x10c: {  	[sflag:s6] =	ssyncset.done $0x0  }
0x10d: {  	[sflag:s6] =	ssyncadd.s32 $0xFFFFF800  }
0x10e: {  	_ =	swait.ge [sflag:s6], $0x800  }
0x10f: {  	[sflag:s6] =	ssyncset.done $0x0  }
0x110: {  	[sflag:s6] =	ssyncadd.s32 $0xFFFFF800  }
0x111: {  	_ =	swait.ge [sflag:s6], $0x800  }
0x112: {  	[sflag:s6] =	ssyncset.done $0x0  }
0x113: {  	[sflag:s6] =	ssyncadd.s32 $0xFFFFF800  }
0x114: {  	_ =	swait.ge [sflag:s6], $0x800  }
0x115: {  	[sflag:s6] =	ssyncset.done $0x0  }
0x116: {  	[sflag:s6] =	ssyncadd.s32 $0xFFFFF800  }
0x117: {  	_ =	swait.ge [sflag:s6], $0x800  }
0x118: {  	[sflag:s6] =	ssyncset.done $0x0  }
0x119: {  	[sflag:s6] =	ssyncadd.s32 $0xFFFFF800  }
0x11a: {  	_ =	swait.ge [sflag:s6], $0x800  }
0x11b: {  	[sflag:s6] =	ssyncset.done $0x0  }
0x11c: {  	s0 =	rddreg [dreg:$0x3];
	[sflag:s6] =	ssyncadd.s32 $0xFFFFF800  }
0x11d: {  	[hbm4b:s0+s2] =	stream.linear.scatter [tilespmem:s4], [sflag:$0x2], $0x14000, $0x38;
	[tilespmem:$0x15400] =	vst v63  }
0x11e: {  	_ =	swait.ge [sflag:s3], $0x14000  }
0x11f: {  	[sflag:s3] =	ssyncset.done $0x0  }
0x120: {  	s15 =	rddreg [dreg:$0x2];
	[sflag:s3] =	ssyncadd.s32 $0xFFFEC000  }
0x121: {  	[tilespmem:s2], [sflag:$0x2] =	stream.linear.gather [hbm4b:s15+s2], $0x1400, $0x38;
	[tilespmem:$0x15400] =	vst v63  }
0x122: {  	_ =	swait.ge [sflag:s3], $0x1400  }
0x123: {  	s16 =	rddreg [dreg:$0x7]  }
0x124: {  	s8 =	rddreg [dreg:$0xa]  }
0x125: {  	s9 =	rddreg [dreg:$0xc]  }
0x126: {  	s10 =	rddreg [dreg:$0x5]  }
0x127: {  	[sflag:s3] =	ssyncset.done $0x0;
	s11 =	rddreg [dreg:$0x4]  }
0x128: {  	s12 =	rddreg [dreg:$0x6];
	[sflag:s3] =	ssyncadd.s32 $0xFFFFEC00  }
0x129: {  	[tilespmem:s4], [sflag:$0x1] =	stream.indirect.gather [hbm4b:s5+s7], $0x10, s2, s7, $0xb8;
	[tilespmem:$0x15400] =	vst v63  }
0x12a: {  	s13 =	rddreg [dreg:$0x8]  }
0x12b: {  	[tilespmem:s11], [sflag:$0x1] =	stream.indirect.gather [hbm4b:s5+s7], $0x10, s7, s7, $0xb8;
	[tilespmem:$0x15400] =	vst v63  }
0x12c: {  	s14 =	rddreg [dreg:$0x9]  }
0x12d: {  	[tilespmem:s12], [sflag:$0x1] =	stream.indirect.gather [hbm4b:s5+s7], $0x10, s10, s7, $0xb8;
	[tilespmem:$0x15400] =	vst v63  }
0x12e: {  	s15 =	rddreg [dreg:$0xd]  }
0x12f: {  	[tilespmem:s13], [sflag:$0x1] =	stream.indirect.gather [hbm4b:s5+s7], $0x10, s16, s7, $0xb8;
	[tilespmem:$0x15400] =	vst v63  }
0x130: {  	s11 =	rddreg [dreg:$0xb]  }
0x131: {  	[tilespmem:s8], [sflag:$0x1] =	stream.indirect.gather [hbm4b:s5+s7], $0x10, s14, s7, $0xb8;
	[tilespmem:$0x15400] =	vst v63  }
0x132: {  	s12 =	rddreg [dreg:$0xe]  }
0x133: {  	[tilespmem:s9], [sflag:$0x1] =	stream.indirect.gather [hbm4b:s5+s7], $0x10, s11, s7, $0xb8;
	[tilespmem:$0x15400] =	vst v63  }
0x134: {  	s16 =	rddreg [dreg:$0xf]  }
0x135: {  	[tilespmem:s12], [sflag:$0x1] =	stream.indirect.gather [hbm4b:s5+s7], $0x10, s15, s7, $0xb8;
	[tilespmem:$0x15400] =	vst v63  }
0x136: {  	s11 =	rddreg [dreg:$0x10]  }
0x137: {  	[tilespmem:s11], [sflag:$0x1] =	stream.indirect.gather [hbm4b:s5+s7], $0x10, s16, s7, $0xb8;
	[tilespmem:$0x15400] =	vst v63  }
0x138: {  	_ =	swait.ge [sflag:s6], $0x800  }
0x139: {  	[sflag:s6] =	ssyncset.done $0x0  }
0x13a: {  	[sflag:s6] =	ssyncadd.s32 $0xFFFFF800  }
0x13b: {  	_ =	swait.ge [sflag:s6], $0x800  }
0x13c: {  	[sflag:s6] =	ssyncset.done $0x0  }
0x13d: {  	[sflag:s6] =	ssyncadd.s32 $0xFFFFF800  }
0x13e: {  	_ =	swait.ge [sflag:s6], $0x800  }
0x13f: {  	[sflag:s6] =	ssyncset.done $0x0  }
0x140: {  	[sflag:s6] =	ssyncadd.s32 $0xFFFFF800  }
0x141: {  	_ =	swait.ge [sflag:s6], $0x800  }
0x142: {  	[sflag:s6] =	ssyncset.done $0x0  }
0x143: {  	[sflag:s6] =	ssyncadd.s32 $0xFFFFF800  }
0x144: {  	_ =	swait.ge [sflag:s6], $0x800  }
0x145: {  	[sflag:s6] =	ssyncset.done $0x0  }
0x146: {  	[sflag:s6] =	ssyncadd.s32 $0xFFFFF800  }
0x147: {  	_ =	swait.ge [sflag:s6], $0x800  }
0x148: {  	[sflag:s6] =	ssyncset.done $0x0  }
0x149: {  	[sflag:s6] =	ssyncadd.s32 $0xFFFFF800  }
0x14a: {  	_ =	swait.ge [sflag:s6], $0x800  }
0x14b: {  	[sflag:s6] =	ssyncset.done $0x0  }
0x14c: {  	[sflag:s6] =	ssyncadd.s32 $0xFFFFF800  }
0x14d: {  	_ =	swait.ge [sflag:s6], $0x800  }
0x14e: {  	s0 =	rddreg [dreg:$0x17]  }
0x14f: {  	s8 =	rddreg [dreg:$0x1e]  }
0x150: {  	s9 =	rddreg [dreg:$0x15]  }
0x151: {  	s10 =	rddreg [dreg:$0x14]  }
0x152: {  	s11 =	rddreg [dreg:$0x11]  }
0x153: {  	s12 =	rddreg [dreg:$0x13]  }
0x154: {  	s13 =	rddreg [dreg:$0x12]  }
0x155: {  	[sflag:s6] =	ssyncset.done $0x0;
	s14 =	rddreg [dreg:$0x18]  }
0x156: {  	s15 =	rddreg [dreg:$0x1a];
	[sflag:s6] =	ssyncadd.s32 $0xFFFFF800  }
0x157: {  	[tilespmem:s13], [sflag:$0x1] =	stream.indirect.gather [hbm4b:s5+s7], $0x10, s11, s7, $0xb8;
	[tilespmem:$0x15400] =	vst v63  }
0x158: {  	s16 =	rddreg [dreg:$0x16]  }
0x159: {  	[tilespmem:s10], [sflag:$0x1] =	stream.indirect.gather [hbm4b:s5+s7], $0x10, s12, s7, $0xb8;
	[tilespmem:$0x15400] =	vst v63  }
0x15a: {  	s11 =	rddreg [dreg:$0x1b]  }
0x15b: {  	[tilespmem:s16], [sflag:$0x1] =	stream.indirect.gather [hbm4b:s5+s7], $0x10, s9, s7, $0xb8;
	[tilespmem:$0x15400] =	vst v63  }
0x15c: {  	s13 =	rddreg [dreg:$0x1c]  }
0x15d: {  	[tilespmem:s14], [sflag:$0x1] =	stream.indirect.gather [hbm4b:s5+s7], $0x10, s0, s7, $0xb8;
	[tilespmem:$0x15400] =	vst v63  }
0x15e: {  	s12 =	rddreg [dreg:$0x19]  }
0x15f: {  	[tilespmem:s15], [sflag:$0x1] =	stream.indirect.gather [hbm4b:s5+s7], $0x10, s12, s7, $0xb8;
	[tilespmem:$0x15400] =	vst v63  }
0x160: {  	s16 =	sld [smem:$0x7E4]  }
0x161: {  	[tilespmem:s13], [sflag:$0x1] =	stream.indirect.gather [hbm4b:s5+s7], $0x10, s11, s7, $0xb8;
	[tilespmem:$0x15400] =	vst v63  }
0x162: {  	s14 =	rddreg [dreg:$0x1d]  }
0x163: {  	[tilespmem:s8], [sflag:$0x1] =	stream.indirect.gather [hbm4b:s5+s7], $0x10, s14, s7, $0xb8;
	[tilespmem:$0x15400] =	vst v63  }
0x164: {  	s12 =	rddreg [dreg:$0x1f]  }
0x165: {  	[tilespmem:s16], [sflag:$0x1] =	stream.indirect.gather [hbm4b:s5+s7], $0x10, s12, s7, $0xb8;
	[tilespmem:$0x15400] =	vst v63  }
0x166: {  	_ =	swait.ge [sflag:s6], $0x800  }
0x167: {  	[sflag:s6] =	ssyncset.done $0x0  }
0x168: {  	[sflag:s6] =	ssyncadd.s32 $0xFFFFF800  }
0x169: {  	_ =	swait.ge [sflag:s6], $0x800  }
0x16a: {  	[sflag:s6] =	ssyncset.done $0x0  }
0x16b: {  	[sflag:s6] =	ssyncadd.s32 $0xFFFFF800  }
0x16c: {  	_ =	swait.ge [sflag:s6], $0x800  }
0x16d: {  	[sflag:s6] =	ssyncset.done $0x0  }
0x16e: {  	[sflag:s6] =	ssyncadd.s32 $0xFFFFF800  }
0x16f: {  	_ =	swait.ge [sflag:s6], $0x800  }
0x170: {  	[sflag:s6] =	ssyncset.done $0x0  }
0x171: {  	[sflag:s6] =	ssyncadd.s32 $0xFFFFF800  }
0x172: {  	_ =	swait.ge [sflag:s6], $0x800  }
0x173: {  	[sflag:s6] =	ssyncset.done $0x0  }
0x174: {  	[sflag:s6] =	ssyncadd.s32 $0xFFFFF800  }
0x175: {  	_ =	swait.ge [sflag:s6], $0x800  }
0x176: {  	[sflag:s6] =	ssyncset.done $0x0  }
0x177: {  	[sflag:s6] =	ssyncadd.s32 $0xFFFFF800  }
0x178: {  	_ =	swait.ge [sflag:s6], $0x800  }
0x179: {  	[sflag:s6] =	ssyncset.done $0x0  }
0x17a: {  	[sflag:s6] =	ssyncadd.s32 $0xFFFFF800  }
0x17b: {  	_ =	swait.ge [sflag:s6], $0x800  }
0x17c: {  	s0 =	sld [smem:$0x7E5]  }
0x17d: {  	s8 =	sld [smem:$0x7E6]  }
0x17e: {  	s9 =	sld [smem:$0x7E7]  }
0x17f: {  	s10 =	sld [smem:$0x7E8]  }
0x180: {  	s11 =	sld [smem:$0x7E9]  }
0x181: {  	s12 =	sld [smem:$0x7EA]  }
0x182: {  	s13 =	sld [smem:$0x7EB]  }
0x183: {  	s14 =	sld [smem:$0x7EC]  }
0x184: {  	[sflag:s6] =	ssyncset.done $0x0;
	s15 =	sld [smem:$0x7ED]  }
0x185: {  	s16 =	sld [smem:$0x7EE];
	[sflag:s6] =	ssyncadd.s32 $0xFFFFF800  }
0x186: {  	[tilespmem:s11], [sflag:$0x1] =	stream.indirect.gather [hbm4b:s5+s7], $0x10, s13, s7, $0xb8;
	[tilespmem:$0x15400] =	vst v63  }
0x187: {  	s11 =	sld [smem:$0x7EF]  }
0x188: {  	[tilespmem:s9], [sflag:$0x1] =	stream.indirect.gather [hbm4b:s5+s7], $0x10, s15, s7, $0xb8;
	[tilespmem:$0x15400] =	vst v63  }
0x189: {  	s13 =	sld [smem:$0x7F1]  }
0x18a: {  	[tilespmem:s12], [sflag:$0x1] =	stream.indirect.gather [hbm4b:s5+s7], $0x10, s0, s7, $0xb8;
	[tilespmem:$0x15400] =	vst v63  }
0x18b: {  	s9 =	sld [smem:$0x7F0]  }
0x18c: {  	[tilespmem:s14], [sflag:$0x1] =	stream.indirect.gather [hbm4b:s5+s7], $0x10, s16, s7, $0xb8;
	[tilespmem:$0x15400] =	vst v63  }
0x18d: {  	s15 =	sld [smem:$0x7F2]  }
0x18e: {  	[tilespmem:s10], [sflag:$0x1] =	stream.indirect.gather [hbm4b:s5+s7], $0x10, s11, s7, $0xb8;
	[tilespmem:$0x15400] =	vst v63  }
0x18f: {  	s16 =	sld [smem:$0x7F3]  }
0x190: {  	[tilespmem:s9], [sflag:$0x1] =	stream.indirect.gather [hbm4b:s5+s7], $0x10, s13, s7, $0xb8;
	[tilespmem:$0x15400] =	vst v63  }
0x191: {  	s9 =	sld [smem:$0x7F4]  }
0x192: {  	[tilespmem:s8], [sflag:$0x1] =	stream.indirect.gather [hbm4b:s5+s7], $0x10, s15, s7, $0xb8;
	[tilespmem:$0x15400] =	vst v63  }
0x193: {  	_ = 	snop  }
0x194: {  	[tilespmem:s16], [sflag:$0x1] =	stream.indirect.gather [hbm4b:s5+s7], $0x10, s9, s7, $0xb8;
	[tilespmem:$0x15400] =	vst v63  }
0x195: {  	_ =	swait.ge [sflag:s6], $0x800  }
0x196: {  	[sflag:s6] =	ssyncset.done $0x0  }
0x197: {  	[sflag:s6] =	ssyncadd.s32 $0xFFFFF800  }
0x198: {  	_ =	swait.ge [sflag:s6], $0x800  }
0x199: {  	[sflag:s6] =	ssyncset.done $0x0  }
0x19a: {  	[sflag:s6] =	ssyncadd.s32 $0xFFFFF800  }
0x19b: {  	_ =	swait.ge [sflag:s6], $0x800  }
0x19c: {  	[sflag:s6] =	ssyncset.done $0x0  }
0x19d: {  	[sflag:s6] =	ssyncadd.s32 $0xFFFFF800  }
0x19e: {  	_ =	swait.ge [sflag:s6], $0x800  }
0x19f: {  	[sflag:s6] =	ssyncset.done $0x0  }
0x1a0: {  	[sflag:s6] =	ssyncadd.s32 $0xFFFFF800  }
0x1a1: {  	_ =	swait.ge [sflag:s6], $0x800  }
0x1a2: {  	[sflag:s6] =	ssyncset.done $0x0  }
0x1a3: {  	[sflag:s6] =	ssyncadd.s32 $0xFFFFF800  }
0x1a4: {  	_ =	swait.ge [sflag:s6], $0x800  }
0x1a5: {  	[sflag:s6] =	ssyncset.done $0x0  }
0x1a6: {  	[sflag:s6] =	ssyncadd.s32 $0xFFFFF800  }
0x1a7: {  	_ =	swait.ge [sflag:s6], $0x800  }
0x1a8: {  	[sflag:s6] =	ssyncset.done $0x0  }
0x1a9: {  	[sflag:s6] =	ssyncadd.s32 $0xFFFFF800  }
0x1aa: {  	_ =	swait.ge [sflag:s6], $0x800  }
0x1ab: {  	s10 =	sld [smem:$0x7F5]  }
0x1ac: {  	s14 =	sld [smem:$0x7F6]  }
0x1ad: {  	s15 =	sld [smem:$0x7F7]  }
0x1ae: {  	s12 =	sld [smem:$0x7F8]  }
0x1af: {  	[sflag:s6] =	ssyncset.done $0x0;
	s13 =	sld [smem:$0x7F9]  }
0x1b0: {  	s16 =	sld [smem:$0x7FA];
	[sflag:s6] =	ssyncadd.s32 $0xFFFFF800  }
0x1b1: {  	[tilespmem:s12], [sflag:$0x1] =	stream.indirect.gather [hbm4b:s5+s7], $0x10, s14, s7, $0xb8;
	[tilespmem:$0x15400] =	vst v63  }
0x1b2: {  	s14 =	sld [smem:$0x7FB]  }
0x1b3: {  	[tilespmem:s10], [sflag:$0x1] =	stream.indirect.gather [hbm4b:s5+s7], $0x10, s15, s7, $0xb8;
	[tilespmem:$0x15400] =	vst v63  }
0x1b4: {  	s15 =	sld [smem:$0x7FC]  }
0x1b5: {  	[tilespmem:s13], [sflag:$0x1] =	stream.indirect.gather [hbm4b:s5+s7], $0x10, s14, s7, $0xb8;
	[tilespmem:$0x15400] =	vst v63  }
0x1b6: {  	s0 =	sld [smem:$0x7FD]  }
0x1b7: {  	[tilespmem:s16], [sflag:$0x1] =	stream.indirect.gather [hbm4b:s5+s7], $0x10, s15, s7, $0xb8;
	[tilespmem:$0x15400] =	vst v63  }
0x1b8: {  	s16 =	simm.s32 $0xF400  }
0x1b9: {  	[tilespmem:s16], [sflag:$0x1] =	stream.indirect.gather [hbm4b:s5+s7], $0x10, s0, s7, $0xb8;
	[tilespmem:$0x15400] =	vst v63  }
0x1ba: {  	s9 =	simm.s32 $0xE80;
	s10 =	simm.s32 $0xFC00  }
0x1bb: {  	[tilespmem:s10], [sflag:$0x1] =	stream.indirect.gather [hbm4b:s5+s7], $0x10, s9, s7, $0xb8;
	[tilespmem:$0x15400] =	vst v63  }
0x1bc: {  	s11 =	simm.s32 $0xF00;
	s12 =	simm.s32 $0x10400  }
0x1bd: {  	[tilespmem:s12], [sflag:$0x1] =	stream.indirect.gather [hbm4b:s5+s7], $0x10, s11, s7, $0xb8;
	[tilespmem:$0x15400] =	vst v63  }
0x1be: {  	s13 =	simm.s32 $0xF80;
	s14 =	simm.s32 $0x10C00  }
0x1bf: {  	[tilespmem:s14], [sflag:$0x1] =	stream.indirect.gather [hbm4b:s5+s7], $0x10, s13, s7, $0xb8;
	[tilespmem:$0x15400] =	vst v63  }
0x1c0: {  	_ =	swait.ge [sflag:s6], $0x800  }
0x1c1: {  	[sflag:s6] =	ssyncset.done $0x0  }
0x1c2: {  	[sflag:s6] =	ssyncadd.s32 $0xFFFFF800  }
0x1c3: {  	_ =	swait.ge [sflag:s6], $0x800  }
0x1c4: {  	[sflag:s6] =	ssyncset.done $0x0  }
0x1c5: {  	[sflag:s6] =	ssyncadd.s32 $0xFFFFF800  }
0x1c6: {  	_ =	swait.ge [sflag:s6], $0x800  }
0x1c7: {  	[sflag:s6] =	ssyncset.done $0x0  }
0x1c8: {  	[sflag:s6] =	ssyncadd.s32 $0xFFFFF800  }
0x1c9: {  	_ =	swait.ge [sflag:s6], $0x800  }
0x1ca: {  	[sflag:s6] =	ssyncset.done $0x0  }
0x1cb: {  	[sflag:s6] =	ssyncadd.s32 $0xFFFFF800  }
0x1cc: {  	_ =	swait.ge [sflag:s6], $0x800  }
0x1cd: {  	[sflag:s6] =	ssyncset.done $0x0  }
0x1ce: {  	[sflag:s6] =	ssyncadd.s32 $0xFFFFF800  }
0x1cf: {  	_ =	swait.ge [sflag:s6], $0x800  }
0x1d0: {  	[sflag:s6] =	ssyncset.done $0x0  }
0x1d1: {  	[sflag:s6] =	ssyncadd.s32 $0xFFFFF800  }
0x1d2: {  	_ =	swait.ge [sflag:s6], $0x800  }
0x1d3: {  	[sflag:s6] =	ssyncset.done $0x0  }
0x1d4: {  	[sflag:s6] =	ssyncadd.s32 $0xFFFFF800  }
0x1d5: {  	_ =	swait.ge [sflag:s6], $0x800  }
0x1d6: {  	[sflag:s6] =	ssyncset.done $0x0  }
0x1d7: {  	s15 =	simm.s32 $0x1000;
	s16 =	simm.s32 $0x11400;
	[sflag:s6] =	ssyncadd.s32 $0xFFFFF800  }
0x1d8: {  	[tilespmem:s16], [sflag:$0x1] =	stream.indirect.gather [hbm4b:s5+s7], $0x10, s15, s7, $0xb8;
	[tilespmem:$0x15400] =	vst v63  }
0x1d9: {  	_ = 	snop  }
0x1da: {  	[tilespmem:s18], [sflag:$0x1] =	stream.indirect.gather [hbm4b:s5+s7], $0x10, s17, s7, $0xb8;
	[tilespmem:$0x15400] =	vst v63  }
0x1db: {  	_ = 	snop  }
0x1dc: {  	[tilespmem:s20], [sflag:$0x1] =	stream.indirect.gather [hbm4b:s5+s7], $0x10, s19, s7, $0xb8;
	[tilespmem:$0x15400] =	vst v63  }
0x1dd: {  	_ = 	snop  }
0x1de: {  	[tilespmem:s22], [sflag:$0x1] =	stream.indirect.gather [hbm4b:s5+s7], $0x10, s21, s7, $0xb8;
	[tilespmem:$0x15400] =	vst v63  }
0x1df: {  	_ = 	snop  }
0x1e0: {  	[tilespmem:s24], [sflag:$0x1] =	stream.indirect.gather [hbm4b:s5+s7], $0x10, s23, s7, $0xb8;
	[tilespmem:$0x15400] =	vst v63  }
0x1e1: {  	_ = 	snop  }
0x1e2: {  	[tilespmem:s26], [sflag:$0x1] =	stream.indirect.gather [hbm4b:s5+s7], $0x10, s25, s7, $0xb8;
	[tilespmem:$0x15400] =	vst v63  }
0x1e3: {  	_ = 	snop  }
0x1e4: {  	[tilespmem:s29], [sflag:$0x1] =	stream.indirect.gather [hbm4b:s5+s7], $0x10, s28, s7, $0xb8;
	[tilespmem:$0x15400] =	vst v63  }
0x1e5: {  	p0 =	sne.s32 s1, $0x1  }
0x1e6: {  	[tilespmem:s31], [sflag:$0x1] =	stream.indirect.gather [hbm4b:s5+s7], $0x10, s30, s7, $0xb8;
	[tilespmem:$0x15400] =	vst v63  }
.Ltmp1:
0x1e7: {  	_ = 	snop;
	(pc) =	sbr.rel @p0 .LBB2_1-.Ltmp1, $4  }
0x1e8: {  	_ =	swait.ge [sflag:s6], $0x800  }
0x1e9: {  	[sflag:s6] =	ssyncset.done $0x0  }
0x1ea: {  	[sflag:s6] =	ssyncadd.s32 $0xFFFFF800  }
0x1eb: {  	s1 =	sadd.s32 $0xFFFFFFFF, s1;
	_ =	swait.ge [sflag:s6], $0x800  }
.LBB2_2:
0x1ec: {  	[sflag:s6] =	ssyncset.done $0x0  }
0x1ed: {  	[sflag:s6] =	ssyncadd.s32 $0xFFFFF800  }
0x1ee: {  	_ =	swait.ge [sflag:s6], $0x800  }
0x1ef: {  	[sflag:s6] =	ssyncset.done $0x0  }
0x1f0: {  	[sflag:s6] =	ssyncadd.s32 $0xFFFFF800  }
0x1f1: {  	_ =	swait.ge [sflag:s6], $0x800  }
0x1f2: {  	[sflag:s6] =	ssyncset.done $0x0  }
0x1f3: {  	[sflag:s6] =	ssyncadd.s32 $0xFFFFF800  }
0x1f4: {  	_ =	swait.ge [sflag:s6], $0x800  }
0x1f5: {  	[sflag:s6] =	ssyncset.done $0x0  }
0x1f6: {  	[sflag:s6] =	ssyncadd.s32 $0xFFFFF800  }
0x1f7: {  	_ =	swait.ge [sflag:s6], $0x800  }
0x1f8: {  	[sflag:s6] =	ssyncset.done $0x0  }
0x1f9: {  	[sflag:s6] =	ssyncadd.s32 $0xFFFFF800  }
0x1fa: {  	_ =	swait.ge [sflag:s6], $0x800  }
0x1fb: {  	[sflag:s6] =	ssyncset.done $0x0  }
0x1fc: {  	[sflag:s6] =	ssyncadd.s32 $0xFFFFF800  }
0x1fd: {  	_ =	swait.ge [sflag:s6], $0x800  }
0x1fe: {  	[sflag:s6] =	ssyncset.done $0x0  }
0x1ff: {  	s0 =	rddreg [dreg:$0x3];
	[sflag:s6] =	ssyncadd.s32 $0xFFFFF800  }
0x200: {  	[hbm4b:s0+s2] =	stream.linear.scatter [tilespmem:s4], [sflag:$0x2], $0x14000, $0x38;
	[tilespmem:$0x15400] =	vst v63  }
0x201: {  	_ =	swait.ge [sflag:s3], $0x14000  }
0x202: {  	[sflag:s3] =	ssyncset.done $0x0  }
0x203: {  	[sflag:s3] =	ssyncadd.s32 $0xFFFEC000  }
0x204: {  	_ =	sfence.sel $0x180000  }
0x205: {  	[bflag:$0x0] =	sbarrier.arrive $0xFFFF  }
0x206: {  	_ =	strace $0x90000050  }
0x207: {  	s31 =	stileid.u32;
	[bflag:$0x2] =	sbarrier.arrive $0xFFFF  }
0x208: {  	p0 =	sne.s32 s31, $0x0;
	s0 =	rddreg [dreg:$0x1]  }
0x209: {  	s0 =	sadd.s32 @!p0 $0x100000, s0  }
0x20a: {  	[sflag:s0] =	ssyncadd.tile.s32 @!p0 $0x1;
	_ =	shalt  }
.Lfunc_end2:
_tile_overlayer_lowered:
.L_overlay_start_2:
0x20b: {  	(tag) =	ssettag $0x2  }
0x20c: {  	s0 =	rddreg [dreg:$0x0];
	s2 =	stileid.u32  }
0x20d: {  	s1 =	rddreg [dreg:$0x1];
	p0 =	sne.s32 s2, $0x0  }
0x20e: {  	s3 =	rddreg [dreg:$0x2];
	[bflag:$0x3] =	sbarrier.arrive $0xFFFF;
	s2 =	simm.s32 @!p0 $0x1C02  }
0x20f: {  	[timem:s3], [sflag:s2] =	dma.local @!p0 [hbm:s0], s1  }
0x210: {  	s0 =	simm.s32 @!p0 $0x2  }
0x211: {  	_ =	swait.ge @!p0 [sflag:s0], s1  }
0x212: {  	s1 =	ssub.s32 @!p0 $0x0, s1;
	[sflag:s0] =	ssyncset.done @!p0 $0x0  }
0x213: {  	[sflag:s0] =	ssyncadd.s32 @!p0 s1  }
0x214: {  	[bflag:$0x3] =	sbarrier.arrive $0xFFFF  }
0x215: {  	_ =	shalt  }

// kernel: kernel.25.cloned.1.call-start
scs
__scs_entry_jumppad:
0x0: {  	(pc) =	sbr.rel $0x88, $3  }
0x1: {  	(tag) =	ssettag $0x0;
	lr =	simm.s32 $0x1  }
0x2: {  	[smem:$0x3F74] =	sst lr;
	_ =	strace $0xD0000000  }
0x3: {  	_ = 	snop  }
0x4: {  	_ = 	snop  }
0x5: {  	_ = 	snop  }
0x6: {  	_ = 	snop  }
0x7: {  	_ = 	snop  }
__scs_overlays_trampoline_lowered:
0x8: {  	[smem:$0x3F83] =	sst s0  }
0x9: {  	[smem:$0x3F84] =	sst s1  }
0xa: {  	[smem:$0x3F85] =	sst s2  }
0xb: {  	[smem:$0x3F86] =	sst s3  }
0xc: {  	[smem:$0x3F87] =	sst s4  }
0xd: {  	[smem:$0x3F88] =	sst s5  }
0xe: {  	[smem:$0x3F89] =	sst s6  }
0xf: {  	[smem:$0x3F8A] =	sst s7  }
0x10: {  	[smem:$0x3F8B] =	sst s8  }
0x11: {  	[smem:$0x3F8C] =	sst s9;
	s0 =	simm.s32 @!p0 $0x0  }
0x12: {  	s1 =	sld [smem:$0x3F72];
	s0 =	simm.s32 @p0 $0x1  }
0x13: {  	[smem:$0x3F8D] =	sst s0;
	s0 =	simm.s32 @!p1 $0x0  }
0x14: {  	s2 =	sld [smem:$0x3F71];
	s0 =	simm.s32 @p1 $0x1  }
0x15: {  	[smem:$0x3F8E] =	sst s0;
	s0 =	simm.s32 @!p2 $0x0  }
0x16: {  	s3 =	sld [smem:$0x3FDB];
	s0 =	simm.s32 @p2 $0x1  }
0x17: {  	s4 =	simm.s32 $0x1BF5;
	[smem:$0x3F90] =	sst s0  }
0x18: {  	s0 =	sld [smem:$0x3F73];
	_ =	swait.ge [sflag:s4], $0x0  }
0x19: {  	s7 =	sld [smem:$0x3F74]  }
0x1a: {  	s8 =	sadd.s32 $0xFFFFE003, lr  }
0x1b: {  	s9 =	sadd.s32 $0xFFFFFEF7, lr;
	s5 =	simm.s32 $0xFFFFFFFF;
	p2 =	slt.u32 s8, $0xFFFFF086  }
0x1c: {  	p1 =	slt.u32 s9, $0xF7A;
	s5 =	simm.s32 @!p2 $0x0  }
0x1d: {  	s5 =	simm.s32 @p1 $0x1;
	p0 =	seq.s32 s7, s2  }
0x1e: {  	s7 =	smul.u32 @!p0 $0xF7A, s2;
	p2 =	seq.s32 @!p0 s5, $0x0  }
0x1f: {  	s9 =	smul.u32 $0xF7A, s1;
	s8 =	simm.s32 @!p0 $0x1BF5;
	p2 =	por !p2, p0  }
0x20: {  	[sflag:s8] =	ssyncset.s32 @!p0 $0xFFFFF086;
	s6 =	sadd.s32 @!p0 s3, s7;
	s7 =	simm.s32 @!p0 $0x108  }
0x21: {  	s3 =	sadd.s32 s3, s9;
	s6 =	sadd.s32 @!p0 $0x88, s6;
	s7 =	simm.s32 @p2 $0x1082  }
0x22: {  	[simem:s7], [sflag:s8] =	dma.local @!p0 [hbm:s6], $0xF7A  }
0x23: {  	s9 =	sor.u32 $0xD0000000, s2;
	s6 =	simm.s32 $0x108;
	_ =	swait.ge @!p0 [sflag:s8], $0x0  }
0x24: {  	s3 =	sadd.s32 $0x88, s3;
	s6 =	simm.s32 @!p1 $0x1082;
	[sflag:s4] =	ssyncset.s32 $0xFFFFF086  }
0x25: {  	[simem:s6], [sflag:s4] =	dma.local [hbm:s3], $0xF7A  }
0x26: {  	[smem:$0x3F74] =	sst s1;
	(tag) =	ssettag s2;
	_ =	strace s9  }
0x27: {  	s1 =	sld [smem:$0x3F84]  }
0x28: {  	s2 =	sld [smem:$0x3F85]  }
0x29: {  	s4 =	sld [smem:$0x3F87]  }
0x2a: {  	p0 =	seq.s32 s5, $0x0;
	s5 =	sld [smem:$0x3F88]  }
0x2b: {  	s6 =	sld [smem:$0x3F89]  }
0x2c: {  	s7 =	sld [smem:$0x3F8A]  }
0x2d: {  	s3 =	simm.s32 $0x108;
	s8 =	sld [smem:$0x3F8B]  }
0x2e: {  	s3 =	simm.s32 @!p0 $0x1082;
	s9 =	sld [smem:$0x3F8C]  }
0x2f: {  	lr =	sadd.s32 s0, s3;
	s0 =	sld [smem:$0x3F83]  }
0x30: {  	s3 =	sld [smem:$0x3F86]  }
0x31: {  	[smem:$0x3F8F] =	sst s10  }
0x32: {  	s10 =	sld [smem:$0x3F8D];
	_ =	sdelay $0x3  }
0x33: {  	p0 =	seq.s32 s10, $0x1;
	s10 =	sld [smem:$0x3F8F];
	_ =	sdelay $0x3  }
0x34: {  	[smem:$0x3F8F] =	sst s10  }
0x35: {  	s10 =	sld [smem:$0x3F8E];
	_ =	sdelay $0x3  }
0x36: {  	p1 =	seq.s32 s10, $0x1;
	s10 =	sld [smem:$0x3F8F];
	_ =	sdelay $0x3  }
0x37: {  	[smem:$0x3F8F] =	sst s10  }
0x38: {  	s10 =	sld [smem:$0x3F90]  }
0x39: {  	_ = 	snop;
	(pc) =	sbr.ind lr, $3  }
0x3a: {  	_ = 	snop  }
0x3b: {  	_ = 	snop  }
0x3c: {  	p2 =	seq.s32 s10, $0x1;
	s10 =	sld [smem:$0x3F8F]  }
0x3d: {  	_ =	shalt  }
0x3e: {  	_ =	shalt  }
0x3f: {  	_ =	shalt  }
0x40: {  	_ =	shalt  }
0x41: {  	_ =	shalt  }
0x42: {  	_ =	shalt  }
0x43: {  	_ =	shalt  }
0x44: {  	_ =	shalt  }
0x45: {  	_ =	shalt  }
0x46: {  	_ =	shalt  }
0x47: {  	_ =	shalt  }
0x48: {  	_ =	shalt  }
0x49: {  	_ =	shalt  }
0x4a: {  	_ =	shalt  }
0x4b: {  	_ =	shalt  }
0x4c: {  	_ =	shalt  }
0x4d: {  	_ =	shalt  }
0x4e: {  	_ =	shalt  }
0x4f: {  	_ =	shalt  }
0x50: {  	_ =	shalt  }
0x51: {  	_ =	shalt  }
0x52: {  	_ =	shalt  }
0x53: {  	_ =	shalt  }
0x54: {  	_ =	shalt  }
0x55: {  	_ =	shalt  }
0x56: {  	_ =	shalt  }
0x57: {  	_ =	shalt  }
0x58: {  	_ =	shalt  }
0x59: {  	_ =	shalt  }
0x5a: {  	_ =	shalt  }
0x5b: {  	_ =	shalt  }
0x5c: {  	_ =	shalt  }
0x5d: {  	_ =	shalt  }
0x5e: {  	_ =	shalt  }
0x5f: {  	_ =	shalt  }
0x60: {  	_ =	shalt  }
0x61: {  	_ =	shalt  }
0x62: {  	_ =	shalt  }
0x63: {  	_ =	shalt  }
0x64: {  	_ =	shalt  }
0x65: {  	_ =	shalt  }
0x66: {  	_ =	shalt  }
0x67: {  	_ =	shalt  }
0x68: {  	_ =	shalt  }
0x69: {  	_ =	shalt  }
0x6a: {  	_ =	shalt  }
0x6b: {  	_ =	shalt  }
0x6c: {  	_ =	shalt  }
0x6d: {  	_ =	shalt  }
0x6e: {  	_ =	shalt  }
0x6f: {  	_ =	shalt  }
0x70: {  	_ =	shalt  }
0x71: {  	_ =	shalt  }
0x72: {  	_ =	shalt  }
0x73: {  	_ =	shalt  }
0x74: {  	_ =	shalt  }
0x75: {  	_ =	shalt  }
0x76: {  	_ =	shalt  }
0x77: {  	_ =	shalt  }
0x78: {  	_ =	shalt  }
0x79: {  	_ =	shalt  }
0x7a: {  	_ =	shalt  }
0x7b: {  	_ =	shalt  }
0x7c: {  	_ =	shalt  }
0x7d: {  	_ =	shalt  }
0x7e: {  	_ =	shalt  }
0x7f: {  	_ =	shalt  }
0x80: {  	_ =	shalt  }
0x81: {  	_ =	shalt  }
0x82: {  	_ =	shalt  }
0x83: {  	_ =	shalt  }
0x84: {  	_ =	shalt  }
0x85: {  	_ =	shalt  }
0x86: {  	_ =	shalt  }
0x87: {  	_ =	shalt  }
.Lfunc_end0:
.L_simem_size_0:
called_computation.4_lowered:
.L_overlay_start_0:
0x88: {  	s2 =	sld [smem:$0x3FD9]  }
0x89: {  	s3 =	sld [smem:$0x3FFE];
	_ =	sdelay $0x1  }
0x8a: {  	s1 =	srdreg.scid  }
0x8b: {  	s0 =	sand.u32 $0x1, s1  }
0x8c: {  	s16 =	sshll.u32 s0, $0xA;
	s2 =	sadd.s32 s3, s2  }
0x8d: {  	s2 =	sadd.s32 s2, s16  }
0x8e: {  	[smem:$0x3F9B] =	sst s2  }
0x8f: {  	_ = 	snop  }
0x90: {  	(tm) =	ssettm $0x1  }
0x91: {  	s17 =	sld [smem:$0x3FFB];
	_ =	sdelay $0x3  }
0x92: {  	_ =	strace s17  }
0x93: {  	s2 =	sld [smem:$0x3FFC];
	_ =	sdelay $0x3  }
0x94: {  	_ =	strace s2  }
0x95: {  	s2 =	sld [smem:$0x3FFD];
	_ =	sdelay $0x3  }
0x96: {  	_ =	strace s2  }
0x97: {  	_ =	strace $0x8FFFFFFF  }
0x98: {  	s18 =	sld [smem:$0x3FDB];
	_ =	sdelay $0x1  }
0x99: {  	s19 =	simm.s32 $_scs_section_size  }
0x9a: {  	s4 =	simm.s32 $_size__tile_overlayer_lowered;
	s5 =	simm.s32 $_tile_overlayer_lowered  }
0x9b: {  	s22 =	simm.s32 $0x1BFF;
	s21 =	sshll.u32 s5, $0x1;
	s2 =	sadd.s32 s19, s18  }
0x9c: {  	s6 =	simm.s32 $0x0;
	s20 =	sshll.u32 s4, $0x1;
	s4 =	sadd.s32 s21, s2  }
0x9d: {  	[timem:s6], [sflag:s22] =	dma.local [hbm:s4], s20  }
0x9e: {  	_ =	swait.ge [sflag:s22], s20  }
0x9f: {  	s3 =	ssub.s32 $0x0, s20;
	[sflag:s22] =	ssyncset.done $0x0  }
0xa0: {  	[sflag:s22] =	ssyncadd.s32 s3;
	_ =	sdelay $0x1  }
0xa1: {  	s23 =	simm.s32 $0x1B8B  }
0xa2: {  	_ =	swait.ge [sflag:s23], $0x1  }
0xa3: {  	[sflag:s23] =	ssyncset.done $0x0  }
0xa4: {  	s25 =	simm.s32 $0x1B8E;
	s24 =	sld [smem:$0x3FFE];
	[sflag:s23] =	ssyncadd.s32 $0xFFFFFFFF  }
0xa5: {  	s26 =	simm.s32 $execute0_lowered;
	[smem:$0x3FD2] =	sst s25  }
0xa6: {  	s4 =	sshll.u32 s26, $0x1;
	_ =	strace $0x80000052;
	[dreg:$0x1] =	wrdreg $0xFFFFFFFF  }
0xa7: {  	s28 =	simm.s32 $_size_execute0_lowered;
	s2 =	sadd.s32 s2, s4;
	[dreg:$0x0] =	wrdreg $0x0  }
0xa8: {  	s4 =	sshll.u32 s28, $0x1;
	[dreg:$0x2] =	wrdreg s2  }
0xa9: {  	[dreg:$0x3] =	wrdreg s4  }
0xaa: {  	[dreg:$0x4] =	wrdreg $0xC0  }
0xab: {  	_ =	task [dreg:s6], $0x5FFFF  }
0xac: {  	[dreg:$0x1] =	wrdreg $0xFFFFFFFF  }
0xad: {  	[dreg:$0x0] =	wrdreg $0x60  }
0xae: {  	[dreg:$0x2] =	wrdreg s24  }
0xaf: {  	[dreg:$0x3] =	wrdreg $0x154000  }
0xb0: {  	[dreg:$0x4] =	wrdreg $0x9  }
0xb1: {  	_ =	task.clear_ibuf [dreg:s6], $0x5FFFF;
	_ =	strace $0x90000052  }
0xb2: {  	s29 =	simm.s32 $0x9;
	_ =	strace $0x80000054  }
0xb3: {  	_ =	swait.ge [sflag:s29], $0x1  }
0xb4: {  	[sflag:s29] =	ssyncadd.s32 $0xFFFFFFFF  }
0xb5: {  	_ =	strace $0x90000054  }
0xb6: {  	_ =	sfence  }
0xb7: {  	s30 =	sld [smem:$0x0];
	_ =	sdelay $0x2  }
0xb8: {  	s31 =	sshll.u32 s1, $0xD;
	s1 =	sshrl.u32 s1, $0x2  }
0xb9: {  	s3 =	sand.u32 $0x4000, s31;
	s1 =	sadd.s32 s1, s30  }
0xba: {  	s0 =	sor.u32 s3, s0;
	s1 =	sshll.u32 s1, $0x11  }
0xbb: {  	s0 =	sor.u32 s1, s0  }
0xbc: {  	s0 =	sadd.s32 $0x8F2B, s0  }
0xbd: {  	[sflag:s0] =	ssyncadd.remote.s32 $0x1  }
0xbe: {  	_ =	sfence.sel $0xFFFF  }
0xbf: {  	[dreg:$0x0] =	wrdreg $0xFFFFFFFF;
	(pc) =	sbr.abs _section_cstart, $3  }
0xc0: {  	[dreg:$0x1] =	wrdreg $0xFFFFFFFF  }
0xc1: {  	_ =	task.clear_ibuf [dreg:s6], $0x2FFFF;
	_ =	strace $0x9FFFFFFF  }
0xc2: {  	(tm) =	ssettm $0x7FFFFFFF  }
0xc3: {  	_ =	shalt  }
tec
execute0_lowered:
.L_overlay_start_1:
0x0: {  	(tag) =	ssettag $0x1  }
0x1: {  	s1 =	srdreg.scid;
	s5 =	rddreg [dreg:$0x0]  }
0x2: {  	s0 =	stileid.u32;
	s2 =	rddreg [dreg:$0x1]  }
0x3: {  	s3 =	simm.s32 $0x0;
	s13 =	simm.s32 $0x0;
	s8 =	smul.u32 $0x2720, s0  }
0x4: {  	s4 =	sand.u32 $0x1, s1;
	s26 =	sshll.u32 s0, $0x1;
	s9 =	smul.u32 $0x4E4, s0  }
0x5: {  	[smem:$0x7FF] =	sst s3;
	s1 =	sor.u32 s4, s26;
	s10 =	smul.u32 $0x4E40, s4  }
0x6: {  	s31 =	sshll.u32 s0, $0x6;
	s4 =	ssub.s32 $0x2, s4;
	s6 =	smul.u32 $0x2800, s1  }
0x7: {  	s7 =	smul.u32 $0x280, s1;
	s1 =	rddreg [dreg:$0x2];
	_ =	strace $0x80000053  }
0x8: {  	s29 =	sshrl.u32 s8, $0x3;
	s30 =	sshrl.u32 s4, $0x1;
	s12 =	sadd.s32 s8, s2  }
0x9: {  	s9 =	sadd.s32 s9, s10;
	s10 =	ssub.s32 s4, s30;
	s11 =	sadd.s32 s6, s5  }
0xa: {  	s28 =	sadd.s32 s7, s5;
	s7 =	sadd.s32 s29, s5;
	s9 =	sadd.s32 s9, s5  }
0xb: {  	s5 =	sor.u32 $0x1C01, s31;
	s4 =	sadd.s32 $0x67A00, s7;
	s6 =	sadd.s32 $0x62A00, s28  }
0xc: {  	s7 =	sadd.s32 $0x6CA00, s11;
	s8 =	sadd.s32 $0xBCA00, s9;
	s9 =	smax.u32 s10, $0x1  }
0xd: {  	s10 =	sshrl.u32 s12, $0x3;
	s11 =	simm.s32 $0x1;
	s12 =	simm.s32 $0x80  }
.LBB2_1:
0xe: {  	[spmem:s10], [sflag:s5] =	dma.local [hbm:s4], $0x4E4  }
0xf: {  	_ =	swait.ge [sflag:s11], $0x4E4  }
0x10: {  	[sflag:s11] =	ssyncset.done $0x0  }
0x11: {  	[sflag:s11] =	ssyncadd.s32 $0xFFFFFB1C  }
0x12: {  	[tilespmem:s3], [sflag:$0x1] =	stream.linear.gather [hbm4b:s6+s3], $0x1400, $0x38;
	[tilespmem:$0x17B20] =	vst v63  }
0x13: {  	_ =	swait.ge [sflag:s11], $0x1400  }
0x14: {  	[sflag:s11] =	ssyncset.done $0x0  }
0x15: {  	s14 =	simm.s32 $0x1400;
	[sflag:s11] =	ssyncadd.s32 $0xFFFFEC00  }
0x16: {  	[tilespmem:s14], [sflag:$0x1] =	stream.linear.gather [hbm4b:s7+s3], $0x14000, $0x38;
	[tilespmem:$0x17B20] =	vst v63  }
0x17: {  	_ =	swait.ge [sflag:s11], $0x14000  }
0x18: {  	[sflag:s11] =	ssyncset.done $0x0  }
0x19: {  	[sflag:s11] =	ssyncadd.s32 $0xFFFEC000  }
0x1a: {  	s15 =	simm.s32 $0x0;
	[bflag:$0x0] =	sbarrier.arrive $0xFFFF  }
0x1b: {  	[spmem:s2] =	stream.indirect.scatter.add.f32 [tilespmem:s14], [sflag:$0x1], $0x10, s15, s12, $0xb8;
	[tilespmem:$0x17B20] =	vst v63  }
0x1c: {  	_ =	swait.ge [sflag:s11], $0x800  }
0x1d: {  	s15 =	simm.s32 $0x200;
	[sflag:s11] =	ssyncset.done $0x0  }
.LBB2_2:
0x1e: {  	s16 =	sshra.s32 s15, $0x2  }
0x1f: {  	[sflag:s11] =	ssyncadd.s32 $0xFFFFF800;
	s14 =	sadd.s32 $0x800, s14;
	p0 =	sne.s32 s15, $0x4E00  }
0x20: {  	[spmem:s2] =	stream.indirect.scatter.add.f32 [tilespmem:s14], [sflag:$0x1], $0x10, s16, s12, $0xb8;
	[tilespmem:$0x17B20] =	vst v63  }
.Ltmp0:
0x21: {  	_ = 	snop;
	(pc) =	sbr.rel @p0 .LBB2_2-.Ltmp0, $4  }
0x22: {  	_ = 	snop  }
0x23: {  	s15 =	sadd.s32 $0x200, s15  }
0x24: {  	_ =	swait.ge [sflag:s11], $0x800  }
0x25: {  	[sflag:s11] =	ssyncset.done $0x0  }
0x26: {  	s13 =	sadd.s32 $0x1, s13  }
0x27: {  	[sflag:s11] =	ssyncadd.s32 $0xFFFFF800;
	p0 =	sne.s32 s13, s9  }
.Ltmp1:
0x28: {  	[bflag:$0x0] =	sbarrier.arrive $0xFFFF;
	(pc) =	sbr.rel @p0 .LBB2_1-.Ltmp1, $4  }
0x29: {  	[hbm:s8], [sflag:s5] =	dma.local [spmem:s10], $0x4E4  }
0x2a: {  	_ =	swait.ge [sflag:s11], $0x4E4  }
0x2b: {  	[sflag:s11] =	ssyncset.done $0x0  }
0x2c: {  	[sflag:s11] =	ssyncadd.s32 $0xFFFFFB1C  }
0x2d: {  	_ =	sfence.sel $0x180000  }
0x2e: {  	[bflag:$0x0] =	sbarrier.arrive $0xFFFF  }
0x2f: {  	p0 =	sne.s32 s0, $0x0;
	_ =	strace $0x90000053  }
0x30: {  	s0 =	sadd.s32 @!p0 $0x100000, s1;
	[bflag:$0x2] =	sbarrier.arrive $0xFFFF  }
0x31: {  	[sflag:s0] =	ssyncadd.tile.s32 @!p0 $0x1;
	_ =	shalt  }
.Lfunc_end2:
_tile_overlayer_lowered:
.L_overlay_start_2:
0x32: {  	(tag) =	ssettag $0x2  }
0x33: {  	s0 =	rddreg [dreg:$0x0];
	s2 =	stileid.u32  }
0x34: {  	s1 =	rddreg [dreg:$0x1];
	p0 =	sne.s32 s2, $0x0  }
0x35: {  	s3 =	rddreg [dreg:$0x2];
	[bflag:$0x3] =	sbarrier.arrive $0xFFFF;
	s2 =	simm.s32 @!p0 $0x1C01  }
0x36: {  	[timem:s3], [sflag:s2] =	dma.local @!p0 [hbm:s0], s1  }
0x37: {  	s0 =	simm.s32 @!p0 $0x1  }
0x38: {  	_ =	swait.ge @!p0 [sflag:s0], s1  }
0x39: {  	s1 =	ssub.s32 @!p0 $0x0, s1;
	[sflag:s0] =	ssyncset.done @!p0 $0x0  }
0x3a: {  	[sflag:s0] =	ssyncadd.s32 @!p0 s1  }
0x3b: {  	[bflag:$0x3] =	sbarrier.arrive $0xFFFF  }
0x3c: {  	_ =	shalt  }

</sc_bundles>
